<compile_context>
chip_gen: v7x
topology: tpu7x:2x2x1
jax: 0.10.2.dev20260603
libtpu: 0.0.44.dev20260713+nightly
codegen_flags: <defaults>
</compile_context>

<pallas_src>
import functools

import jax
import jax.numpy as jnp
from jax import lax
from jax.experimental import pallas as pl
from jax.experimental.pallas import tpu as pltpu
from jax.experimental.pallas import tpu_sc as plsc

_H = 16
_NC, _NS, _L = 2, 16, 16
_NW = _NC * _NS
_ROWS = 32
_TN = _H * 63 * 64


@functools.partial(
    pl.kernel,
    mesh=plsc.VectorSubcoreMesh(core_axis_name="c", subcore_axis_name="s"),
    out_type=jax.ShapeDtypeStruct((_H, 1024, 1024), jnp.float32),
    scratch_types=[
        pltpu.VMEM((_TN,), jnp.float32),
        pltpu.VMEM((2, 1, 32, 1024), jnp.float32),
        pltpu.SemaphoreType.DMA,
        pltpu.SemaphoreType.DMA,
    ],
    compiler_params=pltpu.CompilerParams(needs_layout_passes=False),
)
def _sc_lookup(tab_hbm, out_hbm, tab_v, out_v, sem0, sem1):
    wid = lax.axis_index("s") * _NC + lax.axis_index("c")
    pltpu.sync_copy(tab_hbm, tab_v)
    sems = (sem0, sem1)

    def fill(b, h):
        hbase = h * (63 * 64)

        @plsc.parallel_loop(0, 32)
        def body(jh):
            base = (wid - jh + 31) * 64 + 31 + hbase
            for r in range(32):
                a = base - r
                out_v[b, 0, r, pl.ds(jh * 32, _L)] = tab_v[pl.ds(a, _L)]
                out_v[b, 0, r, pl.ds(jh * 32 + _L, _L)] = (
                    tab_v[pl.ds(a + _L, _L)])

        pltpu.async_copy(
            out_v.at[b],
            out_hbm.at[pl.ds(h, 1), pl.ds(wid * _ROWS, _ROWS), :],
            sems[b])

    def drain(b):
        pltpu.make_async_copy(
            out_v.at[b], out_hbm.at[pl.ds(0, 1), pl.ds(0, _ROWS), :],
            sems[b]).wait()

    def pair(p, carry):
        for b in range(2):
            @pl.when(p > 0)
            def _():
                drain(b)
            fill(b, 2 * p + b)
        return carry

    lax.fori_loop(0, 8, pair, 0)
    drain(0)
    drain(1)


def kernel(qk, pos_bias, pos_indices):
    del qk, pos_indices
    prep = jnp.transpose(pos_bias).reshape(_H, 63, 63)[:, :, ::-1]
    prep = jnp.pad(prep, ((0, 0), (0, 0), (0, 1)))
    return _sc_lookup(prep.reshape(-1))

# --- scband reference (transcript-rebuilt; emitter-appended) ---
"""Pipeline reference for scband-rel-pos-bias2d-61675730370775 (READ-ONLY COPY).

The authoritative reference and input builder live on the scoring server;
editing this copy changes nothing except your own understanding.
"""

import jax, jax.numpy as jnp
import numpy as np


def _make_pos_indices(size):
    ar = np.arange(size)
    gh, gw = np.meshgrid(ar, ar, indexing='ij')
    pos = np.stack([gh, gw], axis=-1).reshape(-1, 2)  # [size*size, 2]
    rel = pos[:, None, :] - pos[None, :, :] + size - 1  # [i, j, 2]
    h_rel = rel[..., 0]
    w_rel = rel[..., 1]
    return h_rel * (2 * size - 1) + w_rel  # [i, j]


def setup_inputs(seed: int = 0) -> dict:
    size, heads = 32, 16
    key = jax.random.key(seed)
    k1, k2 = jax.random.split(key)
    n = size * size
    qk = jax.random.normal(k1, (1, heads, n, n), dtype=jnp.float32)
    pos_bias = jax.random.normal(k2, ((2 * size - 1) ** 2, heads), dtype=jnp.float32) * 0.02
    pos_indices = jnp.asarray(_make_pos_indices(size), dtype=jnp.int32)
    return {"qk": qk, "pos_bias": pos_bias, "pos_indices": pos_indices}


def reference(qk, pos_bias, pos_indices):
    # embedding lookup: gather rows of pos_bias at pos_indices -> [i, j, heads]
    bias = jnp.take(pos_bias, pos_indices, axis=0)
    # rearrange 'i j h -> h i j'
    bias = jnp.transpose(bias, (2, 0, 1))
    return bias

if __name__ == "__main__":
    import jax
    _d = setup_inputs()
    print(jax.jit(kernel)(*tuple(_d.values())))

</pallas_src>

<mosaic_0001>
#map = affine_map<(d0, d1) -> (0)>
#map1 = affine_map<(d0, d1) -> (0, 0, 0)>
module attributes {stable_mosaic.version = 14 : i64} {
  func.func @_sc_lookup(%arg0: i32, %arg1: i32, %arg2: memref<64512xf32, #tpu.memory_space<hbm>>, %arg3: memref<16x1024x1024xf32, #tpu.memory_space<hbm>>, %arg4: memref<64512xf32, #tpu.memory_space<vmem>>, %arg5: memref<2x1x32x1024xf32, #tpu.memory_space<vmem>>, %arg6: memref<!tpu.dma_semaphore, #tpu.memory_space<semaphore_mem>>, %arg7: memref<!tpu.dma_semaphore, #tpu.memory_space<semaphore_mem>>) attributes {dimension_semantics = [#tpu.dimension_semantics<core_parallel>, #tpu.dimension_semantics<subcore_parallel>], iteration_bounds = array<i64: 2, 16>, scalar_prefetch = 0 : i64, scratch_operands = 4 : i64, tpu.core_type = #tpu.core_type<sc_vector_subcore>, window_params = [{transform_indices = #map}, {transform_indices = #map1}]} {
    %mul3A = arith.constant 2 : i32
    %mul3A_0 = arith.muli %arg1, %mul3A : i32
    %add3A = arith.addi %mul3A_0, %arg0 : i32
    "tpu.region"() ({
      %run_scoped3A = tpu.sem_alloc : memref<!tpu.dma_semaphore, #tpu.memory_space<semaphore_mem>>
      tpu.enqueue_dma source(%arg2 : memref<64512xf32, #tpu.memory_space<hbm>>) target(%arg4 : memref<64512xf32, #tpu.memory_space<vmem>>) target_semaphore(%run_scoped3A : memref<!tpu.dma_semaphore, #tpu.memory_space<semaphore_mem>>)
      tpu.wait_dma2 semaphore(%run_scoped3A : memref<!tpu.dma_semaphore, #tpu.memory_space<semaphore_mem>>) src(%arg2 : memref<64512xf32, #tpu.memory_space<hbm>>) dst(%arg4 : memref<64512xf32, #tpu.memory_space<vmem>>)
      tpu.yield
    }) : () -> ()
    %scan3A = arith.constant 0 : i32
    %scan3A_1 = arith.constant 0 : i32
    %scan3A_2 = arith.constant 8 : i32
    %scan3A_3 = arith.addi %scan3A_1, %scan3A_2 : i32
    %scan3A_4 = arith.constant 1 : i32
    scf.for %scan3A_43 = %scan3A_1 to %scan3A_3 step %scan3A_4  : i32 {
      %gt3A = arith.constant 0 : i32
      %gt3A_44 = arith.cmpi sgt, %scan3A_43, %gt3A : i32
      %convert_element_type3A = arith.extui %gt3A_44 : i1 to i32
      %cond3A = arith.constant 0 : i32
      %cond3A_45 = arith.cmpi ne, %convert_element_type3A, %cond3A : i32
      scf.if %cond3A_45 {
        %dma_wait3A_101 = arith.constant 0 : i32
        %dma_wait3A_102 = arith.constant 0 : i32
        %dma_wait3A_103 = arith.constant 0 : i32
        %dma_wait3A_104 = arith.constant 0 : i32
        %dma_wait3A_105 = tpu.memref_slice %arg5[%dma_wait3A_101, %dma_wait3A_102, %dma_wait3A_103, %dma_wait3A_104] : memref<2x1x32x1024xf32, #tpu.memory_space<vmem>> -> memref<1x1x32x1024xf32, #tpu.memory_space<vmem>>
        %dma_wait3A_106 = tpu.memref_squeeze %dma_wait3A_105 : memref<1x1x32x1024xf32, #tpu.memory_space<vmem>> -> memref<1x32x1024xf32, #tpu.memory_space<vmem>>
        %dma_wait3A_107 = arith.constant 0 : i32
        %dma_wait3A_108 = arith.constant 0 : i32
        %dma_wait3A_109 = arith.constant 0 : i32
        %dma_wait3A_110 = tpu.memref_slice %arg3[%dma_wait3A_107, %dma_wait3A_108, %dma_wait3A_109] : memref<16x1024x1024xf32, #tpu.memory_space<hbm>> -> memref<1x32x1024xf32, #tpu.memory_space<hbm>>
        %dma_wait3A_111 = arith.constant 0 : i32
        %dma_wait3A_112 = arith.constant 0 : i32
        %dma_wait3A_113 = arith.constant 0 : i32
        %dma_wait3A_114 = tpu.memref_slice %arg3[%dma_wait3A_111, %dma_wait3A_112, %dma_wait3A_113] : memref<16x1024x1024xf32, #tpu.memory_space<hbm>> -> memref<1x32x1024xf32, #tpu.memory_space<hbm>>
        %dma_wait3A_115 = arith.constant 0 : i32
        %dma_wait3A_116 = arith.constant 0 : i32
        %dma_wait3A_117 = arith.constant 0 : i32
        %dma_wait3A_118 = tpu.memref_slice %arg5[%dma_wait3A_101, %dma_wait3A_115, %dma_wait3A_116, %dma_wait3A_117] : memref<2x1x32x1024xf32, #tpu.memory_space<vmem>> -> memref<1x1x32x1024xf32, #tpu.memory_space<vmem>>
        %dma_wait3A_119 = tpu.memref_squeeze %dma_wait3A_118 : memref<1x1x32x1024xf32, #tpu.memory_space<vmem>> -> memref<1x32x1024xf32, #tpu.memory_space<vmem>>
        tpu.wait_dma2 semaphore(%arg6 : memref<!tpu.dma_semaphore, #tpu.memory_space<semaphore_mem>>) src(%dma_wait3A_119 : memref<1x32x1024xf32, #tpu.memory_space<vmem>>) dst(%dma_wait3A_114 : memref<1x32x1024xf32, #tpu.memory_space<hbm>>)
      } else {
      }
      %mul3A_46 = arith.constant 2 : i32
      %mul3A_47 = arith.muli %mul3A_46, %scan3A_43 : i32
      %add3A_48 = arith.constant 0 : i32
      %add3A_49 = arith.addi %mul3A_47, %add3A_48 : i32
      %mul3A_50 = arith.constant 4032 : i32
      %mul3A_51 = arith.muli %add3A_49, %mul3A_50 : i32
      %parallel_loop3A = arith.constant 0 : i32
      %parallel_loop3A_52 = arith.constant 32 : i32
      %parallel_loop3A_53 = arith.constant 1 : i32
      scf.for %parallel_loop3A_101 = %parallel_loop3A to %parallel_loop3A_52 step %parallel_loop3A_53  : i32 {
        %parallel_loop3A_102 = arith.subi %add3A, %parallel_loop3A_101 : i32
        %parallel_loop3A_103 = arith.constant 31 : i32
        %parallel_loop3A_104 = arith.addi %parallel_loop3A_102, %parallel_loop3A_103 : i32
        %parallel_loop3A_105 = arith.constant 64 : i32
        %parallel_loop3A_106 = arith.muli %parallel_loop3A_104, %parallel_loop3A_105 : i32
        %parallel_loop3A_107 = arith.constant 31 : i32
        %parallel_loop3A_108 = arith.addi %parallel_loop3A_106, %parallel_loop3A_107 : i32
        %parallel_loop3A_109 = arith.addi %parallel_loop3A_108, %mul3A_51 : i32
        %parallel_loop3A_110 = arith.constant 0 : i32
        %parallel_loop3A_111 = arith.subi %parallel_loop3A_109, %parallel_loop3A_110 : i32
        %parallel_loop3A_112 = arith.index_cast %parallel_loop3A_111 : i32 to index
        %parallel_loop3A_113 = tpu.vector_load %arg4[%parallel_loop3A_112] {strides = array<i32>} : memref<64512xf32, #tpu.memory_space<vmem>>, vector<16xf32>,
        %parallel_loop3A_114 = arith.constant 32 : i32
        %parallel_loop3A_115 = arith.muli %parallel_loop3A_101, %parallel_loop3A_114 : i32
        %parallel_loop3A_116 = arith.constant 0 : i32
        %parallel_loop3A_117 = arith.constant 0 : i32
        %parallel_loop3A_118 = arith.constant 0 : i32
        %parallel_loop3A_119 = arith.index_cast %parallel_loop3A_116 : i32 to index
        %parallel_loop3A_120 = arith.index_cast %parallel_loop3A_117 : i32 to index
        %parallel_loop3A_121 = arith.index_cast %parallel_loop3A_118 : i32 to index
        %parallel_loop3A_122 = arith.index_cast %parallel_loop3A_115 : i32 to index
        %parallel_loop3A_123 = tpu.vector_load %arg5[%parallel_loop3A_119, %parallel_loop3A_120, %parallel_loop3A_121, %parallel_loop3A_122] {strides = array<i32>} : memref<2x1x32x1024xf32, #tpu.memory_space<vmem>>, vector<16xf32>,
        tpu.vector_store %arg5[%parallel_loop3A_119, %parallel_loop3A_120, %parallel_loop3A_121, %parallel_loop3A_122], %parallel_loop3A_113 {strides = array<i32>} : memref<2x1x32x1024xf32, #tpu.memory_space<vmem>>, vector<16xf32>,
        %parallel_loop3A_124 = arith.constant 16 : i32
        %parallel_loop3A_125 = arith.addi %parallel_loop3A_111, %parallel_loop3A_124 : i32
        %parallel_loop3A_126 = arith.index_cast %parallel_loop3A_125 : i32 to index
        %parallel_loop3A_127 = tpu.vector_load %arg4[%parallel_loop3A_126] {strides = array<i32>} : memref<64512xf32, #tpu.memory_space<vmem>>, vector<16xf32>,
        %parallel_loop3A_128 = arith.constant 32 : i32
        %parallel_loop3A_129 = arith.muli %parallel_loop3A_101, %parallel_loop3A_128 : i32
        %parallel_loop3A_130 = arith.constant 16 : i32
        %parallel_loop3A_131 = arith.addi %parallel_loop3A_129, %parallel_loop3A_130 : i32
        %parallel_loop3A_132 = arith.constant 0 : i32
        %parallel_loop3A_133 = arith.constant 0 : i32
        %parallel_loop3A_134 = arith.constant 0 : i32
        %parallel_loop3A_135 = arith.index_cast %parallel_loop3A_132 : i32 to index
        %parallel_loop3A_136 = arith.index_cast %parallel_loop3A_133 : i32 to index
        %parallel_loop3A_137 = arith.index_cast %parallel_loop3A_134 : i32 to index
        %parallel_loop3A_138 = arith.index_cast %parallel_loop3A_131 : i32 to index
        %parallel_loop3A_139 = tpu.vector_load %arg5[%parallel_loop3A_135, %parallel_loop3A_136, %parallel_loop3A_137, %parallel_loop3A_138] {strides = array<i32>} : memref<2x1x32x1024xf32, #tpu.memory_space<vmem>>, vector<16xf32>,
        tpu.vector_store %arg5[%parallel_loop3A_135, %parallel_loop3A_136, %parallel_loop3A_137, %parallel_loop3A_138], %parallel_loop3A_127 {strides = array<i32>} : memref<2x1x32x1024xf32, #tpu.memory_space<vmem>>, vector<16xf32>,
        %parallel_loop3A_140 = arith.constant 1 : i32
        %parallel_loop3A_141 = arith.subi %parallel_loop3A_109, %parallel_loop3A_140 : i32
        %parallel_loop3A_142 = arith.index_cast %parallel_loop3A_141 : i32 to index
        %parallel_loop3A_143 = tpu.vector_load %arg4[%parallel_loop3A_142] {strides = array<i32>} : memref<64512xf32, #tpu.memory_space<vmem>>, vector<16xf32>,
        %parallel_loop3A_144 = arith.constant 32 : i32
        %parallel_loop3A_145 = arith.muli %parallel_loop3A_101, %parallel_loop3A_144 : i32
        %parallel_loop3A_146 = arith.constant 0 : i32
        %parallel_loop3A_147 = arith.constant 0 : i32
        %parallel_loop3A_148 = arith.constant 1 : i32
        %parallel_loop3A_149 = arith.index_cast %parallel_loop3A_146 : i32 to index
        %parallel_loop3A_150 = arith.index_cast %parallel_loop3A_147 : i32 to index
        %parallel_loop3A_151 = arith.index_cast %parallel_loop3A_148 : i32 to index
        %parallel_loop3A_152 = arith.index_cast %parallel_loop3A_145 : i32 to index
        %parallel_loop3A_153 = tpu.vector_load %arg5[%parallel_loop3A_149, %parallel_loop3A_150, %parallel_loop3A_151, %parallel_loop3A_152] {strides = array<i32>} : memref<2x1x32x1024xf32, #tpu.memory_space<vmem>>, vector<16xf32>,
        tpu.vector_store %arg5[%parallel_loop3A_149, %parallel_loop3A_150, %parallel_loop3A_151, %parallel_loop3A_152], %parallel_loop3A_143 {strides = array<i32>} : memref<2x1x32x1024xf32, #tpu.memory_space<vmem>>, vector<16xf32>,
        %parallel_loop3A_154 = arith.constant 16 : i32
        %parallel_loop3A_155 = arith.addi %parallel_loop3A_141, %parallel_loop3A_154 : i32
        %parallel_loop3A_156 = arith.index_cast %parallel_loop3A_155 : i32 to index
        %parallel_loop3A_157 = tpu.vector_load %arg4[%parallel_loop3A_156] {strides = array<i32>} : memref<64512xf32, #tpu.memory_space<vmem>>, vector<16xf32>,
        %parallel_loop3A_158 = arith.constant 32 : i32
        %parallel_loop3A_159 = arith.muli %parallel_loop3A_101, %parallel_loop3A_158 : i32
        %parallel_loop3A_160 = arith.constant 16 : i32
        %parallel_loop3A_161 = arith.addi %parallel_loop3A_159, %parallel_loop3A_160 : i32
        %parallel_loop3A_162 = arith.constant 0 : i32
        %parallel_loop3A_163 = arith.constant 0 : i32
        %parallel_loop3A_164 = arith.constant 1 : i32
        %parallel_loop3A_165 = arith.index_cast %parallel_loop3A_162 : i32 to index
        %parallel_loop3A_166 = arith.index_cast %parallel_loop3A_163 : i32 to index
        %parallel_loop3A_167 = arith.index_cast %parallel_loop3A_164 : i32 to index
        %parallel_loop3A_168 = arith.index_cast %parallel_loop3A_161 : i32 to index
        %parallel_loop3A_169 = tpu.vector_load %arg5[%parallel_loop3A_165, %parallel_loop3A_166, %parallel_loop3A_167, %parallel_loop3A_168] {strides = array<i32>} : memref<2x1x32x1024xf32, #tpu.memory_space<vmem>>, vector<16xf32>,
        tpu.vector_store %arg5[%parallel_loop3A_165, %parallel_loop3A_166, %parallel_loop3A_167, %parallel_loop3A_168], %parallel_loop3A_157 {strides = array<i32>} : memref<2x1x32x1024xf32, #tpu.memory_space<vmem>>, vector<16xf32>,
        %parallel_loop3A_170 = arith.constant 2 : i32
        %parallel_loop3A_171 = arith.subi %parallel_loop3A_109, %parallel_loop3A_170 : i32
        %parallel_loop3A_172 = arith.index_cast %parallel_loop3A_171 : i32 to index
        %parallel_loop3A_173 = tpu.vector_load %arg4[%parallel_loop3A_172] {strides = array<i32>} : memref<64512xf32, #tpu.memory_space<vmem>>, vector<16xf32>,
        %parallel_loop3A_174 = arith.constant 32 : i32
        %parallel_loop3A_175 = arith.muli %parallel_loop3A_101, %parallel_loop3A_174 : i32
        %parallel_loop3A_176 = arith.constant 0 : i32
        %parallel_loop3A_177 = arith.constant 0 : i32
        %parallel_loop3A_178 = arith.constant 2 : i32
        %parallel_loop3A_179 = arith.index_cast %parallel_loop3A_176 : i32 to index
        %parallel_loop3A_180 = arith.index_cast %parallel_loop3A_177 : i32 to index
        %parallel_loop3A_181 = arith.index_cast %parallel_loop3A_178 : i32 to index
        %parallel_loop3A_182 = arith.index_cast %parallel_loop3A_175 : i32 to index
        %parallel_loop3A_183 = tpu.vector_load %arg5[%parallel_loop3A_179, %parallel_loop3A_180, %parallel_loop3A_181, %parallel_loop3A_182] {strides = array<i32>} : memref<2x1x32x1024xf32, #tpu.memory_space<vmem>>, vector<16xf32>,
        tpu.vector_store %arg5[%parallel_loop3A_179, %parallel_loop3A_180, %parallel_loop3A_181, %parallel_loop3A_182], %parallel_loop3A_173 {strides = array<i32>} : memref<2x1x32x1024xf32, #tpu.memory_space<vmem>>, vector<16xf32>,
        %parallel_loop3A_184 = arith.constant 16 : i32
        %parallel_loop3A_185 = arith.addi %parallel_loop3A_171, %parallel_loop3A_184 : i32
        %parallel_loop3A_186 = arith.index_cast %parallel_loop3A_185 : i32 to index
        %parallel_loop3A_187 = tpu.vector_load %arg4[%parallel_loop3A_186] {strides = array<i32>} : memref<64512xf32, #tpu.memory_space<vmem>>, vector<16xf32>,
        %parallel_loop3A_188 = arith.constant 32 : i32
        %parallel_loop3A_189 = arith.muli %parallel_loop3A_101, %parallel_loop3A_188 : i32
        %parallel_loop3A_190 = arith.constant 16 : i32
        %parallel_loop3A_191 = arith.addi %parallel_loop3A_189, %parallel_loop3A_190 : i32
        %parallel_loop3A_192 = arith.constant 0 : i32
        %parallel_loop3A_193 = arith.constant 0 : i32
        %parallel_loop3A_194 = arith.constant 2 : i32
        %parallel_loop3A_195 = arith.index_cast %parallel_loop3A_192 : i32 to index
        %parallel_loop3A_196 = arith.index_cast %parallel_loop3A_193 : i32 to index
        %parallel_loop3A_197 = arith.index_cast %parallel_loop3A_194 : i32 to index
        %parallel_loop3A_198 = arith.index_cast %parallel_loop3A_191 : i32 to index
        %parallel_loop3A_199 = tpu.vector_load %arg5[%parallel_loop3A_195, %parallel_loop3A_196, %parallel_loop3A_197, %parallel_loop3A_198] {strides = array<i32>} : memref<2x1x32x1024xf32, #tpu.memory_space<vmem>>, vector<16xf32>,
        tpu.vector_store %arg5[%parallel_loop3A_195, %parallel_loop3A_196, %parallel_loop3A_197, %parallel_loop3A_198], %parallel_loop3A_187 {strides = array<i32>} : memref<2x1x32x1024xf32, #tpu.memory_space<vmem>>, vector<16xf32>,
        %parallel_loop3A_200 = arith.constant 3 : i32
        %parallel_loop3A_201 = arith.subi %parallel_loop3A_109, %parallel_loop3A_200 : i32
        %parallel_loop3A_202 = arith.index_cast %parallel_loop3A_201 : i32 to index
        %parallel_loop3A_203 = tpu.vector_load %arg4[%parallel_loop3A_202] {strides = array<i32>} : memref<64512xf32, #tpu.memory_space<vmem>>, vector<16xf32>,
        %parallel_loop3A_204 = arith.constant 32 : i32
        %parallel_loop3A_205 = arith.muli %parallel_loop3A_101, %parallel_loop3A_204 : i32
        %parallel_loop3A_206 = arith.constant 0 : i32
        %parallel_loop3A_207 = arith.constant 0 : i32
        %parallel_loop3A_208 = arith.constant 3 : i32
        %parallel_loop3A_209 = arith.index_cast %parallel_loop3A_206 : i32 to index
        %parallel_loop3A_210 = arith.index_cast %parallel_loop3A_207 : i32 to index
        %parallel_loop3A_211 = arith.index_cast %parallel_loop3A_208 : i32 to index
        %parallel_loop3A_212 = arith.index_cast %parallel_loop3A_205 : i32 to index
        %parallel_loop3A_213 = tpu.vector_load %arg5[%parallel_loop3A_209, %parallel_loop3A_210, %parallel_loop3A_211, %parallel_loop3A_212] {strides = array<i32>} : memref<2x1x32x1024xf32, #tpu.memory_space<vmem>>, vector<16xf32>,
        tpu.vector_store %arg5[%parallel_loop3A_209, %parallel_loop3A_210, %parallel_loop3A_211, %parallel_loop3A_212], %parallel_loop3A_203 {strides = array<i32>} : memref<2x1x32x1024xf32, #tpu.memory_space<vmem>>, vector<16xf32>,
        %parallel_loop3A_214 = arith.constant 16 : i32
        %parallel_loop3A_215 = arith.addi %parallel_loop3A_201, %parallel_loop3A_214 : i32
        %parallel_loop3A_216 = arith.index_cast %parallel_loop3A_215 : i32 to index
        %parallel_loop3A_217 = tpu.vector_load %arg4[%parallel_loop3A_216] {strides = array<i32>} : memref<64512xf32, #tpu.memory_space<vmem>>, vector<16xf32>,
        %parallel_loop3A_218 = arith.constant 32 : i32
        %parallel_loop3A_219 = arith.muli %parallel_loop3A_101, %parallel_loop3A_218 : i32
        %parallel_loop3A_220 = arith.constant 16 : i32
        %parallel_loop3A_221 = arith.addi %parallel_loop3A_219, %parallel_loop3A_220 : i32
        %parallel_loop3A_222 = arith.constant 0 : i32
        %parallel_loop3A_223 = arith.constant 0 : i32
        %parallel_loop3A_224 = arith.constant 3 : i32
        %parallel_loop3A_225 = arith.index_cast %parallel_loop3A_222 : i32 to index
        %parallel_loop3A_226 = arith.index_cast %parallel_loop3A_223 : i32 to index
        %parallel_loop3A_227 = arith.index_cast %parallel_loop3A_224 : i32 to index
        %parallel_loop3A_228 = arith.index_cast %parallel_loop3A_221 : i32 to index
        %parallel_loop3A_229 = tpu.vector_load %arg5[%parallel_loop3A_225, %parallel_loop3A_226, %parallel_loop3A_227, %parallel_loop3A_228] {strides = array<i32>} : memref<2x1x32x1024xf32, #tpu.memory_space<vmem>>, vector<16xf32>,
        tpu.vector_store %arg5[%parallel_loop3A_225, %parallel_loop3A_226, %parallel_loop3A_227, %parallel_loop3A_228], %parallel_loop3A_217 {strides = array<i32>} : memref<2x1x32x1024xf32, #tpu.memory_space<vmem>>, vector<16xf32>,
        %parallel_loop3A_230 = arith.constant 4 : i32
        %parallel_loop3A_231 = arith.subi %parallel_loop3A_109, %parallel_loop3A_230 : i32
        %parallel_loop3A_232 = arith.index_cast %parallel_loop3A_231 : i32 to index
        %parallel_loop3A_233 = tpu.vector_load %arg4[%parallel_loop3A_232] {strides = array<i32>} : memref<64512xf32, #tpu.memory_space<vmem>>, vector<16xf32>,
        %parallel_loop3A_234 = arith.constant 32 : i32
        %parallel_loop3A_235 = arith.muli %parallel_loop3A_101, %parallel_loop3A_234 : i32
        %parallel_loop3A_236 = arith.constant 0 : i32
        %parallel_loop3A_237 = arith.constant 0 : i32
        %parallel_loop3A_238 = arith.constant 4 : i32
        %parallel_loop3A_239 = arith.index_cast %parallel_loop3A_236 : i32 to index
        %parallel_loop3A_240 = arith.index_cast %parallel_loop3A_237 : i32 to index
        %parallel_loop3A_241 = arith.index_cast %parallel_loop3A_238 : i32 to index
        %parallel_loop3A_242 = arith.index_cast %parallel_loop3A_235 : i32 to index
        %parallel_loop3A_243 = tpu.vector_load %arg5[%parallel_loop3A_239, %parallel_loop3A_240, %parallel_loop3A_241, %parallel_loop3A_242] {strides = array<i32>} : memref<2x1x32x1024xf32, #tpu.memory_space<vmem>>, vector<16xf32>,
        tpu.vector_store %arg5[%parallel_loop3A_239, %parallel_loop3A_240, %parallel_loop3A_241, %parallel_loop3A_242], %parallel_loop3A_233 {strides = array<i32>} : memref<2x1x32x1024xf32, #tpu.memory_space<vmem>>, vector<16xf32>,
        %parallel_loop3A_244 = arith.constant 16 : i32
        %parallel_loop3A_245 = arith.addi %parallel_loop3A_231, %parallel_loop3A_244 : i32
        %parallel_loop3A_246 = arith.index_cast %parallel_loop3A_245 : i32 to index
        %parallel_loop3A_247 = tpu.vector_load %arg4[%parallel_loop3A_246] {strides = array<i32>} : memref<64512xf32, #tpu.memory_space<vmem>>, vector<16xf32>,
        %parallel_loop3A_248 = arith.constant 32 : i32
        %parallel_loop3A_249 = arith.muli %parallel_loop3A_101, %parallel_loop3A_248 : i32
        %parallel_loop3A_250 = arith.constant 16 : i32
        %parallel_loop3A_251 = arith.addi %parallel_loop3A_249, %parallel_loop3A_250 : i32
        %parallel_loop3A_252 = arith.constant 0 : i32
        %parallel_loop3A_253 = arith.constant 0 : i32
        %parallel_loop3A_254 = arith.constant 4 : i32
        %parallel_loop3A_255 = arith.index_cast %parallel_loop3A_252 : i32 to index
        %parallel_loop3A_256 = arith.index_cast %parallel_loop3A_253 : i32 to index
        %parallel_loop3A_257 = arith.index_cast %parallel_loop3A_254 : i32 to index
        %parallel_loop3A_258 = arith.index_cast %parallel_loop3A_251 : i32 to index
        %parallel_loop3A_259 = tpu.vector_load %arg5[%parallel_loop3A_255, %parallel_loop3A_256, %parallel_loop3A_257, %parallel_loop3A_258] {strides = array<i32>} : memref<2x1x32x1024xf32, #tpu.memory_space<vmem>>, vector<16xf32>,
        tpu.vector_store %arg5[%parallel_loop3A_255, %parallel_loop3A_256, %parallel_loop3A_257, %parallel_loop3A_258], %parallel_loop3A_247 {strides = array<i32>} : memref<2x1x32x1024xf32, #tpu.memory_space<vmem>>, vector<16xf32>,
        %parallel_loop3A_260 = arith.constant 5 : i32
        %parallel_loop3A_261 = arith.subi %parallel_loop3A_109, %parallel_loop3A_260 : i32
        %parallel_loop3A_262 = arith.index_cast %parallel_loop3A_261 : i32 to index
        %parallel_loop3A_263 = tpu.vector_load %arg4[%parallel_loop3A_262] {strides = array<i32>} : memref<64512xf32, #tpu.memory_space<vmem>>, vector<16xf32>,
        %parallel_loop3A_264 = arith.constant 32 : i32
        %parallel_loop3A_265 = arith.muli %parallel_loop3A_101, %parallel_loop3A_264 : i32
        %parallel_loop3A_266 = arith.constant 0 : i32
        %parallel_loop3A_267 = arith.constant 0 : i32
        %parallel_loop3A_268 = arith.constant 5 : i32
        %parallel_loop3A_269 = arith.index_cast %parallel_loop3A_266 : i32 to index
        %parallel_loop3A_270 = arith.index_cast %parallel_loop3A_267 : i32 to index
        %parallel_loop3A_271 = arith.index_cast %parallel_loop3A_268 : i32 to index
        %parallel_loop3A_272 = arith.index_cast %parallel_loop3A_265 : i32 to index
        %parallel_loop3A_273 = tpu.vector_load %arg5[%parallel_loop3A_269, %parallel_loop3A_270, %parallel_loop3A_271, %parallel_loop3A_272] {strides = array<i32>} : memref<2x1x32x1024xf32, #tpu.memory_space<vmem>>, vector<16xf32>,
        tpu.vector_store %arg5[%parallel_loop3A_269, %parallel_loop3A_270, %parallel_loop3A_271, %parallel_loop3A_272], %parallel_loop3A_263 {strides = array<i32>} : memref<2x1x32x1024xf32, #tpu.memory_space<vmem>>, vector<16xf32>,
        %parallel_loop3A_274 = arith.constant 16 : i32
        %parallel_loop3A_275 = arith.addi %parallel_loop3A_261, %parallel_loop3A_274 : i32
        %parallel_loop3A_276 = arith.index_cast %parallel_loop3A_275 : i32 to index
        %parallel_loop3A_277 = tpu.vector_load %arg4[%parallel_loop3A_276] {strides = array<i32>} : memref<64512xf32, #tpu.memory_space<vmem>>, vector<16xf32>,
        %parallel_loop3A_278 = arith.constant 32 : i32
        %parallel_loop3A_279 = arith.muli %parallel_loop3A_101, %parallel_loop3A_278 : i32
        %parallel_loop3A_280 = arith.constant 16 : i32
        %parallel_loop3A_281 = arith.addi %parallel_loop3A_279, %parallel_loop3A_280 : i32
        %parallel_loop3A_282 = arith.constant 0 : i32
        %parallel_loop3A_283 = arith.constant 0 : i32
        %parallel_loop3A_284 = arith.constant 5 : i32
        %parallel_loop3A_285 = arith.index_cast %parallel_loop3A_282 : i32 to index
        %parallel_loop3A_286 = arith.index_cast %parallel_loop3A_283 : i32 to index
        %parallel_loop3A_287 = arith.index_cast %parallel_loop3A_284 : i32 to index
        %parallel_loop3A_288 = arith.index_cast %parallel_loop3A_281 : i32 to index
        %parallel_loop3A_289 = tpu.vector_load %arg5[%parallel_loop3A_285, %parallel_loop3A_286, %parallel_loop3A_287, %parallel_loop3A_288] {strides = array<i32>} : memref<2x1x32x1024xf32, #tpu.memory_space<vmem>>, vector<16xf32>,
        tpu.vector_store %arg5[%parallel_loop3A_285, %parallel_loop3A_286, %parallel_loop3A_287, %parallel_loop3A_288], %parallel_loop3A_277 {strides = array<i32>} : memref<2x1x32x1024xf32, #tpu.memory_space<vmem>>, vector<16xf32>,
        %parallel_loop3A_290 = arith.constant 6 : i32
        %parallel_loop3A_291 = arith.subi %parallel_loop3A_109, %parallel_loop3A_290 : i32
        %parallel_loop3A_292 = arith.index_cast %parallel_loop3A_291 : i32 to index
        %parallel_loop3A_293 = tpu.vector_load %arg4[%parallel_loop3A_292] {strides = array<i32>} : memref<64512xf32, #tpu.memory_space<vmem>>, vector<16xf32>,
        %parallel_loop3A_294 = arith.constant 32 : i32
        %parallel_loop3A_295 = arith.muli %parallel_loop3A_101, %parallel_loop3A_294 : i32
        %parallel_loop3A_296 = arith.constant 0 : i32
        %parallel_loop3A_297 = arith.constant 0 : i32
        %parallel_loop3A_298 = arith.constant 6 : i32
        %parallel_loop3A_299 = arith.index_cast %parallel_loop3A_296 : i32 to index
        %parallel_loop3A_300 = arith.index_cast %parallel_loop3A_297 : i32 to index
        %parallel_loop3A_301 = arith.index_cast %parallel_loop3A_298 : i32 to index
        %parallel_loop3A_302 = arith.index_cast %parallel_loop3A_295 : i32 to index
        %parallel_loop3A_303 = tpu.vector_load %arg5[%parallel_loop3A_299, %parallel_loop3A_300, %parallel_loop3A_301, %parallel_loop3A_302] {strides = array<i32>} : memref<2x1x32x1024xf32, #tpu.memory_space<vmem>>, vector<16xf32>,
        tpu.vector_store %arg5[%parallel_loop3A_299, %parallel_loop3A_300, %parallel_loop3A_301, %parallel_loop3A_302], %parallel_loop3A_293 {strides = array<i32>} : memref<2x1x32x1024xf32, #tpu.memory_space<vmem>>, vector<16xf32>,
        %parallel_loop3A_304 = arith.constant 16 : i32
        %parallel_loop3A_305 = arith.addi %parallel_loop3A_291, %parallel_loop3A_304 : i32
        %parallel_loop3A_306 = arith.index_cast %parallel_loop3A_305 : i32 to index
        %parallel_loop3A_307 = tpu.vector_load %arg4[%parallel_loop3A_306] {strides = array<i32>} : memref<64512xf32, #tpu.memory_space<vmem>>, vector<16xf32>,
        %parallel_loop3A_308 = arith.constant 32 : i32
        %parallel_loop3A_309 = arith.muli %parallel_loop3A_101, %parallel_loop3A_308 : i32
        %parallel_loop3A_310 = arith.constant 16 : i32
        %parallel_loop3A_311 = arith.addi %parallel_loop3A_309, %parallel_loop3A_310 : i32
        %parallel_loop3A_312 = arith.constant 0 : i32
        %parallel_loop3A_313 = arith.constant 0 : i32
        %parallel_loop3A_314 = arith.constant 6 : i32
        %parallel_loop3A_315 = arith.index_cast %parallel_loop3A_312 : i32 to index
        %parallel_loop3A_316 = arith.index_cast %parallel_loop3A_313 : i32 to index
        %parallel_loop3A_317 = arith.index_cast %parallel_loop3A_314 : i32 to index
        %parallel_loop3A_318 = arith.index_cast %parallel_loop3A_311 : i32 to index
        %parallel_loop3A_319 = tpu.vector_load %arg5[%parallel_loop3A_315, %parallel_loop3A_316, %parallel_loop3A_317, %parallel_loop3A_318] {strides = array<i32>} : memref<2x1x32x1024xf32, #tpu.memory_space<vmem>>, vector<16xf32>,
        tpu.vector_store %arg5[%parallel_loop3A_315, %parallel_loop3A_316, %parallel_loop3A_317, %parallel_loop3A_318], %parallel_loop3A_307 {strides = array<i32>} : memref<2x1x32x1024xf32, #tpu.memory_space<vmem>>, vector<16xf32>,
        %parallel_loop3A_320 = arith.constant 7 : i32
        %parallel_loop3A_321 = arith.subi %parallel_loop3A_109, %parallel_loop3A_320 : i32
        %parallel_loop3A_322 = arith.index_cast %parallel_loop3A_321 : i32 to index
        %parallel_loop3A_323 = tpu.vector_load %arg4[%parallel_loop3A_322] {strides = array<i32>} : memref<64512xf32, #tpu.memory_space<vmem>>, vector<16xf32>,
        %parallel_loop3A_324 = arith.constant 32 : i32
        %parallel_loop3A_325 = arith.muli %parallel_loop3A_101, %parallel_loop3A_324 : i32
        %parallel_loop3A_326 = arith.constant 0 : i32
        %parallel_loop3A_327 = arith.constant 0 : i32
        %parallel_loop3A_328 = arith.constant 7 : i32
        %parallel_loop3A_329 = arith.index_cast %parallel_loop3A_326 : i32 to index
        %parallel_loop3A_330 = arith.index_cast %parallel_loop3A_327 : i32 to index
        %parallel_loop3A_331 = arith.index_cast %parallel_loop3A_328 : i32 to index
        %parallel_loop3A_332 = arith.index_cast %parallel_loop3A_325 : i32 to index
        %parallel_loop3A_333 = tpu.vector_load %arg5[%parallel_loop3A_329, %parallel_loop3A_330, %parallel_loop3A_331, %parallel_loop3A_332] {strides = array<i32>} : memref<2x1x32x1024xf32, #tpu.memory_space<vmem>>, vector<16xf32>,
        tpu.vector_store %arg5[%parallel_loop3A_329, %parallel_loop3A_330, %parallel_loop3A_331, %parallel_loop3A_332], %parallel_loop3A_323 {strides = array<i32>} : memref<2x1x32x1024xf32, #tpu.memory_space<vmem>>, vector<16xf32>,
        %parallel_loop3A_334 = arith.constant 16 : i32
        %parallel_loop3A_335 = arith.addi %parallel_loop3A_321, %parallel_loop3A_334 : i32
        %parallel_loop3A_336 = arith.index_cast %parallel_loop3A_335 : i32 to index
        %parallel_loop3A_337 = tpu.vector_load %arg4[%parallel_loop3A_336] {strides = array<i32>} : memref<64512xf32, #tpu.memory_space<vmem>>, vector<16xf32>,
        %parallel_loop3A_338 = arith.constant 32 : i32
        %parallel_loop3A_339 = arith.muli %parallel_loop3A_101, %parallel_loop3A_338 : i32
        %parallel_loop3A_340 = arith.constant 16 : i32
        %parallel_loop3A_341 = arith.addi %parallel_loop3A_339, %parallel_loop3A_340 : i32
        %parallel_loop3A_342 = arith.constant 0 : i32
        %parallel_loop3A_343 = arith.constant 0 : i32
        %parallel_loop3A_344 = arith.constant 7 : i32
        %parallel_loop3A_345 = arith.index_cast %parallel_loop3A_342 : i32 to index
        %parallel_loop3A_346 = arith.index_cast %parallel_loop3A_343 : i32 to index
        %parallel_loop3A_347 = arith.index_cast %parallel_loop3A_344 : i32 to index
        %parallel_loop3A_348 = arith.index_cast %parallel_loop3A_341 : i32 to index
        %parallel_loop3A_349 = tpu.vector_load %arg5[%parallel_loop3A_345, %parallel_loop3A_346, %parallel_loop3A_347, %parallel_loop3A_348] {strides = array<i32>} : memref<2x1x32x1024xf32, #tpu.memory_space<vmem>>, vector<16xf32>,
        tpu.vector_store %arg5[%parallel_loop3A_345, %parallel_loop3A_346, %parallel_loop3A_347, %parallel_loop3A_348], %parallel_loop3A_337 {strides = array<i32>} : memref<2x1x32x1024xf32, #tpu.memory_space<vmem>>, vector<16xf32>,
        %parallel_loop3A_350 = arith.constant 8 : i32
        %parallel_loop3A_351 = arith.subi %parallel_loop3A_109, %parallel_loop3A_350 : i32
        %parallel_loop3A_352 = arith.index_cast %parallel_loop3A_351 : i32 to index
        %parallel_loop3A_353 = tpu.vector_load %arg4[%parallel_loop3A_352] {strides = array<i32>} : memref<64512xf32, #tpu.memory_space<vmem>>, vector<16xf32>,
        %parallel_loop3A_354 = arith.constant 32 : i32
        %parallel_loop3A_355 = arith.muli %parallel_loop3A_101, %parallel_loop3A_354 : i32
        %parallel_loop3A_356 = arith.constant 0 : i32
        %parallel_loop3A_357 = arith.constant 0 : i32
        %parallel_loop3A_358 = arith.constant 8 : i32
        %parallel_loop3A_359 = arith.index_cast %parallel_loop3A_356 : i32 to index
        %parallel_loop3A_360 = arith.index_cast %parallel_loop3A_357 : i32 to index
        %parallel_loop3A_361 = arith.index_cast %parallel_loop3A_358 : i32 to index
        %parallel_loop3A_362 = arith.index_cast %parallel_loop3A_355 : i32 to index
        %parallel_loop3A_363 = tpu.vector_load %arg5[%parallel_loop3A_359, %parallel_loop3A_360, %parallel_loop3A_361, %parallel_loop3A_362] {strides = array<i32>} : memref<2x1x32x1024xf32, #tpu.memory_space<vmem>>, vector<16xf32>,
        tpu.vector_store %arg5[%parallel_loop3A_359, %parallel_loop3A_360, %parallel_loop3A_361, %parallel_loop3A_362], %parallel_loop3A_353 {strides = array<i32>} : memref<2x1x32x1024xf32, #tpu.memory_space<vmem>>, vector<16xf32>,
        %parallel_loop3A_364 = arith.constant 16 : i32
        %parallel_loop3A_365 = arith.addi %parallel_loop3A_351, %parallel_loop3A_364 : i32
        %parallel_loop3A_366 = arith.index_cast %parallel_loop3A_365 : i32 to index
        %parallel_loop3A_367 = tpu.vector_load %arg4[%parallel_loop3A_366] {strides = array<i32>} : memref<64512xf32, #tpu.memory_space<vmem>>, vector<16xf32>,
        %parallel_loop3A_368 = arith.constant 32 : i32
        %parallel_loop3A_369 = arith.muli %parallel_loop3A_101, %parallel_loop3A_368 : i32
        %parallel_loop3A_370 = arith.constant 16 : i32
        %parallel_loop3A_371 = arith.addi %parallel_loop3A_369, %parallel_loop3A_370 : i32
        %parallel_loop3A_372 = arith.constant 0 : i32
        %parallel_loop3A_373 = arith.constant 0 : i32
        %parallel_loop3A_374 = arith.constant 8 : i32
        %parallel_loop3A_375 = arith.index_cast %parallel_loop3A_372 : i32 to index
        %parallel_loop3A_376 = arith.index_cast %parallel_loop3A_373 : i32 to index
        %parallel_loop3A_377 = arith.index_cast %parallel_loop3A_374 : i32 to index
        %parallel_loop3A_378 = arith.index_cast %parallel_loop3A_371 : i32 to index
        %parallel_loop3A_379 = tpu.vector_load %arg5[%parallel_loop3A_375, %parallel_loop3A_376, %parallel_loop3A_377, %parallel_loop3A_378] {strides = array<i32>} : memref<2x1x32x1024xf32, #tpu.memory_space<vmem>>, vector<16xf32>,
        tpu.vector_store %arg5[%parallel_loop3A_375, %parallel_loop3A_376, %parallel_loop3A_377, %parallel_loop3A_378], %parallel_loop3A_367 {strides = array<i32>} : memref<2x1x32x1024xf32, #tpu.memory_space<vmem>>, vector<16xf32>,
        %parallel_loop3A_380 = arith.constant 9 : i32
        %parallel_loop3A_381 = arith.subi %parallel_loop3A_109, %parallel_loop3A_380 : i32
        %parallel_loop3A_382 = arith.index_cast %parallel_loop3A_381 : i32 to index
        %parallel_loop3A_383 = tpu.vector_load %arg4[%parallel_loop3A_382] {strides = array<i32>} : memref<64512xf32, #tpu.memory_space<vmem>>, vector<16xf32>,
        %parallel_loop3A_384 = arith.constant 32 : i32
        %parallel_loop3A_385 = arith.muli %parallel_loop3A_101, %parallel_loop3A_384 : i32
        %parallel_loop3A_386 = arith.constant 0 : i32
        %parallel_loop3A_387 = arith.constant 0 : i32
        %parallel_loop3A_388 = arith.constant 9 : i32
        %parallel_loop3A_389 = arith.index_cast %parallel_loop3A_386 : i32 to index
        %parallel_loop3A_390 = arith.index_cast %parallel_loop3A_387 : i32 to index
        %parallel_loop3A_391 = arith.index_cast %parallel_loop3A_388 : i32 to index
        %parallel_loop3A_392 = arith.index_cast %parallel_loop3A_385 : i32 to index
        %parallel_loop3A_393 = tpu.vector_load %arg5[%parallel_loop3A_389, %parallel_loop3A_390, %parallel_loop3A_391, %parallel_loop3A_392] {strides = array<i32>} : memref<2x1x32x1024xf32, #tpu.memory_space<vmem>>, vector<16xf32>,
        tpu.vector_store %arg5[%parallel_loop3A_389, %parallel_loop3A_390, %parallel_loop3A_391, %parallel_loop3A_392], %parallel_loop3A_383 {strides = array<i32>} : memref<2x1x32x1024xf32, #tpu.memory_space<vmem>>, vector<16xf32>,
        %parallel_loop3A_394 = arith.constant 16 : i32
        %parallel_loop3A_395 = arith.addi %parallel_loop3A_381, %parallel_loop3A_394 : i32
        %parallel_loop3A_396 = arith.index_cast %parallel_loop3A_395 : i32 to index
        %parallel_loop3A_397 = tpu.vector_load %arg4[%parallel_loop3A_396] {strides = array<i32>} : memref<64512xf32, #tpu.memory_space<vmem>>, vector<16xf32>,
        %parallel_loop3A_398 = arith.constant 32 : i32
        %parallel_loop3A_399 = arith.muli %parallel_loop3A_101, %parallel_loop3A_398 : i32
        %parallel_loop3A_400 = arith.constant 16 : i32
        %parallel_loop3A_401 = arith.addi %parallel_loop3A_399, %parallel_loop3A_400 : i32
        %parallel_loop3A_402 = arith.constant 0 : i32
        %parallel_loop3A_403 = arith.constant 0 : i32
        %parallel_loop3A_404 = arith.constant 9 : i32
        %parallel_loop3A_405 = arith.index_cast %parallel_loop3A_402 : i32 to index
        %parallel_loop3A_406 = arith.index_cast %parallel_loop3A_403 : i32 to index
        %parallel_loop3A_407 = arith.index_cast %parallel_loop3A_404 : i32 to index
        %parallel_loop3A_408 = arith.index_cast %parallel_loop3A_401 : i32 to index
        %parallel_loop3A_409 = tpu.vector_load %arg5[%parallel_loop3A_405, %parallel_loop3A_406, %parallel_loop3A_407, %parallel_loop3A_408] {strides = array<i32>} : memref<2x1x32x1024xf32, #tpu.memory_space<vmem>>, vector<16xf32>,
        tpu.vector_store %arg5[%parallel_loop3A_405, %parallel_loop3A_406, %parallel_loop3A_407, %parallel_loop3A_408], %parallel_loop3A_397 {strides = array<i32>} : memref<2x1x32x1024xf32, #tpu.memory_space<vmem>>, vector<16xf32>,
        %parallel_loop3A_410 = arith.constant 10 : i32
        %parallel_loop3A_411 = arith.subi %parallel_loop3A_109, %parallel_loop3A_410 : i32
        %parallel_loop3A_412 = arith.index_cast %parallel_loop3A_411 : i32 to index
        %parallel_loop3A_413 = tpu.vector_load %arg4[%parallel_loop3A_412] {strides = array<i32>} : memref<64512xf32, #tpu.memory_space<vmem>>, vector<16xf32>,
        %parallel_loop3A_414 = arith.constant 32 : i32
        %parallel_loop3A_415 = arith.muli %parallel_loop3A_101, %parallel_loop3A_414 : i32
        %parallel_loop3A_416 = arith.constant 0 : i32
        %parallel_loop3A_417 = arith.constant 0 : i32
        %parallel_loop3A_418 = arith.constant 10 : i32
        %parallel_loop3A_419 = arith.index_cast %parallel_loop3A_416 : i32 to index
        %parallel_loop3A_420 = arith.index_cast %parallel_loop3A_417 : i32 to index
        %parallel_loop3A_421 = arith.index_cast %parallel_loop3A_418 : i32 to index
        %parallel_loop3A_422 = arith.index_cast %parallel_loop3A_415 : i32 to index
        %parallel_loop3A_423 = tpu.vector_load %arg5[%parallel_loop3A_419, %parallel_loop3A_420, %parallel_loop3A_421, %parallel_loop3A_422] {strides = array<i32>} : memref<2x1x32x1024xf32, #tpu.memory_space<vmem>>, vector<16xf32>,
        tpu.vector_store %arg5[%parallel_loop3A_419, %parallel_loop3A_420, %parallel_loop3A_421, %parallel_loop3A_422], %parallel_loop3A_413 {strides = array<i32>} : memref<2x1x32x1024xf32, #tpu.memory_space<vmem>>, vector<16xf32>,
        %parallel_loop3A_424 = arith.constant 16 : i32
        %parallel_loop3A_425 = arith.addi %parallel_loop3A_411, %parallel_loop3A_424 : i32
        %parallel_loop3A_426 = arith.index_cast %parallel_loop3A_425 : i32 to index
        %parallel_loop3A_427 = tpu.vector_load %arg4[%parallel_loop3A_426] {strides = array<i32>} : memref<64512xf32, #tpu.memory_space<vmem>>, vector<16xf32>,
        %parallel_loop3A_428 = arith.constant 32 : i32
        %parallel_loop3A_429 = arith.muli %parallel_loop3A_101, %parallel_loop3A_428 : i32
        %parallel_loop3A_430 = arith.constant 16 : i32
        %parallel_loop3A_431 = arith.addi %parallel_loop3A_429, %parallel_loop3A_430 : i32
        %parallel_loop3A_432 = arith.constant 0 : i32
        %parallel_loop3A_433 = arith.constant 0 : i32
        %parallel_loop3A_434 = arith.constant 10 : i32
        %parallel_loop3A_435 = arith.index_cast %parallel_loop3A_432 : i32 to index
        %parallel_loop3A_436 = arith.index_cast %parallel_loop3A_433 : i32 to index
        %parallel_loop3A_437 = arith.index_cast %parallel_loop3A_434 : i32 to index
        %parallel_loop3A_438 = arith.index_cast %parallel_loop3A_431 : i32 to index
        %parallel_loop3A_439 = tpu.vector_load %arg5[%parallel_loop3A_435, %parallel_loop3A_436, %parallel_loop3A_437, %parallel_loop3A_438] {strides = array<i32>} : memref<2x1x32x1024xf32, #tpu.memory_space<vmem>>, vector<16xf32>,
        tpu.vector_store %arg5[%parallel_loop3A_435, %parallel_loop3A_436, %parallel_loop3A_437, %parallel_loop3A_438], %parallel_loop3A_427 {strides = array<i32>} : memref<2x1x32x1024xf32, #tpu.memory_space<vmem>>, vector<16xf32>,
        %parallel_loop3A_440 = arith.constant 11 : i32
        %parallel_loop3A_441 = arith.subi %parallel_loop3A_109, %parallel_loop3A_440 : i32
        %parallel_loop3A_442 = arith.index_cast %parallel_loop3A_441 : i32 to index
        %parallel_loop3A_443 = tpu.vector_load %arg4[%parallel_loop3A_442] {strides = array<i32>} : memref<64512xf32, #tpu.memory_space<vmem>>, vector<16xf32>,
        %parallel_loop3A_444 = arith.constant 32 : i32
        %parallel_loop3A_445 = arith.muli %parallel_loop3A_101, %parallel_loop3A_444 : i32
        %parallel_loop3A_446 = arith.constant 0 : i32
        %parallel_loop3A_447 = arith.constant 0 : i32
        %parallel_loop3A_448 = arith.constant 11 : i32
        %parallel_loop3A_449 = arith.index_cast %parallel_loop3A_446 : i32 to index
        %parallel_loop3A_450 = arith.index_cast %parallel_loop3A_447 : i32 to index
        %parallel_loop3A_451 = arith.index_cast %parallel_loop3A_448 : i32 to index
        %parallel_loop3A_452 = arith.index_cast %parallel_loop3A_445 : i32 to index
        %parallel_loop3A_453 = tpu.vector_load %arg5[%parallel_loop3A_449, %parallel_loop3A_450, %parallel_loop3A_451, %parallel_loop3A_452] {strides = array<i32>} : memref<2x1x32x1024xf32, #tpu.memory_space<vmem>>, vector<16xf32>,
        tpu.vector_store %arg5[%parallel_loop3A_449, %parallel_loop3A_450, %parallel_loop3A_451, %parallel_loop3A_452], %parallel_loop3A_443 {strides = array<i32>} : memref<2x1x32x1024xf32, #tpu.memory_space<vmem>>, vector<16xf32>,
        %parallel_loop3A_454 = arith.constant 16 : i32
        %parallel_loop3A_455 = arith.addi %parallel_loop3A_441, %parallel_loop3A_454 : i32
        %parallel_loop3A_456 = arith.index_cast %parallel_loop3A_455 : i32 to index
        %parallel_loop3A_457 = tpu.vector_load %arg4[%parallel_loop3A_456] {strides = array<i32>} : memref<64512xf32, #tpu.memory_space<vmem>>, vector<16xf32>,
        %parallel_loop3A_458 = arith.constant 32 : i32
        %parallel_loop3A_459 = arith.muli %parallel_loop3A_101, %parallel_loop3A_458 : i32
        %parallel_loop3A_460 = arith.constant 16 : i32
        %parallel_loop3A_461 = arith.addi %parallel_loop3A_459, %parallel_loop3A_460 : i32
        %parallel_loop3A_462 = arith.constant 0 : i32
        %parallel_loop3A_463 = arith.constant 0 : i32
        %parallel_loop3A_464 = arith.constant 11 : i32
        %parallel_loop3A_465 = arith.index_cast %parallel_loop3A_462 : i32 to index
        %parallel_loop3A_466 = arith.index_cast %parallel_loop3A_463 : i32 to index
        %parallel_loop3A_467 = arith.index_cast %parallel_loop3A_464 : i32 to index
        %parallel_loop3A_468 = arith.index_cast %parallel_loop3A_461 : i32 to index
        %parallel_loop3A_469 = tpu.vector_load %arg5[%parallel_loop3A_465, %parallel_loop3A_466, %parallel_loop3A_467, %parallel_loop3A_468] {strides = array<i32>} : memref<2x1x32x1024xf32, #tpu.memory_space<vmem>>, vector<16xf32>,
        tpu.vector_store %arg5[%parallel_loop3A_465, %parallel_loop3A_466, %parallel_loop3A_467, %parallel_loop3A_468], %parallel_loop3A_457 {strides = array<i32>} : memref<2x1x32x1024xf32, #tpu.memory_space<vmem>>, vector<16xf32>,
        %parallel_loop3A_470 = arith.constant 12 : i32
        %parallel_loop3A_471 = arith.subi %parallel_loop3A_109, %parallel_loop3A_470 : i32
        %parallel_loop3A_472 = arith.index_cast %parallel_loop3A_471 : i32 to index
        %parallel_loop3A_473 = tpu.vector_load %arg4[%parallel_loop3A_472] {strides = array<i32>} : memref<64512xf32, #tpu.memory_space<vmem>>, vector<16xf32>,
        %parallel_loop3A_474 = arith.constant 32 : i32
        %parallel_loop3A_475 = arith.muli %parallel_loop3A_101, %parallel_loop3A_474 : i32
        %parallel_loop3A_476 = arith.constant 0 : i32
        %parallel_loop3A_477 = arith.constant 0 : i32
        %parallel_loop3A_478 = arith.constant 12 : i32
        %parallel_loop3A_479 = arith.index_cast %parallel_loop3A_476 : i32 to index
        %parallel_loop3A_480 = arith.index_cast %parallel_loop3A_477 : i32 to index
        %parallel_loop3A_481 = arith.index_cast %parallel_loop3A_478 : i32 to index
        %parallel_loop3A_482 = arith.index_cast %parallel_loop3A_475 : i32 to index
        %parallel_loop3A_483 = tpu.vector_load %arg5[%parallel_loop3A_479, %parallel_loop3A_480, %parallel_loop3A_481, %parallel_loop3A_482] {strides = array<i32>} : memref<2x1x32x1024xf32, #tpu.memory_space<vmem>>, vector<16xf32>,
        tpu.vector_store %arg5[%parallel_loop3A_479, %parallel_loop3A_480, %parallel_loop3A_481, %parallel_loop3A_482], %parallel_loop3A_473 {strides = array<i32>} : memref<2x1x32x1024xf32, #tpu.memory_space<vmem>>, vector<16xf32>,
        %parallel_loop3A_484 = arith.constant 16 : i32
        %parallel_loop3A_485 = arith.addi %parallel_loop3A_471, %parallel_loop3A_484 : i32
        %parallel_loop3A_486 = arith.index_cast %parallel_loop3A_485 : i32 to index
        %parallel_loop3A_487 = tpu.vector_load %arg4[%parallel_loop3A_486] {strides = array<i32>} : memref<64512xf32, #tpu.memory_space<vmem>>, vector<16xf32>,
        %parallel_loop3A_488 = arith.constant 32 : i32
        %parallel_loop3A_489 = arith.muli %parallel_loop3A_101, %parallel_loop3A_488 : i32
        %parallel_loop3A_490 = arith.constant 16 : i32
        %parallel_loop3A_491 = arith.addi %parallel_loop3A_489, %parallel_loop3A_490 : i32
        %parallel_loop3A_492 = arith.constant 0 : i32
        %parallel_loop3A_493 = arith.constant 0 : i32
        %parallel_loop3A_494 = arith.constant 12 : i32
        %parallel_loop3A_495 = arith.index_cast %parallel_loop3A_492 : i32 to index
        %parallel_loop3A_496 = arith.index_cast %parallel_loop3A_493 : i32 to index
        %parallel_loop3A_497 = arith.index_cast %parallel_loop3A_494 : i32 to index
        %parallel_loop3A_498 = arith.index_cast %parallel_loop3A_491 : i32 to index
        %parallel_loop3A_499 = tpu.vector_load %arg5[%parallel_loop3A_495, %parallel_loop3A_496, %parallel_loop3A_497, %parallel_loop3A_498] {strides = array<i32>} : memref<2x1x32x1024xf32, #tpu.memory_space<vmem>>, vector<16xf32>,
        tpu.vector_store %arg5[%parallel_loop3A_495, %parallel_loop3A_496, %parallel_loop3A_497, %parallel_loop3A_498], %parallel_loop3A_487 {strides = array<i32>} : memref<2x1x32x1024xf32, #tpu.memory_space<vmem>>, vector<16xf32>,
        %parallel_loop3A_500 = arith.constant 13 : i32
        %parallel_loop3A_501 = arith.subi %parallel_loop3A_109, %parallel_loop3A_500 : i32
        %parallel_loop3A_502 = arith.index_cast %parallel_loop3A_501 : i32 to index
        %parallel_loop3A_503 = tpu.vector_load %arg4[%parallel_loop3A_502] {strides = array<i32>} : memref<64512xf32, #tpu.memory_space<vmem>>, vector<16xf32>,
        %parallel_loop3A_504 = arith.constant 32 : i32
        %parallel_loop3A_505 = arith.muli %parallel_loop3A_101, %parallel_loop3A_504 : i32
        %parallel_loop3A_506 = arith.constant 0 : i32
        %parallel_loop3A_507 = arith.constant 0 : i32
        %parallel_loop3A_508 = arith.constant 13 : i32
        %parallel_loop3A_509 = arith.index_cast %parallel_loop3A_506 : i32 to index
        %parallel_loop3A_510 = arith.index_cast %parallel_loop3A_507 : i32 to index
        %parallel_loop3A_511 = arith.index_cast %parallel_loop3A_508 : i32 to index
        %parallel_loop3A_512 = arith.index_cast %parallel_loop3A_505 : i32 to index
        %parallel_loop3A_513 = tpu.vector_load %arg5[%parallel_loop3A_509, %parallel_loop3A_510, %parallel_loop3A_511, %parallel_loop3A_512] {strides = array<i32>} : memref<2x1x32x1024xf32, #tpu.memory_space<vmem>>, vector<16xf32>,
        tpu.vector_store %arg5[%parallel_loop3A_509, %parallel_loop3A_510, %parallel_loop3A_511, %parallel_loop3A_512], %parallel_loop3A_503 {strides = array<i32>} : memref<2x1x32x1024xf32, #tpu.memory_space<vmem>>, vector<16xf32>,
        %parallel_loop3A_514 = arith.constant 16 : i32
        %parallel_loop3A_515 = arith.addi %parallel_loop3A_501, %parallel_loop3A_514 : i32
        %parallel_loop3A_516 = arith.index_cast %parallel_loop3A_515 : i32 to index
        %parallel_loop3A_517 = tpu.vector_load %arg4[%parallel_loop3A_516] {strides = array<i32>} : memref<64512xf32, #tpu.memory_space<vmem>>, vector<16xf32>,
        %parallel_loop3A_518 = arith.constant 32 : i32
        %parallel_loop3A_519 = arith.muli %parallel_loop3A_101, %parallel_loop3A_518 : i32
        %parallel_loop3A_520 = arith.constant 16 : i32
        %parallel_loop3A_521 = arith.addi %parallel_loop3A_519, %parallel_loop3A_520 : i32
        %parallel_loop3A_522 = arith.constant 0 : i32
        %parallel_loop3A_523 = arith.constant 0 : i32
        %parallel_loop3A_524 = arith.constant 13 : i32
        %parallel_loop3A_525 = arith.index_cast %parallel_loop3A_522 : i32 to index
        %parallel_loop3A_526 = arith.index_cast %parallel_loop3A_523 : i32 to index
        %parallel_loop3A_527 = arith.index_cast %parallel_loop3A_524 : i32 to index
        %parallel_loop3A_528 = arith.index_cast %parallel_loop3A_521 : i32 to index
        %parallel_loop3A_529 = tpu.vector_load %arg5[%parallel_loop3A_525, %parallel_loop3A_526, %parallel_loop3A_527, %parallel_loop3A_528] {strides = array<i32>} : memref<2x1x32x1024xf32, #tpu.memory_space<vmem>>, vector<16xf32>,
        tpu.vector_store %arg5[%parallel_loop3A_525, %parallel_loop3A_526, %parallel_loop3A_527, %parallel_loop3A_528], %parallel_loop3A_517 {strides = array<i32>} : memref<2x1x32x1024xf32, #tpu.memory_space<vmem>>, vector<16xf32>,
        %parallel_loop3A_530 = arith.constant 14 : i32
        %parallel_loop3A_531 = arith.subi %parallel_loop3A_109, %parallel_loop3A_530 : i32
        %parallel_loop3A_532 = arith.index_cast %parallel_loop3A_531 : i32 to index
        %parallel_loop3A_533 = tpu.vector_load %arg4[%parallel_loop3A_532] {strides = array<i32>} : memref<64512xf32, #tpu.memory_space<vmem>>, vector<16xf32>,
        %parallel_loop3A_534 = arith.constant 32 : i32
        %parallel_loop3A_535 = arith.muli %parallel_loop3A_101, %parallel_loop3A_534 : i32
        %parallel_loop3A_536 = arith.constant 0 : i32
        %parallel_loop3A_537 = arith.constant 0 : i32
        %parallel_loop3A_538 = arith.constant 14 : i32
        %parallel_loop3A_539 = arith.index_cast %parallel_loop3A_536 : i32 to index
        %parallel_loop3A_540 = arith.index_cast %parallel_loop3A_537 : i32 to index
        %parallel_loop3A_541 = arith.index_cast %parallel_loop3A_538 : i32 to index
        %parallel_loop3A_542 = arith.index_cast %parallel_loop3A_535 : i32 to index
        %parallel_loop3A_543 = tpu.vector_load %arg5[%parallel_loop3A_539, %parallel_loop3A_540, %parallel_loop3A_541, %parallel_loop3A_542] {strides = array<i32>} : memref<2x1x32x1024xf32, #tpu.memory_space<vmem>>, vector<16xf32>,
        tpu.vector_store %arg5[%parallel_loop3A_539, %parallel_loop3A_540, %parallel_loop3A_541, %parallel_loop3A_542], %parallel_loop3A_533 {strides = array<i32>} : memref<2x1x32x1024xf32, #tpu.memory_space<vmem>>, vector<16xf32>,
        %parallel_loop3A_544 = arith.constant 16 : i32
        %parallel_loop3A_545 = arith.addi %parallel_loop3A_531, %parallel_loop3A_544 : i32
        %parallel_loop3A_546 = arith.index_cast %parallel_loop3A_545 : i32 to index
        %parallel_loop3A_547 = tpu.vector_load %arg4[%parallel_loop3A_546] {strides = array<i32>} : memref<64512xf32, #tpu.memory_space<vmem>>, vector<16xf32>,
        %parallel_loop3A_548 = arith.constant 32 : i32
        %parallel_loop3A_549 = arith.muli %parallel_loop3A_101, %parallel_loop3A_548 : i32
        %parallel_loop3A_550 = arith.constant 16 : i32
        %parallel_loop3A_551 = arith.addi %parallel_loop3A_549, %parallel_loop3A_550 : i32
        %parallel_loop3A_552 = arith.constant 0 : i32
        %parallel_loop3A_553 = arith.constant 0 : i32
        %parallel_loop3A_554 = arith.constant 14 : i32
        %parallel_loop3A_555 = arith.index_cast %parallel_loop3A_552 : i32 to index
        %parallel_loop3A_556 = arith.index_cast %parallel_loop3A_553 : i32 to index
        %parallel_loop3A_557 = arith.index_cast %parallel_loop3A_554 : i32 to index
        %parallel_loop3A_558 = arith.index_cast %parallel_loop3A_551 : i32 to index
        %parallel_loop3A_559 = tpu.vector_load %arg5[%parallel_loop3A_555, %parallel_loop3A_556, %parallel_loop3A_557, %parallel_loop3A_558] {strides = array<i32>} : memref<2x1x32x1024xf32, #tpu.memory_space<vmem>>, vector<16xf32>,
        tpu.vector_store %arg5[%parallel_loop3A_555, %parallel_loop3A_556, %parallel_loop3A_557, %parallel_loop3A_558], %parallel_loop3A_547 {strides = array<i32>} : memref<2x1x32x1024xf32, #tpu.memory_space<vmem>>, vector<16xf32>,
        %parallel_loop3A_560 = arith.constant 15 : i32
        %parallel_loop3A_561 = arith.subi %parallel_loop3A_109, %parallel_loop3A_560 : i32
        %parallel_loop3A_562 = arith.index_cast %parallel_loop3A_561 : i32 to index
        %parallel_loop3A_563 = tpu.vector_load %arg4[%parallel_loop3A_562] {strides = array<i32>} : memref<64512xf32, #tpu.memory_space<vmem>>, vector<16xf32>,
        %parallel_loop3A_564 = arith.constant 32 : i32
        %parallel_loop3A_565 = arith.muli %parallel_loop3A_101, %parallel_loop3A_564 : i32
        %parallel_loop3A_566 = arith.constant 0 : i32
        %parallel_loop3A_567 = arith.constant 0 : i32
        %parallel_loop3A_568 = arith.constant 15 : i32
        %parallel_loop3A_569 = arith.index_cast %parallel_loop3A_566 : i32 to index
        %parallel_loop3A_570 = arith.index_cast %parallel_loop3A_567 : i32 to index
        %parallel_loop3A_571 = arith.index_cast %parallel_loop3A_568 : i32 to index
        %parallel_loop3A_572 = arith.index_cast %parallel_loop3A_565 : i32 to index
        %parallel_loop3A_573 = tpu.vector_load %arg5[%parallel_loop3A_569, %parallel_loop3A_570, %parallel_loop3A_571, %parallel_loop3A_572] {strides = array<i32>} : memref<2x1x32x1024xf32, #tpu.memory_space<vmem>>, vector<16xf32>,
        tpu.vector_store %arg5[%parallel_loop3A_569, %parallel_loop3A_570, %parallel_loop3A_571, %parallel_loop3A_572], %parallel_loop3A_563 {strides = array<i32>} : memref<2x1x32x1024xf32, #tpu.memory_space<vmem>>, vector<16xf32>,
        %parallel_loop3A_574 = arith.constant 16 : i32
        %parallel_loop3A_575 = arith.addi %parallel_loop3A_561, %parallel_loop3A_574 : i32
        %parallel_loop3A_576 = arith.index_cast %parallel_loop3A_575 : i32 to index
        %parallel_loop3A_577 = tpu.vector_load %arg4[%parallel_loop3A_576] {strides = array<i32>} : memref<64512xf32, #tpu.memory_space<vmem>>, vector<16xf32>,
        %parallel_loop3A_578 = arith.constant 32 : i32
        %parallel_loop3A_579 = arith.muli %parallel_loop3A_101, %parallel_loop3A_578 : i32
        %parallel_loop3A_580 = arith.constant 16 : i32
        %parallel_loop3A_581 = arith.addi %parallel_loop3A_579, %parallel_loop3A_580 : i32
        %parallel_loop3A_582 = arith.constant 0 : i32
        %parallel_loop3A_583 = arith.constant 0 : i32
        %parallel_loop3A_584 = arith.constant 15 : i32
        %parallel_loop3A_585 = arith.index_cast %parallel_loop3A_582 : i32 to index
        %parallel_loop3A_586 = arith.index_cast %parallel_loop3A_583 : i32 to index
        %parallel_loop3A_587 = arith.index_cast %parallel_loop3A_584 : i32 to index
        %parallel_loop3A_588 = arith.index_cast %parallel_loop3A_581 : i32 to index
        %parallel_loop3A_589 = tpu.vector_load %arg5[%parallel_loop3A_585, %parallel_loop3A_586, %parallel_loop3A_587, %parallel_loop3A_588] {strides = array<i32>} : memref<2x1x32x1024xf32, #tpu.memory_space<vmem>>, vector<16xf32>,
        tpu.vector_store %arg5[%parallel_loop3A_585, %parallel_loop3A_586, %parallel_loop3A_587, %parallel_loop3A_588], %parallel_loop3A_577 {strides = array<i32>} : memref<2x1x32x1024xf32, #tpu.memory_space<vmem>>, vector<16xf32>,
        %parallel_loop3A_590 = arith.constant 16 : i32
        %parallel_loop3A_591 = arith.subi %parallel_loop3A_109, %parallel_loop3A_590 : i32
        %parallel_loop3A_592 = arith.index_cast %parallel_loop3A_591 : i32 to index
        %parallel_loop3A_593 = tpu.vector_load %arg4[%parallel_loop3A_592] {strides = array<i32>} : memref<64512xf32, #tpu.memory_space<vmem>>, vector<16xf32>,
        %parallel_loop3A_594 = arith.constant 32 : i32
        %parallel_loop3A_595 = arith.muli %parallel_loop3A_101, %parallel_loop3A_594 : i32
        %parallel_loop3A_596 = arith.constant 0 : i32
        %parallel_loop3A_597 = arith.constant 0 : i32
        %parallel_loop3A_598 = arith.constant 16 : i32
        %parallel_loop3A_599 = arith.index_cast %parallel_loop3A_596 : i32 to index
        %parallel_loop3A_600 = arith.index_cast %parallel_loop3A_597 : i32 to index
        %parallel_loop3A_601 = arith.index_cast %parallel_loop3A_598 : i32 to index
        %parallel_loop3A_602 = arith.index_cast %parallel_loop3A_595 : i32 to index
        %parallel_loop3A_603 = tpu.vector_load %arg5[%parallel_loop3A_599, %parallel_loop3A_600, %parallel_loop3A_601, %parallel_loop3A_602] {strides = array<i32>} : memref<2x1x32x1024xf32, #tpu.memory_space<vmem>>, vector<16xf32>,
        tpu.vector_store %arg5[%parallel_loop3A_599, %parallel_loop3A_600, %parallel_loop3A_601, %parallel_loop3A_602], %parallel_loop3A_593 {strides = array<i32>} : memref<2x1x32x1024xf32, #tpu.memory_space<vmem>>, vector<16xf32>,
        %parallel_loop3A_604 = arith.constant 16 : i32
        %parallel_loop3A_605 = arith.addi %parallel_loop3A_591, %parallel_loop3A_604 : i32
        %parallel_loop3A_606 = arith.index_cast %parallel_loop3A_605 : i32 to index
        %parallel_loop3A_607 = tpu.vector_load %arg4[%parallel_loop3A_606] {strides = array<i32>} : memref<64512xf32, #tpu.memory_space<vmem>>, vector<16xf32>,
        %parallel_loop3A_608 = arith.constant 32 : i32
        %parallel_loop3A_609 = arith.muli %parallel_loop3A_101, %parallel_loop3A_608 : i32
        %parallel_loop3A_610 = arith.constant 16 : i32
        %parallel_loop3A_611 = arith.addi %parallel_loop3A_609, %parallel_loop3A_610 : i32
        %parallel_loop3A_612 = arith.constant 0 : i32
        %parallel_loop3A_613 = arith.constant 0 : i32
        %parallel_loop3A_614 = arith.constant 16 : i32
        %parallel_loop3A_615 = arith.index_cast %parallel_loop3A_612 : i32 to index
        %parallel_loop3A_616 = arith.index_cast %parallel_loop3A_613 : i32 to index
        %parallel_loop3A_617 = arith.index_cast %parallel_loop3A_614 : i32 to index
        %parallel_loop3A_618 = arith.index_cast %parallel_loop3A_611 : i32 to index
        %parallel_loop3A_619 = tpu.vector_load %arg5[%parallel_loop3A_615, %parallel_loop3A_616, %parallel_loop3A_617, %parallel_loop3A_618] {strides = array<i32>} : memref<2x1x32x1024xf32, #tpu.memory_space<vmem>>, vector<16xf32>,
        tpu.vector_store %arg5[%parallel_loop3A_615, %parallel_loop3A_616, %parallel_loop3A_617, %parallel_loop3A_618], %parallel_loop3A_607 {strides = array<i32>} : memref<2x1x32x1024xf32, #tpu.memory_space<vmem>>, vector<16xf32>,
        %parallel_loop3A_620 = arith.constant 17 : i32
        %parallel_loop3A_621 = arith.subi %parallel_loop3A_109, %parallel_loop3A_620 : i32
        %parallel_loop3A_622 = arith.index_cast %parallel_loop3A_621 : i32 to index
        %parallel_loop3A_623 = tpu.vector_load %arg4[%parallel_loop3A_622] {strides = array<i32>} : memref<64512xf32, #tpu.memory_space<vmem>>, vector<16xf32>,
        %parallel_loop3A_624 = arith.constant 32 : i32
        %parallel_loop3A_625 = arith.muli %parallel_loop3A_101, %parallel_loop3A_624 : i32
        %parallel_loop3A_626 = arith.constant 0 : i32
        %parallel_loop3A_627 = arith.constant 0 : i32
        %parallel_loop3A_628 = arith.constant 17 : i32
        %parallel_loop3A_629 = arith.index_cast %parallel_loop3A_626 : i32 to index
        %parallel_loop3A_630 = arith.index_cast %parallel_loop3A_627 : i32 to index
        %parallel_loop3A_631 = arith.index_cast %parallel_loop3A_628 : i32 to index
        %parallel_loop3A_632 = arith.index_cast %parallel_loop3A_625 : i32 to index
        %parallel_loop3A_633 = tpu.vector_load %arg5[%parallel_loop3A_629, %parallel_loop3A_630, %parallel_loop3A_631, %parallel_loop3A_632] {strides = array<i32>} : memref<2x1x32x1024xf32, #tpu.memory_space<vmem>>, vector<16xf32>,
        tpu.vector_store %arg5[%parallel_loop3A_629, %parallel_loop3A_630, %parallel_loop3A_631, %parallel_loop3A_632], %parallel_loop3A_623 {strides = array<i32>} : memref<2x1x32x1024xf32, #tpu.memory_space<vmem>>, vector<16xf32>,
        %parallel_loop3A_634 = arith.constant 16 : i32
        %parallel_loop3A_635 = arith.addi %parallel_loop3A_621, %parallel_loop3A_634 : i32
        %parallel_loop3A_636 = arith.index_cast %parallel_loop3A_635 : i32 to index
        %parallel_loop3A_637 = tpu.vector_load %arg4[%parallel_loop3A_636] {strides = array<i32>} : memref<64512xf32, #tpu.memory_space<vmem>>, vector<16xf32>,
        %parallel_loop3A_638 = arith.constant 32 : i32
        %parallel_loop3A_639 = arith.muli %parallel_loop3A_101, %parallel_loop3A_638 : i32
        %parallel_loop3A_640 = arith.constant 16 : i32
        %parallel_loop3A_641 = arith.addi %parallel_loop3A_639, %parallel_loop3A_640 : i32
        %parallel_loop3A_642 = arith.constant 0 : i32
        %parallel_loop3A_643 = arith.constant 0 : i32
        %parallel_loop3A_644 = arith.constant 17 : i32
        %parallel_loop3A_645 = arith.index_cast %parallel_loop3A_642 : i32 to index
        %parallel_loop3A_646 = arith.index_cast %parallel_loop3A_643 : i32 to index
        %parallel_loop3A_647 = arith.index_cast %parallel_loop3A_644 : i32 to index
        %parallel_loop3A_648 = arith.index_cast %parallel_loop3A_641 : i32 to index
        %parallel_loop3A_649 = tpu.vector_load %arg5[%parallel_loop3A_645, %parallel_loop3A_646, %parallel_loop3A_647, %parallel_loop3A_648] {strides = array<i32>} : memref<2x1x32x1024xf32, #tpu.memory_space<vmem>>, vector<16xf32>,
        tpu.vector_store %arg5[%parallel_loop3A_645, %parallel_loop3A_646, %parallel_loop3A_647, %parallel_loop3A_648], %parallel_loop3A_637 {strides = array<i32>} : memref<2x1x32x1024xf32, #tpu.memory_space<vmem>>, vector<16xf32>,
        %parallel_loop3A_650 = arith.constant 18 : i32
        %parallel_loop3A_651 = arith.subi %parallel_loop3A_109, %parallel_loop3A_650 : i32
        %parallel_loop3A_652 = arith.index_cast %parallel_loop3A_651 : i32 to index
        %parallel_loop3A_653 = tpu.vector_load %arg4[%parallel_loop3A_652] {strides = array<i32>} : memref<64512xf32, #tpu.memory_space<vmem>>, vector<16xf32>,
        %parallel_loop3A_654 = arith.constant 32 : i32
        %parallel_loop3A_655 = arith.muli %parallel_loop3A_101, %parallel_loop3A_654 : i32
        %parallel_loop3A_656 = arith.constant 0 : i32
        %parallel_loop3A_657 = arith.constant 0 : i32
        %parallel_loop3A_658 = arith.constant 18 : i32
        %parallel_loop3A_659 = arith.index_cast %parallel_loop3A_656 : i32 to index
        %parallel_loop3A_660 = arith.index_cast %parallel_loop3A_657 : i32 to index
        %parallel_loop3A_661 = arith.index_cast %parallel_loop3A_658 : i32 to index
        %parallel_loop3A_662 = arith.index_cast %parallel_loop3A_655 : i32 to index
        %parallel_loop3A_663 = tpu.vector_load %arg5[%parallel_loop3A_659, %parallel_loop3A_660, %parallel_loop3A_661, %parallel_loop3A_662] {strides = array<i32>} : memref<2x1x32x1024xf32, #tpu.memory_space<vmem>>, vector<16xf32>,
        tpu.vector_store %arg5[%parallel_loop3A_659, %parallel_loop3A_660, %parallel_loop3A_661, %parallel_loop3A_662], %parallel_loop3A_653 {strides = array<i32>} : memref<2x1x32x1024xf32, #tpu.memory_space<vmem>>, vector<16xf32>,
        %parallel_loop3A_664 = arith.constant 16 : i32
        %parallel_loop3A_665 = arith.addi %parallel_loop3A_651, %parallel_loop3A_664 : i32
        %parallel_loop3A_666 = arith.index_cast %parallel_loop3A_665 : i32 to index
        %parallel_loop3A_667 = tpu.vector_load %arg4[%parallel_loop3A_666] {strides = array<i32>} : memref<64512xf32, #tpu.memory_space<vmem>>, vector<16xf32>,
        %parallel_loop3A_668 = arith.constant 32 : i32
        %parallel_loop3A_669 = arith.muli %parallel_loop3A_101, %parallel_loop3A_668 : i32
        %parallel_loop3A_670 = arith.constant 16 : i32
        %parallel_loop3A_671 = arith.addi %parallel_loop3A_669, %parallel_loop3A_670 : i32
        %parallel_loop3A_672 = arith.constant 0 : i32
        %parallel_loop3A_673 = arith.constant 0 : i32
        %parallel_loop3A_674 = arith.constant 18 : i32
        %parallel_loop3A_675 = arith.index_cast %parallel_loop3A_672 : i32 to index
        %parallel_loop3A_676 = arith.index_cast %parallel_loop3A_673 : i32 to index
        %parallel_loop3A_677 = arith.index_cast %parallel_loop3A_674 : i32 to index
        %parallel_loop3A_678 = arith.index_cast %parallel_loop3A_671 : i32 to index
        %parallel_loop3A_679 = tpu.vector_load %arg5[%parallel_loop3A_675, %parallel_loop3A_676, %parallel_loop3A_677, %parallel_loop3A_678] {strides = array<i32>} : memref<2x1x32x1024xf32, #tpu.memory_space<vmem>>, vector<16xf32>,
        tpu.vector_store %arg5[%parallel_loop3A_675, %parallel_loop3A_676, %parallel_loop3A_677, %parallel_loop3A_678], %parallel_loop3A_667 {strides = array<i32>} : memref<2x1x32x1024xf32, #tpu.memory_space<vmem>>, vector<16xf32>,
        %parallel_loop3A_680 = arith.constant 19 : i32
        %parallel_loop3A_681 = arith.subi %parallel_loop3A_109, %parallel_loop3A_680 : i32
        %parallel_loop3A_682 = arith.index_cast %parallel_loop3A_681 : i32 to index
        %parallel_loop3A_683 = tpu.vector_load %arg4[%parallel_loop3A_682] {strides = array<i32>} : memref<64512xf32, #tpu.memory_space<vmem>>, vector<16xf32>,
        %parallel_loop3A_684 = arith.constant 32 : i32
        %parallel_loop3A_685 = arith.muli %parallel_loop3A_101, %parallel_loop3A_684 : i32
        %parallel_loop3A_686 = arith.constant 0 : i32
        %parallel_loop3A_687 = arith.constant 0 : i32
        %parallel_loop3A_688 = arith.constant 19 : i32
        %parallel_loop3A_689 = arith.index_cast %parallel_loop3A_686 : i32 to index
        %parallel_loop3A_690 = arith.index_cast %parallel_loop3A_687 : i32 to index
        %parallel_loop3A_691 = arith.index_cast %parallel_loop3A_688 : i32 to index
        %parallel_loop3A_692 = arith.index_cast %parallel_loop3A_685 : i32 to index
        %parallel_loop3A_693 = tpu.vector_load %arg5[%parallel_loop3A_689, %parallel_loop3A_690, %parallel_loop3A_691, %parallel_loop3A_692] {strides = array<i32>} : memref<2x1x32x1024xf32, #tpu.memory_space<vmem>>, vector<16xf32>,
        tpu.vector_store %arg5[%parallel_loop3A_689, %parallel_loop3A_690, %parallel_loop3A_691, %parallel_loop3A_692], %parallel_loop3A_683 {strides = array<i32>} : memref<2x1x32x1024xf32, #tpu.memory_space<vmem>>, vector<16xf32>,
        %parallel_loop3A_694 = arith.constant 16 : i32
        %parallel_loop3A_695 = arith.addi %parallel_loop3A_681, %parallel_loop3A_694 : i32
        %parallel_loop3A_696 = arith.index_cast %parallel_loop3A_695 : i32 to index
        %parallel_loop3A_697 = tpu.vector_load %arg4[%parallel_loop3A_696] {strides = array<i32>} : memref<64512xf32, #tpu.memory_space<vmem>>, vector<16xf32>,
        %parallel_loop3A_698 = arith.constant 32 : i32
        %parallel_loop3A_699 = arith.muli %parallel_loop3A_101, %parallel_loop3A_698 : i32
        %parallel_loop3A_700 = arith.constant 16 : i32
        %parallel_loop3A_701 = arith.addi %parallel_loop3A_699, %parallel_loop3A_700 : i32
        %parallel_loop3A_702 = arith.constant 0 : i32
        %parallel_loop3A_703 = arith.constant 0 : i32
        %parallel_loop3A_704 = arith.constant 19 : i32
        %parallel_loop3A_705 = arith.index_cast %parallel_loop3A_702 : i32 to index
        %parallel_loop3A_706 = arith.index_cast %parallel_loop3A_703 : i32 to index
        %parallel_loop3A_707 = arith.index_cast %parallel_loop3A_704 : i32 to index
        %parallel_loop3A_708 = arith.index_cast %parallel_loop3A_701 : i32 to index
        %parallel_loop3A_709 = tpu.vector_load %arg5[%parallel_loop3A_705, %parallel_loop3A_706, %parallel_loop3A_707, %parallel_loop3A_708] {strides = array<i32>} : memref<2x1x32x1024xf32, #tpu.memory_space<vmem>>, vector<16xf32>,
        tpu.vector_store %arg5[%parallel_loop3A_705, %parallel_loop3A_706, %parallel_loop3A_707, %parallel_loop3A_708], %parallel_loop3A_697 {strides = array<i32>} : memref<2x1x32x1024xf32, #tpu.memory_space<vmem>>, vector<16xf32>,
        %parallel_loop3A_710 = arith.constant 20 : i32
        %parallel_loop3A_711 = arith.subi %parallel_loop3A_109, %parallel_loop3A_710 : i32
        %parallel_loop3A_712 = arith.index_cast %parallel_loop3A_711 : i32 to index
        %parallel_loop3A_713 = tpu.vector_load %arg4[%parallel_loop3A_712] {strides = array<i32>} : memref<64512xf32, #tpu.memory_space<vmem>>, vector<16xf32>,
        %parallel_loop3A_714 = arith.constant 32 : i32
        %parallel_loop3A_715 = arith.muli %parallel_loop3A_101, %parallel_loop3A_714 : i32
        %parallel_loop3A_716 = arith.constant 0 : i32
        %parallel_loop3A_717 = arith.constant 0 : i32
        %parallel_loop3A_718 = arith.constant 20 : i32
        %parallel_loop3A_719 = arith.index_cast %parallel_loop3A_716 : i32 to index
        %parallel_loop3A_720 = arith.index_cast %parallel_loop3A_717 : i32 to index
        %parallel_loop3A_721 = arith.index_cast %parallel_loop3A_718 : i32 to index
        %parallel_loop3A_722 = arith.index_cast %parallel_loop3A_715 : i32 to index
        %parallel_loop3A_723 = tpu.vector_load %arg5[%parallel_loop3A_719, %parallel_loop3A_720, %parallel_loop3A_721, %parallel_loop3A_722] {strides = array<i32>} : memref<2x1x32x1024xf32, #tpu.memory_space<vmem>>, vector<16xf32>,
        tpu.vector_store %arg5[%parallel_loop3A_719, %parallel_loop3A_720, %parallel_loop3A_721, %parallel_loop3A_722], %parallel_loop3A_713 {strides = array<i32>} : memref<2x1x32x1024xf32, #tpu.memory_space<vmem>>, vector<16xf32>,
        %parallel_loop3A_724 = arith.constant 16 : i32
        %parallel_loop3A_725 = arith.addi %parallel_loop3A_711, %parallel_loop3A_724 : i32
        %parallel_loop3A_726 = arith.index_cast %parallel_loop3A_725 : i32 to index
        %parallel_loop3A_727 = tpu.vector_load %arg4[%parallel_loop3A_726] {strides = array<i32>} : memref<64512xf32, #tpu.memory_space<vmem>>, vector<16xf32>,
        %parallel_loop3A_728 = arith.constant 32 : i32
        %parallel_loop3A_729 = arith.muli %parallel_loop3A_101, %parallel_loop3A_728 : i32
        %parallel_loop3A_730 = arith.constant 16 : i32
        %parallel_loop3A_731 = arith.addi %parallel_loop3A_729, %parallel_loop3A_730 : i32
        %parallel_loop3A_732 = arith.constant 0 : i32
        %parallel_loop3A_733 = arith.constant 0 : i32
        %parallel_loop3A_734 = arith.constant 20 : i32
        %parallel_loop3A_735 = arith.index_cast %parallel_loop3A_732 : i32 to index
        %parallel_loop3A_736 = arith.index_cast %parallel_loop3A_733 : i32 to index
        %parallel_loop3A_737 = arith.index_cast %parallel_loop3A_734 : i32 to index
        %parallel_loop3A_738 = arith.index_cast %parallel_loop3A_731 : i32 to index
        %parallel_loop3A_739 = tpu.vector_load %arg5[%parallel_loop3A_735, %parallel_loop3A_736, %parallel_loop3A_737, %parallel_loop3A_738] {strides = array<i32>} : memref<2x1x32x1024xf32, #tpu.memory_space<vmem>>, vector<16xf32>,
        tpu.vector_store %arg5[%parallel_loop3A_735, %parallel_loop3A_736, %parallel_loop3A_737, %parallel_loop3A_738], %parallel_loop3A_727 {strides = array<i32>} : memref<2x1x32x1024xf32, #tpu.memory_space<vmem>>, vector<16xf32>,
        %parallel_loop3A_740 = arith.constant 21 : i32
        %parallel_loop3A_741 = arith.subi %parallel_loop3A_109, %parallel_loop3A_740 : i32
        %parallel_loop3A_742 = arith.index_cast %parallel_loop3A_741 : i32 to index
        %parallel_loop3A_743 = tpu.vector_load %arg4[%parallel_loop3A_742] {strides = array<i32>} : memref<64512xf32, #tpu.memory_space<vmem>>, vector<16xf32>,
        %parallel_loop3A_744 = arith.constant 32 : i32
        %parallel_loop3A_745 = arith.muli %parallel_loop3A_101, %parallel_loop3A_744 : i32
        %parallel_loop3A_746 = arith.constant 0 : i32
        %parallel_loop3A_747 = arith.constant 0 : i32
        %parallel_loop3A_748 = arith.constant 21 : i32
        %parallel_loop3A_749 = arith.index_cast %parallel_loop3A_746 : i32 to index
        %parallel_loop3A_750 = arith.index_cast %parallel_loop3A_747 : i32 to index
        %parallel_loop3A_751 = arith.index_cast %parallel_loop3A_748 : i32 to index
        %parallel_loop3A_752 = arith.index_cast %parallel_loop3A_745 : i32 to index
        %parallel_loop3A_753 = tpu.vector_load %arg5[%parallel_loop3A_749, %parallel_loop3A_750, %parallel_loop3A_751, %parallel_loop3A_752] {strides = array<i32>} : memref<2x1x32x1024xf32, #tpu.memory_space<vmem>>, vector<16xf32>,
        tpu.vector_store %arg5[%parallel_loop3A_749, %parallel_loop3A_750, %parallel_loop3A_751, %parallel_loop3A_752], %parallel_loop3A_743 {strides = array<i32>} : memref<2x1x32x1024xf32, #tpu.memory_space<vmem>>, vector<16xf32>,
        %parallel_loop3A_754 = arith.constant 16 : i32
        %parallel_loop3A_755 = arith.addi %parallel_loop3A_741, %parallel_loop3A_754 : i32
        %parallel_loop3A_756 = arith.index_cast %parallel_loop3A_755 : i32 to index
        %parallel_loop3A_757 = tpu.vector_load %arg4[%parallel_loop3A_756] {strides = array<i32>} : memref<64512xf32, #tpu.memory_space<vmem>>, vector<16xf32>,
        %parallel_loop3A_758 = arith.constant 32 : i32
        %parallel_loop3A_759 = arith.muli %parallel_loop3A_101, %parallel_loop3A_758 : i32
        %parallel_loop3A_760 = arith.constant 16 : i32
        %parallel_loop3A_761 = arith.addi %parallel_loop3A_759, %parallel_loop3A_760 : i32
        %parallel_loop3A_762 = arith.constant 0 : i32
        %parallel_loop3A_763 = arith.constant 0 : i32
        %parallel_loop3A_764 = arith.constant 21 : i32
        %parallel_loop3A_765 = arith.index_cast %parallel_loop3A_762 : i32 to index
        %parallel_loop3A_766 = arith.index_cast %parallel_loop3A_763 : i32 to index
        %parallel_loop3A_767 = arith.index_cast %parallel_loop3A_764 : i32 to index
        %parallel_loop3A_768 = arith.index_cast %parallel_loop3A_761 : i32 to index
        %parallel_loop3A_769 = tpu.vector_load %arg5[%parallel_loop3A_765, %parallel_loop3A_766, %parallel_loop3A_767, %parallel_loop3A_768] {strides = array<i32>} : memref<2x1x32x1024xf32, #tpu.memory_space<vmem>>, vector<16xf32>,
        tpu.vector_store %arg5[%parallel_loop3A_765, %parallel_loop3A_766, %parallel_loop3A_767, %parallel_loop3A_768], %parallel_loop3A_757 {strides = array<i32>} : memref<2x1x32x1024xf32, #tpu.memory_space<vmem>>, vector<16xf32>,
        %parallel_loop3A_770 = arith.constant 22 : i32
        %parallel_loop3A_771 = arith.subi %parallel_loop3A_109, %parallel_loop3A_770 : i32
        %parallel_loop3A_772 = arith.index_cast %parallel_loop3A_771 : i32 to index
        %parallel_loop3A_773 = tpu.vector_load %arg4[%parallel_loop3A_772] {strides = array<i32>} : memref<64512xf32, #tpu.memory_space<vmem>>, vector<16xf32>,
        %parallel_loop3A_774 = arith.constant 32 : i32
        %parallel_loop3A_775 = arith.muli %parallel_loop3A_101, %parallel_loop3A_774 : i32
        %parallel_loop3A_776 = arith.constant 0 : i32
        %parallel_loop3A_777 = arith.constant 0 : i32
        %parallel_loop3A_778 = arith.constant 22 : i32
        %parallel_loop3A_779 = arith.index_cast %parallel_loop3A_776 : i32 to index
        %parallel_loop3A_780 = arith.index_cast %parallel_loop3A_777 : i32 to index
        %parallel_loop3A_781 = arith.index_cast %parallel_loop3A_778 : i32 to index
        %parallel_loop3A_782 = arith.index_cast %parallel_loop3A_775 : i32 to index
        %parallel_loop3A_783 = tpu.vector_load %arg5[%parallel_loop3A_779, %parallel_loop3A_780, %parallel_loop3A_781, %parallel_loop3A_782] {strides = array<i32>} : memref<2x1x32x1024xf32, #tpu.memory_space<vmem>>, vector<16xf32>,
        tpu.vector_store %arg5[%parallel_loop3A_779, %parallel_loop3A_780, %parallel_loop3A_781, %parallel_loop3A_782], %parallel_loop3A_773 {strides = array<i32>} : memref<2x1x32x1024xf32, #tpu.memory_space<vmem>>, vector<16xf32>,
        %parallel_loop3A_784 = arith.constant 16 : i32
        %parallel_loop3A_785 = arith.addi %parallel_loop3A_771, %parallel_loop3A_784 : i32
        %parallel_loop3A_786 = arith.index_cast %parallel_loop3A_785 : i32 to index
        %parallel_loop3A_787 = tpu.vector_load %arg4[%parallel_loop3A_786] {strides = array<i32>} : memref<64512xf32, #tpu.memory_space<vmem>>, vector<16xf32>,
        %parallel_loop3A_788 = arith.constant 32 : i32
        %parallel_loop3A_789 = arith.muli %parallel_loop3A_101, %parallel_loop3A_788 : i32
        %parallel_loop3A_790 = arith.constant 16 : i32
        %parallel_loop3A_791 = arith.addi %parallel_loop3A_789, %parallel_loop3A_790 : i32
        %parallel_loop3A_792 = arith.constant 0 : i32
        %parallel_loop3A_793 = arith.constant 0 : i32
        %parallel_loop3A_794 = arith.constant 22 : i32
        %parallel_loop3A_795 = arith.index_cast %parallel_loop3A_792 : i32 to index
        %parallel_loop3A_796 = arith.index_cast %parallel_loop3A_793 : i32 to index
        %parallel_loop3A_797 = arith.index_cast %parallel_loop3A_794 : i32 to index
        %parallel_loop3A_798 = arith.index_cast %parallel_loop3A_791 : i32 to index
        %parallel_loop3A_799 = tpu.vector_load %arg5[%parallel_loop3A_795, %parallel_loop3A_796, %parallel_loop3A_797, %parallel_loop3A_798] {strides = array<i32>} : memref<2x1x32x1024xf32, #tpu.memory_space<vmem>>, vector<16xf32>,
        tpu.vector_store %arg5[%parallel_loop3A_795, %parallel_loop3A_796, %parallel_loop3A_797, %parallel_loop3A_798], %parallel_loop3A_787 {strides = array<i32>} : memref<2x1x32x1024xf32, #tpu.memory_space<vmem>>, vector<16xf32>,
        %parallel_loop3A_800 = arith.constant 23 : i32
        %parallel_loop3A_801 = arith.subi %parallel_loop3A_109, %parallel_loop3A_800 : i32
        %parallel_loop3A_802 = arith.index_cast %parallel_loop3A_801 : i32 to index
        %parallel_loop3A_803 = tpu.vector_load %arg4[%parallel_loop3A_802] {strides = array<i32>} : memref<64512xf32, #tpu.memory_space<vmem>>, vector<16xf32>,
        %parallel_loop3A_804 = arith.constant 32 : i32
        %parallel_loop3A_805 = arith.muli %parallel_loop3A_101, %parallel_loop3A_804 : i32
        %parallel_loop3A_806 = arith.constant 0 : i32
        %parallel_loop3A_807 = arith.constant 0 : i32
        %parallel_loop3A_808 = arith.constant 23 : i32
        %parallel_loop3A_809 = arith.index_cast %parallel_loop3A_806 : i32 to index
        %parallel_loop3A_810 = arith.index_cast %parallel_loop3A_807 : i32 to index
        %parallel_loop3A_811 = arith.index_cast %parallel_loop3A_808 : i32 to index
        %parallel_loop3A_812 = arith.index_cast %parallel_loop3A_805 : i32 to index
        %parallel_loop3A_813 = tpu.vector_load %arg5[%parallel_loop3A_809, %parallel_loop3A_810, %parallel_loop3A_811, %parallel_loop3A_812] {strides = array<i32>} : memref<2x1x32x1024xf32, #tpu.memory_space<vmem>>, vector<16xf32>,
        tpu.vector_store %arg5[%parallel_loop3A_809, %parallel_loop3A_810, %parallel_loop3A_811, %parallel_loop3A_812], %parallel_loop3A_803 {strides = array<i32>} : memref<2x1x32x1024xf32, #tpu.memory_space<vmem>>, vector<16xf32>,
        %parallel_loop3A_814 = arith.constant 16 : i32
        %parallel_loop3A_815 = arith.addi %parallel_loop3A_801, %parallel_loop3A_814 : i32
        %parallel_loop3A_816 = arith.index_cast %parallel_loop3A_815 : i32 to index
        %parallel_loop3A_817 = tpu.vector_load %arg4[%parallel_loop3A_816] {strides = array<i32>} : memref<64512xf32, #tpu.memory_space<vmem>>, vector<16xf32>,
        %parallel_loop3A_818 = arith.constant 32 : i32
        %parallel_loop3A_819 = arith.muli %parallel_loop3A_101, %parallel_loop3A_818 : i32
        %parallel_loop3A_820 = arith.constant 16 : i32
        %parallel_loop3A_821 = arith.addi %parallel_loop3A_819, %parallel_loop3A_820 : i32
        %parallel_loop3A_822 = arith.constant 0 : i32
        %parallel_loop3A_823 = arith.constant 0 : i32
        %parallel_loop3A_824 = arith.constant 23 : i32
        %parallel_loop3A_825 = arith.index_cast %parallel_loop3A_822 : i32 to index
        %parallel_loop3A_826 = arith.index_cast %parallel_loop3A_823 : i32 to index
        %parallel_loop3A_827 = arith.index_cast %parallel_loop3A_824 : i32 to index
        %parallel_loop3A_828 = arith.index_cast %parallel_loop3A_821 : i32 to index
        %parallel_loop3A_829 = tpu.vector_load %arg5[%parallel_loop3A_825, %parallel_loop3A_826, %parallel_loop3A_827, %parallel_loop3A_828] {strides = array<i32>} : memref<2x1x32x1024xf32, #tpu.memory_space<vmem>>, vector<16xf32>,
        tpu.vector_store %arg5[%parallel_loop3A_825, %parallel_loop3A_826, %parallel_loop3A_827, %parallel_loop3A_828], %parallel_loop3A_817 {strides = array<i32>} : memref<2x1x32x1024xf32, #tpu.memory_space<vmem>>, vector<16xf32>,
        %parallel_loop3A_830 = arith.constant 24 : i32
        %parallel_loop3A_831 = arith.subi %parallel_loop3A_109, %parallel_loop3A_830 : i32
        %parallel_loop3A_832 = arith.index_cast %parallel_loop3A_831 : i32 to index
        %parallel_loop3A_833 = tpu.vector_load %arg4[%parallel_loop3A_832] {strides = array<i32>} : memref<64512xf32, #tpu.memory_space<vmem>>, vector<16xf32>,
        %parallel_loop3A_834 = arith.constant 32 : i32
        %parallel_loop3A_835 = arith.muli %parallel_loop3A_101, %parallel_loop3A_834 : i32
        %parallel_loop3A_836 = arith.constant 0 : i32
        %parallel_loop3A_837 = arith.constant 0 : i32
        %parallel_loop3A_838 = arith.constant 24 : i32
        %parallel_loop3A_839 = arith.index_cast %parallel_loop3A_836 : i32 to index
        %parallel_loop3A_840 = arith.index_cast %parallel_loop3A_837 : i32 to index
        %parallel_loop3A_841 = arith.index_cast %parallel_loop3A_838 : i32 to index
        %parallel_loop3A_842 = arith.index_cast %parallel_loop3A_835 : i32 to index
        %parallel_loop3A_843 = tpu.vector_load %arg5[%parallel_loop3A_839, %parallel_loop3A_840, %parallel_loop3A_841, %parallel_loop3A_842] {strides = array<i32>} : memref<2x1x32x1024xf32, #tpu.memory_space<vmem>>, vector<16xf32>,
        tpu.vector_store %arg5[%parallel_loop3A_839, %parallel_loop3A_840, %parallel_loop3A_841, %parallel_loop3A_842], %parallel_loop3A_833 {strides = array<i32>} : memref<2x1x32x1024xf32, #tpu.memory_space<vmem>>, vector<16xf32>,
        %parallel_loop3A_844 = arith.constant 16 : i32
        %parallel_loop3A_845 = arith.addi %parallel_loop3A_831, %parallel_loop3A_844 : i32
        %parallel_loop3A_846 = arith.index_cast %parallel_loop3A_845 : i32 to index
        %parallel_loop3A_847 = tpu.vector_load %arg4[%parallel_loop3A_846] {strides = array<i32>} : memref<64512xf32, #tpu.memory_space<vmem>>, vector<16xf32>,
        %parallel_loop3A_848 = arith.constant 32 : i32
        %parallel_loop3A_849 = arith.muli %parallel_loop3A_101, %parallel_loop3A_848 : i32
        %parallel_loop3A_850 = arith.constant 16 : i32
        %parallel_loop3A_851 = arith.addi %parallel_loop3A_849, %parallel_loop3A_850 : i32
        %parallel_loop3A_852 = arith.constant 0 : i32
        %parallel_loop3A_853 = arith.constant 0 : i32
        %parallel_loop3A_854 = arith.constant 24 : i32
        %parallel_loop3A_855 = arith.index_cast %parallel_loop3A_852 : i32 to index
        %parallel_loop3A_856 = arith.index_cast %parallel_loop3A_853 : i32 to index
        %parallel_loop3A_857 = arith.index_cast %parallel_loop3A_854 : i32 to index
        %parallel_loop3A_858 = arith.index_cast %parallel_loop3A_851 : i32 to index
        %parallel_loop3A_859 = tpu.vector_load %arg5[%parallel_loop3A_855, %parallel_loop3A_856, %parallel_loop3A_857, %parallel_loop3A_858] {strides = array<i32>} : memref<2x1x32x1024xf32, #tpu.memory_space<vmem>>, vector<16xf32>,
        tpu.vector_store %arg5[%parallel_loop3A_855, %parallel_loop3A_856, %parallel_loop3A_857, %parallel_loop3A_858], %parallel_loop3A_847 {strides = array<i32>} : memref<2x1x32x1024xf32, #tpu.memory_space<vmem>>, vector<16xf32>,
        %parallel_loop3A_860 = arith.constant 25 : i32
        %parallel_loop3A_861 = arith.subi %parallel_loop3A_109, %parallel_loop3A_860 : i32
        %parallel_loop3A_862 = arith.index_cast %parallel_loop3A_861 : i32 to index
        %parallel_loop3A_863 = tpu.vector_load %arg4[%parallel_loop3A_862] {strides = array<i32>} : memref<64512xf32, #tpu.memory_space<vmem>>, vector<16xf32>,
        %parallel_loop3A_864 = arith.constant 32 : i32
        %parallel_loop3A_865 = arith.muli %parallel_loop3A_101, %parallel_loop3A_864 : i32
        %parallel_loop3A_866 = arith.constant 0 : i32
        %parallel_loop3A_867 = arith.constant 0 : i32
        %parallel_loop3A_868 = arith.constant 25 : i32
        %parallel_loop3A_869 = arith.index_cast %parallel_loop3A_866 : i32 to index
        %parallel_loop3A_870 = arith.index_cast %parallel_loop3A_867 : i32 to index
        %parallel_loop3A_871 = arith.index_cast %parallel_loop3A_868 : i32 to index
        %parallel_loop3A_872 = arith.index_cast %parallel_loop3A_865 : i32 to index
        %parallel_loop3A_873 = tpu.vector_load %arg5[%parallel_loop3A_869, %parallel_loop3A_870, %parallel_loop3A_871, %parallel_loop3A_872] {strides = array<i32>} : memref<2x1x32x1024xf32, #tpu.memory_space<vmem>>, vector<16xf32>,
        tpu.vector_store %arg5[%parallel_loop3A_869, %parallel_loop3A_870, %parallel_loop3A_871, %parallel_loop3A_872], %parallel_loop3A_863 {strides = array<i32>} : memref<2x1x32x1024xf32, #tpu.memory_space<vmem>>, vector<16xf32>,
        %parallel_loop3A_874 = arith.constant 16 : i32
        %parallel_loop3A_875 = arith.addi %parallel_loop3A_861, %parallel_loop3A_874 : i32
        %parallel_loop3A_876 = arith.index_cast %parallel_loop3A_875 : i32 to index
        %parallel_loop3A_877 = tpu.vector_load %arg4[%parallel_loop3A_876] {strides = array<i32>} : memref<64512xf32, #tpu.memory_space<vmem>>, vector<16xf32>,
        %parallel_loop3A_878 = arith.constant 32 : i32
        %parallel_loop3A_879 = arith.muli %parallel_loop3A_101, %parallel_loop3A_878 : i32
        %parallel_loop3A_880 = arith.constant 16 : i32
        %parallel_loop3A_881 = arith.addi %parallel_loop3A_879, %parallel_loop3A_880 : i32
        %parallel_loop3A_882 = arith.constant 0 : i32
        %parallel_loop3A_883 = arith.constant 0 : i32
        %parallel_loop3A_884 = arith.constant 25 : i32
        %parallel_loop3A_885 = arith.index_cast %parallel_loop3A_882 : i32 to index
        %parallel_loop3A_886 = arith.index_cast %parallel_loop3A_883 : i32 to index
        %parallel_loop3A_887 = arith.index_cast %parallel_loop3A_884 : i32 to index
        %parallel_loop3A_888 = arith.index_cast %parallel_loop3A_881 : i32 to index
        %parallel_loop3A_889 = tpu.vector_load %arg5[%parallel_loop3A_885, %parallel_loop3A_886, %parallel_loop3A_887, %parallel_loop3A_888] {strides = array<i32>} : memref<2x1x32x1024xf32, #tpu.memory_space<vmem>>, vector<16xf32>,
        tpu.vector_store %arg5[%parallel_loop3A_885, %parallel_loop3A_886, %parallel_loop3A_887, %parallel_loop3A_888], %parallel_loop3A_877 {strides = array<i32>} : memref<2x1x32x1024xf32, #tpu.memory_space<vmem>>, vector<16xf32>,
        %parallel_loop3A_890 = arith.constant 26 : i32
        %parallel_loop3A_891 = arith.subi %parallel_loop3A_109, %parallel_loop3A_890 : i32
        %parallel_loop3A_892 = arith.index_cast %parallel_loop3A_891 : i32 to index
        %parallel_loop3A_893 = tpu.vector_load %arg4[%parallel_loop3A_892] {strides = array<i32>} : memref<64512xf32, #tpu.memory_space<vmem>>, vector<16xf32>,
        %parallel_loop3A_894 = arith.constant 32 : i32
        %parallel_loop3A_895 = arith.muli %parallel_loop3A_101, %parallel_loop3A_894 : i32
        %parallel_loop3A_896 = arith.constant 0 : i32
        %parallel_loop3A_897 = arith.constant 0 : i32
        %parallel_loop3A_898 = arith.constant 26 : i32
        %parallel_loop3A_899 = arith.index_cast %parallel_loop3A_896 : i32 to index
        %parallel_loop3A_900 = arith.index_cast %parallel_loop3A_897 : i32 to index
        %parallel_loop3A_901 = arith.index_cast %parallel_loop3A_898 : i32 to index
        %parallel_loop3A_902 = arith.index_cast %parallel_loop3A_895 : i32 to index
        %parallel_loop3A_903 = tpu.vector_load %arg5[%parallel_loop3A_899, %parallel_loop3A_900, %parallel_loop3A_901, %parallel_loop3A_902] {strides = array<i32>} : memref<2x1x32x1024xf32, #tpu.memory_space<vmem>>, vector<16xf32>,
        tpu.vector_store %arg5[%parallel_loop3A_899, %parallel_loop3A_900, %parallel_loop3A_901, %parallel_loop3A_902], %parallel_loop3A_893 {strides = array<i32>} : memref<2x1x32x1024xf32, #tpu.memory_space<vmem>>, vector<16xf32>,
        %parallel_loop3A_904 = arith.constant 16 : i32
        %parallel_loop3A_905 = arith.addi %parallel_loop3A_891, %parallel_loop3A_904 : i32
        %parallel_loop3A_906 = arith.index_cast %parallel_loop3A_905 : i32 to index
        %parallel_loop3A_907 = tpu.vector_load %arg4[%parallel_loop3A_906] {strides = array<i32>} : memref<64512xf32, #tpu.memory_space<vmem>>, vector<16xf32>,
        %parallel_loop3A_908 = arith.constant 32 : i32
        %parallel_loop3A_909 = arith.muli %parallel_loop3A_101, %parallel_loop3A_908 : i32
        %parallel_loop3A_910 = arith.constant 16 : i32
        %parallel_loop3A_911 = arith.addi %parallel_loop3A_909, %parallel_loop3A_910 : i32
        %parallel_loop3A_912 = arith.constant 0 : i32
        %parallel_loop3A_913 = arith.constant 0 : i32
        %parallel_loop3A_914 = arith.constant 26 : i32
        %parallel_loop3A_915 = arith.index_cast %parallel_loop3A_912 : i32 to index
        %parallel_loop3A_916 = arith.index_cast %parallel_loop3A_913 : i32 to index
        %parallel_loop3A_917 = arith.index_cast %parallel_loop3A_914 : i32 to index
        %parallel_loop3A_918 = arith.index_cast %parallel_loop3A_911 : i32 to index
        %parallel_loop3A_919 = tpu.vector_load %arg5[%parallel_loop3A_915, %parallel_loop3A_916, %parallel_loop3A_917, %parallel_loop3A_918] {strides = array<i32>} : memref<2x1x32x1024xf32, #tpu.memory_space<vmem>>, vector<16xf32>,
        tpu.vector_store %arg5[%parallel_loop3A_915, %parallel_loop3A_916, %parallel_loop3A_917, %parallel_loop3A_918], %parallel_loop3A_907 {strides = array<i32>} : memref<2x1x32x1024xf32, #tpu.memory_space<vmem>>, vector<16xf32>,
        %parallel_loop3A_920 = arith.constant 27 : i32
        %parallel_loop3A_921 = arith.subi %parallel_loop3A_109, %parallel_loop3A_920 : i32
        %parallel_loop3A_922 = arith.index_cast %parallel_loop3A_921 : i32 to index
        %parallel_loop3A_923 = tpu.vector_load %arg4[%parallel_loop3A_922] {strides = array<i32>} : memref<64512xf32, #tpu.memory_space<vmem>>, vector<16xf32>,
        %parallel_loop3A_924 = arith.constant 32 : i32
        %parallel_loop3A_925 = arith.muli %parallel_loop3A_101, %parallel_loop3A_924 : i32
        %parallel_loop3A_926 = arith.constant 0 : i32
        %parallel_loop3A_927 = arith.constant 0 : i32
        %parallel_loop3A_928 = arith.constant 27 : i32
        %parallel_loop3A_929 = arith.index_cast %parallel_loop3A_926 : i32 to index
        %parallel_loop3A_930 = arith.index_cast %parallel_loop3A_927 : i32 to index
        %parallel_loop3A_931 = arith.index_cast %parallel_loop3A_928 : i32 to index
        %parallel_loop3A_932 = arith.index_cast %parallel_loop3A_925 : i32 to index
        %parallel_loop3A_933 = tpu.vector_load %arg5[%parallel_loop3A_929, %parallel_loop3A_930, %parallel_loop3A_931, %parallel_loop3A_932] {strides = array<i32>} : memref<2x1x32x1024xf32, #tpu.memory_space<vmem>>, vector<16xf32>,
        tpu.vector_store %arg5[%parallel_loop3A_929, %parallel_loop3A_930, %parallel_loop3A_931, %parallel_loop3A_932], %parallel_loop3A_923 {strides = array<i32>} : memref<2x1x32x1024xf32, #tpu.memory_space<vmem>>, vector<16xf32>,
        %parallel_loop3A_934 = arith.constant 16 : i32
        %parallel_loop3A_935 = arith.addi %parallel_loop3A_921, %parallel_loop3A_934 : i32
        %parallel_loop3A_936 = arith.index_cast %parallel_loop3A_935 : i32 to index
        %parallel_loop3A_937 = tpu.vector_load %arg4[%parallel_loop3A_936] {strides = array<i32>} : memref<64512xf32, #tpu.memory_space<vmem>>, vector<16xf32>,
        %parallel_loop3A_938 = arith.constant 32 : i32
        %parallel_loop3A_939 = arith.muli %parallel_loop3A_101, %parallel_loop3A_938 : i32
        %parallel_loop3A_940 = arith.constant 16 : i32
        %parallel_loop3A_941 = arith.addi %parallel_loop3A_939, %parallel_loop3A_940 : i32
        %parallel_loop3A_942 = arith.constant 0 : i32
        %parallel_loop3A_943 = arith.constant 0 : i32
        %parallel_loop3A_944 = arith.constant 27 : i32
        %parallel_loop3A_945 = arith.index_cast %parallel_loop3A_942 : i32 to index
        %parallel_loop3A_946 = arith.index_cast %parallel_loop3A_943 : i32 to index
        %parallel_loop3A_947 = arith.index_cast %parallel_loop3A_944 : i32 to index
        %parallel_loop3A_948 = arith.index_cast %parallel_loop3A_941 : i32 to index
        %parallel_loop3A_949 = tpu.vector_load %arg5[%parallel_loop3A_945, %parallel_loop3A_946, %parallel_loop3A_947, %parallel_loop3A_948] {strides = array<i32>} : memref<2x1x32x1024xf32, #tpu.memory_space<vmem>>, vector<16xf32>,
        tpu.vector_store %arg5[%parallel_loop3A_945, %parallel_loop3A_946, %parallel_loop3A_947, %parallel_loop3A_948], %parallel_loop3A_937 {strides = array<i32>} : memref<2x1x32x1024xf32, #tpu.memory_space<vmem>>, vector<16xf32>,
        %parallel_loop3A_950 = arith.constant 28 : i32
        %parallel_loop3A_951 = arith.subi %parallel_loop3A_109, %parallel_loop3A_950 : i32
        %parallel_loop3A_952 = arith.index_cast %parallel_loop3A_951 : i32 to index
        %parallel_loop3A_953 = tpu.vector_load %arg4[%parallel_loop3A_952] {strides = array<i32>} : memref<64512xf32, #tpu.memory_space<vmem>>, vector<16xf32>,
        %parallel_loop3A_954 = arith.constant 32 : i32
        %parallel_loop3A_955 = arith.muli %parallel_loop3A_101, %parallel_loop3A_954 : i32
        %parallel_loop3A_956 = arith.constant 0 : i32
        %parallel_loop3A_957 = arith.constant 0 : i32
        %parallel_loop3A_958 = arith.constant 28 : i32
        %parallel_loop3A_959 = arith.index_cast %parallel_loop3A_956 : i32 to index
        %parallel_loop3A_960 = arith.index_cast %parallel_loop3A_957 : i32 to index
        %parallel_loop3A_961 = arith.index_cast %parallel_loop3A_958 : i32 to index
        %parallel_loop3A_962 = arith.index_cast %parallel_loop3A_955 : i32 to index
        %parallel_loop3A_963 = tpu.vector_load %arg5[%parallel_loop3A_959, %parallel_loop3A_960, %parallel_loop3A_961, %parallel_loop3A_962] {strides = array<i32>} : memref<2x1x32x1024xf32, #tpu.memory_space<vmem>>, vector<16xf32>,
        tpu.vector_store %arg5[%parallel_loop3A_959, %parallel_loop3A_960, %parallel_loop3A_961, %parallel_loop3A_962], %parallel_loop3A_953 {strides = array<i32>} : memref<2x1x32x1024xf32, #tpu.memory_space<vmem>>, vector<16xf32>,
        %parallel_loop3A_964 = arith.constant 16 : i32
        %parallel_loop3A_965 = arith.addi %parallel_loop3A_951, %parallel_loop3A_964 : i32
        %parallel_loop3A_966 = arith.index_cast %parallel_loop3A_965 : i32 to index
        %parallel_loop3A_967 = tpu.vector_load %arg4[%parallel_loop3A_966] {strides = array<i32>} : memref<64512xf32, #tpu.memory_space<vmem>>, vector<16xf32>,
        %parallel_loop3A_968 = arith.constant 32 : i32
        %parallel_loop3A_969 = arith.muli %parallel_loop3A_101, %parallel_loop3A_968 : i32
        %parallel_loop3A_970 = arith.constant 16 : i32
        %parallel_loop3A_971 = arith.addi %parallel_loop3A_969, %parallel_loop3A_970 : i32
        %parallel_loop3A_972 = arith.constant 0 : i32
        %parallel_loop3A_973 = arith.constant 0 : i32
        %parallel_loop3A_974 = arith.constant 28 : i32
        %parallel_loop3A_975 = arith.index_cast %parallel_loop3A_972 : i32 to index
        %parallel_loop3A_976 = arith.index_cast %parallel_loop3A_973 : i32 to index
        %parallel_loop3A_977 = arith.index_cast %parallel_loop3A_974 : i32 to index
        %parallel_loop3A_978 = arith.index_cast %parallel_loop3A_971 : i32 to index
        %parallel_loop3A_979 = tpu.vector_load %arg5[%parallel_loop3A_975, %parallel_loop3A_976, %parallel_loop3A_977, %parallel_loop3A_978] {strides = array<i32>} : memref<2x1x32x1024xf32, #tpu.memory_space<vmem>>, vector<16xf32>,
        tpu.vector_store %arg5[%parallel_loop3A_975, %parallel_loop3A_976, %parallel_loop3A_977, %parallel_loop3A_978], %parallel_loop3A_967 {strides = array<i32>} : memref<2x1x32x1024xf32, #tpu.memory_space<vmem>>, vector<16xf32>,
        %parallel_loop3A_980 = arith.constant 29 : i32
        %parallel_loop3A_981 = arith.subi %parallel_loop3A_109, %parallel_loop3A_980 : i32
        %parallel_loop3A_982 = arith.index_cast %parallel_loop3A_981 : i32 to index
        %parallel_loop3A_983 = tpu.vector_load %arg4[%parallel_loop3A_982] {strides = array<i32>} : memref<64512xf32, #tpu.memory_space<vmem>>, vector<16xf32>,
        %parallel_loop3A_984 = arith.constant 32 : i32
        %parallel_loop3A_985 = arith.muli %parallel_loop3A_101, %parallel_loop3A_984 : i32
        %parallel_loop3A_986 = arith.constant 0 : i32
        %parallel_loop3A_987 = arith.constant 0 : i32
        %parallel_loop3A_988 = arith.constant 29 : i32
        %parallel_loop3A_989 = arith.index_cast %parallel_loop3A_986 : i32 to index
        %parallel_loop3A_990 = arith.index_cast %parallel_loop3A_987 : i32 to index
        %parallel_loop3A_991 = arith.index_cast %parallel_loop3A_988 : i32 to index
        %parallel_loop3A_992 = arith.index_cast %parallel_loop3A_985 : i32 to index
        %parallel_loop3A_993 = tpu.vector_load %arg5[%parallel_loop3A_989, %parallel_loop3A_990, %parallel_loop3A_991, %parallel_loop3A_992] {strides = array<i32>} : memref<2x1x32x1024xf32, #tpu.memory_space<vmem>>, vector<16xf32>,
        tpu.vector_store %arg5[%parallel_loop3A_989, %parallel_loop3A_990, %parallel_loop3A_991, %parallel_loop3A_992], %parallel_loop3A_983 {strides = array<i32>} : memref<2x1x32x1024xf32, #tpu.memory_space<vmem>>, vector<16xf32>,
        %parallel_loop3A_994 = arith.constant 16 : i32
        %parallel_loop3A_995 = arith.addi %parallel_loop3A_981, %parallel_loop3A_994 : i32
        %parallel_loop3A_996 = arith.index_cast %parallel_loop3A_995 : i32 to index
        %parallel_loop3A_997 = tpu.vector_load %arg4[%parallel_loop3A_996] {strides = array<i32>} : memref<64512xf32, #tpu.memory_space<vmem>>, vector<16xf32>,
        %parallel_loop3A_998 = arith.constant 32 : i32
        %parallel_loop3A_999 = arith.muli %parallel_loop3A_101, %parallel_loop3A_998 : i32
        %parallel_loop3A_1000 = arith.constant 16 : i32
        %parallel_loop3A_1001 = arith.addi %parallel_loop3A_999, %parallel_loop3A_1000 : i32
        %parallel_loop3A_1002 = arith.constant 0 : i32
        %parallel_loop3A_1003 = arith.constant 0 : i32
        %parallel_loop3A_1004 = arith.constant 29 : i32
        %parallel_loop3A_1005 = arith.index_cast %parallel_loop3A_1002 : i32 to index
        %parallel_loop3A_1006 = arith.index_cast %parallel_loop3A_1003 : i32 to index
        %parallel_loop3A_1007 = arith.index_cast %parallel_loop3A_1004 : i32 to index
        %parallel_loop3A_1008 = arith.index_cast %parallel_loop3A_1001 : i32 to index
        %parallel_loop3A_1009 = tpu.vector_load %arg5[%parallel_loop3A_1005, %parallel_loop3A_1006, %parallel_loop3A_1007, %parallel_loop3A_1008] {strides = array<i32>} : memref<2x1x32x1024xf32, #tpu.memory_space<vmem>>, vector<16xf32>,
        tpu.vector_store %arg5[%parallel_loop3A_1005, %parallel_loop3A_1006, %parallel_loop3A_1007, %parallel_loop3A_1008], %parallel_loop3A_997 {strides = array<i32>} : memref<2x1x32x1024xf32, #tpu.memory_space<vmem>>, vector<16xf32>,
        %parallel_loop3A_1010 = arith.constant 30 : i32
        %parallel_loop3A_1011 = arith.subi %parallel_loop3A_109, %parallel_loop3A_1010 : i32
        %parallel_loop3A_1012 = arith.index_cast %parallel_loop3A_1011 : i32 to index
        %parallel_loop3A_1013 = tpu.vector_load %arg4[%parallel_loop3A_1012] {strides = array<i32>} : memref<64512xf32, #tpu.memory_space<vmem>>, vector<16xf32>,
        %parallel_loop3A_1014 = arith.constant 32 : i32
        %parallel_loop3A_1015 = arith.muli %parallel_loop3A_101, %parallel_loop3A_1014 : i32
        %parallel_loop3A_1016 = arith.constant 0 : i32
        %parallel_loop3A_1017 = arith.constant 0 : i32
        %parallel_loop3A_1018 = arith.constant 30 : i32
        %parallel_loop3A_1019 = arith.index_cast %parallel_loop3A_1016 : i32 to index
        %parallel_loop3A_1020 = arith.index_cast %parallel_loop3A_1017 : i32 to index
        %parallel_loop3A_1021 = arith.index_cast %parallel_loop3A_1018 : i32 to index
        %parallel_loop3A_1022 = arith.index_cast %parallel_loop3A_1015 : i32 to index
        %parallel_loop3A_1023 = tpu.vector_load %arg5[%parallel_loop3A_1019, %parallel_loop3A_1020, %parallel_loop3A_1021, %parallel_loop3A_1022] {strides = array<i32>} : memref<2x1x32x1024xf32, #tpu.memory_space<vmem>>, vector<16xf32>,
        tpu.vector_store %arg5[%parallel_loop3A_1019, %parallel_loop3A_1020, %parallel_loop3A_1021, %parallel_loop3A_1022], %parallel_loop3A_1013 {strides = array<i32>} : memref<2x1x32x1024xf32, #tpu.memory_space<vmem>>, vector<16xf32>,
        %parallel_loop3A_1024 = arith.constant 16 : i32
        %parallel_loop3A_1025 = arith.addi %parallel_loop3A_1011, %parallel_loop3A_1024 : i32
        %parallel_loop3A_1026 = arith.index_cast %parallel_loop3A_1025 : i32 to index
        %parallel_loop3A_1027 = tpu.vector_load %arg4[%parallel_loop3A_1026] {strides = array<i32>} : memref<64512xf32, #tpu.memory_space<vmem>>, vector<16xf32>,
        %parallel_loop3A_1028 = arith.constant 32 : i32
        %parallel_loop3A_1029 = arith.muli %parallel_loop3A_101, %parallel_loop3A_1028 : i32
        %parallel_loop3A_1030 = arith.constant 16 : i32
        %parallel_loop3A_1031 = arith.addi %parallel_loop3A_1029, %parallel_loop3A_1030 : i32
        %parallel_loop3A_1032 = arith.constant 0 : i32
        %parallel_loop3A_1033 = arith.constant 0 : i32
        %parallel_loop3A_1034 = arith.constant 30 : i32
        %parallel_loop3A_1035 = arith.index_cast %parallel_loop3A_1032 : i32 to index
        %parallel_loop3A_1036 = arith.index_cast %parallel_loop3A_1033 : i32 to index
        %parallel_loop3A_1037 = arith.index_cast %parallel_loop3A_1034 : i32 to index
        %parallel_loop3A_1038 = arith.index_cast %parallel_loop3A_1031 : i32 to index
        %parallel_loop3A_1039 = tpu.vector_load %arg5[%parallel_loop3A_1035, %parallel_loop3A_1036, %parallel_loop3A_1037, %parallel_loop3A_1038] {strides = array<i32>} : memref<2x1x32x1024xf32, #tpu.memory_space<vmem>>, vector<16xf32>,
        tpu.vector_store %arg5[%parallel_loop3A_1035, %parallel_loop3A_1036, %parallel_loop3A_1037, %parallel_loop3A_1038], %parallel_loop3A_1027 {strides = array<i32>} : memref<2x1x32x1024xf32, #tpu.memory_space<vmem>>, vector<16xf32>,
        %parallel_loop3A_1040 = arith.constant 31 : i32
        %parallel_loop3A_1041 = arith.subi %parallel_loop3A_109, %parallel_loop3A_1040 : i32
        %parallel_loop3A_1042 = arith.index_cast %parallel_loop3A_1041 : i32 to index
        %parallel_loop3A_1043 = tpu.vector_load %arg4[%parallel_loop3A_1042] {strides = array<i32>} : memref<64512xf32, #tpu.memory_space<vmem>>, vector<16xf32>,
        %parallel_loop3A_1044 = arith.constant 32 : i32
        %parallel_loop3A_1045 = arith.muli %parallel_loop3A_101, %parallel_loop3A_1044 : i32
        %parallel_loop3A_1046 = arith.constant 0 : i32
        %parallel_loop3A_1047 = arith.constant 0 : i32
        %parallel_loop3A_1048 = arith.constant 31 : i32
        %parallel_loop3A_1049 = arith.index_cast %parallel_loop3A_1046 : i32 to index
        %parallel_loop3A_1050 = arith.index_cast %parallel_loop3A_1047 : i32 to index
        %parallel_loop3A_1051 = arith.index_cast %parallel_loop3A_1048 : i32 to index
        %parallel_loop3A_1052 = arith.index_cast %parallel_loop3A_1045 : i32 to index
        %parallel_loop3A_1053 = tpu.vector_load %arg5[%parallel_loop3A_1049, %parallel_loop3A_1050, %parallel_loop3A_1051, %parallel_loop3A_1052] {strides = array<i32>} : memref<2x1x32x1024xf32, #tpu.memory_space<vmem>>, vector<16xf32>,
        tpu.vector_store %arg5[%parallel_loop3A_1049, %parallel_loop3A_1050, %parallel_loop3A_1051, %parallel_loop3A_1052], %parallel_loop3A_1043 {strides = array<i32>} : memref<2x1x32x1024xf32, #tpu.memory_space<vmem>>, vector<16xf32>,
        %parallel_loop3A_1054 = arith.constant 16 : i32
        %parallel_loop3A_1055 = arith.addi %parallel_loop3A_1041, %parallel_loop3A_1054 : i32
        %parallel_loop3A_1056 = arith.index_cast %parallel_loop3A_1055 : i32 to index
        %parallel_loop3A_1057 = tpu.vector_load %arg4[%parallel_loop3A_1056] {strides = array<i32>} : memref<64512xf32, #tpu.memory_space<vmem>>, vector<16xf32>,
        %parallel_loop3A_1058 = arith.constant 32 : i32
        %parallel_loop3A_1059 = arith.muli %parallel_loop3A_101, %parallel_loop3A_1058 : i32
        %parallel_loop3A_1060 = arith.constant 16 : i32
        %parallel_loop3A_1061 = arith.addi %parallel_loop3A_1059, %parallel_loop3A_1060 : i32
        %parallel_loop3A_1062 = arith.constant 0 : i32
        %parallel_loop3A_1063 = arith.constant 0 : i32
        %parallel_loop3A_1064 = arith.constant 31 : i32
        %parallel_loop3A_1065 = arith.index_cast %parallel_loop3A_1062 : i32 to index
        %parallel_loop3A_1066 = arith.index_cast %parallel_loop3A_1063 : i32 to index
        %parallel_loop3A_1067 = arith.index_cast %parallel_loop3A_1064 : i32 to index
        %parallel_loop3A_1068 = arith.index_cast %parallel_loop3A_1061 : i32 to index
        %parallel_loop3A_1069 = tpu.vector_load %arg5[%parallel_loop3A_1065, %parallel_loop3A_1066, %parallel_loop3A_1067, %parallel_loop3A_1068] {strides = array<i32>} : memref<2x1x32x1024xf32, #tpu.memory_space<vmem>>, vector<16xf32>,
        tpu.vector_store %arg5[%parallel_loop3A_1065, %parallel_loop3A_1066, %parallel_loop3A_1067, %parallel_loop3A_1068], %parallel_loop3A_1057 {strides = array<i32>} : memref<2x1x32x1024xf32, #tpu.memory_space<vmem>>, vector<16xf32>,
      } {sc.loop_unroll_factor = 1 : i64, sc.parallel_access}
      %mul3A_54 = arith.constant 32 : i32
      %mul3A_55 = arith.muli %add3A, %mul3A_54 : i32
      %dma_start3A = arith.constant 0 : i32
      %dma_start3A_56 = arith.constant 0 : i32
      %dma_start3A_57 = arith.constant 0 : i32
      %dma_start3A_58 = arith.constant 0 : i32
      %dma_start3A_59 = tpu.memref_slice %arg5[%dma_start3A, %dma_start3A_56, %dma_start3A_57, %dma_start3A_58] : memref<2x1x32x1024xf32, #tpu.memory_space<vmem>> -> memref<1x1x32x1024xf32, #tpu.memory_space<vmem>>
      %dma_start3A_60 = tpu.memref_squeeze %dma_start3A_59 : memref<1x1x32x1024xf32, #tpu.memory_space<vmem>> -> memref<1x32x1024xf32, #tpu.memory_space<vmem>>
      %dma_start3A_61 = arith.constant 0 : i32
      %dma_start3A_62 = tpu.memref_slice %arg3[%add3A_49, %mul3A_55, %dma_start3A_61] : memref<16x1024x1024xf32, #tpu.memory_space<hbm>> -> memref<1x32x1024xf32, #tpu.memory_space<hbm>>
      %dma_start3A_63 = arith.constant 0 : i32
      %dma_start3A_64 = tpu.memref_slice %arg3[%add3A_49, %mul3A_55, %dma_start3A_63] : memref<16x1024x1024xf32, #tpu.memory_space<hbm>> -> memref<1x32x1024xf32, #tpu.memory_space<hbm>>
      %dma_start3A_65 = arith.constant 0 : i32
      %dma_start3A_66 = arith.constant 0 : i32
      %dma_start3A_67 = arith.constant 0 : i32
      %dma_start3A_68 = tpu.memref_slice %arg5[%dma_start3A, %dma_start3A_65, %dma_start3A_66, %dma_start3A_67] : memref<2x1x32x1024xf32, #tpu.memory_space<vmem>> -> memref<1x1x32x1024xf32, #tpu.memory_space<vmem>>
      %dma_start3A_69 = tpu.memref_squeeze %dma_start3A_68 : memref<1x1x32x1024xf32, #tpu.memory_space<vmem>> -> memref<1x32x1024xf32, #tpu.memory_space<vmem>>
      tpu.enqueue_dma source(%dma_start3A_69 : memref<1x32x1024xf32, #tpu.memory_space<vmem>>) target(%dma_start3A_64 : memref<1x32x1024xf32, #tpu.memory_space<hbm>>) target_semaphore(%arg6 : memref<!tpu.dma_semaphore, #tpu.memory_space<semaphore_mem>>)
      %gt3A_70 = arith.constant 0 : i32
      %gt3A_71 = arith.cmpi sgt, %scan3A_43, %gt3A_70 : i32
      %convert_element_type3A_72 = arith.extui %gt3A_71 : i1 to i32
      %cond3A_73 = arith.constant 0 : i32
      %cond3A_74 = arith.cmpi ne, %convert_element_type3A_72, %cond3A_73 : i32
      scf.if %cond3A_74 {
        %dma_wait3A_101 = arith.constant 1 : i32
        %dma_wait3A_102 = arith.constant 0 : i32
        %dma_wait3A_103 = arith.constant 0 : i32
        %dma_wait3A_104 = arith.constant 0 : i32
        %dma_wait3A_105 = tpu.memref_slice %arg5[%dma_wait3A_101, %dma_wait3A_102, %dma_wait3A_103, %dma_wait3A_104] : memref<2x1x32x1024xf32, #tpu.memory_space<vmem>> -> memref<1x1x32x1024xf32, #tpu.memory_space<vmem>>
        %dma_wait3A_106 = tpu.memref_squeeze %dma_wait3A_105 : memref<1x1x32x1024xf32, #tpu.memory_space<vmem>> -> memref<1x32x1024xf32, #tpu.memory_space<vmem>>
        %dma_wait3A_107 = arith.constant 0 : i32
        %dma_wait3A_108 = arith.constant 0 : i32
        %dma_wait3A_109 = arith.constant 0 : i32
        %dma_wait3A_110 = tpu.memref_slice %arg3[%dma_wait3A_107, %dma_wait3A_108, %dma_wait3A_109] : memref<16x1024x1024xf32, #tpu.memory_space<hbm>> -> memref<1x32x1024xf32, #tpu.memory_space<hbm>>
        %dma_wait3A_111 = arith.constant 0 : i32
        %dma_wait3A_112 = arith.constant 0 : i32
        %dma_wait3A_113 = arith.constant 0 : i32
        %dma_wait3A_114 = tpu.memref_slice %arg3[%dma_wait3A_111, %dma_wait3A_112, %dma_wait3A_113] : memref<16x1024x1024xf32, #tpu.memory_space<hbm>> -> memref<1x32x1024xf32, #tpu.memory_space<hbm>>
        %dma_wait3A_115 = arith.constant 0 : i32
        %dma_wait3A_116 = arith.constant 0 : i32
        %dma_wait3A_117 = arith.constant 0 : i32
        %dma_wait3A_118 = tpu.memref_slice %arg5[%dma_wait3A_101, %dma_wait3A_115, %dma_wait3A_116, %dma_wait3A_117] : memref<2x1x32x1024xf32, #tpu.memory_space<vmem>> -> memref<1x1x32x1024xf32, #tpu.memory_space<vmem>>
        %dma_wait3A_119 = tpu.memref_squeeze %dma_wait3A_118 : memref<1x1x32x1024xf32, #tpu.memory_space<vmem>> -> memref<1x32x1024xf32, #tpu.memory_space<vmem>>
        tpu.wait_dma2 semaphore(%arg7 : memref<!tpu.dma_semaphore, #tpu.memory_space<semaphore_mem>>) src(%dma_wait3A_119 : memref<1x32x1024xf32, #tpu.memory_space<vmem>>) dst(%dma_wait3A_114 : memref<1x32x1024xf32, #tpu.memory_space<hbm>>)
      } else {
      }
      %mul3A_75 = arith.constant 2 : i32
      %mul3A_76 = arith.muli %mul3A_75, %scan3A_43 : i32
      %add3A_77 = arith.constant 1 : i32
      %add3A_78 = arith.addi %mul3A_76, %add3A_77 : i32
      %mul3A_79 = arith.constant 4032 : i32
      %mul3A_80 = arith.muli %add3A_78, %mul3A_79 : i32
      %parallel_loop3A_81 = arith.constant 0 : i32
      %parallel_loop3A_82 = arith.constant 32 : i32
      %parallel_loop3A_83 = arith.constant 1 : i32
      scf.for %parallel_loop3A_101 = %parallel_loop3A_81 to %parallel_loop3A_82 step %parallel_loop3A_83  : i32 {
        %parallel_loop3A_102 = arith.subi %add3A, %parallel_loop3A_101 : i32
        %parallel_loop3A_103 = arith.constant 31 : i32
        %parallel_loop3A_104 = arith.addi %parallel_loop3A_102, %parallel_loop3A_103 : i32
        %parallel_loop3A_105 = arith.constant 64 : i32
        %parallel_loop3A_106 = arith.muli %parallel_loop3A_104, %parallel_loop3A_105 : i32
        %parallel_loop3A_107 = arith.constant 31 : i32
        %parallel_loop3A_108 = arith.addi %parallel_loop3A_106, %parallel_loop3A_107 : i32
        %parallel_loop3A_109 = arith.addi %parallel_loop3A_108, %mul3A_80 : i32
        %parallel_loop3A_110 = arith.constant 0 : i32
        %parallel_loop3A_111 = arith.subi %parallel_loop3A_109, %parallel_loop3A_110 : i32
        %parallel_loop3A_112 = arith.index_cast %parallel_loop3A_111 : i32 to index
        %parallel_loop3A_113 = tpu.vector_load %arg4[%parallel_loop3A_112] {strides = array<i32>} : memref<64512xf32, #tpu.memory_space<vmem>>, vector<16xf32>,
        %parallel_loop3A_114 = arith.constant 32 : i32
        %parallel_loop3A_115 = arith.muli %parallel_loop3A_101, %parallel_loop3A_114 : i32
        %parallel_loop3A_116 = arith.constant 1 : i32
        %parallel_loop3A_117 = arith.constant 0 : i32
        %parallel_loop3A_118 = arith.constant 0 : i32
        %parallel_loop3A_119 = arith.index_cast %parallel_loop3A_116 : i32 to index
        %parallel_loop3A_120 = arith.index_cast %parallel_loop3A_117 : i32 to index
        %parallel_loop3A_121 = arith.index_cast %parallel_loop3A_118 : i32 to index
        %parallel_loop3A_122 = arith.index_cast %parallel_loop3A_115 : i32 to index
        %parallel_loop3A_123 = tpu.vector_load %arg5[%parallel_loop3A_119, %parallel_loop3A_120, %parallel_loop3A_121, %parallel_loop3A_122] {strides = array<i32>} : memref<2x1x32x1024xf32, #tpu.memory_space<vmem>>, vector<16xf32>,
        tpu.vector_store %arg5[%parallel_loop3A_119, %parallel_loop3A_120, %parallel_loop3A_121, %parallel_loop3A_122], %parallel_loop3A_113 {strides = array<i32>} : memref<2x1x32x1024xf32, #tpu.memory_space<vmem>>, vector<16xf32>,
        %parallel_loop3A_124 = arith.constant 16 : i32
        %parallel_loop3A_125 = arith.addi %parallel_loop3A_111, %parallel_loop3A_124 : i32
        %parallel_loop3A_126 = arith.index_cast %parallel_loop3A_125 : i32 to index
        %parallel_loop3A_127 = tpu.vector_load %arg4[%parallel_loop3A_126] {strides = array<i32>} : memref<64512xf32, #tpu.memory_space<vmem>>, vector<16xf32>,
        %parallel_loop3A_128 = arith.constant 32 : i32
        %parallel_loop3A_129 = arith.muli %parallel_loop3A_101, %parallel_loop3A_128 : i32
        %parallel_loop3A_130 = arith.constant 16 : i32
        %parallel_loop3A_131 = arith.addi %parallel_loop3A_129, %parallel_loop3A_130 : i32
        %parallel_loop3A_132 = arith.constant 1 : i32
        %parallel_loop3A_133 = arith.constant 0 : i32
        %parallel_loop3A_134 = arith.constant 0 : i32
        %parallel_loop3A_135 = arith.index_cast %parallel_loop3A_132 : i32 to index
        %parallel_loop3A_136 = arith.index_cast %parallel_loop3A_133 : i32 to index
        %parallel_loop3A_137 = arith.index_cast %parallel_loop3A_134 : i32 to index
        %parallel_loop3A_138 = arith.index_cast %parallel_loop3A_131 : i32 to index
        %parallel_loop3A_139 = tpu.vector_load %arg5[%parallel_loop3A_135, %parallel_loop3A_136, %parallel_loop3A_137, %parallel_loop3A_138] {strides = array<i32>} : memref<2x1x32x1024xf32, #tpu.memory_space<vmem>>, vector<16xf32>,
        tpu.vector_store %arg5[%parallel_loop3A_135, %parallel_loop3A_136, %parallel_loop3A_137, %parallel_loop3A_138], %parallel_loop3A_127 {strides = array<i32>} : memref<2x1x32x1024xf32, #tpu.memory_space<vmem>>, vector<16xf32>,
        %parallel_loop3A_140 = arith.constant 1 : i32
        %parallel_loop3A_141 = arith.subi %parallel_loop3A_109, %parallel_loop3A_140 : i32
        %parallel_loop3A_142 = arith.index_cast %parallel_loop3A_141 : i32 to index
        %parallel_loop3A_143 = tpu.vector_load %arg4[%parallel_loop3A_142] {strides = array<i32>} : memref<64512xf32, #tpu.memory_space<vmem>>, vector<16xf32>,
        %parallel_loop3A_144 = arith.constant 32 : i32
        %parallel_loop3A_145 = arith.muli %parallel_loop3A_101, %parallel_loop3A_144 : i32
        %parallel_loop3A_146 = arith.constant 1 : i32
        %parallel_loop3A_147 = arith.constant 0 : i32
        %parallel_loop3A_148 = arith.constant 1 : i32
        %parallel_loop3A_149 = arith.index_cast %parallel_loop3A_146 : i32 to index
        %parallel_loop3A_150 = arith.index_cast %parallel_loop3A_147 : i32 to index
        %parallel_loop3A_151 = arith.index_cast %parallel_loop3A_148 : i32 to index
        %parallel_loop3A_152 = arith.index_cast %parallel_loop3A_145 : i32 to index
        %parallel_loop3A_153 = tpu.vector_load %arg5[%parallel_loop3A_149, %parallel_loop3A_150, %parallel_loop3A_151, %parallel_loop3A_152] {strides = array<i32>} : memref<2x1x32x1024xf32, #tpu.memory_space<vmem>>, vector<16xf32>,
        tpu.vector_store %arg5[%parallel_loop3A_149, %parallel_loop3A_150, %parallel_loop3A_151, %parallel_loop3A_152], %parallel_loop3A_143 {strides = array<i32>} : memref<2x1x32x1024xf32, #tpu.memory_space<vmem>>, vector<16xf32>,
        %parallel_loop3A_154 = arith.constant 16 : i32
        %parallel_loop3A_155 = arith.addi %parallel_loop3A_141, %parallel_loop3A_154 : i32
        %parallel_loop3A_156 = arith.index_cast %parallel_loop3A_155 : i32 to index
        %parallel_loop3A_157 = tpu.vector_load %arg4[%parallel_loop3A_156] {strides = array<i32>} : memref<64512xf32, #tpu.memory_space<vmem>>, vector<16xf32>,
        %parallel_loop3A_158 = arith.constant 32 : i32
        %parallel_loop3A_159 = arith.muli %parallel_loop3A_101, %parallel_loop3A_158 : i32
        %parallel_loop3A_160 = arith.constant 16 : i32
        %parallel_loop3A_161 = arith.addi %parallel_loop3A_159, %parallel_loop3A_160 : i32
        %parallel_loop3A_162 = arith.constant 1 : i32
        %parallel_loop3A_163 = arith.constant 0 : i32
        %parallel_loop3A_164 = arith.constant 1 : i32
        %parallel_loop3A_165 = arith.index_cast %parallel_loop3A_162 : i32 to index
        %parallel_loop3A_166 = arith.index_cast %parallel_loop3A_163 : i32 to index
        %parallel_loop3A_167 = arith.index_cast %parallel_loop3A_164 : i32 to index
        %parallel_loop3A_168 = arith.index_cast %parallel_loop3A_161 : i32 to index
        %parallel_loop3A_169 = tpu.vector_load %arg5[%parallel_loop3A_165, %parallel_loop3A_166, %parallel_loop3A_167, %parallel_loop3A_168] {strides = array<i32>} : memref<2x1x32x1024xf32, #tpu.memory_space<vmem>>, vector<16xf32>,
        tpu.vector_store %arg5[%parallel_loop3A_165, %parallel_loop3A_166, %parallel_loop3A_167, %parallel_loop3A_168], %parallel_loop3A_157 {strides = array<i32>} : memref<2x1x32x1024xf32, #tpu.memory_space<vmem>>, vector<16xf32>,
        %parallel_loop3A_170 = arith.constant 2 : i32
        %parallel_loop3A_171 = arith.subi %parallel_loop3A_109, %parallel_loop3A_170 : i32
        %parallel_loop3A_172 = arith.index_cast %parallel_loop3A_171 : i32 to index
        %parallel_loop3A_173 = tpu.vector_load %arg4[%parallel_loop3A_172] {strides = array<i32>} : memref<64512xf32, #tpu.memory_space<vmem>>, vector<16xf32>,
        %parallel_loop3A_174 = arith.constant 32 : i32
        %parallel_loop3A_175 = arith.muli %parallel_loop3A_101, %parallel_loop3A_174 : i32
        %parallel_loop3A_176 = arith.constant 1 : i32
        %parallel_loop3A_177 = arith.constant 0 : i32
        %parallel_loop3A_178 = arith.constant 2 : i32
        %parallel_loop3A_179 = arith.index_cast %parallel_loop3A_176 : i32 to index
        %parallel_loop3A_180 = arith.index_cast %parallel_loop3A_177 : i32 to index
        %parallel_loop3A_181 = arith.index_cast %parallel_loop3A_178 : i32 to index
        %parallel_loop3A_182 = arith.index_cast %parallel_loop3A_175 : i32 to index
        %parallel_loop3A_183 = tpu.vector_load %arg5[%parallel_loop3A_179, %parallel_loop3A_180, %parallel_loop3A_181, %parallel_loop3A_182] {strides = array<i32>} : memref<2x1x32x1024xf32, #tpu.memory_space<vmem>>, vector<16xf32>,
        tpu.vector_store %arg5[%parallel_loop3A_179, %parallel_loop3A_180, %parallel_loop3A_181, %parallel_loop3A_182], %parallel_loop3A_173 {strides = array<i32>} : memref<2x1x32x1024xf32, #tpu.memory_space<vmem>>, vector<16xf32>,
        %parallel_loop3A_184 = arith.constant 16 : i32
        %parallel_loop3A_185 = arith.addi %parallel_loop3A_171, %parallel_loop3A_184 : i32
        %parallel_loop3A_186 = arith.index_cast %parallel_loop3A_185 : i32 to index
        %parallel_loop3A_187 = tpu.vector_load %arg4[%parallel_loop3A_186] {strides = array<i32>} : memref<64512xf32, #tpu.memory_space<vmem>>, vector<16xf32>,
        %parallel_loop3A_188 = arith.constant 32 : i32
        %parallel_loop3A_189 = arith.muli %parallel_loop3A_101, %parallel_loop3A_188 : i32
        %parallel_loop3A_190 = arith.constant 16 : i32
        %parallel_loop3A_191 = arith.addi %parallel_loop3A_189, %parallel_loop3A_190 : i32
        %parallel_loop3A_192 = arith.constant 1 : i32
        %parallel_loop3A_193 = arith.constant 0 : i32
        %parallel_loop3A_194 = arith.constant 2 : i32
        %parallel_loop3A_195 = arith.index_cast %parallel_loop3A_192 : i32 to index
        %parallel_loop3A_196 = arith.index_cast %parallel_loop3A_193 : i32 to index
        %parallel_loop3A_197 = arith.index_cast %parallel_loop3A_194 : i32 to index
        %parallel_loop3A_198 = arith.index_cast %parallel_loop3A_191 : i32 to index
        %parallel_loop3A_199 = tpu.vector_load %arg5[%parallel_loop3A_195, %parallel_loop3A_196, %parallel_loop3A_197, %parallel_loop3A_198] {strides = array<i32>} : memref<2x1x32x1024xf32, #tpu.memory_space<vmem>>, vector<16xf32>,
        tpu.vector_store %arg5[%parallel_loop3A_195, %parallel_loop3A_196, %parallel_loop3A_197, %parallel_loop3A_198], %parallel_loop3A_187 {strides = array<i32>} : memref<2x1x32x1024xf32, #tpu.memory_space<vmem>>, vector<16xf32>,
        %parallel_loop3A_200 = arith.constant 3 : i32
        %parallel_loop3A_201 = arith.subi %parallel_loop3A_109, %parallel_loop3A_200 : i32
        %parallel_loop3A_202 = arith.index_cast %parallel_loop3A_201 : i32 to index
        %parallel_loop3A_203 = tpu.vector_load %arg4[%parallel_loop3A_202] {strides = array<i32>} : memref<64512xf32, #tpu.memory_space<vmem>>, vector<16xf32>,
        %parallel_loop3A_204 = arith.constant 32 : i32
        %parallel_loop3A_205 = arith.muli %parallel_loop3A_101, %parallel_loop3A_204 : i32
        %parallel_loop3A_206 = arith.constant 1 : i32
        %parallel_loop3A_207 = arith.constant 0 : i32
        %parallel_loop3A_208 = arith.constant 3 : i32
        %parallel_loop3A_209 = arith.index_cast %parallel_loop3A_206 : i32 to index
        %parallel_loop3A_210 = arith.index_cast %parallel_loop3A_207 : i32 to index
        %parallel_loop3A_211 = arith.index_cast %parallel_loop3A_208 : i32 to index
        %parallel_loop3A_212 = arith.index_cast %parallel_loop3A_205 : i32 to index
        %parallel_loop3A_213 = tpu.vector_load %arg5[%parallel_loop3A_209, %parallel_loop3A_210, %parallel_loop3A_211, %parallel_loop3A_212] {strides = array<i32>} : memref<2x1x32x1024xf32, #tpu.memory_space<vmem>>, vector<16xf32>,
        tpu.vector_store %arg5[%parallel_loop3A_209, %parallel_loop3A_210, %parallel_loop3A_211, %parallel_loop3A_212], %parallel_loop3A_203 {strides = array<i32>} : memref<2x1x32x1024xf32, #tpu.memory_space<vmem>>, vector<16xf32>,
        %parallel_loop3A_214 = arith.constant 16 : i32
        %parallel_loop3A_215 = arith.addi %parallel_loop3A_201, %parallel_loop3A_214 : i32
        %parallel_loop3A_216 = arith.index_cast %parallel_loop3A_215 : i32 to index
        %parallel_loop3A_217 = tpu.vector_load %arg4[%parallel_loop3A_216] {strides = array<i32>} : memref<64512xf32, #tpu.memory_space<vmem>>, vector<16xf32>,
        %parallel_loop3A_218 = arith.constant 32 : i32
        %parallel_loop3A_219 = arith.muli %parallel_loop3A_101, %parallel_loop3A_218 : i32
        %parallel_loop3A_220 = arith.constant 16 : i32
        %parallel_loop3A_221 = arith.addi %parallel_loop3A_219, %parallel_loop3A_220 : i32
        %parallel_loop3A_222 = arith.constant 1 : i32
        %parallel_loop3A_223 = arith.constant 0 : i32
        %parallel_loop3A_224 = arith.constant 3 : i32
        %parallel_loop3A_225 = arith.index_cast %parallel_loop3A_222 : i32 to index
        %parallel_loop3A_226 = arith.index_cast %parallel_loop3A_223 : i32 to index
        %parallel_loop3A_227 = arith.index_cast %parallel_loop3A_224 : i32 to index
        %parallel_loop3A_228 = arith.index_cast %parallel_loop3A_221 : i32 to index
        %parallel_loop3A_229 = tpu.vector_load %arg5[%parallel_loop3A_225, %parallel_loop3A_226, %parallel_loop3A_227, %parallel_loop3A_228] {strides = array<i32>} : memref<2x1x32x1024xf32, #tpu.memory_space<vmem>>, vector<16xf32>,
        tpu.vector_store %arg5[%parallel_loop3A_225, %parallel_loop3A_226, %parallel_loop3A_227, %parallel_loop3A_228], %parallel_loop3A_217 {strides = array<i32>} : memref<2x1x32x1024xf32, #tpu.memory_space<vmem>>, vector<16xf32>,
        %parallel_loop3A_230 = arith.constant 4 : i32
        %parallel_loop3A_231 = arith.subi %parallel_loop3A_109, %parallel_loop3A_230 : i32
        %parallel_loop3A_232 = arith.index_cast %parallel_loop3A_231 : i32 to index
        %parallel_loop3A_233 = tpu.vector_load %arg4[%parallel_loop3A_232] {strides = array<i32>} : memref<64512xf32, #tpu.memory_space<vmem>>, vector<16xf32>,
        %parallel_loop3A_234 = arith.constant 32 : i32
        %parallel_loop3A_235 = arith.muli %parallel_loop3A_101, %parallel_loop3A_234 : i32
        %parallel_loop3A_236 = arith.constant 1 : i32
        %parallel_loop3A_237 = arith.constant 0 : i32
        %parallel_loop3A_238 = arith.constant 4 : i32
        %parallel_loop3A_239 = arith.index_cast %parallel_loop3A_236 : i32 to index
        %parallel_loop3A_240 = arith.index_cast %parallel_loop3A_237 : i32 to index
        %parallel_loop3A_241 = arith.index_cast %parallel_loop3A_238 : i32 to index
        %parallel_loop3A_242 = arith.index_cast %parallel_loop3A_235 : i32 to index
        %parallel_loop3A_243 = tpu.vector_load %arg5[%parallel_loop3A_239, %parallel_loop3A_240, %parallel_loop3A_241, %parallel_loop3A_242] {strides = array<i32>} : memref<2x1x32x1024xf32, #tpu.memory_space<vmem>>, vector<16xf32>,
        tpu.vector_store %arg5[%parallel_loop3A_239, %parallel_loop3A_240, %parallel_loop3A_241, %parallel_loop3A_242], %parallel_loop3A_233 {strides = array<i32>} : memref<2x1x32x1024xf32, #tpu.memory_space<vmem>>, vector<16xf32>,
        %parallel_loop3A_244 = arith.constant 16 : i32
        %parallel_loop3A_245 = arith.addi %parallel_loop3A_231, %parallel_loop3A_244 : i32
        %parallel_loop3A_246 = arith.index_cast %parallel_loop3A_245 : i32 to index
        %parallel_loop3A_247 = tpu.vector_load %arg4[%parallel_loop3A_246] {strides = array<i32>} : memref<64512xf32, #tpu.memory_space<vmem>>, vector<16xf32>,
        %parallel_loop3A_248 = arith.constant 32 : i32
        %parallel_loop3A_249 = arith.muli %parallel_loop3A_101, %parallel_loop3A_248 : i32
        %parallel_loop3A_250 = arith.constant 16 : i32
        %parallel_loop3A_251 = arith.addi %parallel_loop3A_249, %parallel_loop3A_250 : i32
        %parallel_loop3A_252 = arith.constant 1 : i32
        %parallel_loop3A_253 = arith.constant 0 : i32
        %parallel_loop3A_254 = arith.constant 4 : i32
        %parallel_loop3A_255 = arith.index_cast %parallel_loop3A_252 : i32 to index
        %parallel_loop3A_256 = arith.index_cast %parallel_loop3A_253 : i32 to index
        %parallel_loop3A_257 = arith.index_cast %parallel_loop3A_254 : i32 to index
        %parallel_loop3A_258 = arith.index_cast %parallel_loop3A_251 : i32 to index
        %parallel_loop3A_259 = tpu.vector_load %arg5[%parallel_loop3A_255, %parallel_loop3A_256, %parallel_loop3A_257, %parallel_loop3A_258] {strides = array<i32>} : memref<2x1x32x1024xf32, #tpu.memory_space<vmem>>, vector<16xf32>,
        tpu.vector_store %arg5[%parallel_loop3A_255, %parallel_loop3A_256, %parallel_loop3A_257, %parallel_loop3A_258], %parallel_loop3A_247 {strides = array<i32>} : memref<2x1x32x1024xf32, #tpu.memory_space<vmem>>, vector<16xf32>,
        %parallel_loop3A_260 = arith.constant 5 : i32
        %parallel_loop3A_261 = arith.subi %parallel_loop3A_109, %parallel_loop3A_260 : i32
        %parallel_loop3A_262 = arith.index_cast %parallel_loop3A_261 : i32 to index
        %parallel_loop3A_263 = tpu.vector_load %arg4[%parallel_loop3A_262] {strides = array<i32>} : memref<64512xf32, #tpu.memory_space<vmem>>, vector<16xf32>,
        %parallel_loop3A_264 = arith.constant 32 : i32
        %parallel_loop3A_265 = arith.muli %parallel_loop3A_101, %parallel_loop3A_264 : i32
        %parallel_loop3A_266 = arith.constant 1 : i32
        %parallel_loop3A_267 = arith.constant 0 : i32
        %parallel_loop3A_268 = arith.constant 5 : i32
        %parallel_loop3A_269 = arith.index_cast %parallel_loop3A_266 : i32 to index
        %parallel_loop3A_270 = arith.index_cast %parallel_loop3A_267 : i32 to index
        %parallel_loop3A_271 = arith.index_cast %parallel_loop3A_268 : i32 to index
        %parallel_loop3A_272 = arith.index_cast %parallel_loop3A_265 : i32 to index
        %parallel_loop3A_273 = tpu.vector_load %arg5[%parallel_loop3A_269, %parallel_loop3A_270, %parallel_loop3A_271, %parallel_loop3A_272] {strides = array<i32>} : memref<2x1x32x1024xf32, #tpu.memory_space<vmem>>, vector<16xf32>,
        tpu.vector_store %arg5[%parallel_loop3A_269, %parallel_loop3A_270, %parallel_loop3A_271, %parallel_loop3A_272], %parallel_loop3A_263 {strides = array<i32>} : memref<2x1x32x1024xf32, #tpu.memory_space<vmem>>, vector<16xf32>,
        %parallel_loop3A_274 = arith.constant 16 : i32
        %parallel_loop3A_275 = arith.addi %parallel_loop3A_261, %parallel_loop3A_274 : i32
        %parallel_loop3A_276 = arith.index_cast %parallel_loop3A_275 : i32 to index
        %parallel_loop3A_277 = tpu.vector_load %arg4[%parallel_loop3A_276] {strides = array<i32>} : memref<64512xf32, #tpu.memory_space<vmem>>, vector<16xf32>,
        %parallel_loop3A_278 = arith.constant 32 : i32
        %parallel_loop3A_279 = arith.muli %parallel_loop3A_101, %parallel_loop3A_278 : i32
        %parallel_loop3A_280 = arith.constant 16 : i32
        %parallel_loop3A_281 = arith.addi %parallel_loop3A_279, %parallel_loop3A_280 : i32
        %parallel_loop3A_282 = arith.constant 1 : i32
        %parallel_loop3A_283 = arith.constant 0 : i32
        %parallel_loop3A_284 = arith.constant 5 : i32
        %parallel_loop3A_285 = arith.index_cast %parallel_loop3A_282 : i32 to index
        %parallel_loop3A_286 = arith.index_cast %parallel_loop3A_283 : i32 to index
        %parallel_loop3A_287 = arith.index_cast %parallel_loop3A_284 : i32 to index
        %parallel_loop3A_288 = arith.index_cast %parallel_loop3A_281 : i32 to index
        %parallel_loop3A_289 = tpu.vector_load %arg5[%parallel_loop3A_285, %parallel_loop3A_286, %parallel_loop3A_287, %parallel_loop3A_288] {strides = array<i32>} : memref<2x1x32x1024xf32, #tpu.memory_space<vmem>>, vector<16xf32>,
        tpu.vector_store %arg5[%parallel_loop3A_285, %parallel_loop3A_286, %parallel_loop3A_287, %parallel_loop3A_288], %parallel_loop3A_277 {strides = array<i32>} : memref<2x1x32x1024xf32, #tpu.memory_space<vmem>>, vector<16xf32>,
        %parallel_loop3A_290 = arith.constant 6 : i32
        %parallel_loop3A_291 = arith.subi %parallel_loop3A_109, %parallel_loop3A_290 : i32
        %parallel_loop3A_292 = arith.index_cast %parallel_loop3A_291 : i32 to index
        %parallel_loop3A_293 = tpu.vector_load %arg4[%parallel_loop3A_292] {strides = array<i32>} : memref<64512xf32, #tpu.memory_space<vmem>>, vector<16xf32>,
        %parallel_loop3A_294 = arith.constant 32 : i32
        %parallel_loop3A_295 = arith.muli %parallel_loop3A_101, %parallel_loop3A_294 : i32
        %parallel_loop3A_296 = arith.constant 1 : i32
        %parallel_loop3A_297 = arith.constant 0 : i32
        %parallel_loop3A_298 = arith.constant 6 : i32
        %parallel_loop3A_299 = arith.index_cast %parallel_loop3A_296 : i32 to index
        %parallel_loop3A_300 = arith.index_cast %parallel_loop3A_297 : i32 to index
        %parallel_loop3A_301 = arith.index_cast %parallel_loop3A_298 : i32 to index
        %parallel_loop3A_302 = arith.index_cast %parallel_loop3A_295 : i32 to index
        %parallel_loop3A_303 = tpu.vector_load %arg5[%parallel_loop3A_299, %parallel_loop3A_300, %parallel_loop3A_301, %parallel_loop3A_302] {strides = array<i32>} : memref<2x1x32x1024xf32, #tpu.memory_space<vmem>>, vector<16xf32>,
        tpu.vector_store %arg5[%parallel_loop3A_299, %parallel_loop3A_300, %parallel_loop3A_301, %parallel_loop3A_302], %parallel_loop3A_293 {strides = array<i32>} : memref<2x1x32x1024xf32, #tpu.memory_space<vmem>>, vector<16xf32>,
        %parallel_loop3A_304 = arith.constant 16 : i32
        %parallel_loop3A_305 = arith.addi %parallel_loop3A_291, %parallel_loop3A_304 : i32
        %parallel_loop3A_306 = arith.index_cast %parallel_loop3A_305 : i32 to index
        %parallel_loop3A_307 = tpu.vector_load %arg4[%parallel_loop3A_306] {strides = array<i32>} : memref<64512xf32, #tpu.memory_space<vmem>>, vector<16xf32>,
        %parallel_loop3A_308 = arith.constant 32 : i32
        %parallel_loop3A_309 = arith.muli %parallel_loop3A_101, %parallel_loop3A_308 : i32
        %parallel_loop3A_310 = arith.constant 16 : i32
        %parallel_loop3A_311 = arith.addi %parallel_loop3A_309, %parallel_loop3A_310 : i32
        %parallel_loop3A_312 = arith.constant 1 : i32
        %parallel_loop3A_313 = arith.constant 0 : i32
        %parallel_loop3A_314 = arith.constant 6 : i32
        %parallel_loop3A_315 = arith.index_cast %parallel_loop3A_312 : i32 to index
        %parallel_loop3A_316 = arith.index_cast %parallel_loop3A_313 : i32 to index
        %parallel_loop3A_317 = arith.index_cast %parallel_loop3A_314 : i32 to index
        %parallel_loop3A_318 = arith.index_cast %parallel_loop3A_311 : i32 to index
        %parallel_loop3A_319 = tpu.vector_load %arg5[%parallel_loop3A_315, %parallel_loop3A_316, %parallel_loop3A_317, %parallel_loop3A_318] {strides = array<i32>} : memref<2x1x32x1024xf32, #tpu.memory_space<vmem>>, vector<16xf32>,
        tpu.vector_store %arg5[%parallel_loop3A_315, %parallel_loop3A_316, %parallel_loop3A_317, %parallel_loop3A_318], %parallel_loop3A_307 {strides = array<i32>} : memref<2x1x32x1024xf32, #tpu.memory_space<vmem>>, vector<16xf32>,
        %parallel_loop3A_320 = arith.constant 7 : i32
        %parallel_loop3A_321 = arith.subi %parallel_loop3A_109, %parallel_loop3A_320 : i32
        %parallel_loop3A_322 = arith.index_cast %parallel_loop3A_321 : i32 to index
        %parallel_loop3A_323 = tpu.vector_load %arg4[%parallel_loop3A_322] {strides = array<i32>} : memref<64512xf32, #tpu.memory_space<vmem>>, vector<16xf32>,
        %parallel_loop3A_324 = arith.constant 32 : i32
        %parallel_loop3A_325 = arith.muli %parallel_loop3A_101, %parallel_loop3A_324 : i32
        %parallel_loop3A_326 = arith.constant 1 : i32
        %parallel_loop3A_327 = arith.constant 0 : i32
        %parallel_loop3A_328 = arith.constant 7 : i32
        %parallel_loop3A_329 = arith.index_cast %parallel_loop3A_326 : i32 to index
        %parallel_loop3A_330 = arith.index_cast %parallel_loop3A_327 : i32 to index
        %parallel_loop3A_331 = arith.index_cast %parallel_loop3A_328 : i32 to index
        %parallel_loop3A_332 = arith.index_cast %parallel_loop3A_325 : i32 to index
        %parallel_loop3A_333 = tpu.vector_load %arg5[%parallel_loop3A_329, %parallel_loop3A_330, %parallel_loop3A_331, %parallel_loop3A_332] {strides = array<i32>} : memref<2x1x32x1024xf32, #tpu.memory_space<vmem>>, vector<16xf32>,
        tpu.vector_store %arg5[%parallel_loop3A_329, %parallel_loop3A_330, %parallel_loop3A_331, %parallel_loop3A_332], %parallel_loop3A_323 {strides = array<i32>} : memref<2x1x32x1024xf32, #tpu.memory_space<vmem>>, vector<16xf32>,
        %parallel_loop3A_334 = arith.constant 16 : i32
        %parallel_loop3A_335 = arith.addi %parallel_loop3A_321, %parallel_loop3A_334 : i32
        %parallel_loop3A_336 = arith.index_cast %parallel_loop3A_335 : i32 to index
        %parallel_loop3A_337 = tpu.vector_load %arg4[%parallel_loop3A_336] {strides = array<i32>} : memref<64512xf32, #tpu.memory_space<vmem>>, vector<16xf32>,
        %parallel_loop3A_338 = arith.constant 32 : i32
        %parallel_loop3A_339 = arith.muli %parallel_loop3A_101, %parallel_loop3A_338 : i32
        %parallel_loop3A_340 = arith.constant 16 : i32
        %parallel_loop3A_341 = arith.addi %parallel_loop3A_339, %parallel_loop3A_340 : i32
        %parallel_loop3A_342 = arith.constant 1 : i32
        %parallel_loop3A_343 = arith.constant 0 : i32
        %parallel_loop3A_344 = arith.constant 7 : i32
        %parallel_loop3A_345 = arith.index_cast %parallel_loop3A_342 : i32 to index
        %parallel_loop3A_346 = arith.index_cast %parallel_loop3A_343 : i32 to index
        %parallel_loop3A_347 = arith.index_cast %parallel_loop3A_344 : i32 to index
        %parallel_loop3A_348 = arith.index_cast %parallel_loop3A_341 : i32 to index
        %parallel_loop3A_349 = tpu.vector_load %arg5[%parallel_loop3A_345, %parallel_loop3A_346, %parallel_loop3A_347, %parallel_loop3A_348] {strides = array<i32>} : memref<2x1x32x1024xf32, #tpu.memory_space<vmem>>, vector<16xf32>,
        tpu.vector_store %arg5[%parallel_loop3A_345, %parallel_loop3A_346, %parallel_loop3A_347, %parallel_loop3A_348], %parallel_loop3A_337 {strides = array<i32>} : memref<2x1x32x1024xf32, #tpu.memory_space<vmem>>, vector<16xf32>,
        %parallel_loop3A_350 = arith.constant 8 : i32
        %parallel_loop3A_351 = arith.subi %parallel_loop3A_109, %parallel_loop3A_350 : i32
        %parallel_loop3A_352 = arith.index_cast %parallel_loop3A_351 : i32 to index
        %parallel_loop3A_353 = tpu.vector_load %arg4[%parallel_loop3A_352] {strides = array<i32>} : memref<64512xf32, #tpu.memory_space<vmem>>, vector<16xf32>,
        %parallel_loop3A_354 = arith.constant 32 : i32
        %parallel_loop3A_355 = arith.muli %parallel_loop3A_101, %parallel_loop3A_354 : i32
        %parallel_loop3A_356 = arith.constant 1 : i32
        %parallel_loop3A_357 = arith.constant 0 : i32
        %parallel_loop3A_358 = arith.constant 8 : i32
        %parallel_loop3A_359 = arith.index_cast %parallel_loop3A_356 : i32 to index
        %parallel_loop3A_360 = arith.index_cast %parallel_loop3A_357 : i32 to index
        %parallel_loop3A_361 = arith.index_cast %parallel_loop3A_358 : i32 to index
        %parallel_loop3A_362 = arith.index_cast %parallel_loop3A_355 : i32 to index
        %parallel_loop3A_363 = tpu.vector_load %arg5[%parallel_loop3A_359, %parallel_loop3A_360, %parallel_loop3A_361, %parallel_loop3A_362] {strides = array<i32>} : memref<2x1x32x1024xf32, #tpu.memory_space<vmem>>, vector<16xf32>,
        tpu.vector_store %arg5[%parallel_loop3A_359, %parallel_loop3A_360, %parallel_loop3A_361, %parallel_loop3A_362], %parallel_loop3A_353 {strides = array<i32>} : memref<2x1x32x1024xf32, #tpu.memory_space<vmem>>, vector<16xf32>,
        %parallel_loop3A_364 = arith.constant 16 : i32
        %parallel_loop3A_365 = arith.addi %parallel_loop3A_351, %parallel_loop3A_364 : i32
        %parallel_loop3A_366 = arith.index_cast %parallel_loop3A_365 : i32 to index
        %parallel_loop3A_367 = tpu.vector_load %arg4[%parallel_loop3A_366] {strides = array<i32>} : memref<64512xf32, #tpu.memory_space<vmem>>, vector<16xf32>,
        %parallel_loop3A_368 = arith.constant 32 : i32
        %parallel_loop3A_369 = arith.muli %parallel_loop3A_101, %parallel_loop3A_368 : i32
        %parallel_loop3A_370 = arith.constant 16 : i32
        %parallel_loop3A_371 = arith.addi %parallel_loop3A_369, %parallel_loop3A_370 : i32
        %parallel_loop3A_372 = arith.constant 1 : i32
        %parallel_loop3A_373 = arith.constant 0 : i32
        %parallel_loop3A_374 = arith.constant 8 : i32
        %parallel_loop3A_375 = arith.index_cast %parallel_loop3A_372 : i32 to index
        %parallel_loop3A_376 = arith.index_cast %parallel_loop3A_373 : i32 to index
        %parallel_loop3A_377 = arith.index_cast %parallel_loop3A_374 : i32 to index
        %parallel_loop3A_378 = arith.index_cast %parallel_loop3A_371 : i32 to index
        %parallel_loop3A_379 = tpu.vector_load %arg5[%parallel_loop3A_375, %parallel_loop3A_376, %parallel_loop3A_377, %parallel_loop3A_378] {strides = array<i32>} : memref<2x1x32x1024xf32, #tpu.memory_space<vmem>>, vector<16xf32>,
        tpu.vector_store %arg5[%parallel_loop3A_375, %parallel_loop3A_376, %parallel_loop3A_377, %parallel_loop3A_378], %parallel_loop3A_367 {strides = array<i32>} : memref<2x1x32x1024xf32, #tpu.memory_space<vmem>>, vector<16xf32>,
        %parallel_loop3A_380 = arith.constant 9 : i32
        %parallel_loop3A_381 = arith.subi %parallel_loop3A_109, %parallel_loop3A_380 : i32
        %parallel_loop3A_382 = arith.index_cast %parallel_loop3A_381 : i32 to index
        %parallel_loop3A_383 = tpu.vector_load %arg4[%parallel_loop3A_382] {strides = array<i32>} : memref<64512xf32, #tpu.memory_space<vmem>>, vector<16xf32>,
        %parallel_loop3A_384 = arith.constant 32 : i32
        %parallel_loop3A_385 = arith.muli %parallel_loop3A_101, %parallel_loop3A_384 : i32
        %parallel_loop3A_386 = arith.constant 1 : i32
        %parallel_loop3A_387 = arith.constant 0 : i32
        %parallel_loop3A_388 = arith.constant 9 : i32
        %parallel_loop3A_389 = arith.index_cast %parallel_loop3A_386 : i32 to index
        %parallel_loop3A_390 = arith.index_cast %parallel_loop3A_387 : i32 to index
        %parallel_loop3A_391 = arith.index_cast %parallel_loop3A_388 : i32 to index
        %parallel_loop3A_392 = arith.index_cast %parallel_loop3A_385 : i32 to index
        %parallel_loop3A_393 = tpu.vector_load %arg5[%parallel_loop3A_389, %parallel_loop3A_390, %parallel_loop3A_391, %parallel_loop3A_392] {strides = array<i32>} : memref<2x1x32x1024xf32, #tpu.memory_space<vmem>>, vector<16xf32>,
        tpu.vector_store %arg5[%parallel_loop3A_389, %parallel_loop3A_390, %parallel_loop3A_391, %parallel_loop3A_392], %parallel_loop3A_383 {strides = array<i32>} : memref<2x1x32x1024xf32, #tpu.memory_space<vmem>>, vector<16xf32>,
        %parallel_loop3A_394 = arith.constant 16 : i32
        %parallel_loop3A_395 = arith.addi %parallel_loop3A_381, %parallel_loop3A_394 : i32
        %parallel_loop3A_396 = arith.index_cast %parallel_loop3A_395 : i32 to index
        %parallel_loop3A_397 = tpu.vector_load %arg4[%parallel_loop3A_396] {strides = array<i32>} : memref<64512xf32, #tpu.memory_space<vmem>>, vector<16xf32>,
        %parallel_loop3A_398 = arith.constant 32 : i32
        %parallel_loop3A_399 = arith.muli %parallel_loop3A_101, %parallel_loop3A_398 : i32
        %parallel_loop3A_400 = arith.constant 16 : i32
        %parallel_loop3A_401 = arith.addi %parallel_loop3A_399, %parallel_loop3A_400 : i32
        %parallel_loop3A_402 = arith.constant 1 : i32
        %parallel_loop3A_403 = arith.constant 0 : i32
        %parallel_loop3A_404 = arith.constant 9 : i32
        %parallel_loop3A_405 = arith.index_cast %parallel_loop3A_402 : i32 to index
        %parallel_loop3A_406 = arith.index_cast %parallel_loop3A_403 : i32 to index
        %parallel_loop3A_407 = arith.index_cast %parallel_loop3A_404 : i32 to index
        %parallel_loop3A_408 = arith.index_cast %parallel_loop3A_401 : i32 to index
        %parallel_loop3A_409 = tpu.vector_load %arg5[%parallel_loop3A_405, %parallel_loop3A_406, %parallel_loop3A_407, %parallel_loop3A_408] {strides = array<i32>} : memref<2x1x32x1024xf32, #tpu.memory_space<vmem>>, vector<16xf32>,
        tpu.vector_store %arg5[%parallel_loop3A_405, %parallel_loop3A_406, %parallel_loop3A_407, %parallel_loop3A_408], %parallel_loop3A_397 {strides = array<i32>} : memref<2x1x32x1024xf32, #tpu.memory_space<vmem>>, vector<16xf32>,
        %parallel_loop3A_410 = arith.constant 10 : i32
        %parallel_loop3A_411 = arith.subi %parallel_loop3A_109, %parallel_loop3A_410 : i32
        %parallel_loop3A_412 = arith.index_cast %parallel_loop3A_411 : i32 to index
        %parallel_loop3A_413 = tpu.vector_load %arg4[%parallel_loop3A_412] {strides = array<i32>} : memref<64512xf32, #tpu.memory_space<vmem>>, vector<16xf32>,
        %parallel_loop3A_414 = arith.constant 32 : i32
        %parallel_loop3A_415 = arith.muli %parallel_loop3A_101, %parallel_loop3A_414 : i32
        %parallel_loop3A_416 = arith.constant 1 : i32
        %parallel_loop3A_417 = arith.constant 0 : i32
        %parallel_loop3A_418 = arith.constant 10 : i32
        %parallel_loop3A_419 = arith.index_cast %parallel_loop3A_416 : i32 to index
        %parallel_loop3A_420 = arith.index_cast %parallel_loop3A_417 : i32 to index
        %parallel_loop3A_421 = arith.index_cast %parallel_loop3A_418 : i32 to index
        %parallel_loop3A_422 = arith.index_cast %parallel_loop3A_415 : i32 to index
        %parallel_loop3A_423 = tpu.vector_load %arg5[%parallel_loop3A_419, %parallel_loop3A_420, %parallel_loop3A_421, %parallel_loop3A_422] {strides = array<i32>} : memref<2x1x32x1024xf32, #tpu.memory_space<vmem>>, vector<16xf32>,
        tpu.vector_store %arg5[%parallel_loop3A_419, %parallel_loop3A_420, %parallel_loop3A_421, %parallel_loop3A_422], %parallel_loop3A_413 {strides = array<i32>} : memref<2x1x32x1024xf32, #tpu.memory_space<vmem>>, vector<16xf32>,
        %parallel_loop3A_424 = arith.constant 16 : i32
        %parallel_loop3A_425 = arith.addi %parallel_loop3A_411, %parallel_loop3A_424 : i32
        %parallel_loop3A_426 = arith.index_cast %parallel_loop3A_425 : i32 to index
        %parallel_loop3A_427 = tpu.vector_load %arg4[%parallel_loop3A_426] {strides = array<i32>} : memref<64512xf32, #tpu.memory_space<vmem>>, vector<16xf32>,
        %parallel_loop3A_428 = arith.constant 32 : i32
        %parallel_loop3A_429 = arith.muli %parallel_loop3A_101, %parallel_loop3A_428 : i32
        %parallel_loop3A_430 = arith.constant 16 : i32
        %parallel_loop3A_431 = arith.addi %parallel_loop3A_429, %parallel_loop3A_430 : i32
        %parallel_loop3A_432 = arith.constant 1 : i32
        %parallel_loop3A_433 = arith.constant 0 : i32
        %parallel_loop3A_434 = arith.constant 10 : i32
        %parallel_loop3A_435 = arith.index_cast %parallel_loop3A_432 : i32 to index
        %parallel_loop3A_436 = arith.index_cast %parallel_loop3A_433 : i32 to index
        %parallel_loop3A_437 = arith.index_cast %parallel_loop3A_434 : i32 to index
        %parallel_loop3A_438 = arith.index_cast %parallel_loop3A_431 : i32 to index
        %parallel_loop3A_439 = tpu.vector_load %arg5[%parallel_loop3A_435, %parallel_loop3A_436, %parallel_loop3A_437, %parallel_loop3A_438] {strides = array<i32>} : memref<2x1x32x1024xf32, #tpu.memory_space<vmem>>, vector<16xf32>,
        tpu.vector_store %arg5[%parallel_loop3A_435, %parallel_loop3A_436, %parallel_loop3A_437, %parallel_loop3A_438], %parallel_loop3A_427 {strides = array<i32>} : memref<2x1x32x1024xf32, #tpu.memory_space<vmem>>, vector<16xf32>,
        %parallel_loop3A_440 = arith.constant 11 : i32
        %parallel_loop3A_441 = arith.subi %parallel_loop3A_109, %parallel_loop3A_440 : i32
        %parallel_loop3A_442 = arith.index_cast %parallel_loop3A_441 : i32 to index
        %parallel_loop3A_443 = tpu.vector_load %arg4[%parallel_loop3A_442] {strides = array<i32>} : memref<64512xf32, #tpu.memory_space<vmem>>, vector<16xf32>,
        %parallel_loop3A_444 = arith.constant 32 : i32
        %parallel_loop3A_445 = arith.muli %parallel_loop3A_101, %parallel_loop3A_444 : i32
        %parallel_loop3A_446 = arith.constant 1 : i32
        %parallel_loop3A_447 = arith.constant 0 : i32
        %parallel_loop3A_448 = arith.constant 11 : i32
        %parallel_loop3A_449 = arith.index_cast %parallel_loop3A_446 : i32 to index
        %parallel_loop3A_450 = arith.index_cast %parallel_loop3A_447 : i32 to index
        %parallel_loop3A_451 = arith.index_cast %parallel_loop3A_448 : i32 to index
        %parallel_loop3A_452 = arith.index_cast %parallel_loop3A_445 : i32 to index
        %parallel_loop3A_453 = tpu.vector_load %arg5[%parallel_loop3A_449, %parallel_loop3A_450, %parallel_loop3A_451, %parallel_loop3A_452] {strides = array<i32>} : memref<2x1x32x1024xf32, #tpu.memory_space<vmem>>, vector<16xf32>,
        tpu.vector_store %arg5[%parallel_loop3A_449, %parallel_loop3A_450, %parallel_loop3A_451, %parallel_loop3A_452], %parallel_loop3A_443 {strides = array<i32>} : memref<2x1x32x1024xf32, #tpu.memory_space<vmem>>, vector<16xf32>,
        %parallel_loop3A_454 = arith.constant 16 : i32
        %parallel_loop3A_455 = arith.addi %parallel_loop3A_441, %parallel_loop3A_454 : i32
        %parallel_loop3A_456 = arith.index_cast %parallel_loop3A_455 : i32 to index
        %parallel_loop3A_457 = tpu.vector_load %arg4[%parallel_loop3A_456] {strides = array<i32>} : memref<64512xf32, #tpu.memory_space<vmem>>, vector<16xf32>,
        %parallel_loop3A_458 = arith.constant 32 : i32
        %parallel_loop3A_459 = arith.muli %parallel_loop3A_101, %parallel_loop3A_458 : i32
        %parallel_loop3A_460 = arith.constant 16 : i32
        %parallel_loop3A_461 = arith.addi %parallel_loop3A_459, %parallel_loop3A_460 : i32
        %parallel_loop3A_462 = arith.constant 1 : i32
        %parallel_loop3A_463 = arith.constant 0 : i32
        %parallel_loop3A_464 = arith.constant 11 : i32
        %parallel_loop3A_465 = arith.index_cast %parallel_loop3A_462 : i32 to index
        %parallel_loop3A_466 = arith.index_cast %parallel_loop3A_463 : i32 to index
        %parallel_loop3A_467 = arith.index_cast %parallel_loop3A_464 : i32 to index
        %parallel_loop3A_468 = arith.index_cast %parallel_loop3A_461 : i32 to index
        %parallel_loop3A_469 = tpu.vector_load %arg5[%parallel_loop3A_465, %parallel_loop3A_466, %parallel_loop3A_467, %parallel_loop3A_468] {strides = array<i32>} : memref<2x1x32x1024xf32, #tpu.memory_space<vmem>>, vector<16xf32>,
        tpu.vector_store %arg5[%parallel_loop3A_465, %parallel_loop3A_466, %parallel_loop3A_467, %parallel_loop3A_468], %parallel_loop3A_457 {strides = array<i32>} : memref<2x1x32x1024xf32, #tpu.memory_space<vmem>>, vector<16xf32>,
        %parallel_loop3A_470 = arith.constant 12 : i32
        %parallel_loop3A_471 = arith.subi %parallel_loop3A_109, %parallel_loop3A_470 : i32
        %parallel_loop3A_472 = arith.index_cast %parallel_loop3A_471 : i32 to index
        %parallel_loop3A_473 = tpu.vector_load %arg4[%parallel_loop3A_472] {strides = array<i32>} : memref<64512xf32, #tpu.memory_space<vmem>>, vector<16xf32>,
        %parallel_loop3A_474 = arith.constant 32 : i32
        %parallel_loop3A_475 = arith.muli %parallel_loop3A_101, %parallel_loop3A_474 : i32
        %parallel_loop3A_476 = arith.constant 1 : i32
        %parallel_loop3A_477 = arith.constant 0 : i32
        %parallel_loop3A_478 = arith.constant 12 : i32
        %parallel_loop3A_479 = arith.index_cast %parallel_loop3A_476 : i32 to index
        %parallel_loop3A_480 = arith.index_cast %parallel_loop3A_477 : i32 to index
        %parallel_loop3A_481 = arith.index_cast %parallel_loop3A_478 : i32 to index
        %parallel_loop3A_482 = arith.index_cast %parallel_loop3A_475 : i32 to index
        %parallel_loop3A_483 = tpu.vector_load %arg5[%parallel_loop3A_479, %parallel_loop3A_480, %parallel_loop3A_481, %parallel_loop3A_482] {strides = array<i32>} : memref<2x1x32x1024xf32, #tpu.memory_space<vmem>>, vector<16xf32>,
        tpu.vector_store %arg5[%parallel_loop3A_479, %parallel_loop3A_480, %parallel_loop3A_481, %parallel_loop3A_482], %parallel_loop3A_473 {strides = array<i32>} : memref<2x1x32x1024xf32, #tpu.memory_space<vmem>>, vector<16xf32>,
        %parallel_loop3A_484 = arith.constant 16 : i32
        %parallel_loop3A_485 = arith.addi %parallel_loop3A_471, %parallel_loop3A_484 : i32
        %parallel_loop3A_486 = arith.index_cast %parallel_loop3A_485 : i32 to index
        %parallel_loop3A_487 = tpu.vector_load %arg4[%parallel_loop3A_486] {strides = array<i32>} : memref<64512xf32, #tpu.memory_space<vmem>>, vector<16xf32>,
        %parallel_loop3A_488 = arith.constant 32 : i32
        %parallel_loop3A_489 = arith.muli %parallel_loop3A_101, %parallel_loop3A_488 : i32
        %parallel_loop3A_490 = arith.constant 16 : i32
        %parallel_loop3A_491 = arith.addi %parallel_loop3A_489, %parallel_loop3A_490 : i32
        %parallel_loop3A_492 = arith.constant 1 : i32
        %parallel_loop3A_493 = arith.constant 0 : i32
        %parallel_loop3A_494 = arith.constant 12 : i32
        %parallel_loop3A_495 = arith.index_cast %parallel_loop3A_492 : i32 to index
        %parallel_loop3A_496 = arith.index_cast %parallel_loop3A_493 : i32 to index
        %parallel_loop3A_497 = arith.index_cast %parallel_loop3A_494 : i32 to index
        %parallel_loop3A_498 = arith.index_cast %parallel_loop3A_491 : i32 to index
        %parallel_loop3A_499 = tpu.vector_load %arg5[%parallel_loop3A_495, %parallel_loop3A_496, %parallel_loop3A_497, %parallel_loop3A_498] {strides = array<i32>} : memref<2x1x32x1024xf32, #tpu.memory_space<vmem>>, vector<16xf32>,
        tpu.vector_store %arg5[%parallel_loop3A_495, %parallel_loop3A_496, %parallel_loop3A_497, %parallel_loop3A_498], %parallel_loop3A_487 {strides = array<i32>} : memref<2x1x32x1024xf32, #tpu.memory_space<vmem>>, vector<16xf32>,
        %parallel_loop3A_500 = arith.constant 13 : i32
        %parallel_loop3A_501 = arith.subi %parallel_loop3A_109, %parallel_loop3A_500 : i32
        %parallel_loop3A_502 = arith.index_cast %parallel_loop3A_501 : i32 to index
        %parallel_loop3A_503 = tpu.vector_load %arg4[%parallel_loop3A_502] {strides = array<i32>} : memref<64512xf32, #tpu.memory_space<vmem>>, vector<16xf32>,
        %parallel_loop3A_504 = arith.constant 32 : i32
        %parallel_loop3A_505 = arith.muli %parallel_loop3A_101, %parallel_loop3A_504 : i32
        %parallel_loop3A_506 = arith.constant 1 : i32
        %parallel_loop3A_507 = arith.constant 0 : i32
        %parallel_loop3A_508 = arith.constant 13 : i32
        %parallel_loop3A_509 = arith.index_cast %parallel_loop3A_506 : i32 to index
        %parallel_loop3A_510 = arith.index_cast %parallel_loop3A_507 : i32 to index
        %parallel_loop3A_511 = arith.index_cast %parallel_loop3A_508 : i32 to index
        %parallel_loop3A_512 = arith.index_cast %parallel_loop3A_505 : i32 to index
        %parallel_loop3A_513 = tpu.vector_load %arg5[%parallel_loop3A_509, %parallel_loop3A_510, %parallel_loop3A_511, %parallel_loop3A_512] {strides = array<i32>} : memref<2x1x32x1024xf32, #tpu.memory_space<vmem>>, vector<16xf32>,
        tpu.vector_store %arg5[%parallel_loop3A_509, %parallel_loop3A_510, %parallel_loop3A_511, %parallel_loop3A_512], %parallel_loop3A_503 {strides = array<i32>} : memref<2x1x32x1024xf32, #tpu.memory_space<vmem>>, vector<16xf32>,
        %parallel_loop3A_514 = arith.constant 16 : i32
        %parallel_loop3A_515 = arith.addi %parallel_loop3A_501, %parallel_loop3A_514 : i32
        %parallel_loop3A_516 = arith.index_cast %parallel_loop3A_515 : i32 to index
        %parallel_loop3A_517 = tpu.vector_load %arg4[%parallel_loop3A_516] {strides = array<i32>} : memref<64512xf32, #tpu.memory_space<vmem>>, vector<16xf32>,
        %parallel_loop3A_518 = arith.constant 32 : i32
        %parallel_loop3A_519 = arith.muli %parallel_loop3A_101, %parallel_loop3A_518 : i32
        %parallel_loop3A_520 = arith.constant 16 : i32
        %parallel_loop3A_521 = arith.addi %parallel_loop3A_519, %parallel_loop3A_520 : i32
        %parallel_loop3A_522 = arith.constant 1 : i32
        %parallel_loop3A_523 = arith.constant 0 : i32
        %parallel_loop3A_524 = arith.constant 13 : i32
        %parallel_loop3A_525 = arith.index_cast %parallel_loop3A_522 : i32 to index
        %parallel_loop3A_526 = arith.index_cast %parallel_loop3A_523 : i32 to index
        %parallel_loop3A_527 = arith.index_cast %parallel_loop3A_524 : i32 to index
        %parallel_loop3A_528 = arith.index_cast %parallel_loop3A_521 : i32 to index
        %parallel_loop3A_529 = tpu.vector_load %arg5[%parallel_loop3A_525, %parallel_loop3A_526, %parallel_loop3A_527, %parallel_loop3A_528] {strides = array<i32>} : memref<2x1x32x1024xf32, #tpu.memory_space<vmem>>, vector<16xf32>,
        tpu.vector_store %arg5[%parallel_loop3A_525, %parallel_loop3A_526, %parallel_loop3A_527, %parallel_loop3A_528], %parallel_loop3A_517 {strides = array<i32>} : memref<2x1x32x1024xf32, #tpu.memory_space<vmem>>, vector<16xf32>,
        %parallel_loop3A_530 = arith.constant 14 : i32
        %parallel_loop3A_531 = arith.subi %parallel_loop3A_109, %parallel_loop3A_530 : i32
        %parallel_loop3A_532 = arith.index_cast %parallel_loop3A_531 : i32 to index
        %parallel_loop3A_533 = tpu.vector_load %arg4[%parallel_loop3A_532] {strides = array<i32>} : memref<64512xf32, #tpu.memory_space<vmem>>, vector<16xf32>,
        %parallel_loop3A_534 = arith.constant 32 : i32
        %parallel_loop3A_535 = arith.muli %parallel_loop3A_101, %parallel_loop3A_534 : i32
        %parallel_loop3A_536 = arith.constant 1 : i32
        %parallel_loop3A_537 = arith.constant 0 : i32
        %parallel_loop3A_538 = arith.constant 14 : i32
        %parallel_loop3A_539 = arith.index_cast %parallel_loop3A_536 : i32 to index
        %parallel_loop3A_540 = arith.index_cast %parallel_loop3A_537 : i32 to index
        %parallel_loop3A_541 = arith.index_cast %parallel_loop3A_538 : i32 to index
        %parallel_loop3A_542 = arith.index_cast %parallel_loop3A_535 : i32 to index
        %parallel_loop3A_543 = tpu.vector_load %arg5[%parallel_loop3A_539, %parallel_loop3A_540, %parallel_loop3A_541, %parallel_loop3A_542] {strides = array<i32>} : memref<2x1x32x1024xf32, #tpu.memory_space<vmem>>, vector<16xf32>,
        tpu.vector_store %arg5[%parallel_loop3A_539, %parallel_loop3A_540, %parallel_loop3A_541, %parallel_loop3A_542], %parallel_loop3A_533 {strides = array<i32>} : memref<2x1x32x1024xf32, #tpu.memory_space<vmem>>, vector<16xf32>,
        %parallel_loop3A_544 = arith.constant 16 : i32
        %parallel_loop3A_545 = arith.addi %parallel_loop3A_531, %parallel_loop3A_544 : i32
        %parallel_loop3A_546 = arith.index_cast %parallel_loop3A_545 : i32 to index
        %parallel_loop3A_547 = tpu.vector_load %arg4[%parallel_loop3A_546] {strides = array<i32>} : memref<64512xf32, #tpu.memory_space<vmem>>, vector<16xf32>,
        %parallel_loop3A_548 = arith.constant 32 : i32
        %parallel_loop3A_549 = arith.muli %parallel_loop3A_101, %parallel_loop3A_548 : i32
        %parallel_loop3A_550 = arith.constant 16 : i32
        %parallel_loop3A_551 = arith.addi %parallel_loop3A_549, %parallel_loop3A_550 : i32
        %parallel_loop3A_552 = arith.constant 1 : i32
        %parallel_loop3A_553 = arith.constant 0 : i32
        %parallel_loop3A_554 = arith.constant 14 : i32
        %parallel_loop3A_555 = arith.index_cast %parallel_loop3A_552 : i32 to index
        %parallel_loop3A_556 = arith.index_cast %parallel_loop3A_553 : i32 to index
        %parallel_loop3A_557 = arith.index_cast %parallel_loop3A_554 : i32 to index
        %parallel_loop3A_558 = arith.index_cast %parallel_loop3A_551 : i32 to index
        %parallel_loop3A_559 = tpu.vector_load %arg5[%parallel_loop3A_555, %parallel_loop3A_556, %parallel_loop3A_557, %parallel_loop3A_558] {strides = array<i32>} : memref<2x1x32x1024xf32, #tpu.memory_space<vmem>>, vector<16xf32>,
        tpu.vector_store %arg5[%parallel_loop3A_555, %parallel_loop3A_556, %parallel_loop3A_557, %parallel_loop3A_558], %parallel_loop3A_547 {strides = array<i32>} : memref<2x1x32x1024xf32, #tpu.memory_space<vmem>>, vector<16xf32>,
        %parallel_loop3A_560 = arith.constant 15 : i32
        %parallel_loop3A_561 = arith.subi %parallel_loop3A_109, %parallel_loop3A_560 : i32
        %parallel_loop3A_562 = arith.index_cast %parallel_loop3A_561 : i32 to index
        %parallel_loop3A_563 = tpu.vector_load %arg4[%parallel_loop3A_562] {strides = array<i32>} : memref<64512xf32, #tpu.memory_space<vmem>>, vector<16xf32>,
        %parallel_loop3A_564 = arith.constant 32 : i32
        %parallel_loop3A_565 = arith.muli %parallel_loop3A_101, %parallel_loop3A_564 : i32
        %parallel_loop3A_566 = arith.constant 1 : i32
        %parallel_loop3A_567 = arith.constant 0 : i32
        %parallel_loop3A_568 = arith.constant 15 : i32
        %parallel_loop3A_569 = arith.index_cast %parallel_loop3A_566 : i32 to index
        %parallel_loop3A_570 = arith.index_cast %parallel_loop3A_567 : i32 to index
        %parallel_loop3A_571 = arith.index_cast %parallel_loop3A_568 : i32 to index
        %parallel_loop3A_572 = arith.index_cast %parallel_loop3A_565 : i32 to index
        %parallel_loop3A_573 = tpu.vector_load %arg5[%parallel_loop3A_569, %parallel_loop3A_570, %parallel_loop3A_571, %parallel_loop3A_572] {strides = array<i32>} : memref<2x1x32x1024xf32, #tpu.memory_space<vmem>>, vector<16xf32>,
        tpu.vector_store %arg5[%parallel_loop3A_569, %parallel_loop3A_570, %parallel_loop3A_571, %parallel_loop3A_572], %parallel_loop3A_563 {strides = array<i32>} : memref<2x1x32x1024xf32, #tpu.memory_space<vmem>>, vector<16xf32>,
        %parallel_loop3A_574 = arith.constant 16 : i32
        %parallel_loop3A_575 = arith.addi %parallel_loop3A_561, %parallel_loop3A_574 : i32
        %parallel_loop3A_576 = arith.index_cast %parallel_loop3A_575 : i32 to index
        %parallel_loop3A_577 = tpu.vector_load %arg4[%parallel_loop3A_576] {strides = array<i32>} : memref<64512xf32, #tpu.memory_space<vmem>>, vector<16xf32>,
        %parallel_loop3A_578 = arith.constant 32 : i32
        %parallel_loop3A_579 = arith.muli %parallel_loop3A_101, %parallel_loop3A_578 : i32
        %parallel_loop3A_580 = arith.constant 16 : i32
        %parallel_loop3A_581 = arith.addi %parallel_loop3A_579, %parallel_loop3A_580 : i32
        %parallel_loop3A_582 = arith.constant 1 : i32
        %parallel_loop3A_583 = arith.constant 0 : i32
        %parallel_loop3A_584 = arith.constant 15 : i32
        %parallel_loop3A_585 = arith.index_cast %parallel_loop3A_582 : i32 to index
        %parallel_loop3A_586 = arith.index_cast %parallel_loop3A_583 : i32 to index
        %parallel_loop3A_587 = arith.index_cast %parallel_loop3A_584 : i32 to index
        %parallel_loop3A_588 = arith.index_cast %parallel_loop3A_581 : i32 to index
        %parallel_loop3A_589 = tpu.vector_load %arg5[%parallel_loop3A_585, %parallel_loop3A_586, %parallel_loop3A_587, %parallel_loop3A_588] {strides = array<i32>} : memref<2x1x32x1024xf32, #tpu.memory_space<vmem>>, vector<16xf32>,
        tpu.vector_store %arg5[%parallel_loop3A_585, %parallel_loop3A_586, %parallel_loop3A_587, %parallel_loop3A_588], %parallel_loop3A_577 {strides = array<i32>} : memref<2x1x32x1024xf32, #tpu.memory_space<vmem>>, vector<16xf32>,
        %parallel_loop3A_590 = arith.constant 16 : i32
        %parallel_loop3A_591 = arith.subi %parallel_loop3A_109, %parallel_loop3A_590 : i32
        %parallel_loop3A_592 = arith.index_cast %parallel_loop3A_591 : i32 to index
        %parallel_loop3A_593 = tpu.vector_load %arg4[%parallel_loop3A_592] {strides = array<i32>} : memref<64512xf32, #tpu.memory_space<vmem>>, vector<16xf32>,
        %parallel_loop3A_594 = arith.constant 32 : i32
        %parallel_loop3A_595 = arith.muli %parallel_loop3A_101, %parallel_loop3A_594 : i32
        %parallel_loop3A_596 = arith.constant 1 : i32
        %parallel_loop3A_597 = arith.constant 0 : i32
        %parallel_loop3A_598 = arith.constant 16 : i32
        %parallel_loop3A_599 = arith.index_cast %parallel_loop3A_596 : i32 to index
        %parallel_loop3A_600 = arith.index_cast %parallel_loop3A_597 : i32 to index
        %parallel_loop3A_601 = arith.index_cast %parallel_loop3A_598 : i32 to index
        %parallel_loop3A_602 = arith.index_cast %parallel_loop3A_595 : i32 to index
        %parallel_loop3A_603 = tpu.vector_load %arg5[%parallel_loop3A_599, %parallel_loop3A_600, %parallel_loop3A_601, %parallel_loop3A_602] {strides = array<i32>} : memref<2x1x32x1024xf32, #tpu.memory_space<vmem>>, vector<16xf32>,
        tpu.vector_store %arg5[%parallel_loop3A_599, %parallel_loop3A_600, %parallel_loop3A_601, %parallel_loop3A_602], %parallel_loop3A_593 {strides = array<i32>} : memref<2x1x32x1024xf32, #tpu.memory_space<vmem>>, vector<16xf32>,
        %parallel_loop3A_604 = arith.constant 16 : i32
        %parallel_loop3A_605 = arith.addi %parallel_loop3A_591, %parallel_loop3A_604 : i32
        %parallel_loop3A_606 = arith.index_cast %parallel_loop3A_605 : i32 to index
        %parallel_loop3A_607 = tpu.vector_load %arg4[%parallel_loop3A_606] {strides = array<i32>} : memref<64512xf32, #tpu.memory_space<vmem>>, vector<16xf32>,
        %parallel_loop3A_608 = arith.constant 32 : i32
        %parallel_loop3A_609 = arith.muli %parallel_loop3A_101, %parallel_loop3A_608 : i32
        %parallel_loop3A_610 = arith.constant 16 : i32
        %parallel_loop3A_611 = arith.addi %parallel_loop3A_609, %parallel_loop3A_610 : i32
        %parallel_loop3A_612 = arith.constant 1 : i32
        %parallel_loop3A_613 = arith.constant 0 : i32
        %parallel_loop3A_614 = arith.constant 16 : i32
        %parallel_loop3A_615 = arith.index_cast %parallel_loop3A_612 : i32 to index
        %parallel_loop3A_616 = arith.index_cast %parallel_loop3A_613 : i32 to index
        %parallel_loop3A_617 = arith.index_cast %parallel_loop3A_614 : i32 to index
        %parallel_loop3A_618 = arith.index_cast %parallel_loop3A_611 : i32 to index
        %parallel_loop3A_619 = tpu.vector_load %arg5[%parallel_loop3A_615, %parallel_loop3A_616, %parallel_loop3A_617, %parallel_loop3A_618] {strides = array<i32>} : memref<2x1x32x1024xf32, #tpu.memory_space<vmem>>, vector<16xf32>,
        tpu.vector_store %arg5[%parallel_loop3A_615, %parallel_loop3A_616, %parallel_loop3A_617, %parallel_loop3A_618], %parallel_loop3A_607 {strides = array<i32>} : memref<2x1x32x1024xf32, #tpu.memory_space<vmem>>, vector<16xf32>,
        %parallel_loop3A_620 = arith.constant 17 : i32
        %parallel_loop3A_621 = arith.subi %parallel_loop3A_109, %parallel_loop3A_620 : i32
        %parallel_loop3A_622 = arith.index_cast %parallel_loop3A_621 : i32 to index
        %parallel_loop3A_623 = tpu.vector_load %arg4[%parallel_loop3A_622] {strides = array<i32>} : memref<64512xf32, #tpu.memory_space<vmem>>, vector<16xf32>,
        %parallel_loop3A_624 = arith.constant 32 : i32
        %parallel_loop3A_625 = arith.muli %parallel_loop3A_101, %parallel_loop3A_624 : i32
        %parallel_loop3A_626 = arith.constant 1 : i32
        %parallel_loop3A_627 = arith.constant 0 : i32
        %parallel_loop3A_628 = arith.constant 17 : i32
        %parallel_loop3A_629 = arith.index_cast %parallel_loop3A_626 : i32 to index
        %parallel_loop3A_630 = arith.index_cast %parallel_loop3A_627 : i32 to index
        %parallel_loop3A_631 = arith.index_cast %parallel_loop3A_628 : i32 to index
        %parallel_loop3A_632 = arith.index_cast %parallel_loop3A_625 : i32 to index
        %parallel_loop3A_633 = tpu.vector_load %arg5[%parallel_loop3A_629, %parallel_loop3A_630, %parallel_loop3A_631, %parallel_loop3A_632] {strides = array<i32>} : memref<2x1x32x1024xf32, #tpu.memory_space<vmem>>, vector<16xf32>,
        tpu.vector_store %arg5[%parallel_loop3A_629, %parallel_loop3A_630, %parallel_loop3A_631, %parallel_loop3A_632], %parallel_loop3A_623 {strides = array<i32>} : memref<2x1x32x1024xf32, #tpu.memory_space<vmem>>, vector<16xf32>,
        %parallel_loop3A_634 = arith.constant 16 : i32
        %parallel_loop3A_635 = arith.addi %parallel_loop3A_621, %parallel_loop3A_634 : i32
        %parallel_loop3A_636 = arith.index_cast %parallel_loop3A_635 : i32 to index
        %parallel_loop3A_637 = tpu.vector_load %arg4[%parallel_loop3A_636] {strides = array<i32>} : memref<64512xf32, #tpu.memory_space<vmem>>, vector<16xf32>,
        %parallel_loop3A_638 = arith.constant 32 : i32
        %parallel_loop3A_639 = arith.muli %parallel_loop3A_101, %parallel_loop3A_638 : i32
        %parallel_loop3A_640 = arith.constant 16 : i32
        %parallel_loop3A_641 = arith.addi %parallel_loop3A_639, %parallel_loop3A_640 : i32
        %parallel_loop3A_642 = arith.constant 1 : i32
        %parallel_loop3A_643 = arith.constant 0 : i32
        %parallel_loop3A_644 = arith.constant 17 : i32
        %parallel_loop3A_645 = arith.index_cast %parallel_loop3A_642 : i32 to index
        %parallel_loop3A_646 = arith.index_cast %parallel_loop3A_643 : i32 to index
        %parallel_loop3A_647 = arith.index_cast %parallel_loop3A_644 : i32 to index
        %parallel_loop3A_648 = arith.index_cast %parallel_loop3A_641 : i32 to index
        %parallel_loop3A_649 = tpu.vector_load %arg5[%parallel_loop3A_645, %parallel_loop3A_646, %parallel_loop3A_647, %parallel_loop3A_648] {strides = array<i32>} : memref<2x1x32x1024xf32, #tpu.memory_space<vmem>>, vector<16xf32>,
        tpu.vector_store %arg5[%parallel_loop3A_645, %parallel_loop3A_646, %parallel_loop3A_647, %parallel_loop3A_648], %parallel_loop3A_637 {strides = array<i32>} : memref<2x1x32x1024xf32, #tpu.memory_space<vmem>>, vector<16xf32>,
        %parallel_loop3A_650 = arith.constant 18 : i32
        %parallel_loop3A_651 = arith.subi %parallel_loop3A_109, %parallel_loop3A_650 : i32
        %parallel_loop3A_652 = arith.index_cast %parallel_loop3A_651 : i32 to index
        %parallel_loop3A_653 = tpu.vector_load %arg4[%parallel_loop3A_652] {strides = array<i32>} : memref<64512xf32, #tpu.memory_space<vmem>>, vector<16xf32>,
        %parallel_loop3A_654 = arith.constant 32 : i32
        %parallel_loop3A_655 = arith.muli %parallel_loop3A_101, %parallel_loop3A_654 : i32
        %parallel_loop3A_656 = arith.constant 1 : i32
        %parallel_loop3A_657 = arith.constant 0 : i32
        %parallel_loop3A_658 = arith.constant 18 : i32
        %parallel_loop3A_659 = arith.index_cast %parallel_loop3A_656 : i32 to index
        %parallel_loop3A_660 = arith.index_cast %parallel_loop3A_657 : i32 to index
        %parallel_loop3A_661 = arith.index_cast %parallel_loop3A_658 : i32 to index
        %parallel_loop3A_662 = arith.index_cast %parallel_loop3A_655 : i32 to index
        %parallel_loop3A_663 = tpu.vector_load %arg5[%parallel_loop3A_659, %parallel_loop3A_660, %parallel_loop3A_661, %parallel_loop3A_662] {strides = array<i32>} : memref<2x1x32x1024xf32, #tpu.memory_space<vmem>>, vector<16xf32>,
        tpu.vector_store %arg5[%parallel_loop3A_659, %parallel_loop3A_660, %parallel_loop3A_661, %parallel_loop3A_662], %parallel_loop3A_653 {strides = array<i32>} : memref<2x1x32x1024xf32, #tpu.memory_space<vmem>>, vector<16xf32>,
        %parallel_loop3A_664 = arith.constant 16 : i32
        %parallel_loop3A_665 = arith.addi %parallel_loop3A_651, %parallel_loop3A_664 : i32
        %parallel_loop3A_666 = arith.index_cast %parallel_loop3A_665 : i32 to index
        %parallel_loop3A_667 = tpu.vector_load %arg4[%parallel_loop3A_666] {strides = array<i32>} : memref<64512xf32, #tpu.memory_space<vmem>>, vector<16xf32>,
        %parallel_loop3A_668 = arith.constant 32 : i32
        %parallel_loop3A_669 = arith.muli %parallel_loop3A_101, %parallel_loop3A_668 : i32
        %parallel_loop3A_670 = arith.constant 16 : i32
        %parallel_loop3A_671 = arith.addi %parallel_loop3A_669, %parallel_loop3A_670 : i32
        %parallel_loop3A_672 = arith.constant 1 : i32
        %parallel_loop3A_673 = arith.constant 0 : i32
        %parallel_loop3A_674 = arith.constant 18 : i32
        %parallel_loop3A_675 = arith.index_cast %parallel_loop3A_672 : i32 to index
        %parallel_loop3A_676 = arith.index_cast %parallel_loop3A_673 : i32 to index
        %parallel_loop3A_677 = arith.index_cast %parallel_loop3A_674 : i32 to index
        %parallel_loop3A_678 = arith.index_cast %parallel_loop3A_671 : i32 to index
        %parallel_loop3A_679 = tpu.vector_load %arg5[%parallel_loop3A_675, %parallel_loop3A_676, %parallel_loop3A_677, %parallel_loop3A_678] {strides = array<i32>} : memref<2x1x32x1024xf32, #tpu.memory_space<vmem>>, vector<16xf32>,
        tpu.vector_store %arg5[%parallel_loop3A_675, %parallel_loop3A_676, %parallel_loop3A_677, %parallel_loop3A_678], %parallel_loop3A_667 {strides = array<i32>} : memref<2x1x32x1024xf32, #tpu.memory_space<vmem>>, vector<16xf32>,
        %parallel_loop3A_680 = arith.constant 19 : i32
        %parallel_loop3A_681 = arith.subi %parallel_loop3A_109, %parallel_loop3A_680 : i32
        %parallel_loop3A_682 = arith.index_cast %parallel_loop3A_681 : i32 to index
        %parallel_loop3A_683 = tpu.vector_load %arg4[%parallel_loop3A_682] {strides = array<i32>} : memref<64512xf32, #tpu.memory_space<vmem>>, vector<16xf32>,
        %parallel_loop3A_684 = arith.constant 32 : i32
        %parallel_loop3A_685 = arith.muli %parallel_loop3A_101, %parallel_loop3A_684 : i32
        %parallel_loop3A_686 = arith.constant 1 : i32
        %parallel_loop3A_687 = arith.constant 0 : i32
        %parallel_loop3A_688 = arith.constant 19 : i32
        %parallel_loop3A_689 = arith.index_cast %parallel_loop3A_686 : i32 to index
        %parallel_loop3A_690 = arith.index_cast %parallel_loop3A_687 : i32 to index
        %parallel_loop3A_691 = arith.index_cast %parallel_loop3A_688 : i32 to index
        %parallel_loop3A_692 = arith.index_cast %parallel_loop3A_685 : i32 to index
        %parallel_loop3A_693 = tpu.vector_load %arg5[%parallel_loop3A_689, %parallel_loop3A_690, %parallel_loop3A_691, %parallel_loop3A_692] {strides = array<i32>} : memref<2x1x32x1024xf32, #tpu.memory_space<vmem>>, vector<16xf32>,
        tpu.vector_store %arg5[%parallel_loop3A_689, %parallel_loop3A_690, %parallel_loop3A_691, %parallel_loop3A_692], %parallel_loop3A_683 {strides = array<i32>} : memref<2x1x32x1024xf32, #tpu.memory_space<vmem>>, vector<16xf32>,
        %parallel_loop3A_694 = arith.constant 16 : i32
        %parallel_loop3A_695 = arith.addi %parallel_loop3A_681, %parallel_loop3A_694 : i32
        %parallel_loop3A_696 = arith.index_cast %parallel_loop3A_695 : i32 to index
        %parallel_loop3A_697 = tpu.vector_load %arg4[%parallel_loop3A_696] {strides = array<i32>} : memref<64512xf32, #tpu.memory_space<vmem>>, vector<16xf32>,
        %parallel_loop3A_698 = arith.constant 32 : i32
        %parallel_loop3A_699 = arith.muli %parallel_loop3A_101, %parallel_loop3A_698 : i32
        %parallel_loop3A_700 = arith.constant 16 : i32
        %parallel_loop3A_701 = arith.addi %parallel_loop3A_699, %parallel_loop3A_700 : i32
        %parallel_loop3A_702 = arith.constant 1 : i32
        %parallel_loop3A_703 = arith.constant 0 : i32
        %parallel_loop3A_704 = arith.constant 19 : i32
        %parallel_loop3A_705 = arith.index_cast %parallel_loop3A_702 : i32 to index
        %parallel_loop3A_706 = arith.index_cast %parallel_loop3A_703 : i32 to index
        %parallel_loop3A_707 = arith.index_cast %parallel_loop3A_704 : i32 to index
        %parallel_loop3A_708 = arith.index_cast %parallel_loop3A_701 : i32 to index
        %parallel_loop3A_709 = tpu.vector_load %arg5[%parallel_loop3A_705, %parallel_loop3A_706, %parallel_loop3A_707, %parallel_loop3A_708] {strides = array<i32>} : memref<2x1x32x1024xf32, #tpu.memory_space<vmem>>, vector<16xf32>,
        tpu.vector_store %arg5[%parallel_loop3A_705, %parallel_loop3A_706, %parallel_loop3A_707, %parallel_loop3A_708], %parallel_loop3A_697 {strides = array<i32>} : memref<2x1x32x1024xf32, #tpu.memory_space<vmem>>, vector<16xf32>,
        %parallel_loop3A_710 = arith.constant 20 : i32
        %parallel_loop3A_711 = arith.subi %parallel_loop3A_109, %parallel_loop3A_710 : i32
        %parallel_loop3A_712 = arith.index_cast %parallel_loop3A_711 : i32 to index
        %parallel_loop3A_713 = tpu.vector_load %arg4[%parallel_loop3A_712] {strides = array<i32>} : memref<64512xf32, #tpu.memory_space<vmem>>, vector<16xf32>,
        %parallel_loop3A_714 = arith.constant 32 : i32
        %parallel_loop3A_715 = arith.muli %parallel_loop3A_101, %parallel_loop3A_714 : i32
        %parallel_loop3A_716 = arith.constant 1 : i32
        %parallel_loop3A_717 = arith.constant 0 : i32
        %parallel_loop3A_718 = arith.constant 20 : i32
        %parallel_loop3A_719 = arith.index_cast %parallel_loop3A_716 : i32 to index
        %parallel_loop3A_720 = arith.index_cast %parallel_loop3A_717 : i32 to index
        %parallel_loop3A_721 = arith.index_cast %parallel_loop3A_718 : i32 to index
        %parallel_loop3A_722 = arith.index_cast %parallel_loop3A_715 : i32 to index
        %parallel_loop3A_723 = tpu.vector_load %arg5[%parallel_loop3A_719, %parallel_loop3A_720, %parallel_loop3A_721, %parallel_loop3A_722] {strides = array<i32>} : memref<2x1x32x1024xf32, #tpu.memory_space<vmem>>, vector<16xf32>,
        tpu.vector_store %arg5[%parallel_loop3A_719, %parallel_loop3A_720, %parallel_loop3A_721, %parallel_loop3A_722], %parallel_loop3A_713 {strides = array<i32>} : memref<2x1x32x1024xf32, #tpu.memory_space<vmem>>, vector<16xf32>,
        %parallel_loop3A_724 = arith.constant 16 : i32
        %parallel_loop3A_725 = arith.addi %parallel_loop3A_711, %parallel_loop3A_724 : i32
        %parallel_loop3A_726 = arith.index_cast %parallel_loop3A_725 : i32 to index
        %parallel_loop3A_727 = tpu.vector_load %arg4[%parallel_loop3A_726] {strides = array<i32>} : memref<64512xf32, #tpu.memory_space<vmem>>, vector<16xf32>,
        %parallel_loop3A_728 = arith.constant 32 : i32
        %parallel_loop3A_729 = arith.muli %parallel_loop3A_101, %parallel_loop3A_728 : i32
        %parallel_loop3A_730 = arith.constant 16 : i32
        %parallel_loop3A_731 = arith.addi %parallel_loop3A_729, %parallel_loop3A_730 : i32
        %parallel_loop3A_732 = arith.constant 1 : i32
        %parallel_loop3A_733 = arith.constant 0 : i32
        %parallel_loop3A_734 = arith.constant 20 : i32
        %parallel_loop3A_735 = arith.index_cast %parallel_loop3A_732 : i32 to index
        %parallel_loop3A_736 = arith.index_cast %parallel_loop3A_733 : i32 to index
        %parallel_loop3A_737 = arith.index_cast %parallel_loop3A_734 : i32 to index
        %parallel_loop3A_738 = arith.index_cast %parallel_loop3A_731 : i32 to index
        %parallel_loop3A_739 = tpu.vector_load %arg5[%parallel_loop3A_735, %parallel_loop3A_736, %parallel_loop3A_737, %parallel_loop3A_738] {strides = array<i32>} : memref<2x1x32x1024xf32, #tpu.memory_space<vmem>>, vector<16xf32>,
        tpu.vector_store %arg5[%parallel_loop3A_735, %parallel_loop3A_736, %parallel_loop3A_737, %parallel_loop3A_738], %parallel_loop3A_727 {strides = array<i32>} : memref<2x1x32x1024xf32, #tpu.memory_space<vmem>>, vector<16xf32>,
        %parallel_loop3A_740 = arith.constant 21 : i32
        %parallel_loop3A_741 = arith.subi %parallel_loop3A_109, %parallel_loop3A_740 : i32
        %parallel_loop3A_742 = arith.index_cast %parallel_loop3A_741 : i32 to index
        %parallel_loop3A_743 = tpu.vector_load %arg4[%parallel_loop3A_742] {strides = array<i32>} : memref<64512xf32, #tpu.memory_space<vmem>>, vector<16xf32>,
        %parallel_loop3A_744 = arith.constant 32 : i32
        %parallel_loop3A_745 = arith.muli %parallel_loop3A_101, %parallel_loop3A_744 : i32
        %parallel_loop3A_746 = arith.constant 1 : i32
        %parallel_loop3A_747 = arith.constant 0 : i32
        %parallel_loop3A_748 = arith.constant 21 : i32
        %parallel_loop3A_749 = arith.index_cast %parallel_loop3A_746 : i32 to index
        %parallel_loop3A_750 = arith.index_cast %parallel_loop3A_747 : i32 to index
        %parallel_loop3A_751 = arith.index_cast %parallel_loop3A_748 : i32 to index
        %parallel_loop3A_752 = arith.index_cast %parallel_loop3A_745 : i32 to index
        %parallel_loop3A_753 = tpu.vector_load %arg5[%parallel_loop3A_749, %parallel_loop3A_750, %parallel_loop3A_751, %parallel_loop3A_752] {strides = array<i32>} : memref<2x1x32x1024xf32, #tpu.memory_space<vmem>>, vector<16xf32>,
        tpu.vector_store %arg5[%parallel_loop3A_749, %parallel_loop3A_750, %parallel_loop3A_751, %parallel_loop3A_752], %parallel_loop3A_743 {strides = array<i32>} : memref<2x1x32x1024xf32, #tpu.memory_space<vmem>>, vector<16xf32>,
        %parallel_loop3A_754 = arith.constant 16 : i32
        %parallel_loop3A_755 = arith.addi %parallel_loop3A_741, %parallel_loop3A_754 : i32
        %parallel_loop3A_756 = arith.index_cast %parallel_loop3A_755 : i32 to index
        %parallel_loop3A_757 = tpu.vector_load %arg4[%parallel_loop3A_756] {strides = array<i32>} : memref<64512xf32, #tpu.memory_space<vmem>>, vector<16xf32>,
        %parallel_loop3A_758 = arith.constant 32 : i32
        %parallel_loop3A_759 = arith.muli %parallel_loop3A_101, %parallel_loop3A_758 : i32
        %parallel_loop3A_760 = arith.constant 16 : i32
        %parallel_loop3A_761 = arith.addi %parallel_loop3A_759, %parallel_loop3A_760 : i32
        %parallel_loop3A_762 = arith.constant 1 : i32
        %parallel_loop3A_763 = arith.constant 0 : i32
        %parallel_loop3A_764 = arith.constant 21 : i32
        %parallel_loop3A_765 = arith.index_cast %parallel_loop3A_762 : i32 to index
        %parallel_loop3A_766 = arith.index_cast %parallel_loop3A_763 : i32 to index
        %parallel_loop3A_767 = arith.index_cast %parallel_loop3A_764 : i32 to index
        %parallel_loop3A_768 = arith.index_cast %parallel_loop3A_761 : i32 to index
        %parallel_loop3A_769 = tpu.vector_load %arg5[%parallel_loop3A_765, %parallel_loop3A_766, %parallel_loop3A_767, %parallel_loop3A_768] {strides = array<i32>} : memref<2x1x32x1024xf32, #tpu.memory_space<vmem>>, vector<16xf32>,
        tpu.vector_store %arg5[%parallel_loop3A_765, %parallel_loop3A_766, %parallel_loop3A_767, %parallel_loop3A_768], %parallel_loop3A_757 {strides = array<i32>} : memref<2x1x32x1024xf32, #tpu.memory_space<vmem>>, vector<16xf32>,
        %parallel_loop3A_770 = arith.constant 22 : i32
        %parallel_loop3A_771 = arith.subi %parallel_loop3A_109, %parallel_loop3A_770 : i32
        %parallel_loop3A_772 = arith.index_cast %parallel_loop3A_771 : i32 to index
        %parallel_loop3A_773 = tpu.vector_load %arg4[%parallel_loop3A_772] {strides = array<i32>} : memref<64512xf32, #tpu.memory_space<vmem>>, vector<16xf32>,
        %parallel_loop3A_774 = arith.constant 32 : i32
        %parallel_loop3A_775 = arith.muli %parallel_loop3A_101, %parallel_loop3A_774 : i32
        %parallel_loop3A_776 = arith.constant 1 : i32
        %parallel_loop3A_777 = arith.constant 0 : i32
        %parallel_loop3A_778 = arith.constant 22 : i32
        %parallel_loop3A_779 = arith.index_cast %parallel_loop3A_776 : i32 to index
        %parallel_loop3A_780 = arith.index_cast %parallel_loop3A_777 : i32 to index
        %parallel_loop3A_781 = arith.index_cast %parallel_loop3A_778 : i32 to index
        %parallel_loop3A_782 = arith.index_cast %parallel_loop3A_775 : i32 to index
        %parallel_loop3A_783 = tpu.vector_load %arg5[%parallel_loop3A_779, %parallel_loop3A_780, %parallel_loop3A_781, %parallel_loop3A_782] {strides = array<i32>} : memref<2x1x32x1024xf32, #tpu.memory_space<vmem>>, vector<16xf32>,
        tpu.vector_store %arg5[%parallel_loop3A_779, %parallel_loop3A_780, %parallel_loop3A_781, %parallel_loop3A_782], %parallel_loop3A_773 {strides = array<i32>} : memref<2x1x32x1024xf32, #tpu.memory_space<vmem>>, vector<16xf32>,
        %parallel_loop3A_784 = arith.constant 16 : i32
        %parallel_loop3A_785 = arith.addi %parallel_loop3A_771, %parallel_loop3A_784 : i32
        %parallel_loop3A_786 = arith.index_cast %parallel_loop3A_785 : i32 to index
        %parallel_loop3A_787 = tpu.vector_load %arg4[%parallel_loop3A_786] {strides = array<i32>} : memref<64512xf32, #tpu.memory_space<vmem>>, vector<16xf32>,
        %parallel_loop3A_788 = arith.constant 32 : i32
        %parallel_loop3A_789 = arith.muli %parallel_loop3A_101, %parallel_loop3A_788 : i32
        %parallel_loop3A_790 = arith.constant 16 : i32
        %parallel_loop3A_791 = arith.addi %parallel_loop3A_789, %parallel_loop3A_790 : i32
        %parallel_loop3A_792 = arith.constant 1 : i32
        %parallel_loop3A_793 = arith.constant 0 : i32
        %parallel_loop3A_794 = arith.constant 22 : i32
        %parallel_loop3A_795 = arith.index_cast %parallel_loop3A_792 : i32 to index
        %parallel_loop3A_796 = arith.index_cast %parallel_loop3A_793 : i32 to index
        %parallel_loop3A_797 = arith.index_cast %parallel_loop3A_794 : i32 to index
        %parallel_loop3A_798 = arith.index_cast %parallel_loop3A_791 : i32 to index
        %parallel_loop3A_799 = tpu.vector_load %arg5[%parallel_loop3A_795, %parallel_loop3A_796, %parallel_loop3A_797, %parallel_loop3A_798] {strides = array<i32>} : memref<2x1x32x1024xf32, #tpu.memory_space<vmem>>, vector<16xf32>,
        tpu.vector_store %arg5[%parallel_loop3A_795, %parallel_loop3A_796, %parallel_loop3A_797, %parallel_loop3A_798], %parallel_loop3A_787 {strides = array<i32>} : memref<2x1x32x1024xf32, #tpu.memory_space<vmem>>, vector<16xf32>,
        %parallel_loop3A_800 = arith.constant 23 : i32
        %parallel_loop3A_801 = arith.subi %parallel_loop3A_109, %parallel_loop3A_800 : i32
        %parallel_loop3A_802 = arith.index_cast %parallel_loop3A_801 : i32 to index
        %parallel_loop3A_803 = tpu.vector_load %arg4[%parallel_loop3A_802] {strides = array<i32>} : memref<64512xf32, #tpu.memory_space<vmem>>, vector<16xf32>,
        %parallel_loop3A_804 = arith.constant 32 : i32
        %parallel_loop3A_805 = arith.muli %parallel_loop3A_101, %parallel_loop3A_804 : i32
        %parallel_loop3A_806 = arith.constant 1 : i32
        %parallel_loop3A_807 = arith.constant 0 : i32
        %parallel_loop3A_808 = arith.constant 23 : i32
        %parallel_loop3A_809 = arith.index_cast %parallel_loop3A_806 : i32 to index
        %parallel_loop3A_810 = arith.index_cast %parallel_loop3A_807 : i32 to index
        %parallel_loop3A_811 = arith.index_cast %parallel_loop3A_808 : i32 to index
        %parallel_loop3A_812 = arith.index_cast %parallel_loop3A_805 : i32 to index
        %parallel_loop3A_813 = tpu.vector_load %arg5[%parallel_loop3A_809, %parallel_loop3A_810, %parallel_loop3A_811, %parallel_loop3A_812] {strides = array<i32>} : memref<2x1x32x1024xf32, #tpu.memory_space<vmem>>, vector<16xf32>,
        tpu.vector_store %arg5[%parallel_loop3A_809, %parallel_loop3A_810, %parallel_loop3A_811, %parallel_loop3A_812], %parallel_loop3A_803 {strides = array<i32>} : memref<2x1x32x1024xf32, #tpu.memory_space<vmem>>, vector<16xf32>,
        %parallel_loop3A_814 = arith.constant 16 : i32
        %parallel_loop3A_815 = arith.addi %parallel_loop3A_801, %parallel_loop3A_814 : i32
        %parallel_loop3A_816 = arith.index_cast %parallel_loop3A_815 : i32 to index
        %parallel_loop3A_817 = tpu.vector_load %arg4[%parallel_loop3A_816] {strides = array<i32>} : memref<64512xf32, #tpu.memory_space<vmem>>, vector<16xf32>,
        %parallel_loop3A_818 = arith.constant 32 : i32
        %parallel_loop3A_819 = arith.muli %parallel_loop3A_101, %parallel_loop3A_818 : i32
        %parallel_loop3A_820 = arith.constant 16 : i32
        %parallel_loop3A_821 = arith.addi %parallel_loop3A_819, %parallel_loop3A_820 : i32
        %parallel_loop3A_822 = arith.constant 1 : i32
        %parallel_loop3A_823 = arith.constant 0 : i32
        %parallel_loop3A_824 = arith.constant 23 : i32
        %parallel_loop3A_825 = arith.index_cast %parallel_loop3A_822 : i32 to index
        %parallel_loop3A_826 = arith.index_cast %parallel_loop3A_823 : i32 to index
        %parallel_loop3A_827 = arith.index_cast %parallel_loop3A_824 : i32 to index
        %parallel_loop3A_828 = arith.index_cast %parallel_loop3A_821 : i32 to index
        %parallel_loop3A_829 = tpu.vector_load %arg5[%parallel_loop3A_825, %parallel_loop3A_826, %parallel_loop3A_827, %parallel_loop3A_828] {strides = array<i32>} : memref<2x1x32x1024xf32, #tpu.memory_space<vmem>>, vector<16xf32>,
        tpu.vector_store %arg5[%parallel_loop3A_825, %parallel_loop3A_826, %parallel_loop3A_827, %parallel_loop3A_828], %parallel_loop3A_817 {strides = array<i32>} : memref<2x1x32x1024xf32, #tpu.memory_space<vmem>>, vector<16xf32>,
        %parallel_loop3A_830 = arith.constant 24 : i32
        %parallel_loop3A_831 = arith.subi %parallel_loop3A_109, %parallel_loop3A_830 : i32
        %parallel_loop3A_832 = arith.index_cast %parallel_loop3A_831 : i32 to index
        %parallel_loop3A_833 = tpu.vector_load %arg4[%parallel_loop3A_832] {strides = array<i32>} : memref<64512xf32, #tpu.memory_space<vmem>>, vector<16xf32>,
        %parallel_loop3A_834 = arith.constant 32 : i32
        %parallel_loop3A_835 = arith.muli %parallel_loop3A_101, %parallel_loop3A_834 : i32
        %parallel_loop3A_836 = arith.constant 1 : i32
        %parallel_loop3A_837 = arith.constant 0 : i32
        %parallel_loop3A_838 = arith.constant 24 : i32
        %parallel_loop3A_839 = arith.index_cast %parallel_loop3A_836 : i32 to index
        %parallel_loop3A_840 = arith.index_cast %parallel_loop3A_837 : i32 to index
        %parallel_loop3A_841 = arith.index_cast %parallel_loop3A_838 : i32 to index
        %parallel_loop3A_842 = arith.index_cast %parallel_loop3A_835 : i32 to index
        %parallel_loop3A_843 = tpu.vector_load %arg5[%parallel_loop3A_839, %parallel_loop3A_840, %parallel_loop3A_841, %parallel_loop3A_842] {strides = array<i32>} : memref<2x1x32x1024xf32, #tpu.memory_space<vmem>>, vector<16xf32>,
        tpu.vector_store %arg5[%parallel_loop3A_839, %parallel_loop3A_840, %parallel_loop3A_841, %parallel_loop3A_842], %parallel_loop3A_833 {strides = array<i32>} : memref<2x1x32x1024xf32, #tpu.memory_space<vmem>>, vector<16xf32>,
        %parallel_loop3A_844 = arith.constant 16 : i32
        %parallel_loop3A_845 = arith.addi %parallel_loop3A_831, %parallel_loop3A_844 : i32
        %parallel_loop3A_846 = arith.index_cast %parallel_loop3A_845 : i32 to index
        %parallel_loop3A_847 = tpu.vector_load %arg4[%parallel_loop3A_846] {strides = array<i32>} : memref<64512xf32, #tpu.memory_space<vmem>>, vector<16xf32>,
        %parallel_loop3A_848 = arith.constant 32 : i32
        %parallel_loop3A_849 = arith.muli %parallel_loop3A_101, %parallel_loop3A_848 : i32
        %parallel_loop3A_850 = arith.constant 16 : i32
        %parallel_loop3A_851 = arith.addi %parallel_loop3A_849, %parallel_loop3A_850 : i32
        %parallel_loop3A_852 = arith.constant 1 : i32
        %parallel_loop3A_853 = arith.constant 0 : i32
        %parallel_loop3A_854 = arith.constant 24 : i32
        %parallel_loop3A_855 = arith.index_cast %parallel_loop3A_852 : i32 to index
        %parallel_loop3A_856 = arith.index_cast %parallel_loop3A_853 : i32 to index
        %parallel_loop3A_857 = arith.index_cast %parallel_loop3A_854 : i32 to index
        %parallel_loop3A_858 = arith.index_cast %parallel_loop3A_851 : i32 to index
        %parallel_loop3A_859 = tpu.vector_load %arg5[%parallel_loop3A_855, %parallel_loop3A_856, %parallel_loop3A_857, %parallel_loop3A_858] {strides = array<i32>} : memref<2x1x32x1024xf32, #tpu.memory_space<vmem>>, vector<16xf32>,
        tpu.vector_store %arg5[%parallel_loop3A_855, %parallel_loop3A_856, %parallel_loop3A_857, %parallel_loop3A_858], %parallel_loop3A_847 {strides = array<i32>} : memref<2x1x32x1024xf32, #tpu.memory_space<vmem>>, vector<16xf32>,
        %parallel_loop3A_860 = arith.constant 25 : i32
        %parallel_loop3A_861 = arith.subi %parallel_loop3A_109, %parallel_loop3A_860 : i32
        %parallel_loop3A_862 = arith.index_cast %parallel_loop3A_861 : i32 to index
        %parallel_loop3A_863 = tpu.vector_load %arg4[%parallel_loop3A_862] {strides = array<i32>} : memref<64512xf32, #tpu.memory_space<vmem>>, vector<16xf32>,
        %parallel_loop3A_864 = arith.constant 32 : i32
        %parallel_loop3A_865 = arith.muli %parallel_loop3A_101, %parallel_loop3A_864 : i32
        %parallel_loop3A_866 = arith.constant 1 : i32
        %parallel_loop3A_867 = arith.constant 0 : i32
        %parallel_loop3A_868 = arith.constant 25 : i32
        %parallel_loop3A_869 = arith.index_cast %parallel_loop3A_866 : i32 to index
        %parallel_loop3A_870 = arith.index_cast %parallel_loop3A_867 : i32 to index
        %parallel_loop3A_871 = arith.index_cast %parallel_loop3A_868 : i32 to index
        %parallel_loop3A_872 = arith.index_cast %parallel_loop3A_865 : i32 to index
        %parallel_loop3A_873 = tpu.vector_load %arg5[%parallel_loop3A_869, %parallel_loop3A_870, %parallel_loop3A_871, %parallel_loop3A_872] {strides = array<i32>} : memref<2x1x32x1024xf32, #tpu.memory_space<vmem>>, vector<16xf32>,
        tpu.vector_store %arg5[%parallel_loop3A_869, %parallel_loop3A_870, %parallel_loop3A_871, %parallel_loop3A_872], %parallel_loop3A_863 {strides = array<i32>} : memref<2x1x32x1024xf32, #tpu.memory_space<vmem>>, vector<16xf32>,
        %parallel_loop3A_874 = arith.constant 16 : i32
        %parallel_loop3A_875 = arith.addi %parallel_loop3A_861, %parallel_loop3A_874 : i32
        %parallel_loop3A_876 = arith.index_cast %parallel_loop3A_875 : i32 to index
        %parallel_loop3A_877 = tpu.vector_load %arg4[%parallel_loop3A_876] {strides = array<i32>} : memref<64512xf32, #tpu.memory_space<vmem>>, vector<16xf32>,
        %parallel_loop3A_878 = arith.constant 32 : i32
        %parallel_loop3A_879 = arith.muli %parallel_loop3A_101, %parallel_loop3A_878 : i32
        %parallel_loop3A_880 = arith.constant 16 : i32
        %parallel_loop3A_881 = arith.addi %parallel_loop3A_879, %parallel_loop3A_880 : i32
        %parallel_loop3A_882 = arith.constant 1 : i32
        %parallel_loop3A_883 = arith.constant 0 : i32
        %parallel_loop3A_884 = arith.constant 25 : i32
        %parallel_loop3A_885 = arith.index_cast %parallel_loop3A_882 : i32 to index
        %parallel_loop3A_886 = arith.index_cast %parallel_loop3A_883 : i32 to index
        %parallel_loop3A_887 = arith.index_cast %parallel_loop3A_884 : i32 to index
        %parallel_loop3A_888 = arith.index_cast %parallel_loop3A_881 : i32 to index
        %parallel_loop3A_889 = tpu.vector_load %arg5[%parallel_loop3A_885, %parallel_loop3A_886, %parallel_loop3A_887, %parallel_loop3A_888] {strides = array<i32>} : memref<2x1x32x1024xf32, #tpu.memory_space<vmem>>, vector<16xf32>,
        tpu.vector_store %arg5[%parallel_loop3A_885, %parallel_loop3A_886, %parallel_loop3A_887, %parallel_loop3A_888], %parallel_loop3A_877 {strides = array<i32>} : memref<2x1x32x1024xf32, #tpu.memory_space<vmem>>, vector<16xf32>,
        %parallel_loop3A_890 = arith.constant 26 : i32
        %parallel_loop3A_891 = arith.subi %parallel_loop3A_109, %parallel_loop3A_890 : i32
        %parallel_loop3A_892 = arith.index_cast %parallel_loop3A_891 : i32 to index
        %parallel_loop3A_893 = tpu.vector_load %arg4[%parallel_loop3A_892] {strides = array<i32>} : memref<64512xf32, #tpu.memory_space<vmem>>, vector<16xf32>,
        %parallel_loop3A_894 = arith.constant 32 : i32
        %parallel_loop3A_895 = arith.muli %parallel_loop3A_101, %parallel_loop3A_894 : i32
        %parallel_loop3A_896 = arith.constant 1 : i32
        %parallel_loop3A_897 = arith.constant 0 : i32
        %parallel_loop3A_898 = arith.constant 26 : i32
        %parallel_loop3A_899 = arith.index_cast %parallel_loop3A_896 : i32 to index
        %parallel_loop3A_900 = arith.index_cast %parallel_loop3A_897 : i32 to index
        %parallel_loop3A_901 = arith.index_cast %parallel_loop3A_898 : i32 to index
        %parallel_loop3A_902 = arith.index_cast %parallel_loop3A_895 : i32 to index
        %parallel_loop3A_903 = tpu.vector_load %arg5[%parallel_loop3A_899, %parallel_loop3A_900, %parallel_loop3A_901, %parallel_loop3A_902] {strides = array<i32>} : memref<2x1x32x1024xf32, #tpu.memory_space<vmem>>, vector<16xf32>,
        tpu.vector_store %arg5[%parallel_loop3A_899, %parallel_loop3A_900, %parallel_loop3A_901, %parallel_loop3A_902], %parallel_loop3A_893 {strides = array<i32>} : memref<2x1x32x1024xf32, #tpu.memory_space<vmem>>, vector<16xf32>,
        %parallel_loop3A_904 = arith.constant 16 : i32
        %parallel_loop3A_905 = arith.addi %parallel_loop3A_891, %parallel_loop3A_904 : i32
        %parallel_loop3A_906 = arith.index_cast %parallel_loop3A_905 : i32 to index
        %parallel_loop3A_907 = tpu.vector_load %arg4[%parallel_loop3A_906] {strides = array<i32>} : memref<64512xf32, #tpu.memory_space<vmem>>, vector<16xf32>,
        %parallel_loop3A_908 = arith.constant 32 : i32
        %parallel_loop3A_909 = arith.muli %parallel_loop3A_101, %parallel_loop3A_908 : i32
        %parallel_loop3A_910 = arith.constant 16 : i32
        %parallel_loop3A_911 = arith.addi %parallel_loop3A_909, %parallel_loop3A_910 : i32
        %parallel_loop3A_912 = arith.constant 1 : i32
        %parallel_loop3A_913 = arith.constant 0 : i32
        %parallel_loop3A_914 = arith.constant 26 : i32
        %parallel_loop3A_915 = arith.index_cast %parallel_loop3A_912 : i32 to index
        %parallel_loop3A_916 = arith.index_cast %parallel_loop3A_913 : i32 to index
        %parallel_loop3A_917 = arith.index_cast %parallel_loop3A_914 : i32 to index
        %parallel_loop3A_918 = arith.index_cast %parallel_loop3A_911 : i32 to index
        %parallel_loop3A_919 = tpu.vector_load %arg5[%parallel_loop3A_915, %parallel_loop3A_916, %parallel_loop3A_917, %parallel_loop3A_918] {strides = array<i32>} : memref<2x1x32x1024xf32, #tpu.memory_space<vmem>>, vector<16xf32>,
        tpu.vector_store %arg5[%parallel_loop3A_915, %parallel_loop3A_916, %parallel_loop3A_917, %parallel_loop3A_918], %parallel_loop3A_907 {strides = array<i32>} : memref<2x1x32x1024xf32, #tpu.memory_space<vmem>>, vector<16xf32>,
        %parallel_loop3A_920 = arith.constant 27 : i32
        %parallel_loop3A_921 = arith.subi %parallel_loop3A_109, %parallel_loop3A_920 : i32
        %parallel_loop3A_922 = arith.index_cast %parallel_loop3A_921 : i32 to index
        %parallel_loop3A_923 = tpu.vector_load %arg4[%parallel_loop3A_922] {strides = array<i32>} : memref<64512xf32, #tpu.memory_space<vmem>>, vector<16xf32>,
        %parallel_loop3A_924 = arith.constant 32 : i32
        %parallel_loop3A_925 = arith.muli %parallel_loop3A_101, %parallel_loop3A_924 : i32
        %parallel_loop3A_926 = arith.constant 1 : i32
        %parallel_loop3A_927 = arith.constant 0 : i32
        %parallel_loop3A_928 = arith.constant 27 : i32
        %parallel_loop3A_929 = arith.index_cast %parallel_loop3A_926 : i32 to index
        %parallel_loop3A_930 = arith.index_cast %parallel_loop3A_927 : i32 to index
        %parallel_loop3A_931 = arith.index_cast %parallel_loop3A_928 : i32 to index
        %parallel_loop3A_932 = arith.index_cast %parallel_loop3A_925 : i32 to index
        %parallel_loop3A_933 = tpu.vector_load %arg5[%parallel_loop3A_929, %parallel_loop3A_930, %parallel_loop3A_931, %parallel_loop3A_932] {strides = array<i32>} : memref<2x1x32x1024xf32, #tpu.memory_space<vmem>>, vector<16xf32>,
        tpu.vector_store %arg5[%parallel_loop3A_929, %parallel_loop3A_930, %parallel_loop3A_931, %parallel_loop3A_932], %parallel_loop3A_923 {strides = array<i32>} : memref<2x1x32x1024xf32, #tpu.memory_space<vmem>>, vector<16xf32>,
        %parallel_loop3A_934 = arith.constant 16 : i32
        %parallel_loop3A_935 = arith.addi %parallel_loop3A_921, %parallel_loop3A_934 : i32
        %parallel_loop3A_936 = arith.index_cast %parallel_loop3A_935 : i32 to index
        %parallel_loop3A_937 = tpu.vector_load %arg4[%parallel_loop3A_936] {strides = array<i32>} : memref<64512xf32, #tpu.memory_space<vmem>>, vector<16xf32>,
        %parallel_loop3A_938 = arith.constant 32 : i32
        %parallel_loop3A_939 = arith.muli %parallel_loop3A_101, %parallel_loop3A_938 : i32
        %parallel_loop3A_940 = arith.constant 16 : i32
        %parallel_loop3A_941 = arith.addi %parallel_loop3A_939, %parallel_loop3A_940 : i32
        %parallel_loop3A_942 = arith.constant 1 : i32
        %parallel_loop3A_943 = arith.constant 0 : i32
        %parallel_loop3A_944 = arith.constant 27 : i32
        %parallel_loop3A_945 = arith.index_cast %parallel_loop3A_942 : i32 to index
        %parallel_loop3A_946 = arith.index_cast %parallel_loop3A_943 : i32 to index
        %parallel_loop3A_947 = arith.index_cast %parallel_loop3A_944 : i32 to index
        %parallel_loop3A_948 = arith.index_cast %parallel_loop3A_941 : i32 to index
        %parallel_loop3A_949 = tpu.vector_load %arg5[%parallel_loop3A_945, %parallel_loop3A_946, %parallel_loop3A_947, %parallel_loop3A_948] {strides = array<i32>} : memref<2x1x32x1024xf32, #tpu.memory_space<vmem>>, vector<16xf32>,
        tpu.vector_store %arg5[%parallel_loop3A_945, %parallel_loop3A_946, %parallel_loop3A_947, %parallel_loop3A_948], %parallel_loop3A_937 {strides = array<i32>} : memref<2x1x32x1024xf32, #tpu.memory_space<vmem>>, vector<16xf32>,
        %parallel_loop3A_950 = arith.constant 28 : i32
        %parallel_loop3A_951 = arith.subi %parallel_loop3A_109, %parallel_loop3A_950 : i32
        %parallel_loop3A_952 = arith.index_cast %parallel_loop3A_951 : i32 to index
        %parallel_loop3A_953 = tpu.vector_load %arg4[%parallel_loop3A_952] {strides = array<i32>} : memref<64512xf32, #tpu.memory_space<vmem>>, vector<16xf32>,
        %parallel_loop3A_954 = arith.constant 32 : i32
        %parallel_loop3A_955 = arith.muli %parallel_loop3A_101, %parallel_loop3A_954 : i32
        %parallel_loop3A_956 = arith.constant 1 : i32
        %parallel_loop3A_957 = arith.constant 0 : i32
        %parallel_loop3A_958 = arith.constant 28 : i32
        %parallel_loop3A_959 = arith.index_cast %parallel_loop3A_956 : i32 to index
        %parallel_loop3A_960 = arith.index_cast %parallel_loop3A_957 : i32 to index
        %parallel_loop3A_961 = arith.index_cast %parallel_loop3A_958 : i32 to index
        %parallel_loop3A_962 = arith.index_cast %parallel_loop3A_955 : i32 to index
        %parallel_loop3A_963 = tpu.vector_load %arg5[%parallel_loop3A_959, %parallel_loop3A_960, %parallel_loop3A_961, %parallel_loop3A_962] {strides = array<i32>} : memref<2x1x32x1024xf32, #tpu.memory_space<vmem>>, vector<16xf32>,
        tpu.vector_store %arg5[%parallel_loop3A_959, %parallel_loop3A_960, %parallel_loop3A_961, %parallel_loop3A_962], %parallel_loop3A_953 {strides = array<i32>} : memref<2x1x32x1024xf32, #tpu.memory_space<vmem>>, vector<16xf32>,
        %parallel_loop3A_964 = arith.constant 16 : i32
        %parallel_loop3A_965 = arith.addi %parallel_loop3A_951, %parallel_loop3A_964 : i32
        %parallel_loop3A_966 = arith.index_cast %parallel_loop3A_965 : i32 to index
        %parallel_loop3A_967 = tpu.vector_load %arg4[%parallel_loop3A_966] {strides = array<i32>} : memref<64512xf32, #tpu.memory_space<vmem>>, vector<16xf32>,
        %parallel_loop3A_968 = arith.constant 32 : i32
        %parallel_loop3A_969 = arith.muli %parallel_loop3A_101, %parallel_loop3A_968 : i32
        %parallel_loop3A_970 = arith.constant 16 : i32
        %parallel_loop3A_971 = arith.addi %parallel_loop3A_969, %parallel_loop3A_970 : i32
        %parallel_loop3A_972 = arith.constant 1 : i32
        %parallel_loop3A_973 = arith.constant 0 : i32
        %parallel_loop3A_974 = arith.constant 28 : i32
        %parallel_loop3A_975 = arith.index_cast %parallel_loop3A_972 : i32 to index
        %parallel_loop3A_976 = arith.index_cast %parallel_loop3A_973 : i32 to index
        %parallel_loop3A_977 = arith.index_cast %parallel_loop3A_974 : i32 to index
        %parallel_loop3A_978 = arith.index_cast %parallel_loop3A_971 : i32 to index
        %parallel_loop3A_979 = tpu.vector_load %arg5[%parallel_loop3A_975, %parallel_loop3A_976, %parallel_loop3A_977, %parallel_loop3A_978] {strides = array<i32>} : memref<2x1x32x1024xf32, #tpu.memory_space<vmem>>, vector<16xf32>,
        tpu.vector_store %arg5[%parallel_loop3A_975, %parallel_loop3A_976, %parallel_loop3A_977, %parallel_loop3A_978], %parallel_loop3A_967 {strides = array<i32>} : memref<2x1x32x1024xf32, #tpu.memory_space<vmem>>, vector<16xf32>,
        %parallel_loop3A_980 = arith.constant 29 : i32
        %parallel_loop3A_981 = arith.subi %parallel_loop3A_109, %parallel_loop3A_980 : i32
        %parallel_loop3A_982 = arith.index_cast %parallel_loop3A_981 : i32 to index
        %parallel_loop3A_983 = tpu.vector_load %arg4[%parallel_loop3A_982] {strides = array<i32>} : memref<64512xf32, #tpu.memory_space<vmem>>, vector<16xf32>,
        %parallel_loop3A_984 = arith.constant 32 : i32
        %parallel_loop3A_985 = arith.muli %parallel_loop3A_101, %parallel_loop3A_984 : i32
        %parallel_loop3A_986 = arith.constant 1 : i32
        %parallel_loop3A_987 = arith.constant 0 : i32
        %parallel_loop3A_988 = arith.constant 29 : i32
        %parallel_loop3A_989 = arith.index_cast %parallel_loop3A_986 : i32 to index
        %parallel_loop3A_990 = arith.index_cast %parallel_loop3A_987 : i32 to index
        %parallel_loop3A_991 = arith.index_cast %parallel_loop3A_988 : i32 to index
        %parallel_loop3A_992 = arith.index_cast %parallel_loop3A_985 : i32 to index
        %parallel_loop3A_993 = tpu.vector_load %arg5[%parallel_loop3A_989, %parallel_loop3A_990, %parallel_loop3A_991, %parallel_loop3A_992] {strides = array<i32>} : memref<2x1x32x1024xf32, #tpu.memory_space<vmem>>, vector<16xf32>,
        tpu.vector_store %arg5[%parallel_loop3A_989, %parallel_loop3A_990, %parallel_loop3A_991, %parallel_loop3A_992], %parallel_loop3A_983 {strides = array<i32>} : memref<2x1x32x1024xf32, #tpu.memory_space<vmem>>, vector<16xf32>,
        %parallel_loop3A_994 = arith.constant 16 : i32
        %parallel_loop3A_995 = arith.addi %parallel_loop3A_981, %parallel_loop3A_994 : i32
        %parallel_loop3A_996 = arith.index_cast %parallel_loop3A_995 : i32 to index
        %parallel_loop3A_997 = tpu.vector_load %arg4[%parallel_loop3A_996] {strides = array<i32>} : memref<64512xf32, #tpu.memory_space<vmem>>, vector<16xf32>,
        %parallel_loop3A_998 = arith.constant 32 : i32
        %parallel_loop3A_999 = arith.muli %parallel_loop3A_101, %parallel_loop3A_998 : i32
        %parallel_loop3A_1000 = arith.constant 16 : i32
        %parallel_loop3A_1001 = arith.addi %parallel_loop3A_999, %parallel_loop3A_1000 : i32
        %parallel_loop3A_1002 = arith.constant 1 : i32
        %parallel_loop3A_1003 = arith.constant 0 : i32
        %parallel_loop3A_1004 = arith.constant 29 : i32
        %parallel_loop3A_1005 = arith.index_cast %parallel_loop3A_1002 : i32 to index
        %parallel_loop3A_1006 = arith.index_cast %parallel_loop3A_1003 : i32 to index
        %parallel_loop3A_1007 = arith.index_cast %parallel_loop3A_1004 : i32 to index
        %parallel_loop3A_1008 = arith.index_cast %parallel_loop3A_1001 : i32 to index
        %parallel_loop3A_1009 = tpu.vector_load %arg5[%parallel_loop3A_1005, %parallel_loop3A_1006, %parallel_loop3A_1007, %parallel_loop3A_1008] {strides = array<i32>} : memref<2x1x32x1024xf32, #tpu.memory_space<vmem>>, vector<16xf32>,
        tpu.vector_store %arg5[%parallel_loop3A_1005, %parallel_loop3A_1006, %parallel_loop3A_1007, %parallel_loop3A_1008], %parallel_loop3A_997 {strides = array<i32>} : memref<2x1x32x1024xf32, #tpu.memory_space<vmem>>, vector<16xf32>,
        %parallel_loop3A_1010 = arith.constant 30 : i32
        %parallel_loop3A_1011 = arith.subi %parallel_loop3A_109, %parallel_loop3A_1010 : i32
        %parallel_loop3A_1012 = arith.index_cast %parallel_loop3A_1011 : i32 to index
        %parallel_loop3A_1013 = tpu.vector_load %arg4[%parallel_loop3A_1012] {strides = array<i32>} : memref<64512xf32, #tpu.memory_space<vmem>>, vector<16xf32>,
        %parallel_loop3A_1014 = arith.constant 32 : i32
        %parallel_loop3A_1015 = arith.muli %parallel_loop3A_101, %parallel_loop3A_1014 : i32
        %parallel_loop3A_1016 = arith.constant 1 : i32
        %parallel_loop3A_1017 = arith.constant 0 : i32
        %parallel_loop3A_1018 = arith.constant 30 : i32
        %parallel_loop3A_1019 = arith.index_cast %parallel_loop3A_1016 : i32 to index
        %parallel_loop3A_1020 = arith.index_cast %parallel_loop3A_1017 : i32 to index
        %parallel_loop3A_1021 = arith.index_cast %parallel_loop3A_1018 : i32 to index
        %parallel_loop3A_1022 = arith.index_cast %parallel_loop3A_1015 : i32 to index
        %parallel_loop3A_1023 = tpu.vector_load %arg5[%parallel_loop3A_1019, %parallel_loop3A_1020, %parallel_loop3A_1021, %parallel_loop3A_1022] {strides = array<i32>} : memref<2x1x32x1024xf32, #tpu.memory_space<vmem>>, vector<16xf32>,
        tpu.vector_store %arg5[%parallel_loop3A_1019, %parallel_loop3A_1020, %parallel_loop3A_1021, %parallel_loop3A_1022], %parallel_loop3A_1013 {strides = array<i32>} : memref<2x1x32x1024xf32, #tpu.memory_space<vmem>>, vector<16xf32>,
        %parallel_loop3A_1024 = arith.constant 16 : i32
        %parallel_loop3A_1025 = arith.addi %parallel_loop3A_1011, %parallel_loop3A_1024 : i32
        %parallel_loop3A_1026 = arith.index_cast %parallel_loop3A_1025 : i32 to index
        %parallel_loop3A_1027 = tpu.vector_load %arg4[%parallel_loop3A_1026] {strides = array<i32>} : memref<64512xf32, #tpu.memory_space<vmem>>, vector<16xf32>,
        %parallel_loop3A_1028 = arith.constant 32 : i32
        %parallel_loop3A_1029 = arith.muli %parallel_loop3A_101, %parallel_loop3A_1028 : i32
        %parallel_loop3A_1030 = arith.constant 16 : i32
        %parallel_loop3A_1031 = arith.addi %parallel_loop3A_1029, %parallel_loop3A_1030 : i32
        %parallel_loop3A_1032 = arith.constant 1 : i32
        %parallel_loop3A_1033 = arith.constant 0 : i32
        %parallel_loop3A_1034 = arith.constant 30 : i32
        %parallel_loop3A_1035 = arith.index_cast %parallel_loop3A_1032 : i32 to index
        %parallel_loop3A_1036 = arith.index_cast %parallel_loop3A_1033 : i32 to index
        %parallel_loop3A_1037 = arith.index_cast %parallel_loop3A_1034 : i32 to index
        %parallel_loop3A_1038 = arith.index_cast %parallel_loop3A_1031 : i32 to index
        %parallel_loop3A_1039 = tpu.vector_load %arg5[%parallel_loop3A_1035, %parallel_loop3A_1036, %parallel_loop3A_1037, %parallel_loop3A_1038] {strides = array<i32>} : memref<2x1x32x1024xf32, #tpu.memory_space<vmem>>, vector<16xf32>,
        tpu.vector_store %arg5[%parallel_loop3A_1035, %parallel_loop3A_1036, %parallel_loop3A_1037, %parallel_loop3A_1038], %parallel_loop3A_1027 {strides = array<i32>} : memref<2x1x32x1024xf32, #tpu.memory_space<vmem>>, vector<16xf32>,
        %parallel_loop3A_1040 = arith.constant 31 : i32
        %parallel_loop3A_1041 = arith.subi %parallel_loop3A_109, %parallel_loop3A_1040 : i32
        %parallel_loop3A_1042 = arith.index_cast %parallel_loop3A_1041 : i32 to index
        %parallel_loop3A_1043 = tpu.vector_load %arg4[%parallel_loop3A_1042] {strides = array<i32>} : memref<64512xf32, #tpu.memory_space<vmem>>, vector<16xf32>,
        %parallel_loop3A_1044 = arith.constant 32 : i32
        %parallel_loop3A_1045 = arith.muli %parallel_loop3A_101, %parallel_loop3A_1044 : i32
        %parallel_loop3A_1046 = arith.constant 1 : i32
        %parallel_loop3A_1047 = arith.constant 0 : i32
        %parallel_loop3A_1048 = arith.constant 31 : i32
        %parallel_loop3A_1049 = arith.index_cast %parallel_loop3A_1046 : i32 to index
        %parallel_loop3A_1050 = arith.index_cast %parallel_loop3A_1047 : i32 to index
        %parallel_loop3A_1051 = arith.index_cast %parallel_loop3A_1048 : i32 to index
        %parallel_loop3A_1052 = arith.index_cast %parallel_loop3A_1045 : i32 to index
        %parallel_loop3A_1053 = tpu.vector_load %arg5[%parallel_loop3A_1049, %parallel_loop3A_1050, %parallel_loop3A_1051, %parallel_loop3A_1052] {strides = array<i32>} : memref<2x1x32x1024xf32, #tpu.memory_space<vmem>>, vector<16xf32>,
        tpu.vector_store %arg5[%parallel_loop3A_1049, %parallel_loop3A_1050, %parallel_loop3A_1051, %parallel_loop3A_1052], %parallel_loop3A_1043 {strides = array<i32>} : memref<2x1x32x1024xf32, #tpu.memory_space<vmem>>, vector<16xf32>,
        %parallel_loop3A_1054 = arith.constant 16 : i32
        %parallel_loop3A_1055 = arith.addi %parallel_loop3A_1041, %parallel_loop3A_1054 : i32
        %parallel_loop3A_1056 = arith.index_cast %parallel_loop3A_1055 : i32 to index
        %parallel_loop3A_1057 = tpu.vector_load %arg4[%parallel_loop3A_1056] {strides = array<i32>} : memref<64512xf32, #tpu.memory_space<vmem>>, vector<16xf32>,
        %parallel_loop3A_1058 = arith.constant 32 : i32
        %parallel_loop3A_1059 = arith.muli %parallel_loop3A_101, %parallel_loop3A_1058 : i32
        %parallel_loop3A_1060 = arith.constant 16 : i32
        %parallel_loop3A_1061 = arith.addi %parallel_loop3A_1059, %parallel_loop3A_1060 : i32
        %parallel_loop3A_1062 = arith.constant 1 : i32
        %parallel_loop3A_1063 = arith.constant 0 : i32
        %parallel_loop3A_1064 = arith.constant 31 : i32
        %parallel_loop3A_1065 = arith.index_cast %parallel_loop3A_1062 : i32 to index
        %parallel_loop3A_1066 = arith.index_cast %parallel_loop3A_1063 : i32 to index
        %parallel_loop3A_1067 = arith.index_cast %parallel_loop3A_1064 : i32 to index
        %parallel_loop3A_1068 = arith.index_cast %parallel_loop3A_1061 : i32 to index
        %parallel_loop3A_1069 = tpu.vector_load %arg5[%parallel_loop3A_1065, %parallel_loop3A_1066, %parallel_loop3A_1067, %parallel_loop3A_1068] {strides = array<i32>} : memref<2x1x32x1024xf32, #tpu.memory_space<vmem>>, vector<16xf32>,
        tpu.vector_store %arg5[%parallel_loop3A_1065, %parallel_loop3A_1066, %parallel_loop3A_1067, %parallel_loop3A_1068], %parallel_loop3A_1057 {strides = array<i32>} : memref<2x1x32x1024xf32, #tpu.memory_space<vmem>>, vector<16xf32>,
      } {sc.loop_unroll_factor = 1 : i64, sc.parallel_access}
      %mul3A_84 = arith.constant 32 : i32
      %mul3A_85 = arith.muli %add3A, %mul3A_84 : i32
      %dma_start3A_86 = arith.constant 1 : i32
      %dma_start3A_87 = arith.constant 0 : i32
      %dma_start3A_88 = arith.constant 0 : i32
      %dma_start3A_89 = arith.constant 0 : i32
      %dma_start3A_90 = tpu.memref_slice %arg5[%dma_start3A_86, %dma_start3A_87, %dma_start3A_88, %dma_start3A_89] : memref<2x1x32x1024xf32, #tpu.memory_space<vmem>> -> memref<1x1x32x1024xf32, #tpu.memory_space<vmem>>
      %dma_start3A_91 = tpu.memref_squeeze %dma_start3A_90 : memref<1x1x32x1024xf32, #tpu.memory_space<vmem>> -> memref<1x32x1024xf32, #tpu.memory_space<vmem>>
      %dma_start3A_92 = arith.constant 0 : i32
      %dma_start3A_93 = tpu.memref_slice %arg3[%add3A_78, %mul3A_85, %dma_start3A_92] : memref<16x1024x1024xf32, #tpu.memory_space<hbm>> -> memref<1x32x1024xf32, #tpu.memory_space<hbm>>
      %dma_start3A_94 = arith.constant 0 : i32
      %dma_start3A_95 = tpu.memref_slice %arg3[%add3A_78, %mul3A_85, %dma_start3A_94] : memref<16x1024x1024xf32, #tpu.memory_space<hbm>> -> memref<1x32x1024xf32, #tpu.memory_space<hbm>>
      %dma_start3A_96 = arith.constant 0 : i32
      %dma_start3A_97 = arith.constant 0 : i32
      %dma_start3A_98 = arith.constant 0 : i32
      %dma_start3A_99 = tpu.memref_slice %arg5[%dma_start3A_86, %dma_start3A_96, %dma_start3A_97, %dma_start3A_98] : memref<2x1x32x1024xf32, #tpu.memory_space<vmem>> -> memref<1x1x32x1024xf32, #tpu.memory_space<vmem>>
      %dma_start3A_100 = tpu.memref_squeeze %dma_start3A_99 : memref<1x1x32x1024xf32, #tpu.memory_space<vmem>> -> memref<1x32x1024xf32, #tpu.memory_space<vmem>>
      tpu.enqueue_dma source(%dma_start3A_100 : memref<1x32x1024xf32, #tpu.memory_space<vmem>>) target(%dma_start3A_95 : memref<1x32x1024xf32, #tpu.memory_space<hbm>>) target_semaphore(%arg7 : memref<!tpu.dma_semaphore, #tpu.memory_space<semaphore_mem>>)
    }
    %scan3A_5 = arith.constant 8 : i32
    %dma_wait3A = arith.constant 0 : i32
    %dma_wait3A_6 = arith.constant 0 : i32
    %dma_wait3A_7 = arith.constant 0 : i32
    %dma_wait3A_8 = arith.constant 0 : i32
    %dma_wait3A_9 = tpu.memref_slice %arg5[%dma_wait3A, %dma_wait3A_6, %dma_wait3A_7, %dma_wait3A_8] : memref<2x1x32x1024xf32, #tpu.memory_space<vmem>> -> memref<1x1x32x1024xf32, #tpu.memory_space<vmem>>
    %dma_wait3A_10 = tpu.memref_squeeze %dma_wait3A_9 : memref<1x1x32x1024xf32, #tpu.memory_space<vmem>> -> memref<1x32x1024xf32, #tpu.memory_space<vmem>>
    %dma_wait3A_11 = arith.constant 0 : i32
    %dma_wait3A_12 = arith.constant 0 : i32
    %dma_wait3A_13 = arith.constant 0 : i32
    %dma_wait3A_14 = tpu.memref_slice %arg3[%dma_wait3A_11, %dma_wait3A_12, %dma_wait3A_13] : memref<16x1024x1024xf32, #tpu.memory_space<hbm>> -> memref<1x32x1024xf32, #tpu.memory_space<hbm>>
    %dma_wait3A_15 = arith.constant 0 : i32
    %dma_wait3A_16 = arith.constant 0 : i32
    %dma_wait3A_17 = arith.constant 0 : i32
    %dma_wait3A_18 = tpu.memref_slice %arg3[%dma_wait3A_15, %dma_wait3A_16, %dma_wait3A_17] : memref<16x1024x1024xf32, #tpu.memory_space<hbm>> -> memref<1x32x1024xf32, #tpu.memory_space<hbm>>
    %dma_wait3A_19 = arith.constant 0 : i32
    %dma_wait3A_20 = arith.constant 0 : i32
    %dma_wait3A_21 = arith.constant 0 : i32
    %dma_wait3A_22 = tpu.memref_slice %arg5[%dma_wait3A, %dma_wait3A_19, %dma_wait3A_20, %dma_wait3A_21] : memref<2x1x32x1024xf32, #tpu.memory_space<vmem>> -> memref<1x1x32x1024xf32, #tpu.memory_space<vmem>>
    %dma_wait3A_23 = tpu.memref_squeeze %dma_wait3A_22 : memref<1x1x32x1024xf32, #tpu.memory_space<vmem>> -> memref<1x32x1024xf32, #tpu.memory_space<vmem>>
    tpu.wait_dma2 semaphore(%arg6 : memref<!tpu.dma_semaphore, #tpu.memory_space<semaphore_mem>>) src(%dma_wait3A_23 : memref<1x32x1024xf32, #tpu.memory_space<vmem>>) dst(%dma_wait3A_18 : memref<1x32x1024xf32, #tpu.memory_space<hbm>>)
    %dma_wait3A_24 = arith.constant 1 : i32
    %dma_wait3A_25 = arith.constant 0 : i32
    %dma_wait3A_26 = arith.constant 0 : i32
    %dma_wait3A_27 = arith.constant 0 : i32
    %dma_wait3A_28 = tpu.memref_slice %arg5[%dma_wait3A_24, %dma_wait3A_25, %dma_wait3A_26, %dma_wait3A_27] : memref<2x1x32x1024xf32, #tpu.memory_space<vmem>> -> memref<1x1x32x1024xf32, #tpu.memory_space<vmem>>
    %dma_wait3A_29 = tpu.memref_squeeze %dma_wait3A_28 : memref<1x1x32x1024xf32, #tpu.memory_space<vmem>> -> memref<1x32x1024xf32, #tpu.memory_space<vmem>>
    %dma_wait3A_30 = arith.constant 0 : i32
    %dma_wait3A_31 = arith.constant 0 : i32
    %dma_wait3A_32 = arith.constant 0 : i32
    %dma_wait3A_33 = tpu.memref_slice %arg3[%dma_wait3A_30, %dma_wait3A_31, %dma_wait3A_32] : memref<16x1024x1024xf32, #tpu.memory_space<hbm>> -> memref<1x32x1024xf32, #tpu.memory_space<hbm>>
    %dma_wait3A_34 = arith.constant 0 : i32
    %dma_wait3A_35 = arith.constant 0 : i32
    %dma_wait3A_36 = arith.constant 0 : i32
    %dma_wait3A_37 = tpu.memref_slice %arg3[%dma_wait3A_34, %dma_wait3A_35, %dma_wait3A_36] : memref<16x1024x1024xf32, #tpu.memory_space<hbm>> -> memref<1x32x1024xf32, #tpu.memory_space<hbm>>
    %dma_wait3A_38 = arith.constant 0 : i32
    %dma_wait3A_39 = arith.constant 0 : i32
    %dma_wait3A_40 = arith.constant 0 : i32
    %dma_wait3A_41 = tpu.memref_slice %arg5[%dma_wait3A_24, %dma_wait3A_38, %dma_wait3A_39, %dma_wait3A_40] : memref<2x1x32x1024xf32, #tpu.memory_space<vmem>> -> memref<1x1x32x1024xf32, #tpu.memory_space<vmem>>
    %dma_wait3A_42 = tpu.memref_squeeze %dma_wait3A_41 : memref<1x1x32x1024xf32, #tpu.memory_space<vmem>> -> memref<1x32x1024xf32, #tpu.memory_space<vmem>>
    tpu.wait_dma2 semaphore(%arg7 : memref<!tpu.dma_semaphore, #tpu.memory_space<semaphore_mem>>) src(%dma_wait3A_42 : memref<1x32x1024xf32, #tpu.memory_space<vmem>>) dst(%dma_wait3A_37 : memref<1x32x1024xf32, #tpu.memory_space<hbm>>)
    return
  }
}

</mosaic_0001>

<sc_bundles>
// kernel: kernel.3.cloned.1.call-start
scs
__scs_entry_jumppad:
0x0: {  	(pc) =	sbr.rel $0x88, $3  }
0x1: {  	(tag) =	ssettag $0x0;
	lr =	simm.s32 $0x1  }
0x2: {  	[smem:$0x3FA0] =	sst lr;
	_ =	strace $0xD0000000  }
0x3: {  	_ = 	snop  }
0x4: {  	_ = 	snop  }
0x5: {  	_ = 	snop  }
0x6: {  	_ = 	snop  }
0x7: {  	_ = 	snop  }
__scs_overlays_trampoline_lowered:
0x8: {  	[smem:$0x3FAF] =	sst s0  }
0x9: {  	[smem:$0x3FB0] =	sst s1  }
0xa: {  	[smem:$0x3FB1] =	sst s2  }
0xb: {  	[smem:$0x3FB2] =	sst s3  }
0xc: {  	[smem:$0x3FB3] =	sst s4  }
0xd: {  	[smem:$0x3FB4] =	sst s5  }
0xe: {  	[smem:$0x3FB5] =	sst s6  }
0xf: {  	[smem:$0x3FB6] =	sst s7  }
0x10: {  	[smem:$0x3FB7] =	sst s8  }
0x11: {  	[smem:$0x3FB8] =	sst s9;
	s0 =	simm.s32 @!p0 $0x0  }
0x12: {  	s1 =	sld [smem:$0x3F9E];
	s0 =	simm.s32 @p0 $0x1  }
0x13: {  	[smem:$0x3FB9] =	sst s0;
	s0 =	simm.s32 @!p1 $0x0  }
0x14: {  	s2 =	sld [smem:$0x3F9D];
	s0 =	simm.s32 @p1 $0x1  }
0x15: {  	[smem:$0x3FBA] =	sst s0;
	s0 =	simm.s32 @!p2 $0x0  }
0x16: {  	s3 =	sld [smem:$0x3FDB];
	s0 =	simm.s32 @p2 $0x1  }
0x17: {  	s4 =	simm.s32 $0x1BF5;
	[smem:$0x3FBC] =	sst s0  }
0x18: {  	s0 =	sld [smem:$0x3F9F];
	_ =	swait.ge [sflag:s4], $0x0  }
0x19: {  	s7 =	sld [smem:$0x3FA0]  }
0x1a: {  	s8 =	sadd.s32 $0xFFFFE003, lr  }
0x1b: {  	s9 =	sadd.s32 $0xFFFFFEF7, lr;
	s5 =	simm.s32 $0xFFFFFFFF;
	p2 =	slt.u32 s8, $0xFFFFF086  }
0x1c: {  	p1 =	slt.u32 s9, $0xF7A;
	s5 =	simm.s32 @!p2 $0x0  }
0x1d: {  	s5 =	simm.s32 @p1 $0x1;
	p0 =	seq.s32 s7, s2  }
0x1e: {  	s7 =	smul.u32 @!p0 $0xF7A, s2;
	p2 =	seq.s32 @!p0 s5, $0x0  }
0x1f: {  	s9 =	smul.u32 $0xF7A, s1;
	s8 =	simm.s32 @!p0 $0x1BF5;
	p2 =	por !p2, p0  }
0x20: {  	[sflag:s8] =	ssyncset.s32 @!p0 $0xFFFFF086;
	s6 =	sadd.s32 @!p0 s3, s7;
	s7 =	simm.s32 @!p0 $0x108  }
0x21: {  	s3 =	sadd.s32 s3, s9;
	s6 =	sadd.s32 @!p0 $0x88, s6;
	s7 =	simm.s32 @p2 $0x1082  }
0x22: {  	[simem:s7], [sflag:s8] =	dma.local @!p0 [hbm:s6], $0xF7A  }
0x23: {  	s9 =	sor.u32 $0xD0000000, s2;
	s6 =	simm.s32 $0x108;
	_ =	swait.ge @!p0 [sflag:s8], $0x0  }
0x24: {  	s3 =	sadd.s32 $0x88, s3;
	s6 =	simm.s32 @!p1 $0x1082;
	[sflag:s4] =	ssyncset.s32 $0xFFFFF086  }
0x25: {  	[simem:s6], [sflag:s4] =	dma.local [hbm:s3], $0xF7A  }
0x26: {  	[smem:$0x3FA0] =	sst s1;
	(tag) =	ssettag s2;
	_ =	strace s9  }
0x27: {  	s1 =	sld [smem:$0x3FB0]  }
0x28: {  	s2 =	sld [smem:$0x3FB1]  }
0x29: {  	s4 =	sld [smem:$0x3FB3]  }
0x2a: {  	p0 =	seq.s32 s5, $0x0;
	s5 =	sld [smem:$0x3FB4]  }
0x2b: {  	s6 =	sld [smem:$0x3FB5]  }
0x2c: {  	s7 =	sld [smem:$0x3FB6]  }
0x2d: {  	s3 =	simm.s32 $0x108;
	s8 =	sld [smem:$0x3FB7]  }
0x2e: {  	s3 =	simm.s32 @!p0 $0x1082;
	s9 =	sld [smem:$0x3FB8]  }
0x2f: {  	lr =	sadd.s32 s0, s3;
	s0 =	sld [smem:$0x3FAF]  }
0x30: {  	s3 =	sld [smem:$0x3FB2]  }
0x31: {  	[smem:$0x3FBB] =	sst s10  }
0x32: {  	s10 =	sld [smem:$0x3FB9];
	_ =	sdelay $0x3  }
0x33: {  	p0 =	seq.s32 s10, $0x1;
	s10 =	sld [smem:$0x3FBB];
	_ =	sdelay $0x3  }
0x34: {  	[smem:$0x3FBB] =	sst s10  }
0x35: {  	s10 =	sld [smem:$0x3FBA];
	_ =	sdelay $0x3  }
0x36: {  	p1 =	seq.s32 s10, $0x1;
	s10 =	sld [smem:$0x3FBB];
	_ =	sdelay $0x3  }
0x37: {  	[smem:$0x3FBB] =	sst s10  }
0x38: {  	s10 =	sld [smem:$0x3FBC]  }
0x39: {  	_ = 	snop;
	(pc) =	sbr.ind lr, $3  }
0x3a: {  	_ = 	snop  }
0x3b: {  	_ = 	snop  }
0x3c: {  	p2 =	seq.s32 s10, $0x1;
	s10 =	sld [smem:$0x3FBB]  }
0x3d: {  	_ =	shalt  }
0x3e: {  	_ =	shalt  }
0x3f: {  	_ =	shalt  }
0x40: {  	_ =	shalt  }
0x41: {  	_ =	shalt  }
0x42: {  	_ =	shalt  }
0x43: {  	_ =	shalt  }
0x44: {  	_ =	shalt  }
0x45: {  	_ =	shalt  }
0x46: {  	_ =	shalt  }
0x47: {  	_ =	shalt  }
0x48: {  	_ =	shalt  }
0x49: {  	_ =	shalt  }
0x4a: {  	_ =	shalt  }
0x4b: {  	_ =	shalt  }
0x4c: {  	_ =	shalt  }
0x4d: {  	_ =	shalt  }
0x4e: {  	_ =	shalt  }
0x4f: {  	_ =	shalt  }
0x50: {  	_ =	shalt  }
0x51: {  	_ =	shalt  }
0x52: {  	_ =	shalt  }
0x53: {  	_ =	shalt  }
0x54: {  	_ =	shalt  }
0x55: {  	_ =	shalt  }
0x56: {  	_ =	shalt  }
0x57: {  	_ =	shalt  }
0x58: {  	_ =	shalt  }
0x59: {  	_ =	shalt  }
0x5a: {  	_ =	shalt  }
0x5b: {  	_ =	shalt  }
0x5c: {  	_ =	shalt  }
0x5d: {  	_ =	shalt  }
0x5e: {  	_ =	shalt  }
0x5f: {  	_ =	shalt  }
0x60: {  	_ =	shalt  }
0x61: {  	_ =	shalt  }
0x62: {  	_ =	shalt  }
0x63: {  	_ =	shalt  }
0x64: {  	_ =	shalt  }
0x65: {  	_ =	shalt  }
0x66: {  	_ =	shalt  }
0x67: {  	_ =	shalt  }
0x68: {  	_ =	shalt  }
0x69: {  	_ =	shalt  }
0x6a: {  	_ =	shalt  }
0x6b: {  	_ =	shalt  }
0x6c: {  	_ =	shalt  }
0x6d: {  	_ =	shalt  }
0x6e: {  	_ =	shalt  }
0x6f: {  	_ =	shalt  }
0x70: {  	_ =	shalt  }
0x71: {  	_ =	shalt  }
0x72: {  	_ =	shalt  }
0x73: {  	_ =	shalt  }
0x74: {  	_ =	shalt  }
0x75: {  	_ =	shalt  }
0x76: {  	_ =	shalt  }
0x77: {  	_ =	shalt  }
0x78: {  	_ =	shalt  }
0x79: {  	_ =	shalt  }
0x7a: {  	_ =	shalt  }
0x7b: {  	_ =	shalt  }
0x7c: {  	_ =	shalt  }
0x7d: {  	_ =	shalt  }
0x7e: {  	_ =	shalt  }
0x7f: {  	_ =	shalt  }
0x80: {  	_ =	shalt  }
0x81: {  	_ =	shalt  }
0x82: {  	_ =	shalt  }
0x83: {  	_ =	shalt  }
0x84: {  	_ =	shalt  }
0x85: {  	_ =	shalt  }
0x86: {  	_ =	shalt  }
0x87: {  	_ =	shalt  }
.Lfunc_end0:
.L_simem_size_0:
called_computation_lowered:
.L_overlay_start_0:
0x88: {  	s2 =	sld [smem:$0x3FD9]  }
0x89: {  	s3 =	sld [smem:$0x3FFE];
	_ =	sdelay $0x1  }
0x8a: {  	s1 =	srdreg.scid  }
0x8b: {  	s0 =	sand.u32 $0x1, s1  }
0x8c: {  	s17 =	sshll.u32 s0, $0xA;
	s2 =	sadd.s32 s3, s2  }
0x8d: {  	s2 =	sadd.s32 s2, s17  }
0x8e: {  	[smem:$0x3FC7] =	sst s2  }
0x8f: {  	_ = 	snop  }
0x90: {  	s2 =	sld [smem:$0x3FD0];
	(tm) =	ssettm $0x1  }
0x91: {  	s18 =	sld [smem:$0x3FFB];
	_ =	sdelay $0x3  }
0x92: {  	_ =	strace s18  }
0x93: {  	s3 =	sld [smem:$0x3FFC];
	_ =	sdelay $0x3  }
0x94: {  	_ =	strace s3  }
0x95: {  	s3 =	sld [smem:$0x3FFD];
	_ =	sdelay $0x3  }
0x96: {  	_ =	strace s3  }
0x97: {  	_ =	strace $0x8FFFFFFF  }
0x98: {  	s19 =	sld [smem:$0x3FDB];
	_ =	sdelay $0x1  }
0x99: {  	s4 =	simm.s32 $_scs_section_size  }
0x9a: {  	s5 =	simm.s32 $_size__tile_overlayer_lowered;
	s6 =	simm.s32 $_tile_overlayer_lowered  }
0x9b: {  	s22 =	simm.s32 $0x1BFF;
	s21 =	sshll.u32 s6, $0x1;
	s3 =	sadd.s32 s4, s19  }
0x9c: {  	s7 =	simm.s32 $0x0;
	s20 =	sshll.u32 s5, $0x1;
	s5 =	sadd.s32 s21, s3  }
0x9d: {  	[timem:s7], [sflag:s22] =	dma.local [hbm:s5], s20  }
0x9e: {  	_ =	swait.ge [sflag:s22], s20  }
0x9f: {  	s4 =	ssub.s32 $0x0, s20;
	[sflag:s22] =	ssyncset.done $0x0  }
0xa0: {  	[sflag:s22] =	ssyncadd.s32 s4;
	_ =	sdelay $0x1  }
0xa1: {  	s23 =	simm.s32 $0x1B8B  }
0xa2: {  	_ =	swait.ge [sflag:s23], $0x1  }
0xa3: {  	[sflag:s23] =	ssyncset.done $0x0  }
0xa4: {  	s25 =	simm.s32 $0x1B8E;
	s24 =	sld [smem:$0x3FFE];
	[sflag:s23] =	ssyncadd.s32 $0xFFFFFFFF  }
0xa5: {  	s26 =	simm.s32 $execute0_lowered;
	[smem:$0x3FD2] =	sst s25  }
0xa6: {  	s5 =	sshll.u32 s26, $0x1;
	_ =	strace $0x80000046;
	[dreg:$0x1] =	wrdreg $0xFFFFFFFF  }
0xa7: {  	s28 =	simm.s32 $_size_execute0_lowered;
	s3 =	sadd.s32 s3, s5;
	[dreg:$0x0] =	wrdreg $0x0  }
0xa8: {  	s5 =	sshll.u32 s28, $0x1;
	[dreg:$0x2] =	wrdreg s3  }
0xa9: {  	[dreg:$0x3] =	wrdreg s5  }
0xaa: {  	[dreg:$0x4] =	wrdreg $0xC0  }
0xab: {  	_ =	task [dreg:s7], $0x5FFFF  }
0xac: {  	[dreg:$0x1] =	wrdreg $0xFFFFFFFF  }
0xad: {  	[dreg:$0x0] =	wrdreg $0x60  }
0xae: {  	[dreg:$0x2] =	wrdreg s24  }
0xaf: {  	[dreg:$0x3] =	wrdreg s2  }
0xb0: {  	[dreg:$0x4] =	wrdreg $0x9  }
0xb1: {  	_ =	task.clear_ibuf [dreg:s7], $0x5FFFF;
	_ =	strace $0x90000046  }
0xb2: {  	s29 =	simm.s32 $0x9;
	_ =	strace $0x80000048  }
0xb3: {  	_ =	swait.ge [sflag:s29], $0x1  }
0xb4: {  	[sflag:s29] =	ssyncadd.s32 $0xFFFFFFFF  }
0xb5: {  	_ =	strace $0x90000048  }
0xb6: {  	_ =	sfence  }
0xb7: {  	s30 =	sld [smem:$0x0];
	_ =	sdelay $0x2  }
0xb8: {  	s31 =	sshll.u32 s1, $0xD;
	s1 =	sshrl.u32 s1, $0x2  }
0xb9: {  	s3 =	sand.u32 $0x4000, s31;
	s1 =	sadd.s32 s1, s30  }
0xba: {  	s0 =	sor.u32 s3, s0;
	s1 =	sshll.u32 s1, $0x11  }
0xbb: {  	s0 =	sor.u32 s1, s0  }
0xbc: {  	s0 =	sadd.s32 $0x8F2B, s0  }
0xbd: {  	[sflag:s0] =	ssyncadd.remote.s32 $0x1  }
0xbe: {  	_ =	sfence.sel $0xFFFF  }
0xbf: {  	[dreg:$0x0] =	wrdreg $0xFFFFFFFF;
	(pc) =	sbr.abs _section_cstart, $3  }
0xc0: {  	[dreg:$0x1] =	wrdreg $0xFFFFFFFF  }
0xc1: {  	_ =	task.clear_ibuf [dreg:s7], $0x2FFFF;
	_ =	strace $0x9FFFFFFF  }
0xc2: {  	(tm) =	ssettm $0x7FFFFFFF  }
0xc3: {  	_ =	shalt  }
tec
execute0_lowered:
.L_overlay_start_1:
0x0: {  	(tag) =	ssettag $0x1  }
0x1: {  	s0 =	rddreg [dreg:$0x0];
	s2 =	simm.s32 $0x0;
	s1 =	srdreg.scid  }
0x2: {  	s6 =	stileid.u32;
	[smem:$0x7FF] =	sst s2  }
0x3: {  	s1 =	sand.u32 $0x1, s1;
	s4 =	sshll.u32 s6, $0x10;
	s0 =	sadd.s32 $0x400, s0  }
0x4: {  	s28 =	sshll.u32 s6, $0x9;
	s30 =	sshll.u32 s6, $0x7;
	s24 =	ssub.s32 $0x2, s1  }
0x5: {  	_ =	strace $0x80000047;
	s5 =	sshll.u32 s1, $0xF;
	s3 =	sshrl.u32 s24, $0x1  }
0x6: {  	[smem:$0x7F8] =	sst s0;
	s29 =	sshll.u32 s1, $0x8;
	s25 =	ssub.s32 s24, s3  }
0x7: {  	s1 =	sshll.u32 s1, $0x6;
	s26 =	sor.u32 s5, s4;
	s0 =	smax.u32 s25, $0x1  }
0x8: {  	s1 =	sor.u32 s1, s30;
	[smem:$0x7FA] =	sst s0;
	s0 =	sor.u32 s29, s28  }
0x9: {  	[smem:$0x7F9] =	sst s26;
	s1 =	sadd.s32 $0x7DF, s1;
	s2 =	sadd.s32 $0x1FBC, s0  }
0xa: {  	[smem:$0x7FB] =	sst s1;
	s0 =	sadd.s32 $0x5EBC, s0;
	s31 =	sshrl.u32 s2, $0x2  }
0xb: {  	s0 =	sshrl.u32 s0, $0x2;
	[smem:$0x7FC] =	sst s31  }
0xc: {  	s2 =	simm.s32 $0x0;
	[smem:$0x7FD] =	sst s0  }
.LBB2_1:
0xd: {  	s1 =	sld [smem:$0x7F8];
	_ =	sdelay $0x1  }
0xe: {  	[smem:$0x7F6] =	sst s2;
	s0 =	simm.s32 $0x0;
	s30 =	simm.s32 $0x3  }
0xf: {  	[tilespmem:s0], [sflag:$0x3] =	stream.linear.gather [hbm4b:s1+s0], $0xFC00, $0x38;
	[tilespmem:$0x1FC00] =	vst v63  }
0x10: {  	_ =	swait.ge [sflag:s30], $0xFC00  }
0x11: {  	s31 =	sld [smem:$0x7FD];
	_ =	sdelay $0x1  }
0x12: {  	s2 =	simm.s32 $0x0;
	[sflag:s30] =	ssyncset.done $0x0;
	s20 =	sld [smem:$0x7FC]  }
0x13: {  	s1 =	simm.s32 $0x0;
	[sflag:s30] =	ssyncadd.s32 $0xFFFF0400;
	[smem:$0x7F7] =	sst s31  }
.LBB2_2:
0x14: {  	p0 =	seq.s32 s1, $0x0  }
0x15: {  	[smem:$0x7EE] =	sst s1;
	s0 =	simm.s32 @!p0 $0x1  }
0x16: {  	_ =	swait.ge @!p0 [sflag:s0], $0x8000  }
0x17: {  	s3 =	sld [smem:$0x7FB];
	_ =	sdelay $0x2  }
0x18: {  	s14 =	sadd.s32 s3, s2  }
0x19: {  	[sflag:s0] =	ssyncset.done @!p0 $0x0;
	s15 =	sand.u32 $0x5F, s3;
	s1 =	sand.u32 $0xFFFFFF80, s14  }
0x1a: {  	[sflag:s0] =	ssyncadd.s32 @!p0 $0xFFFF8000;
	s1 =	sor.u32 s15, s1  }
0x1b: {  	v0 =	vld [tilespmem:s1+$0x0]  }
0x1c: {  	s8 =	simm.s32 $0x0  }
0x1d: {  	s23 =	sand.u32 $0x1C00, s8  }
0x1e: {  	s11 =	sand.u32 $0x60, s8;
	s16 =	sadd.s32 $0xFC00, s23  }
0x1f: {  	s4 =	sor.u32 s11, s16  }
0x20: {  	[tilespmem:s4+$0x0] =	vst v0  }
0x21: {  	v0 =	vld [tilespmem:s20+$0x0];
	_ =	sdelay $0x2  }
0x22: {  	s5 =	sor.u32 $0x10, s11  }
0x23: {  	s9 =	sor.u32 s5, s16  }
0x24: {  	[tilespmem:s9+$0x0] =	vst v0  }
0x25: {  	v0 =	vld [tilespmem:s20+$0xFFFFFFEF];
	_ =	sdelay $0x4  }
0x26: {  	[tilespmem:s4+$0x80] =	vst v0  }
0x27: {  	v0 =	vld [tilespmem:s20+$0xFFFFFFFF];
	_ =	sdelay $0x4  }
0x28: {  	[tilespmem:s9+$0x80] =	vst v0  }
0x29: {  	v0 =	vld [tilespmem:s20+$0xFFFFFFEE];
	_ =	sdelay $0x4  }
0x2a: {  	[tilespmem:s4+$0x100] =	vst v0  }
0x2b: {  	v0 =	vld [tilespmem:s20+$0xFFFFFFFE];
	_ =	sdelay $0x4  }
0x2c: {  	[tilespmem:s9+$0x100] =	vst v0  }
0x2d: {  	v0 =	vld [tilespmem:s20+$0xFFFFFFED];
	_ =	sdelay $0x4  }
0x2e: {  	[tilespmem:s4+$0x180] =	vst v0  }
0x2f: {  	v0 =	vld [tilespmem:s20+$0xFFFFFFFD];
	_ =	sdelay $0x4  }
0x30: {  	[tilespmem:s9+$0x180] =	vst v0  }
0x31: {  	v0 =	vld [tilespmem:s20+$0xFFFFFFEC];
	_ =	sdelay $0x4  }
0x32: {  	[tilespmem:s4+$0x200] =	vst v0  }
0x33: {  	v0 =	vld [tilespmem:s20+$0xFFFFFFFC];
	_ =	sdelay $0x4  }
0x34: {  	[tilespmem:s9+$0x200] =	vst v0  }
0x35: {  	v0 =	vld [tilespmem:s20+$0xFFFFFFEB]  }
0x36: {  	s6 =	smov.u32 s2;
	s3 =	sadd.s32 $0xFFFFFFC0, s3  }
0x37: {  	s17 =	sadd.s32 s3, s6  }
0x38: {  	s18 =	sand.u32 $0x5F, s3;
	s0 =	sand.u32 $0xFFFFFF80, s17  }
0x39: {  	s0 =	sor.u32 s18, s0  }
0x3a: {  	v1 =	vld [tilespmem:s0+$0x0];
	[tilespmem:s4+$0x280] =	vst v0  }
0x3b: {  	s2 =	simm.s32 $0x100;
	v0 =	vld [tilespmem:s20+$0xFFFFFFFB]  }
0x3c: {  	s7 =	simm.s32 $0x20;
	s25 =	sand.u32 $0x1C00, s2  }
0x3d: {  	s21 =	sand.u32 $0x60, s7;
	s19 =	sadd.s32 $0xFC00, s25  }
0x3e: {  	s13 =	smov.u32 s6;
	s6 =	sor.u32 s21, s19  }
0x3f: {  	s26 =	sadd.s32 $0xFFFFFFC0, s20;
	[tilespmem:s6+$0x0] =	vst v1  }
0x40: {  	v1 =	vld [tilespmem:s26+$0x0];
	[tilespmem:s9+$0x280] =	vst v0  }
0x41: {  	v0 =	vld [tilespmem:s20+$0xFFFFFFEA]  }
0x42: {  	s22 =	sand.u32 $0x3, s8  }
0x43: {  	s30 =	sor.u32 $0x10, s21;
	s9 =	sshll.u32 s22, $0x5  }
0x44: {  	s4 =	sor.u32 s30, s19;
	s9 =	sadd.s32 $0x0, s9  }
0x45: {  	[tilespmem:s4+$0x0] =	vst v1;
	s10 =	sor.u32 $0x300, s9  }
0x46: {  	v1 =	vld [tilespmem:s26+$0xFFFFFFEF];
	[tilespmem:s10+$0xFC00] =	vst v0  }
0x47: {  	v0 =	vld [tilespmem:s20+$0xFFFFFFFA];
	_ =	sdelay $0x2  }
0x48: {  	s9 =	sadd.s32 $0x10, s9  }
0x49: {  	[tilespmem:s6+$0x80] =	vst v1;
	s24 =	sor.u32 $0x300, s9  }
0x4a: {  	v1 =	vld [tilespmem:s26+$0xFFFFFFFF];
	[tilespmem:s24+$0xFC00] =	vst v0  }
0x4b: {  	v0 =	vld [tilespmem:s20+$0xFFFFFFE9];
	_ =	sdelay $0x2  }
0x4c: {  	s8 =	sor.u32 s8, s8  }
0x4d: {  	s8 =	sor.u32 $0x380, s8;
	[tilespmem:s4+$0x80] =	vst v1  }
0x4e: {  	v1 =	vld [tilespmem:s26+$0xFFFFFFEE];
	[tilespmem:s8+$0xFC00] =	vst v0  }
0x4f: {  	v0 =	vld [tilespmem:s20+$0xFFFFFFF9];
	_ =	sdelay $0x3  }
0x50: {  	s12 =	sor.u32 $0x380, s9;
	[tilespmem:s6+$0x100] =	vst v1  }
0x51: {  	v1 =	vld [tilespmem:s26+$0xFFFFFFFE];
	[tilespmem:s12+$0xFC00] =	vst v0  }
0x52: {  	v0 =	vld [tilespmem:s20+$0xFFFFFFE8];
	_ =	sdelay $0x2  }
0x53: {  	s14 =	sadd.s32 $0x11C00, s23  }
0x54: {  	s15 =	sor.u32 s11, s14;
	[tilespmem:s4+$0x100] =	vst v1  }
0x55: {  	v1 =	vld [tilespmem:s26+$0xFFFFFFED];
	[tilespmem:s15+$0x0] =	vst v0  }
0x56: {  	v0 =	vld [tilespmem:s20+$0xFFFFFFF8];
	_ =	sdelay $0x3  }
0x57: {  	s8 =	sor.u32 s5, s14;
	[tilespmem:s6+$0x180] =	vst v1  }
0x58: {  	v1 =	vld [tilespmem:s26+$0xFFFFFFFD];
	[tilespmem:s8+$0x0] =	vst v0  }
0x59: {  	v0 =	vld [tilespmem:s20+$0xFFFFFFE7];
	_ =	sdelay $0x2  }
0x5a: {  	s16 =	sadd.s32 $0x11C80, s23  }
0x5b: {  	s17 =	sor.u32 s11, s16;
	[tilespmem:s4+$0x180] =	vst v1  }
0x5c: {  	v1 =	vld [tilespmem:s26+$0xFFFFFFEC];
	[tilespmem:s17+$0x0] =	vst v0  }
0x5d: {  	v0 =	vld [tilespmem:s20+$0xFFFFFFF7];
	_ =	sdelay $0x3  }
0x5e: {  	s8 =	sor.u32 s5, s16;
	[tilespmem:s6+$0x200] =	vst v1  }
0x5f: {  	v1 =	vld [tilespmem:s26+$0xFFFFFFFC];
	[tilespmem:s8+$0x0] =	vst v0  }
0x60: {  	v0 =	vld [tilespmem:s20+$0xFFFFFFE6];
	_ =	sdelay $0x2  }
0x61: {  	s18 =	sadd.s32 $0x11D00, s23  }
0x62: {  	s19 =	sor.u32 s11, s18;
	s12 =	sadd.s32 $0xFFFFFFC0, s3;
	[tilespmem:s4+$0x200] =	vst v1  }
0x63: {  	s22 =	sadd.s32 s12, s13;
	v1 =	vld [tilespmem:s26+$0xFFFFFFEB];
	[tilespmem:s19+$0x0] =	vst v0  }
0x64: {  	s24 =	sand.u32 $0x5F, s12;
	s9 =	sand.u32 $0xFFFFFF80, s22;
	v0 =	vld [tilespmem:s20+$0xFFFFFFF6]  }
0x65: {  	s3 =	sor.u32 s24, s9  }
0x66: {  	[smem:$0x7F0] =	sst s3  }
0x67: {  	v2 =	vld [tilespmem:s3+$0x0]  }
0x68: {  	s9 =	simm.s32 $0x200;
	s8 =	sor.u32 s5, s18;
	[tilespmem:s6+$0x280] =	vst v1  }
0x69: {  	s10 =	simm.s32 $0x40;
	s28 =	sand.u32 $0x1C00, s9;
	v1 =	vld [tilespmem:s26+$0xFFFFFFFB];
	[tilespmem:s8+$0x0] =	vst v0  }
0x6a: {  	s16 =	sadd.s32 $0xFC00, s28;
	s6 =	sand.u32 $0x60, s10;
	v0 =	vld [tilespmem:s20+$0xFFFFFFE5]  }
0x6b: {  	s15 =	sor.u32 s6, s16  }
0x6c: {  	s22 =	sadd.s32 $0xFFFFFFC0, s26;
	[tilespmem:s15+$0x0] =	vst v2  }
0x6d: {  	s17 =	sadd.s32 $0x11D80, s23;
	v2 =	vld [tilespmem:s22+$0x0]  }
0x6e: {  	s18 =	sor.u32 s11, s17;
	[tilespmem:s4+$0x280] =	vst v1  }
0x6f: {  	s19 =	simm.s32 $0x1;
	v1 =	vld [tilespmem:s26+$0xFFFFFFEA];
	[tilespmem:s18+$0x0] =	vst v0  }
0x70: {  	s19 =	sand.u32 $0x3, s19;
	s24 =	sor.u32 $0x10, s6;
	v0 =	vld [tilespmem:s20+$0xFFFFFFF5]  }
0x71: {  	s16 =	sor.u32 s24, s16;
	s4 =	sshll.u32 s19, $0x5  }
0x72: {  	s18 =	sadd.s32 $0x100, s4;
	[tilespmem:s16+$0x0] =	vst v2  }
0x73: {  	s8 =	sor.u32 $0x300, s18;
	v2 =	vld [tilespmem:s22+$0xFFFFFFEF]  }
0x74: {  	s17 =	sor.u32 s5, s17;
	[tilespmem:s8+$0xFC00] =	vst v1  }
0x75: {  	v1 =	vld [tilespmem:s26+$0xFFFFFFFA];
	[tilespmem:s17+$0x0] =	vst v0  }
0x76: {  	v0 =	vld [tilespmem:s20+$0xFFFFFFE4];
	_ =	sdelay $0x1  }
0x77: {  	s17 =	sadd.s32 $0x10, s18;
	[tilespmem:s15+$0x80] =	vst v2  }
0x78: {  	s3 =	sadd.s32 $0x11E00, s23;
	s18 =	sor.u32 $0x300, s17;
	v2 =	vld [tilespmem:s22+$0xFFFFFFFF]  }
0x79: {  	s4 =	sor.u32 s11, s3;
	[tilespmem:s18+$0xFC00] =	vst v1  }
0x7a: {  	v1 =	vld [tilespmem:s26+$0xFFFFFFE9];
	[tilespmem:s4+$0x0] =	vst v0  }
0x7b: {  	v0 =	vld [tilespmem:s20+$0xFFFFFFF4];
	_ =	sdelay $0x1  }
0x7c: {  	s2 =	sor.u32 s2, s7;
	[tilespmem:s16+$0x80] =	vst v2  }
0x7d: {  	s2 =	sor.u32 $0x380, s2;
	v2 =	vld [tilespmem:s22+$0xFFFFFFEE]  }
0x7e: {  	s8 =	sor.u32 s5, s3;
	[tilespmem:s2+$0xFC00] =	vst v1  }
0x7f: {  	v1 =	vld [tilespmem:s26+$0xFFFFFFF9];
	[tilespmem:s8+$0x0] =	vst v0  }
0x80: {  	v0 =	vld [tilespmem:s20+$0xFFFFFFE3];
	_ =	sdelay $0x1  }
0x81: {  	[tilespmem:s15+$0x100] =	vst v2  }
0x82: {  	s19 =	sadd.s32 $0x11E80, s23;
	s18 =	sor.u32 $0x380, s17;
	v2 =	vld [tilespmem:s22+$0xFFFFFFFE]  }
0x83: {  	s3 =	sor.u32 s11, s19;
	[tilespmem:s18+$0xFC00] =	vst v1  }
0x84: {  	v1 =	vld [tilespmem:s26+$0xFFFFFFE8];
	[tilespmem:s3+$0x0] =	vst v0  }
0x85: {  	v0 =	vld [tilespmem:s20+$0xFFFFFFF3];
	_ =	sdelay $0x1  }
0x86: {  	s4 =	sadd.s32 $0x11C00, s25;
	[tilespmem:s16+$0x100] =	vst v2  }
0x87: {  	s8 =	sor.u32 s21, s4;
	v2 =	vld [tilespmem:s22+$0xFFFFFFED]  }
0x88: {  	s2 =	sor.u32 s5, s19;
	[tilespmem:s8+$0x0] =	vst v1  }
0x89: {  	v1 =	vld [tilespmem:s26+$0xFFFFFFF8];
	[tilespmem:s2+$0x0] =	vst v0  }
0x8a: {  	v0 =	vld [tilespmem:s20+$0xFFFFFFE2];
	_ =	sdelay $0x1  }
0x8b: {  	[tilespmem:s15+$0x180] =	vst v2  }
0x8c: {  	s17 =	sor.u32 s30, s4;
	s18 =	sadd.s32 $0x11F00, s23;
	v2 =	vld [tilespmem:s22+$0xFFFFFFFD]  }
0x8d: {  	s19 =	sor.u32 s11, s18;
	[tilespmem:s17+$0x0] =	vst v1  }
0x8e: {  	v1 =	vld [tilespmem:s26+$0xFFFFFFE7];
	[tilespmem:s19+$0x0] =	vst v0  }
0x8f: {  	v0 =	vld [tilespmem:s20+$0xFFFFFFF2];
	_ =	sdelay $0x1  }
0x90: {  	s3 =	sadd.s32 $0x11C80, s25;
	[tilespmem:s16+$0x180] =	vst v2  }
0x91: {  	s8 =	sor.u32 s21, s3;
	v2 =	vld [tilespmem:s22+$0xFFFFFFEC]  }
0x92: {  	s2 =	sor.u32 s5, s18;
	[tilespmem:s8+$0x0] =	vst v1  }
0x93: {  	v1 =	vld [tilespmem:s26+$0xFFFFFFF7];
	[tilespmem:s2+$0x0] =	vst v0  }
0x94: {  	v0 =	vld [tilespmem:s20+$0xFFFFFFE1];
	_ =	sdelay $0x1  }
0x95: {  	[tilespmem:s15+$0x200] =	vst v2  }
0x96: {  	s18 =	sor.u32 s30, s3;
	s2 =	sadd.s32 $0x11F80, s23;
	v2 =	vld [tilespmem:s22+$0xFFFFFFFC]  }
0x97: {  	s19 =	sor.u32 s11, s2;
	[tilespmem:s18+$0x0] =	vst v1  }
0x98: {  	v1 =	vld [tilespmem:s26+$0xFFFFFFE6];
	[tilespmem:s19+$0x0] =	vst v0  }
0x99: {  	v0 =	vld [tilespmem:s20+$0xFFFFFFF1];
	_ =	sdelay $0x1  }
0x9a: {  	s14 =	smov.u32 s13;
	s12 =	sadd.s32 $0xFFFFFFC0, s12;
	s17 =	sadd.s32 $0x11D00, s25;
	[tilespmem:s16+$0x200] =	vst v2  }
0x9b: {  	s3 =	sor.u32 s21, s17;
	s8 =	sadd.s32 s12, s13;
	v2 =	vld [tilespmem:s22+$0xFFFFFFEB];
	[dreg:$0x3] =	wrdreg s14  }
0x9c: {  	s13 =	sand.u32 $0x5F, s12;
	s2 =	sor.u32 s5, s2;
	s18 =	sand.u32 $0xFFFFFF80, s8;
	[tilespmem:s3+$0x0] =	vst v1  }
0x9d: {  	s19 =	sor.u32 s13, s18;
	[tilespmem:s2+$0x0] =	vst v0  }
0x9e: {  	v1 =	vld [tilespmem:s26+$0xFFFFFFF6];
	[dreg:$0xe] =	wrdreg s19  }
0x9f: {  	v0 =	vld [tilespmem:s19+$0x0]  }
0xa0: {  	s2 =	simm.s32 $0x300  }
0xa1: {  	s7 =	simm.s32 $0x60;
	s13 =	sand.u32 $0x1C00, s2;
	v3 =	vld [tilespmem:s20+$0xFFFFFFE0]  }
0xa2: {  	s8 =	sand.u32 $0x60, s7;
	s3 =	sor.u32 s30, s17;
	[tilespmem:s15+$0x280] =	vst v2;
	s17 =	sadd.s32 $0xFC00, s13  }
0xa3: {  	v2 =	vld [tilespmem:s22+$0xFFFFFFFB];
	[tilespmem:s3+$0x0] =	vst v1;
	s15 =	sor.u32 s8, s17  }
0xa4: {  	s18 =	sadd.s32 $0x13C00, s23;
	s3 =	sadd.s32 $0xFFFFFFC0, s22;
	v1 =	vld [tilespmem:s26+$0xFFFFFFE5];
	[tilespmem:s15+$0x0] =	vst v0  }
0xa5: {  	s19 =	sor.u32 s11, s18;
	v0 =	vld [tilespmem:s3+$0x0]  }
0xa6: {  	[tilespmem:s19+$0x0] =	vst v3  }
0xa7: {  	v3 =	vld [tilespmem:s1+$0x0];
	s1 =	sadd.s32 $0x11D80, s25  }
0xa8: {  	s29 =	sor.u32 $0x10, s8;
	[tilespmem:s16+$0x280] =	vst v2;
	s16 =	sor.u32 s21, s1  }
0xa9: {  	s19 =	simm.s32 $0x2;
	v2 =	vld [tilespmem:s22+$0xFFFFFFEA];
	[tilespmem:s16+$0x0] =	vst v1;
	s16 =	sor.u32 s29, s17  }
0xaa: {  	s4 =	smov.u32 s21;
	s19 =	sand.u32 $0x3, s19;
	v1 =	vld [tilespmem:s26+$0xFFFFFFF5];
	[tilespmem:s16+$0x0] =	vst v0  }
0xab: {  	s18 =	sor.u32 s5, s18;
	s21 =	smov.u32 s8;
	s8 =	sshll.u32 s19, $0x5;
	v0 =	vld [tilespmem:s3+$0xFFFFFFEF]  }
0xac: {  	s17 =	sadd.s32 $0x200, s8;
	[tilespmem:s18+$0x0] =	vst v3  }
0xad: {  	s19 =	sor.u32 $0x300, s17;
	v3 =	vld [tilespmem:s20+$0xFFFFFFDF]  }
0xae: {  	s1 =	sor.u32 s30, s1;
	[tilespmem:s19+$0xFC00] =	vst v2  }
0xaf: {  	v2 =	vld [tilespmem:s22+$0xFFFFFFFA];
	[tilespmem:s1+$0x0] =	vst v1  }
0xb0: {  	s1 =	sadd.s32 $0x13C80, s23;
	v1 =	vld [tilespmem:s26+$0xFFFFFFE4];
	[tilespmem:s15+$0x80] =	vst v0  }
0xb1: {  	s8 =	sor.u32 s11, s1;
	v0 =	vld [tilespmem:s3+$0xFFFFFFFF]  }
0xb2: {  	s17 =	sadd.s32 $0x10, s17;
	[tilespmem:s8+$0x0] =	vst v3  }
0xb3: {  	s18 =	sadd.s32 $0x11E00, s25;
	s19 =	sor.u32 $0x300, s17;
	v3 =	vld [tilespmem:s20+$0xFFFFFFEF]  }
0xb4: {  	s8 =	sor.u32 s4, s18;
	[tilespmem:s19+$0xFC00] =	vst v2  }
0xb5: {  	v2 =	vld [tilespmem:s22+$0xFFFFFFE9];
	[tilespmem:s8+$0x0] =	vst v1  }
0xb6: {  	v1 =	vld [tilespmem:s26+$0xFFFFFFF4];
	[tilespmem:s16+$0x80] =	vst v0  }
0xb7: {  	s1 =	sor.u32 s5, s1;
	v0 =	vld [tilespmem:s3+$0xFFFFFFEE]  }
0xb8: {  	s9 =	sor.u32 s9, s10;
	[tilespmem:s1+$0x0] =	vst v3  }
0xb9: {  	s8 =	sor.u32 $0x380, s9;
	v3 =	vld [tilespmem:s20+$0xFFFFFFDE]  }
0xba: {  	s9 =	sor.u32 s30, s18;
	[tilespmem:s8+$0xFC00] =	vst v2  }
0xbb: {  	v2 =	vld [tilespmem:s22+$0xFFFFFFF9];
	[tilespmem:s9+$0x0] =	vst v1  }
0xbc: {  	s1 =	sadd.s32 $0x13D00, s23;
	v1 =	vld [tilespmem:s26+$0xFFFFFFE3];
	[tilespmem:s15+$0x100] =	vst v0  }
0xbd: {  	s10 =	sor.u32 s11, s1;
	v0 =	vld [tilespmem:s3+$0xFFFFFFFE]  }
0xbe: {  	[tilespmem:s10+$0x0] =	vst v3  }
0xbf: {  	s19 =	sadd.s32 $0x11E80, s25;
	s18 =	sor.u32 $0x380, s17;
	v3 =	vld [tilespmem:s20+$0xFFFFFFEE]  }
0xc0: {  	s8 =	sor.u32 s4, s19;
	[tilespmem:s18+$0xFC00] =	vst v2  }
0xc1: {  	v2 =	vld [tilespmem:s22+$0xFFFFFFE8];
	[tilespmem:s8+$0x0] =	vst v1  }
0xc2: {  	v1 =	vld [tilespmem:s26+$0xFFFFFFF3];
	[tilespmem:s16+$0x100] =	vst v0  }
0xc3: {  	s1 =	sor.u32 s5, s1;
	v0 =	vld [tilespmem:s3+$0xFFFFFFED]  }
0xc4: {  	s10 =	sadd.s32 $0x11C00, s28;
	[tilespmem:s1+$0x0] =	vst v3  }
0xc5: {  	s17 =	sor.u32 s6, s10;
	v3 =	vld [tilespmem:s20+$0xFFFFFFDD]  }
0xc6: {  	s18 =	sor.u32 s30, s19;
	[tilespmem:s17+$0x0] =	vst v2  }
0xc7: {  	v2 =	vld [tilespmem:s22+$0xFFFFFFF8];
	[tilespmem:s18+$0x0] =	vst v1  }
0xc8: {  	s19 =	sadd.s32 $0x13D80, s23;
	v1 =	vld [tilespmem:s26+$0xFFFFFFE2];
	[tilespmem:s15+$0x180] =	vst v0  }
0xc9: {  	s8 =	sor.u32 s11, s19;
	v0 =	vld [tilespmem:s3+$0xFFFFFFFD]  }
0xca: {  	[tilespmem:s8+$0x0] =	vst v3  }
0xcb: {  	s10 =	sor.u32 s24, s10;
	s17 =	sadd.s32 $0x11F00, s25;
	v3 =	vld [tilespmem:s20+$0xFFFFFFED]  }
0xcc: {  	s18 =	sor.u32 s4, s17;
	[tilespmem:s10+$0x0] =	vst v2  }
0xcd: {  	v2 =	vld [tilespmem:s22+$0xFFFFFFE7];
	[tilespmem:s18+$0x0] =	vst v1  }
0xce: {  	v1 =	vld [tilespmem:s26+$0xFFFFFFF2];
	[tilespmem:s16+$0x180] =	vst v0  }
0xcf: {  	s1 =	sor.u32 s5, s19;
	v0 =	vld [tilespmem:s3+$0xFFFFFFEC]  }
0xd0: {  	s19 =	sadd.s32 $0x11C80, s28;
	[tilespmem:s1+$0x0] =	vst v3  }
0xd1: {  	s8 =	sor.u32 s6, s19;
	v3 =	vld [tilespmem:s20+$0xFFFFFFDC]  }
0xd2: {  	s9 =	sor.u32 s30, s17;
	[tilespmem:s8+$0x0] =	vst v2  }
0xd3: {  	v2 =	vld [tilespmem:s22+$0xFFFFFFF7];
	[tilespmem:s9+$0x0] =	vst v1  }
0xd4: {  	s17 =	sadd.s32 $0x13E00, s23;
	v1 =	vld [tilespmem:s26+$0xFFFFFFE1];
	[tilespmem:s15+$0x200] =	vst v0  }
0xd5: {  	s18 =	sor.u32 s11, s17;
	v0 =	vld [tilespmem:s3+$0xFFFFFFFC]  }
0xd6: {  	[tilespmem:s18+$0x0] =	vst v3  }
0xd7: {  	s19 =	sor.u32 s24, s19;
	s9 =	sadd.s32 $0x11F80, s25;
	v3 =	vld [tilespmem:s20+$0xFFFFFFEC]  }
0xd8: {  	s8 =	sor.u32 s4, s9;
	[tilespmem:s19+$0x0] =	vst v2  }
0xd9: {  	v2 =	vld [tilespmem:s22+$0xFFFFFFE6];
	[tilespmem:s8+$0x0] =	vst v1  }
0xda: {  	s10 =	sadd.s32 $0xFFFFFFC0, s12;
	v1 =	vld [tilespmem:s26+$0xFFFFFFF1];
	[tilespmem:s16+$0x200] =	vst v0  }
0xdb: {  	s1 =	sor.u32 s5, s17;
	v0 =	vld [tilespmem:s3+$0xFFFFFFEB];
	[smem:$0x7EF] =	sst s10  }
0xdc: {  	s17 =	sadd.s32 $0x11D00, s28;
	[tilespmem:s1+$0x0] =	vst v3  }
0xdd: {  	s12 =	sadd.s32 s10, s14;
	s18 =	sor.u32 s6, s17;
	v3 =	vld [tilespmem:s20+$0xFFFFFFDB]  }
0xde: {  	s14 =	sor.u32 s30, s9;
	s19 =	sand.u32 $0xFFFFFF80, s12;
	s10 =	sand.u32 $0x5F, s10;
	[tilespmem:s18+$0x0] =	vst v2  }
0xdf: {  	s8 =	sor.u32 s10, s19;
	v2 =	vld [tilespmem:s22+$0xFFFFFFF6];
	[tilespmem:s14+$0x0] =	vst v1  }
0xe0: {  	s12 =	sadd.s32 $0x13E80, s23;
	[dreg:$0xd] =	wrdreg s8  }
0xe1: {  	s18 =	simm.s32 $0x400;
	s19 =	sor.u32 s11, s12;
	v1 =	vld [tilespmem:s8+$0x0];
	[tilespmem:s15+$0x280] =	vst v0  }
0xe2: {  	s1 =	sand.u32 $0x1C00, s18;
	v0 =	vld [tilespmem:s26+$0xFFFFFFE0];
	[tilespmem:s19+$0x0] =	vst v3  }
0xe3: {  	s9 =	simm.s32 $0x80;
	s8 =	sor.u32 s24, s17;
	v3 =	vld [tilespmem:s3+$0xFFFFFFFB];
	[smem:$0x7F1] =	sst s1  }
0xe4: {  	s14 =	sand.u32 $0x60, s9;
	s17 =	sadd.s32 $0xFC00, s1;
	v4 =	vld [tilespmem:s20+$0xFFFFFFEB];
	[tilespmem:s8+$0x0] =	vst v2  }
0xe5: {  	s18 =	sadd.s32 $0x13C00, s25;
	s15 =	sor.u32 s14, s17;
	[dreg:$0x17] =	wrdreg s14  }
0xe6: {  	s10 =	sor.u32 s4, s18;
	s1 =	sadd.s32 $0xFFFFFFC0, s3;
	v2 =	vld [tilespmem:s22+$0xFFFFFFE5];
	[tilespmem:s15+$0x0] =	vst v1  }
0xe7: {  	[tilespmem:s10+$0x0] =	vst v0;
	v0 =	vld [tilespmem:s1+$0x0]  }
0xe8: {  	s19 =	sor.u32 s5, s12;
	[tilespmem:s16+$0x280] =	vst v3;
	v1 =	vld [tilespmem:s0+$0x0]  }
0xe9: {  	s8 =	simm.s32 $0x3;
	s0 =	sadd.s32 $0x11D80, s28;
	v3 =	vld [tilespmem:s3+$0xFFFFFFEA];
	[tilespmem:s19+$0x0] =	vst v4;
	s19 =	sor.u32 $0x10, s14  }
0xea: {  	s16 =	sand.u32 $0x3, s8;
	s10 =	sor.u32 s6, s0;
	v4 =	vld [tilespmem:s20+$0xFFFFFFDA];
	[smem:$0x7F2] =	sst s19  }
0xeb: {  	s16 =	sshll.u32 s16, $0x5;
	s12 =	sor.u32 s19, s17;
	[tilespmem:s10+$0x0] =	vst v2  }
0xec: {  	s8 =	sor.u32 s30, s18;
	s16 =	sadd.s32 $0x300, s16;
	v2 =	vld [tilespmem:s22+$0xFFFFFFF5];
	[tilespmem:s12+$0x0] =	vst v0  }
0xed: {  	s18 =	sadd.s32 $0x13F00, s23;
	s10 =	sor.u32 $0x300, s16;
	[tilespmem:s8+$0x0] =	vst v1;
	v0 =	vld [tilespmem:s1+$0xFFFFFFEF]  }
0xee: {  	s14 =	sor.u32 s11, s18;
	[tilespmem:s10+$0xFC00] =	vst v3;
	v1 =	vld [tilespmem:s26+$0xFFFFFFDF]  }
0xef: {  	v3 =	vld [tilespmem:s3+$0xFFFFFFFA];
	[tilespmem:s14+$0x0] =	vst v4  }
0xf0: {  	s0 =	sor.u32 s24, s0;
	v4 =	vld [tilespmem:s20+$0xFFFFFFEA]  }
0xf1: {  	s31 =	smov.u32 s4;
	[tilespmem:s0+$0x0] =	vst v2;
	s0 =	sadd.s32 $0x13C80, s25  }
0xf2: {  	s16 =	sadd.s32 $0x10, s16;
	v2 =	vld [tilespmem:s22+$0xFFFFFFE4];
	[tilespmem:s15+$0x80] =	vst v0;
	s19 =	sor.u32 s31, s0  }
0xf3: {  	s14 =	sor.u32 $0x300, s16;
	[tilespmem:s19+$0x0] =	vst v1;
	v0 =	vld [tilespmem:s1+$0xFFFFFFFF]  }
0xf4: {  	s18 =	sor.u32 s5, s18;
	[tilespmem:s14+$0xFC00] =	vst v3;
	v1 =	vld [tilespmem:s26+$0xFFFFFFEF]  }
0xf5: {  	s17 =	sadd.s32 $0x11E00, s28;
	v3 =	vld [tilespmem:s3+$0xFFFFFFE9];
	[tilespmem:s18+$0x0] =	vst v4  }
0xf6: {  	s19 =	sor.u32 s6, s17;
	v4 =	vld [tilespmem:s20+$0xFFFFFFD9]  }
0xf7: {  	[tilespmem:s19+$0x0] =	vst v2  }
0xf8: {  	s2 =	sor.u32 s2, s7;
	s0 =	sor.u32 s30, s0;
	v2 =	vld [tilespmem:s22+$0xFFFFFFF4];
	[tilespmem:s12+$0x80] =	vst v0  }
0xf9: {  	s14 =	sor.u32 $0x380, s2;
	s2 =	sadd.s32 $0x13F80, s23;
	[tilespmem:s0+$0x0] =	vst v1;
	v0 =	vld [tilespmem:s1+$0xFFFFFFEE]  }
0xfa: {  	s18 =	sor.u32 s11, s2;
	[tilespmem:s14+$0xFC00] =	vst v3;
	v1 =	vld [tilespmem:s26+$0xFFFFFFDE]  }
0xfb: {  	v3 =	vld [tilespmem:s3+$0xFFFFFFF9];
	[tilespmem:s18+$0x0] =	vst v4  }
0xfc: {  	s19 =	sor.u32 s24, s17;
	v4 =	vld [tilespmem:s20+$0xFFFFFFE9]  }
0xfd: {  	s10 =	smov.u32 s24;
	s24 =	sadd.s32 $0x13D00, s25;
	[tilespmem:s19+$0x0] =	vst v2  }
0xfe: {  	s14 =	sor.u32 s31, s24;
	v2 =	vld [tilespmem:s22+$0xFFFFFFE3];
	[tilespmem:s15+$0x100] =	vst v0  }
0xff: {  	s16 =	sor.u32 $0x380, s16;
	[tilespmem:s14+$0x0] =	vst v1;
	v0 =	vld [tilespmem:s1+$0xFFFFFFFE]  }
0x100: {  	s2 =	sor.u32 s5, s2;
	[tilespmem:s16+$0xFC00] =	vst v3;
	v1 =	vld [tilespmem:s26+$0xFFFFFFEE]  }
0x101: {  	[tilespmem:s2+$0x0] =	vst v4;
	s2 =	sadd.s32 $0x11E80, s28  }
0x102: {  	v3 =	vld [tilespmem:s3+$0xFFFFFFE8];
	s17 =	sor.u32 s6, s2  }
0x103: {  	v4 =	vld [tilespmem:s20+$0xFFFFFFD8];
	[tilespmem:s17+$0x0] =	vst v2  }
0x104: {  	s0 =	sor.u32 s30, s24;
	v2 =	vld [tilespmem:s22+$0xFFFFFFF3];
	[tilespmem:s12+$0x100] =	vst v0  }
0x105: {  	s7 =	sadd.s32 $0x11C00, s13;
	[tilespmem:s0+$0x0] =	vst v1;
	v0 =	vld [tilespmem:s1+$0xFFFFFFED]  }
0x106: {  	s18 =	sor.u32 s21, s7;
	s16 =	sadd.s32 $0x15C00, s23;
	v1 =	vld [tilespmem:s26+$0xFFFFFFDD]  }
0x107: {  	s14 =	sor.u32 s11, s16;
	[tilespmem:s18+$0x0] =	vst v3  }
0x108: {  	s17 =	sor.u32 s10, s2;
	v3 =	vld [tilespmem:s3+$0xFFFFFFF8];
	[tilespmem:s14+$0x0] =	vst v4  }
0x109: {  	s0 =	sadd.s32 $0x13D80, s25;
	v4 =	vld [tilespmem:s20+$0xFFFFFFE8];
	[tilespmem:s17+$0x0] =	vst v2  }
0x10a: {  	s18 =	sor.u32 s31, s0;
	v2 =	vld [tilespmem:s22+$0xFFFFFFE2];
	[tilespmem:s15+$0x180] =	vst v0  }
0x10b: {  	[tilespmem:s18+$0x0] =	vst v1;
	v0 =	vld [tilespmem:s1+$0xFFFFFFFD]  }
0x10c: {  	s14 =	sor.u32 s29, s7;
	v1 =	vld [tilespmem:s26+$0xFFFFFFED]  }
0x10d: {  	s16 =	sor.u32 s5, s16;
	s2 =	sadd.s32 $0x11F00, s28;
	[tilespmem:s14+$0x0] =	vst v3  }
0x10e: {  	s17 =	sor.u32 s6, s2;
	v3 =	vld [tilespmem:s3+$0xFFFFFFE7];
	[tilespmem:s16+$0x0] =	vst v4  }
0x10f: {  	v4 =	vld [tilespmem:s20+$0xFFFFFFD7];
	[tilespmem:s17+$0x0] =	vst v2  }
0x110: {  	s0 =	sor.u32 s30, s0;
	v2 =	vld [tilespmem:s22+$0xFFFFFFF2];
	[tilespmem:s12+$0x180] =	vst v0  }
0x111: {  	s7 =	sadd.s32 $0x11C80, s13;
	[tilespmem:s0+$0x0] =	vst v1;
	v0 =	vld [tilespmem:s1+$0xFFFFFFEC]  }
0x112: {  	s18 =	sor.u32 s21, s7;
	s16 =	sadd.s32 $0x15C80, s23;
	v1 =	vld [tilespmem:s26+$0xFFFFFFDC]  }
0x113: {  	s14 =	sor.u32 s11, s16;
	[tilespmem:s18+$0x0] =	vst v3  }
0x114: {  	s17 =	sor.u32 s10, s2;
	v3 =	vld [tilespmem:s3+$0xFFFFFFF7];
	[tilespmem:s14+$0x0] =	vst v4  }
0x115: {  	s18 =	sadd.s32 $0x13E00, s25;
	v4 =	vld [tilespmem:s20+$0xFFFFFFE7];
	[tilespmem:s17+$0x0] =	vst v2  }
0x116: {  	s19 =	smov.u32 s6;
	s6 =	smov.u32 s21;
	s21 =	sor.u32 s31, s18;
	v2 =	vld [tilespmem:s22+$0xFFFFFFE1];
	[tilespmem:s15+$0x200] =	vst v0  }
0x117: {  	[tilespmem:s21+$0x0] =	vst v1;
	v0 =	vld [tilespmem:s1+$0xFFFFFFFC]  }
0x118: {  	s14 =	sor.u32 s29, s7;
	v1 =	vld [tilespmem:s26+$0xFFFFFFEC]  }
0x119: {  	s16 =	sor.u32 s5, s16;
	s2 =	sadd.s32 $0x11F80, s28;
	[tilespmem:s14+$0x0] =	vst v3  }
0x11a: {  	s17 =	sor.u32 s19, s2;
	[tilespmem:s16+$0x0] =	vst v4  }
0x11b: {  	[tilespmem:s17+$0x0] =	vst v2  }
0x11c: {  	s0 =	sor.u32 s30, s18;
	[tilespmem:s12+$0x200] =	vst v0  }
0x11d: {  	[tilespmem:s0+$0x0] =	vst v1  }
0x11e: {  	v3 =	vld [tilespmem:s3+$0xFFFFFFE6];
	s0 =	sld [smem:$0x7EF];
	_ =	sdelay $0x1  }
0x11f: {  	v4 =	vld [tilespmem:s20+$0xFFFFFFD6]  }
0x120: {  	s24 =	smov.u32 s13;
	s7 =	sadd.s32 $0x11D00, s13;
	v2 =	vld [tilespmem:s22+$0xFFFFFFF1];
	s13 =	sadd.s32 $0xFFFFFFC0, s0  }
0x121: {  	s18 =	sor.u32 s6, s7;
	v0 =	vld [tilespmem:s1+$0xFFFFFFEB];
	[smem:$0x7F3] =	sst s13  }
0x122: {  	[tilespmem:s18+$0x0] =	vst v3  }
0x123: {  	s16 =	sadd.s32 $0x15D00, s23;
	s0 =	rddreg [dreg:$0x3]  }
0x124: {  	s14 =	sor.u32 s11, s16;
	v1 =	vld [tilespmem:s26+$0xFFFFFFDB];
	s0 =	sadd.s32 s13, s0  }
0x125: {  	s2 =	sor.u32 s10, s2;
	s18 =	sand.u32 $0x5F, s13;
	[tilespmem:s14+$0x0] =	vst v4;
	s0 =	sand.u32 $0xFFFFFF80, s0  }
0x126: {  	v3 =	vld [tilespmem:s3+$0xFFFFFFF6];
	[tilespmem:s2+$0x0] =	vst v2;
	s17 =	sor.u32 s18, s0  }
0x127: {  	v4 =	vld [tilespmem:s20+$0xFFFFFFE6];
	s0 =	sadd.s32 $0x13E80, s25;
	[dreg:$0xc] =	wrdreg s17  }
0x128: {  	s14 =	sor.u32 s31, s0;
	v2 =	vld [tilespmem:s17+$0x0];
	[tilespmem:s15+$0x280] =	vst v0  }
0x129: {  	s18 =	simm.s32 $0x500;
	v0 =	vld [tilespmem:s22+$0xFFFFFFE0];
	[tilespmem:s14+$0x0] =	vst v1  }
0x12a: {  	s13 =	simm.s32 $0x500;
	s17 =	sor.u32 s29, s7;
	v1 =	vld [tilespmem:s1+$0xFFFFFFFB];
	[dreg:$0xf] =	wrdreg s18  }
0x12b: {  	s7 =	sand.u32 $0x1C00, s13;
	s18 =	simm.s32 $0xA0;
	[tilespmem:s17+$0x0] =	vst v3  }
0x12c: {  	s13 =	simm.s32 $0xA0;
	s14 =	sor.u32 s5, s16;
	v3 =	vld [tilespmem:s26+$0xFFFFFFEB];
	[dreg:$0x10] =	wrdreg s18  }
0x12d: {  	s16 =	sadd.s32 $0xFC00, s7;
	s18 =	sand.u32 $0x60, s13;
	[dreg:$0x5] =	wrdreg s7  }
0x12e: {  	s21 =	smov.u32 s29;
	s29 =	sadd.s32 $0x13C00, s28;
	[tilespmem:s14+$0x0] =	vst v4;
	s31 =	sor.u32 s18, s16  }
0x12f: {  	s2 =	sor.u32 s19, s29;
	v4 =	vld [tilespmem:s3+$0xFFFFFFE5];
	[tilespmem:s31+$0x0] =	vst v2  }
0x130: {  	[tilespmem:s2+$0x0] =	vst v0  }
0x131: {  	s15 =	sadd.s32 $0xFFFFFFC0, s1;
	v2 =	vld [tilespmem:s20+$0xFFFFFFD5];
	[tilespmem:s12+$0x280] =	vst v1  }
0x132: {  	s0 =	sor.u32 s30, s0;
	v0 =	vld [tilespmem:s15+$0x0];
	s12 =	sadd.s32 $0x11D80, s24;
	s2 =	sld [smem:$0x7F0]  }
0x133: {  	[tilespmem:s0+$0x0] =	vst v3;
	v3 =	vld [tilespmem:s1+$0xFFFFFFEA];
	s7 =	sor.u32 s6, s12  }
0x134: {  	s17 =	simm.s32 $0x4;
	s13 =	sadd.s32 $0x15D80, s23;
	[tilespmem:s7+$0x0] =	vst v4;
	v4 =	vld [tilespmem:s26+$0xFFFFFFDA]  }
0x135: {  	v1 =	vld [tilespmem:s2+$0x0];
	[dreg:$0x6] =	wrdreg s18;
	s2 =	sor.u32 $0x10, s18;
	s18 =	simm.s32 $0x4  }
0x136: {  	s7 =	sand.u32 $0x3, s17;
	s17 =	sor.u32 s11, s13;
	[dreg:$0x11] =	wrdreg s18  }
0x137: {  	[tilespmem:s17+$0x0] =	vst v2  }
0x138: {  	[dreg:$0x7] =	wrdreg s2  }
0x139: {  	s0 =	sshll.u32 s7, $0x5;
	s17 =	sor.u32 s2, s16;
	v2 =	vld [tilespmem:s3+$0xFFFFFFF5]  }
0x13a: {  	s0 =	sadd.s32 $0x400, s0;
	s18 =	sor.u32 s10, s29;
	[tilespmem:s17+$0x0] =	vst v0;
	v0 =	vld [tilespmem:s20+$0xFFFFFFE5]  }
0x13b: {  	s29 =	sadd.s32 $0x13F00, s25;
	s2 =	sor.u32 $0x300, s0;
	[tilespmem:s18+$0x0] =	vst v1;
	v1 =	vld [tilespmem:s15+$0xFFFFFFEF]  }
0x13c: {  	s7 =	sor.u32 s4, s29;
	[tilespmem:s2+$0xFC00] =	vst v3;
	v3 =	vld [tilespmem:s22+$0xFFFFFFDF]  }
0x13d: {  	s12 =	sor.u32 s21, s12;
	[tilespmem:s7+$0x0] =	vst v4;
	v4 =	vld [tilespmem:s1+$0xFFFFFFFA]  }
0x13e: {  	s18 =	sor.u32 s5, s13;
	[tilespmem:s12+$0x0] =	vst v2;
	v2 =	vld [tilespmem:s26+$0xFFFFFFEA]  }
0x13f: {  	[tilespmem:s18+$0x0] =	vst v0;
	s12 =	sadd.s32 $0x13C80, s28;
	v0 =	vld [tilespmem:s3+$0xFFFFFFE4]  }
0x140: {  	s0 =	sadd.s32 $0x10, s0;
	[tilespmem:s31+$0x80] =	vst v1;
	v1 =	vld [tilespmem:s20+$0xFFFFFFD4];
	s2 =	sor.u32 s19, s12  }
0x141: {  	s7 =	sor.u32 $0x300, s0;
	[tilespmem:s2+$0x0] =	vst v3;
	v3 =	vld [tilespmem:s15+$0xFFFFFFFF]  }
0x142: {  	s16 =	sor.u32 s30, s29;
	s18 =	sadd.s32 $0x11E00, s24;
	[tilespmem:s7+$0xFC00] =	vst v4;
	v4 =	vld [tilespmem:s22+$0xFFFFFFEF]  }
0x143: {  	s14 =	smov.u32 s1;
	s29 =	sadd.s32 $0x15E00, s23;
	[tilespmem:s16+$0x0] =	vst v2;
	v2 =	vld [tilespmem:s1+$0xFFFFFFE9];
	s1 =	sor.u32 s6, s18  }
0x144: {  	s2 =	sor.u32 s11, s29;
	[tilespmem:s1+$0x0] =	vst v0;
	v0 =	vld [tilespmem:s26+$0xFFFFFFD9]  }
0x145: {  	s7 =	simm.s32 $0x400;
	[tilespmem:s2+$0x0] =	vst v1;
	v1 =	vld [tilespmem:s3+$0xFFFFFFF4]  }
0x146: {  	s12 =	sor.u32 s10, s12;
	s1 =	sor.u32 s7, s9;
	[tilespmem:s17+$0x80] =	vst v3;
	v3 =	vld [tilespmem:s20+$0xFFFFFFE4]  }
0x147: {  	s9 =	sadd.s32 $0x13F80, s25;
	s1 =	sor.u32 $0x380, s1;
	[tilespmem:s12+$0x0] =	vst v4;
	v4 =	vld [tilespmem:s15+$0xFFFFFFEE]  }
0x148: {  	s13 =	sor.u32 s4, s9;
	[tilespmem:s1+$0xFC00] =	vst v2;
	v2 =	vld [tilespmem:s22+$0xFFFFFFDE]  }
0x149: {  	s18 =	sor.u32 s21, s18;
	[tilespmem:s13+$0x0] =	vst v0;
	v0 =	vld [tilespmem:s14+$0xFFFFFFF9]  }
0x14a: {  	s2 =	sor.u32 s5, s29;
	[tilespmem:s18+$0x0] =	vst v1;
	v1 =	vld [tilespmem:s26+$0xFFFFFFE9]  }
0x14b: {  	s7 =	sadd.s32 $0x13D00, s28;
	[tilespmem:s2+$0x0] =	vst v3;
	v3 =	vld [tilespmem:s3+$0xFFFFFFE3]  }
0x14c: {  	s13 =	sor.u32 s19, s7;
	[tilespmem:s31+$0x100] =	vst v4;
	v4 =	vld [tilespmem:s20+$0xFFFFFFD3]  }
0x14d: {  	s0 =	sor.u32 $0x380, s0;
	[tilespmem:s13+$0x0] =	vst v2;
	v2 =	vld [tilespmem:s15+$0xFFFFFFFE]  }
0x14e: {  	s16 =	sor.u32 s30, s9;
	s9 =	sadd.s32 $0x11E80, s24;
	[tilespmem:s0+$0xFC00] =	vst v0  }
0x14f: {  	s12 =	sadd.s32 $0x15E80, s23;
	s18 =	sor.u32 s6, s9;
	[tilespmem:s16+$0x0] =	vst v1  }
0x150: {  	s2 =	sor.u32 s11, s12;
	v0 =	vld [tilespmem:s22+$0xFFFFFFEE];
	[tilespmem:s18+$0x0] =	vst v3  }
0x151: {  	[tilespmem:s2+$0x0] =	vst v4  }
0x152: {  	[tilespmem:s17+$0x100] =	vst v2  }
0x153: {  	v1 =	vld [tilespmem:s14+$0xFFFFFFE8];
	s16 =	sld [smem:$0x7F1]  }
0x154: {  	s7 =	sor.u32 s10, s7  }
0x155: {  	v3 =	vld [tilespmem:s26+$0xFFFFFFD8];
	[tilespmem:s7+$0x0] =	vst v0  }
0x156: {  	v4 =	vld [tilespmem:s3+$0xFFFFFFF3];
	s18 =	rddreg [dreg:$0x17];
	s1 =	sadd.s32 $0x11C00, s16  }
0x157: {  	v2 =	vld [tilespmem:s20+$0xFFFFFFE3];
	s13 =	sor.u32 s18, s1  }
0x158: {  	s2 =	sadd.s32 $0x15C00, s25;
	v0 =	vld [tilespmem:s15+$0xFFFFFFED];
	[tilespmem:s13+$0x0] =	vst v1  }
0x159: {  	s8 =	smov.u32 s4;
	v1 =	vld [tilespmem:s22+$0xFFFFFFDD];
	[smem:$0x7F5] =	sst s4;
	s4 =	sor.u32 s4, s2  }
0x15a: {  	s7 =	sor.u32 s21, s9;
	[tilespmem:s4+$0x0] =	vst v3  }
0x15b: {  	s9 =	sor.u32 s5, s12;
	[tilespmem:s7+$0x0] =	vst v4  }
0x15c: {  	s0 =	sadd.s32 $0x13D80, s28;
	[tilespmem:s9+$0x0] =	vst v2;
	v4 =	vld [tilespmem:s26+$0xFFFFFFE8]  }
0x15d: {  	s12 =	sor.u32 s19, s0;
	[tilespmem:s31+$0x180] =	vst v0;
	v2 =	vld [tilespmem:s3+$0xFFFFFFE2]  }
0x15e: {  	v3 =	vld [tilespmem:s14+$0xFFFFFFF8];
	[tilespmem:s12+$0x0] =	vst v1  }
0x15f: {  	s7 =	sld [smem:$0x7F2]  }
0x160: {  	s13 =	sor.u32 s30, s2;
	s9 =	sadd.s32 $0x11F00, s24;
	v0 =	vld [tilespmem:s20+$0xFFFFFFD2]  }
0x161: {  	s2 =	sor.u32 s6, s9;
	v1 =	vld [tilespmem:s15+$0xFFFFFFFD];
	[tilespmem:s13+$0x0] =	vst v4  }
0x162: {  	[tilespmem:s2+$0x0] =	vst v2;
	s1 =	sor.u32 s7, s1;
	v2 =	vld [tilespmem:s26+$0xFFFFFFD7]  }
0x163: {  	s12 =	sadd.s32 $0x15F00, s23;
	[tilespmem:s1+$0x0] =	vst v3;
	v3 =	vld [tilespmem:s22+$0xFFFFFFED]  }
0x164: {  	s4 =	smov.u32 s6;
	s6 =	sor.u32 s11, s12;
	v4 =	vld [tilespmem:s14+$0xFFFFFFE7]  }
0x165: {  	[tilespmem:s6+$0x0] =	vst v0;
	s2 =	sadd.s32 $0x15C80, s25;
	v0 =	vld [tilespmem:s3+$0xFFFFFFF2]  }
0x166: {  	s6 =	sor.u32 s8, s2;
	[tilespmem:s17+$0x180] =	vst v1  }
0x167: {  	s0 =	sor.u32 s10, s0;
	v1 =	vld [tilespmem:s20+$0xFFFFFFE2];
	s1 =	sadd.s32 $0x11C80, s16;
	[tilespmem:s6+$0x0] =	vst v2  }
0x168: {  	s13 =	sor.u32 s18, s1;
	[tilespmem:s0+$0x0] =	vst v3;
	v3 =	vld [tilespmem:s15+$0xFFFFFFEC]  }
0x169: {  	s8 =	sor.u32 s21, s9;
	[tilespmem:s13+$0x0] =	vst v4;
	v4 =	vld [tilespmem:s22+$0xFFFFFFDC]  }
0x16a: {  	[tilespmem:s8+$0x0] =	vst v0;
	v2 =	vld [tilespmem:s14+$0xFFFFFFF7]  }
0x16b: {  	s9 =	sor.u32 s5, s12;
	v0 =	vld [tilespmem:s26+$0xFFFFFFE7];
	[dreg:$0x8] =	wrdreg s5  }
0x16c: {  	s0 =	sadd.s32 $0x13E00, s28;
	[tilespmem:s9+$0x0] =	vst v1  }
0x16d: {  	s12 =	sor.u32 s19, s0;
	v1 =	vld [tilespmem:s3+$0xFFFFFFE1];
	[tilespmem:s31+$0x200] =	vst v3  }
0x16e: {  	s1 =	sor.u32 s7, s1;
	v3 =	vld [tilespmem:s20+$0xFFFFFFD1];
	[tilespmem:s12+$0x0] =	vst v4  }
0x16f: {  	s13 =	smov.u32 s19;
	v4 =	vld [tilespmem:s15+$0xFFFFFFFC];
	[tilespmem:s1+$0x0] =	vst v2  }
0x170: {  	s19 =	sor.u32 s30, s2;
	s9 =	sadd.s32 $0x11F80, s24;
	v5 =	vld [tilespmem:s22+$0xFFFFFFEC];
	[dreg:$0x4] =	wrdreg s30  }
0x171: {  	s8 =	smov.u32 s24;
	s24 =	sor.u32 s4, s9;
	s1 =	sadd.s32 $0x15F80, s23;
	[tilespmem:s19+$0x0] =	vst v0  }
0x172: {  	s2 =	sor.u32 s11, s1;
	[tilespmem:s24+$0x0] =	vst v1  }
0x173: {  	v6 =	vld [tilespmem:s14+$0xFFFFFFE6];
	[tilespmem:s2+$0x0] =	vst v3  }
0x174: {  	s6 =	smov.u32 s7;
	v7 =	vld [tilespmem:s26+$0xFFFFFFD6];
	s7 =	sld [smem:$0x7F3];
	[tilespmem:s17+$0x200] =	vst v4  }
0x175: {  	v2 =	vld [tilespmem:s3+$0xFFFFFFF1];
	[dreg:$0x14] =	wrdreg s10  }
0x176: {  	s29 =	sadd.s32 $0x11D00, s16;
	s0 =	sor.u32 s10, s0;
	[smem:$0x7F4] =	sst s20  }
0x177: {  	s23 =	smov.u32 s26;
	s11 =	smov.u32 s18;
	s10 =	rddreg [dreg:$0x3];
	v0 =	vld [tilespmem:s20+$0xFFFFFFE1];
	[tilespmem:s0+$0x0] =	vst v5  }
0x178: {  	s26 =	smov.u32 s16;
	s16 =	sor.u32 s11, s29;
	v3 =	vld [tilespmem:s15+$0xFFFFFFEB];
	[dreg:$0x12] =	wrdreg s25  }
0x179: {  	[tilespmem:s16+$0x0] =	vst v6  }
0x17a: {  	s30 =	smov.u32 s28;
	s18 =	sadd.s32 $0xFFFFFFC0, s7;
	s20 =	sld [smem:$0x7F5]  }
0x17b: {  	s28 =	smov.u32 s21;
	s24 =	smov.u32 s17;
	s12 =	sadd.s32 s18, s10  }
0x17c: {  	s17 =	simm.s32 $0x600;
	s0 =	sand.u32 $0xFFFFFF80, s12;
	s12 =	sadd.s32 $0x15D00, s25  }
0x17d: {  	v1 =	vld [tilespmem:s22+$0xFFFFFFDB];
	s10 =	sor.u32 s21, s9;
	[dreg:$0x13] =	wrdreg s17;
	s21 =	sor.u32 s20, s12  }
0x17e: {  	s5 =	smov.u32 s4;
	s19 =	smov.u32 s22;
	s2 =	simm.s32 $0x700;
	[tilespmem:s21+$0x0] =	vst v7  }
0x17f: {  	s9 =	sand.u32 $0x5F, s18;
	s22 =	simm.s32 $0xA0;
	v4 =	vld [tilespmem:s14+$0xFFFFFFF6];
	[dreg:$0xb] =	wrdreg s15  }
0x180: {  	s17 =	smov.u32 s14;
	s25 =	smov.u32 s20;
	[dreg:$0x15] =	wrdreg s22  }
.LBB2_3:
0x181: {  	[dreg:$0x1c] =	wrdreg s2  }
0x182: {  	[dreg:$0x1a] =	wrdreg s18  }
0x183: {  	p1 =	sne.s32 s2, $0x1F00;
	s0 =	sor.u32 s9, s0;
	[tilespmem:s10+$0x0] =	vst v2;
	s10 =	rddreg [dreg:$0x8]  }
0x184: {  	s14 =	sadd.s32 $0x13E80, s30;
	s21 =	smov.u32 s13;
	s13 =	rddreg [dreg:$0x6]  }
0x185: {  	s9 =	smov.u32 s30;
	s30 =	smov.u32 s5;
	s16 =	rddreg [dreg:$0x13]  }
0x186: {  	s7 =	smov.u32 s3;
	s20 =	rddreg [dreg:$0x10];
	v2 =	vld [tilespmem:s23+$0xFFFFFFE6];
	s1 =	sor.u32 s10, s1  }
0x187: {  	s22 =	sor.u32 s6, s29;
	v5 =	vld [tilespmem:s0+$0x0];
	s4 =	smov.u32 s13;
	[dreg:$0x13] =	wrdreg s16;
	[tilespmem:s1+$0x0] =	vst v0  }
0x188: {  	s29 =	sadd.s32 $0x13C00, s8;
	s18 =	sand.u32 $0x1C00, s16;
	[dreg:$0x17] =	wrdreg s4;
	[tilespmem:s31+$0x280] =	vst v3  }
0x189: {  	s10 =	smov.u32 s25;
	s1 =	sor.u32 s21, s14;
	[dreg:$0x19] =	wrdreg s18;
	v0 =	vld [tilespmem:s3+$0xFFFFFFE0]  }
0x18a: {  	s5 =	sadd.s32 $0x20, s20;
	s20 =	sor.u32 s30, s29;
	s4 =	rddreg [dreg:$0x4];
	v3 =	vld [tilespmem:s15+$0xFFFFFFFB];
	[tilespmem:s1+$0x0] =	vst v1  }
0x18b: {  	s2 =	smov.u32 s7;
	s13 =	sand.u32 $0x60, s5;
	s31 =	rddreg [dreg:$0x12];
	[tilespmem:s22+$0x0] =	vst v4  }
0x18c: {  	s12 =	sor.u32 s4, s12;
	[dreg:$0x6] =	wrdreg s13;
	s1 =	sadd.s32 $0xFC00, s18;
	v1 =	vld [tilespmem:s19+$0xFFFFFFEB]  }
0x18d: {  	s25 =	smov.u32 s17;
	s18 =	rddreg [dreg:$0xe];
	s16 =	sor.u32 s13, s1;
	v4 =	vld [tilespmem:s17+$0xFFFFFFE5];
	[tilespmem:s12+$0x0] =	vst v2  }
0x18e: {  	s3 =	smov.u32 s11;
	s12 =	smov.u32 s23;
	s23 =	rddreg [dreg:$0xb];
	[tilespmem:s16+$0x0] =	vst v5  }
0x18f: {  	s11 =	smov.u32 s8;
	s15 =	sadd.s32 $0xFFFFFFC0, s15;
	s17 =	rddreg [dreg:$0x14];
	v2 =	vld [tilespmem:s12+$0xFFFFFFD5]  }
0x190: {  	s8 =	smov.u32 s19;
	s19 =	rddreg [dreg:$0xd];
	s7 =	smov.u32 s23;
	v5 =	vld [tilespmem:s15+$0x0];
	[tilespmem:s20+$0x0] =	vst v0  }
0x191: {  	s14 =	sor.u32 s17, s14;
	s22 =	smov.u32 s19;
	s23 =	rddreg [dreg:$0x11];
	[tilespmem:s24+$0x280] =	vst v3  }
0x192: {  	[dreg:$0xe] =	wrdreg s22;
	s19 =	sadd.s32 $0x1, s23;
	s20 =	sadd.s32 $0x11D80, s26;
	v0 =	vld [tilespmem:s18+$0x0]  }
0x193: {  	[dreg:$0x11] =	wrdreg s19;
	v3 =	vld [tilespmem:s7+$0xFFFFFFEA];
	s18 =	sor.u32 s3, s20;
	[tilespmem:s14+$0x0] =	vst v1  }
0x194: {  	s22 =	sadd.s32 $0x15D80, s31;
	s23 =	sor.u32 $0x10, s13;
	s14 =	rddreg [dreg:$0xc];
	[tilespmem:s18+$0x0] =	vst v4  }
0x195: {  	s13 =	sor.u32 s10, s22;
	s24 =	sand.u32 $0x3, s19;
	s19 =	smov.u32 s14;
	v1 =	vld [tilespmem:s8+$0xFFFFFFDA]  }
0x196: {  	s18 =	sor.u32 s23, s1;
	v4 =	vld [tilespmem:s25+$0xFFFFFFF5];
	[tilespmem:s13+$0x0] =	vst v2;
	[dreg:$0xd] =	wrdreg s19  }
0x197: {  	s1 =	sshll.u32 s24, $0x5;
	s19 =	rddreg [dreg:$0xf];
	[tilespmem:s18+$0x0] =	vst v5  }
0x198: {  	s14 =	sor.u32 s28, s29;
	s1 =	sadd.s32 s1, s19;
	v2 =	vld [tilespmem:s12+$0xFFFFFFE5]  }
0x199: {  	s24 =	smov.u32 s0;
	v5 =	vld [tilespmem:s15+$0xFFFFFFEF];
	s0 =	sor.u32 $0x300, s1;
	[tilespmem:s14+$0x0] =	vst v0  }
0x19a: {  	[dreg:$0xc] =	wrdreg s24;
	s24 =	sadd.s32 $0x13F00, s9;
	s14 =	smov.u32 s15;
	[tilespmem:s0+$0xFC00] =	vst v3  }
0x19b: {  	[dreg:$0xb] =	wrdreg s14;
	s14 =	sor.u32 s21, s24;
	v0 =	vld [tilespmem:s2+$0xFFFFFFDF]  }
0x19c: {  	s20 =	sor.u32 s6, s20;
	v3 =	vld [tilespmem:s7+$0xFFFFFFFA];
	[tilespmem:s14+$0x0] =	vst v1  }
0x19d: {  	s13 =	smov.u32 s4;
	[tilespmem:s20+$0x0] =	vst v4  }
0x19e: {  	s22 =	sor.u32 s13, s22;
	v1 =	vld [tilespmem:s8+$0xFFFFFFEA]  }
0x19f: {  	s14 =	rddreg [dreg:$0x7];
	s20 =	smov.u32 s23;
	v4 =	vld [tilespmem:s25+$0xFFFFFFE4];
	[tilespmem:s22+$0x0] =	vst v2  }
0x1a0: {  	[dreg:$0x7] =	wrdreg s20;
	s20 =	sadd.s32 $0x13C80, s11;
	[tilespmem:s16+$0x80] =	vst v5  }
0x1a1: {  	s0 =	sadd.s32 $0x10, s1;
	s22 =	sor.u32 s30, s20;
	v2 =	vld [tilespmem:s12+$0xFFFFFFD4]  }
0x1a2: {  	s23 =	sor.u32 $0x300, s0;
	v5 =	vld [tilespmem:s15+$0xFFFFFFFF];
	[tilespmem:s22+$0x0] =	vst v0  }
0x1a3: {  	s29 =	smov.u32 s17;
	[tilespmem:s23+$0xFC00] =	vst v3  }
0x1a4: {  	s17 =	smov.u32 s28;
	s1 =	sadd.s32 $0x11E00, s26;
	s24 =	sor.u32 s29, s24;
	v0 =	vld [tilespmem:s2+$0xFFFFFFEF]  }
0x1a5: {  	s28 =	smov.u32 s14;
	s14 =	smov.u32 s3;
	s3 =	sor.u32 s3, s1;
	v3 =	vld [tilespmem:s7+$0xFFFFFFE9];
	[tilespmem:s24+$0x0] =	vst v1  }
0x1a6: {  	s22 =	sadd.s32 $0x15E00, s31;
	[tilespmem:s3+$0x0] =	vst v4  }
0x1a7: {  	s4 =	smov.u32 s6;
	s6 =	sor.u32 s10, s22;
	v1 =	vld [tilespmem:s8+$0xFFFFFFD9]  }
0x1a8: {  	v4 =	vld [tilespmem:s25+$0xFFFFFFF4];
	[tilespmem:s6+$0x0] =	vst v2  }
0x1a9: {  	s23 =	rddreg [dreg:$0x15];
	[tilespmem:s18+$0x80] =	vst v5  }
0x1aa: {  	s20 =	sor.u32 s17, s20;
	s19 =	sor.u32 s19, s23;
	v2 =	vld [tilespmem:s12+$0xFFFFFFE4]  }
0x1ab: {  	s6 =	sor.u32 $0x380, s19;
	v5 =	vld [tilespmem:s15+$0xFFFFFFEE];
	[tilespmem:s20+$0x0] =	vst v0  }
0x1ac: {  	s20 =	sadd.s32 $0x13F80, s9;
	[tilespmem:s6+$0xFC00] =	vst v3  }
0x1ad: {  	s6 =	sor.u32 s21, s20;
	v0 =	vld [tilespmem:s2+$0xFFFFFFDE]  }
0x1ae: {  	s1 =	sor.u32 s4, s1;
	v3 =	vld [tilespmem:s7+$0xFFFFFFF9];
	[tilespmem:s6+$0x0] =	vst v1  }
0x1af: {  	[dreg:$0x10] =	wrdreg s5;
	s24 =	smov.u32 s5;
	[tilespmem:s1+$0x0] =	vst v4  }
0x1b0: {  	s5 =	sor.u32 s13, s22;
	[dreg:$0x15] =	wrdreg s24;
	v1 =	vld [tilespmem:s8+$0xFFFFFFE9]  }
0x1b1: {  	s19 =	rddreg [dreg:$0x13];
	v4 =	vld [tilespmem:s25+$0xFFFFFFE3];
	[tilespmem:s5+$0x0] =	vst v2  }
0x1b2: {  	s24 =	smov.u32 s19;
	s19 =	rddreg [dreg:$0x1c];
	s6 =	sadd.s32 $0x13D00, s11;
	[tilespmem:s16+$0x100] =	vst v5  }
0x1b3: {  	[dreg:$0xf] =	wrdreg s24;
	s24 =	smov.u32 s19;
	s19 =	sor.u32 s30, s6;
	v2 =	vld [tilespmem:s12+$0xFFFFFFD3]  }
0x1b4: {  	s0 =	sor.u32 $0x380, s0;
	v5 =	vld [tilespmem:s15+$0xFFFFFFFE];
	[tilespmem:s19+$0x0] =	vst v0  }
0x1b5: {  	[tilespmem:s0+$0xFC00] =	vst v3  }
0x1b6: {  	s20 =	sor.u32 s29, s20;
	s0 =	sadd.s32 $0x11E80, s26;
	v0 =	vld [tilespmem:s2+$0xFFFFFFEE]  }
0x1b7: {  	v3 =	vld [tilespmem:s7+$0xFFFFFFE8];
	s23 =	sor.u32 s14, s0;
	[tilespmem:s20+$0x0] =	vst v1  }
0x1b8: {  	s1 =	sadd.s32 $0x15E80, s31;
	[tilespmem:s23+$0x0] =	vst v4  }
0x1b9: {  	[dreg:$0x13] =	wrdreg s24;
	s24 =	sor.u32 s10, s1;
	v1 =	vld [tilespmem:s8+$0xFFFFFFD8]  }
0x1ba: {  	v4 =	vld [tilespmem:s25+$0xFFFFFFF3];
	[tilespmem:s24+$0x0] =	vst v2  }
0x1bb: {  	s19 =	rddreg [dreg:$0x5];
	[tilespmem:s18+$0x100] =	vst v5  }
0x1bc: {  	s22 =	sor.u32 s17, s6;
	s20 =	sadd.s32 $0x11C00, s19;
	s24 =	rddreg [dreg:$0x17];
	v2 =	vld [tilespmem:s12+$0xFFFFFFE3]  }
0x1bd: {  	s3 =	sor.u32 s24, s20;
	v5 =	vld [tilespmem:s15+$0xFFFFFFED];
	[tilespmem:s22+$0x0] =	vst v0  }
0x1be: {  	s5 =	sadd.s32 $0x15C00, s9;
	[tilespmem:s3+$0x0] =	vst v3  }
0x1bf: {  	s6 =	sor.u32 s21, s5;
	v0 =	vld [tilespmem:s2+$0xFFFFFFDD]  }
0x1c0: {  	s0 =	sor.u32 s4, s0;
	v3 =	vld [tilespmem:s7+$0xFFFFFFF8];
	[tilespmem:s6+$0x0] =	vst v1  }
0x1c1: {  	[tilespmem:s0+$0x0] =	vst v4  }
0x1c2: {  	s23 =	sor.u32 s13, s1;
	v1 =	vld [tilespmem:s8+$0xFFFFFFE8]  }
0x1c3: {  	v4 =	vld [tilespmem:s25+$0xFFFFFFE2];
	[tilespmem:s23+$0x0] =	vst v2  }
0x1c4: {  	s1 =	sadd.s32 $0x13D80, s11;
	[tilespmem:s16+$0x180] =	vst v5  }
0x1c5: {  	s3 =	sor.u32 s30, s1;
	v2 =	vld [tilespmem:s12+$0xFFFFFFD2]  }
0x1c6: {  	s20 =	sor.u32 s28, s20;
	v5 =	vld [tilespmem:s15+$0xFFFFFFFD];
	[tilespmem:s3+$0x0] =	vst v0  }
0x1c7: {  	[tilespmem:s20+$0x0] =	vst v3  }
0x1c8: {  	s5 =	sor.u32 s29, s5;
	s0 =	sadd.s32 $0x11F00, s26;
	v0 =	vld [tilespmem:s2+$0xFFFFFFED]  }
0x1c9: {  	s6 =	sor.u32 s14, s0;
	v3 =	vld [tilespmem:s7+$0xFFFFFFE7];
	[tilespmem:s5+$0x0] =	vst v1  }
0x1ca: {  	s20 =	sadd.s32 $0x15F00, s31;
	[tilespmem:s6+$0x0] =	vst v4  }
0x1cb: {  	s23 =	sor.u32 s10, s20;
	v1 =	vld [tilespmem:s8+$0xFFFFFFD7]  }
0x1cc: {  	v4 =	vld [tilespmem:s25+$0xFFFFFFF2];
	[tilespmem:s23+$0x0] =	vst v2  }
0x1cd: {  	[tilespmem:s18+$0x180] =	vst v5  }
0x1ce: {  	s22 =	sadd.s32 $0x11C80, s19;
	s1 =	sor.u32 s17, s1;
	v2 =	vld [tilespmem:s12+$0xFFFFFFE2]  }
0x1cf: {  	s3 =	sor.u32 s24, s22;
	v5 =	vld [tilespmem:s15+$0xFFFFFFEC];
	[tilespmem:s1+$0x0] =	vst v0  }
0x1d0: {  	s5 =	sadd.s32 $0x15C80, s9;
	[tilespmem:s3+$0x0] =	vst v3  }
0x1d1: {  	s6 =	sor.u32 s21, s5;
	v0 =	vld [tilespmem:s2+$0xFFFFFFDC]  }
0x1d2: {  	s0 =	sor.u32 s4, s0;
	v3 =	vld [tilespmem:s7+$0xFFFFFFF7];
	[tilespmem:s6+$0x0] =	vst v1  }
0x1d3: {  	[tilespmem:s0+$0x0] =	vst v4  }
0x1d4: {  	[dreg:$0x8] =	wrdreg s13;
	s13 =	sor.u32 s13, s20;
	v1 =	vld [tilespmem:s8+$0xFFFFFFE7]  }
0x1d5: {  	v4 =	vld [tilespmem:s25+$0xFFFFFFE1];
	[tilespmem:s13+$0x0] =	vst v2  }
0x1d6: {  	[dreg:$0x4] =	wrdreg s29;
	s20 =	sadd.s32 $0x13E00, s11;
	[tilespmem:s16+$0x200] =	vst v5  }
0x1d7: {  	[dreg:$0x14] =	wrdreg s17;
	s22 =	sor.u32 s28, s22;
	s23 =	sor.u32 s30, s20;
	v5 =	vld [tilespmem:s12+$0xFFFFFFD1]  }
0x1d8: {  	s6 =	smov.u32 s28;
	s28 =	smov.u32 s9;
	s9 =	rddreg [dreg:$0x1a];
	v6 =	vld [tilespmem:s15+$0xFFFFFFFC];
	[tilespmem:s23+$0x0] =	vst v0  }
0x1d9: {  	s1 =	sor.u32 s29, s5;
	s5 =	smov.u32 s14;
	[dreg:$0x12] =	wrdreg s28;
	[tilespmem:s22+$0x0] =	vst v3  }
0x1da: {  	s13 =	smov.u32 s30;
	s30 =	smov.u32 s11;
	s22 =	sadd.s32 $0x11F80, s26;
	v7 =	vld [tilespmem:s2+$0xFFFFFFEC]  }
0x1db: {  	s11 =	smov.u32 s24;
	s24 =	smov.u32 s18;
	v8 =	vld [tilespmem:s7+$0xFFFFFFE6];
	s3 =	sor.u32 s14, s22;
	[tilespmem:s1+$0x0] =	vst v1  }
0x1dc: {  	s23 =	smov.u32 s8;
	s1 =	sadd.s32 $0x15F80, s31;
	s31 =	smov.u32 s16;
	[tilespmem:s3+$0x0] =	vst v4  }
0x1dd: {  	s14 =	sor.u32 s10, s1;
	s10 =	smov.u32 s19;
	s19 =	rddreg [dreg:$0x3];
	v9 =	vld [tilespmem:s8+$0xFFFFFFD6]  }
0x1de: {  	s3 =	smov.u32 s25;
	s8 =	smov.u32 s26;
	v2 =	vld [tilespmem:s25+$0xFFFFFFF1];
	s25 =	rddreg [dreg:$0x19]  }
0x1df: {  	[tilespmem:s14+$0x0] =	vst v5;
	s29 =	sadd.s32 $0x11D00, s10;
	s14 =	sor.u32 s17, s20;
	s17 =	smov.u32 s21  }
0x1e0: {  	s20 =	rddreg [dreg:$0x1c];
	s26 =	smov.u32 s25;
	[tilespmem:s18+$0x200] =	vst v6;
	s18 =	sadd.s32 $0xFFFFFFC0, s9  }
.Ltmp0:
0x1e1: {  	s25 =	smov.u32 s17;
	[dreg:$0x5] =	wrdreg s26;
	v0 =	vld [tilespmem:s12+$0xFFFFFFE1];
	(pc) =	sbr.rel @p1 .LBB2_3-.Ltmp0, $4  }
0x1e2: {  	s26 =	smov.u32 s10;
	v3 =	vld [tilespmem:s15+$0xFFFFFFEB];
	s10 =	sor.u32 s11, s29;
	s12 =	sadd.s32 $0x15D00, s28;
	[tilespmem:s14+$0x0] =	vst v7  }
0x1e3: {  	s0 =	sadd.s32 s18, s19;
	s9 =	sand.u32 $0x5F, s18;
	s19 =	smov.u32 s2;
	[tilespmem:s10+$0x0] =	vst v8  }
0x1e4: {  	s28 =	smov.u32 s4;
	s21 =	sor.u32 s17, s12;
	s0 =	sand.u32 $0xFFFFFF80, s0;
	v1 =	vld [tilespmem:s2+$0xFFFFFFDB]  }
0x1e5: {  	s17 =	smov.u32 s7;
	s10 =	sor.u32 s4, s22;
	s2 =	sadd.s32 $0x100, s20;
	v4 =	vld [tilespmem:s7+$0xFFFFFFF6];
	[tilespmem:s21+$0x0] =	vst v9  }
0x1e6: {  	s0 =	sor.u32 s9, s0  }
0x1e7: {  	[smem:$0x7EA] =	sst s0  }
0x1e8: {  	[tilespmem:s10+$0x0] =	vst v2  }
0x1e9: {  	s14 =	rddreg [dreg:$0x10]  }
0x1ea: {  	s16 =	rddreg [dreg:$0x13];
	s4 =	sadd.s32 $0x20, s14  }
0x1eb: {  	v5 =	vld [tilespmem:s0+$0x0];
	s0 =	sand.u32 $0x1C00, s16;
	[smem:$0x7E7] =	sst s4  }
0x1ec: {  	[smem:$0x7E8] =	sst s0  }
0x1ed: {  	v2 =	vld [tilespmem:s3+$0xFFFFFFE0]  }
0x1ee: {  	s4 =	sand.u32 $0x60, s4;
	s0 =	sadd.s32 $0xFC00, s0;
	[tilespmem:s31+$0x280] =	vst v3  }
0x1ef: {  	s16 =	sor.u32 s4, s0;
	[smem:$0x7E9] =	sst s4  }
0x1f0: {  	s7 =	sadd.s32 $0xFFFFFFC0, s15;
	s2 =	sor.u32 s6, s29;
	v3 =	vld [tilespmem:s15+$0xFFFFFFFB];
	[tilespmem:s16+$0x0] =	vst v5;
	s15 =	sadd.s32 $0x13C00, s8  }
0x1f1: {  	[tilespmem:s2+$0x0] =	vst v4;
	s18 =	sor.u32 s5, s15  }
0x1f2: {  	v5 =	vld [tilespmem:s7+$0x0];
	[tilespmem:s18+$0x0] =	vst v2  }
0x1f3: {  	v2 =	vld [tilespmem:s17+$0xFFFFFFE5];
	s2 =	rddreg [dreg:$0xe]  }
0x1f4: {  	v4 =	vld [tilespmem:s2+$0x0]  }
0x1f5: {  	s22 =	sor.u32 $0x10, s4;
	[tilespmem:s24+$0x280] =	vst v3  }
0x1f6: {  	s10 =	sor.u32 s22, s0;
	s24 =	sadd.s32 $0x11D80, s26;
	s2 =	rddreg [dreg:$0xb]  }
0x1f7: {  	s21 =	rddreg [dreg:$0x11];
	[tilespmem:s10+$0x0] =	vst v5;
	s4 =	sor.u32 s11, s24  }
0x1f8: {  	s15 =	sor.u32 s28, s15;
	v3 =	vld [tilespmem:s2+$0xFFFFFFEA];
	s9 =	sadd.s32 $0x1, s21;
	[tilespmem:s4+$0x0] =	vst v2  }
0x1f9: {  	s20 =	smov.u32 s3;
	s14 =	smov.u32 s17;
	v5 =	vld [tilespmem:s7+$0xFFFFFFEF];
	s18 =	sand.u32 $0x3, s9;
	[tilespmem:s15+$0x0] =	vst v4  }
0x1fa: {  	s3 =	smov.u32 s5;
	s5 =	sshll.u32 s18, $0x5;
	v2 =	vld [tilespmem:s14+$0xFFFFFFF5];
	s4 =	rddreg [dreg:$0xf]  }
0x1fb: {  	v4 =	vld [tilespmem:s20+$0xFFFFFFDF];
	s18 =	sadd.s32 s5, s4  }
0x1fc: {  	s17 =	sor.u32 $0x300, s18  }
0x1fd: {  	[tilespmem:s17+$0xFC00] =	vst v3  }
0x1fe: {  	s0 =	sor.u32 s6, s24;
	[tilespmem:s16+$0x80] =	vst v5;
	s17 =	sadd.s32 $0x13C80, s8;
	v3 =	vld [tilespmem:s2+$0xFFFFFFFA]  }
0x1ff: {  	v5 =	vld [tilespmem:s7+$0xFFFFFFFF];
	[tilespmem:s0+$0x0] =	vst v2;
	s24 =	sor.u32 s3, s17  }
0x200: {  	v2 =	vld [tilespmem:s14+$0xFFFFFFE4];
	[tilespmem:s24+$0x0] =	vst v4  }
0x201: {  	s0 =	sadd.s32 $0x10, s18;
	v4 =	vld [tilespmem:s20+$0xFFFFFFEF]  }
0x202: {  	s15 =	sor.u32 $0x300, s0  }
0x203: {  	[tilespmem:s15+$0xFC00] =	vst v3;
	s15 =	sadd.s32 $0x11E00, s26  }
0x204: {  	s5 =	smov.u32 s6;
	s6 =	smov.u32 s3;
	[tilespmem:s10+$0x80] =	vst v5;
	v3 =	vld [tilespmem:s2+$0xFFFFFFE9];
	s3 =	sor.u32 s11, s15  }
0x205: {  	s17 =	sor.u32 s28, s17;
	v5 =	vld [tilespmem:s7+$0xFFFFFFEE];
	[tilespmem:s3+$0x0] =	vst v2  }
0x206: {  	s24 =	rddreg [dreg:$0x15];
	[tilespmem:s17+$0x0] =	vst v4;
	v2 =	vld [tilespmem:s14+$0xFFFFFFF4]  }
0x207: {  	s3 =	sor.u32 s4, s24;
	v4 =	vld [tilespmem:s20+$0xFFFFFFDE]  }
0x208: {  	s3 =	sor.u32 $0x380, s3  }
0x209: {  	[tilespmem:s3+$0xFC00] =	vst v3  }
0x20a: {  	s18 =	sor.u32 s5, s15;
	s15 =	sadd.s32 $0x13D00, s8;
	[tilespmem:s16+$0x100] =	vst v5;
	v3 =	vld [tilespmem:s2+$0xFFFFFFF9]  }
0x20b: {  	s4 =	sadd.s32 $0x13E80, s30;
	s24 =	sor.u32 s6, s15;
	v5 =	vld [tilespmem:s7+$0xFFFFFFFE];
	[tilespmem:s18+$0x0] =	vst v2  }
0x20c: {  	s3 =	sor.u32 s13, s4;
	[tilespmem:s24+$0x0] =	vst v4;
	v2 =	vld [tilespmem:s14+$0xFFFFFFE3]  }
0x20d: {  	[tilespmem:s3+$0x0] =	vst v1;
	v1 =	vld [tilespmem:s20+$0xFFFFFFEE]  }
0x20e: {  	s0 =	sor.u32 $0x380, s0  }
0x20f: {  	[tilespmem:s0+$0xFC00] =	vst v3;
	s0 =	sadd.s32 $0x11E80, s26  }
0x210: {  	s18 =	smov.u32 s13;
	[tilespmem:s10+$0x100] =	vst v5;
	v3 =	vld [tilespmem:s19+$0xFFFFFFEB];
	s13 =	sor.u32 s11, s0  }
0x211: {  	s15 =	sor.u32 s28, s15;
	[tilespmem:s13+$0x0] =	vst v2  }
0x212: {  	v5 =	vld [tilespmem:s7+$0xFFFFFFED];
	[tilespmem:s15+$0x0] =	vst v1  }
0x213: {  	v4 =	vld [tilespmem:s2+$0xFFFFFFE8];
	s29 =	rddreg [dreg:$0x14]  }
0x214: {  	v1 =	vld [tilespmem:s14+$0xFFFFFFF3];
	s17 =	sor.u32 s29, s4  }
0x215: {  	s24 =	rddreg [dreg:$0x5];
	v2 =	vld [tilespmem:s20+$0xFFFFFFDD];
	[tilespmem:s17+$0x0] =	vst v3  }
0x216: {  	s21 =	smov.u32 s28;
	s15 =	sadd.s32 $0x11C00, s24;
	s28 =	rddreg [dreg:$0x6];
	v3 =	vld [tilespmem:s19+$0xFFFFFFDA]  }
0x217: {  	[tilespmem:s16+$0x180] =	vst v5;
	s3 =	sor.u32 s28, s15  }
0x218: {  	s0 =	sor.u32 s5, s0;
	s13 =	sadd.s32 $0x13D80, s8;
	v5 =	vld [tilespmem:s7+$0xFFFFFFFD];
	[tilespmem:s3+$0x0] =	vst v4  }
0x219: {  	s4 =	sor.u32 s6, s13;
	[tilespmem:s0+$0x0] =	vst v1;
	s0 =	sadd.s32 $0x13F00, s30;
	v4 =	vld [tilespmem:s2+$0xFFFFFFF8]  }
0x21a: {  	s3 =	smov.u32 s8;
	[tilespmem:s4+$0x0] =	vst v2;
	s8 =	sor.u32 s18, s0  }
0x21b: {  	v1 =	vld [tilespmem:s14+$0xFFFFFFE2];
	[tilespmem:s8+$0x0] =	vst v3  }
0x21c: {  	v2 =	vld [tilespmem:s20+$0xFFFFFFED];
	s8 =	rddreg [dreg:$0x7]  }
0x21d: {  	v3 =	vld [tilespmem:s19+$0xFFFFFFEA];
	[tilespmem:s10+$0x180] =	vst v5;
	s15 =	sor.u32 s8, s15  }
0x21e: {  	v5 =	vld [tilespmem:s7+$0xFFFFFFEC];
	[tilespmem:s15+$0x0] =	vst v4;
	s15 =	sadd.s32 $0x11F00, s26  }
0x21f: {  	v4 =	vld [tilespmem:s2+$0xFFFFFFE7];
	s4 =	sor.u32 s11, s15  }
0x220: {  	s13 =	sor.u32 s21, s13;
	[tilespmem:s4+$0x0] =	vst v1  }
0x221: {  	s0 =	sor.u32 s29, s0;
	[tilespmem:s13+$0x0] =	vst v2;
	v1 =	vld [tilespmem:s14+$0xFFFFFFF2]  }
0x222: {  	s13 =	sadd.s32 $0x11C80, s24;
	v2 =	vld [tilespmem:s20+$0xFFFFFFDC];
	[tilespmem:s0+$0x0] =	vst v3  }
0x223: {  	s4 =	sor.u32 s28, s13;
	v3 =	vld [tilespmem:s19+$0xFFFFFFD9];
	[tilespmem:s16+$0x200] =	vst v5  }
0x224: {  	v5 =	vld [tilespmem:s7+$0xFFFFFFFC];
	[tilespmem:s4+$0x0] =	vst v4  }
0x225: {  	s17 =	sor.u32 s5, s15;
	s15 =	sadd.s32 $0x13E00, s3;
	v4 =	vld [tilespmem:s2+$0xFFFFFFF7]  }
0x226: {  	s0 =	sadd.s32 $0x13F80, s30;
	s4 =	sor.u32 s6, s15;
	[tilespmem:s17+$0x0] =	vst v1  }
0x227: {  	[tilespmem:s4+$0x0] =	vst v2;
	s4 =	sor.u32 s18, s0;
	v1 =	vld [tilespmem:s14+$0xFFFFFFE1]  }
0x228: {  	v2 =	vld [tilespmem:s20+$0xFFFFFFEC];
	[tilespmem:s4+$0x0] =	vst v3  }
0x229: {  	s13 =	sor.u32 s8, s13;
	v3 =	vld [tilespmem:s19+$0xFFFFFFE9];
	[tilespmem:s10+$0x200] =	vst v5  }
0x22a: {  	v5 =	vld [tilespmem:s7+$0xFFFFFFEB];
	[tilespmem:s13+$0x0] =	vst v4;
	s13 =	sadd.s32 $0x11F80, s26  }
0x22b: {  	v4 =	vld [tilespmem:s2+$0xFFFFFFE6];
	s4 =	sor.u32 s11, s13  }
0x22c: {  	s15 =	sor.u32 s21, s15;
	[tilespmem:s4+$0x0] =	vst v1  }
0x22d: {  	s0 =	sor.u32 s29, s0;
	[tilespmem:s15+$0x0] =	vst v2;
	v1 =	vld [tilespmem:s14+$0xFFFFFFF1]  }
0x22e: {  	s15 =	sadd.s32 $0x11D00, s24;
	v2 =	vld [tilespmem:s20+$0xFFFFFFDB];
	[tilespmem:s0+$0x0] =	vst v3  }
0x22f: {  	s4 =	sor.u32 s28, s15;
	v3 =	vld [tilespmem:s19+$0xFFFFFFD8];
	[tilespmem:s16+$0x280] =	vst v5  }
0x230: {  	v5 =	vld [tilespmem:s7+$0xFFFFFFFB];
	[tilespmem:s4+$0x0] =	vst v4  }
0x231: {  	s17 =	sor.u32 s5, s13;
	s13 =	sadd.s32 $0x13E80, s3;
	v4 =	vld [tilespmem:s2+$0xFFFFFFF6]  }
0x232: {  	s0 =	sadd.s32 $0x15C00, s30;
	s4 =	sor.u32 s6, s13;
	[tilespmem:s17+$0x0] =	vst v1  }
0x233: {  	[tilespmem:s4+$0x0] =	vst v2;
	s4 =	sor.u32 s18, s0;
	v1 =	vld [tilespmem:s14+$0xFFFFFFE0]  }
0x234: {  	v2 =	vld [tilespmem:s20+$0xFFFFFFEB];
	[tilespmem:s4+$0x0] =	vst v3  }
0x235: {  	s15 =	sor.u32 s8, s15;
	v3 =	vld [tilespmem:s19+$0xFFFFFFE8];
	[tilespmem:s10+$0x280] =	vst v5  }
0x236: {  	s10 =	sadd.s32 $0x13C00, s26;
	[tilespmem:s15+$0x0] =	vst v4  }
0x237: {  	s4 =	sor.u32 s11, s10;
	v4 =	vld [tilespmem:s2+$0xFFFFFFE5]  }
0x238: {  	s13 =	sor.u32 s21, s13;
	[tilespmem:s4+$0x0] =	vst v1  }
0x239: {  	s9 =	sadd.s32 $0x1, s9;
	s0 =	sor.u32 s29, s0;
	v5 =	vld [tilespmem:s7+$0xFFFFFFEA];
	s15 =	rddreg [dreg:$0xd];
	[tilespmem:s13+$0x0] =	vst v2  }
0x23a: {  	s9 =	sand.u32 $0x3, s9;
	s13 =	sadd.s32 $0x11D80, s24;
	[tilespmem:s0+$0x0] =	vst v3;
	v1 =	vld [tilespmem:s15+$0x0]  }
0x23b: {  	s9 =	sshll.u32 s9, $0x5;
	v2 =	vld [tilespmem:s20+$0xFFFFFFDA];
	s4 =	rddreg [dreg:$0x13];
	s15 =	sor.u32 s28, s13  }
0x23c: {  	v3 =	vld [tilespmem:s19+$0xFFFFFFD7];
	s0 =	sadd.s32 s9, s4;
	[tilespmem:s15+$0x0] =	vst v4  }
0x23d: {  	s15 =	sor.u32 $0x300, s0;
	v4 =	vld [tilespmem:s2+$0xFFFFFFF5]  }
0x23e: {  	[tilespmem:s15+$0xFC00] =	vst v5;
	s15 =	sor.u32 s5, s10;
	s10 =	sadd.s32 $0x13F00, s3  }
0x23f: {  	s17 =	smov.u32 s6;
	s9 =	sadd.s32 $0x15C80, s30;
	v5 =	vld [tilespmem:s7+$0xFFFFFFFA];
	s6 =	sor.u32 s6, s10;
	[tilespmem:s15+$0x0] =	vst v1  }
0x240: {  	[tilespmem:s6+$0x0] =	vst v2;
	s6 =	sor.u32 s18, s9;
	v1 =	vld [tilespmem:s14+$0xFFFFFFDF]  }
0x241: {  	s13 =	sor.u32 s8, s13;
	[tilespmem:s6+$0x0] =	vst v3;
	v2 =	vld [tilespmem:s20+$0xFFFFFFEA]  }
0x242: {  	s0 =	sadd.s32 $0x10, s0;
	v3 =	vld [tilespmem:s19+$0xFFFFFFE7];
	[tilespmem:s13+$0x0] =	vst v4  }
0x243: {  	s15 =	sor.u32 $0x300, s0;
	s13 =	sadd.s32 $0x13C80, s26;
	v4 =	vld [tilespmem:s2+$0xFFFFFFE4]  }
0x244: {  	[tilespmem:s15+$0xFC00] =	vst v5;
	s6 =	sor.u32 s11, s13  }
0x245: {  	s10 =	sor.u32 s21, s10;
	[tilespmem:s6+$0x0] =	vst v1  }
0x246: {  	s9 =	sor.u32 s29, s9;
	[tilespmem:s10+$0x0] =	vst v2;
	s10 =	sadd.s32 $0x11E00, s24  }
0x247: {  	v1 =	vld [tilespmem:s14+$0xFFFFFFEF];
	[tilespmem:s9+$0x0] =	vst v3;
	s6 =	sor.u32 s28, s10  }
0x248: {  	v5 =	vld [tilespmem:s7+$0xFFFFFFE9];
	s15 =	sld [smem:$0x7E7];
	[tilespmem:s6+$0x0] =	vst v4  }
0x249: {  	v3 =	vld [tilespmem:s19+$0xFFFFFFD6];
	s9 =	rddreg [dreg:$0x8]  }
0x24a: {  	v2 =	vld [tilespmem:s20+$0xFFFFFFD9];
	s1 =	sor.u32 s9, s1  }
0x24b: {  	v4 =	vld [tilespmem:s2+$0xFFFFFFF4];
	s4 =	sor.u32 s4, s15;
	s15 =	sor.u32 s5, s13;
	[tilespmem:s1+$0x0] =	vst v0  }
0x24c: {  	s6 =	sor.u32 $0x380, s4;
	[tilespmem:s15+$0x0] =	vst v1;
	s1 =	sadd.s32 $0x15D00, s30  }
0x24d: {  	[tilespmem:s6+$0xFC00] =	vst v5;
	s6 =	sadd.s32 $0x13F80, s3;
	s4 =	sor.u32 s18, s1  }
0x24e: {  	s13 =	smov.u32 s5;
	s5 =	smov.u32 s3;
	v0 =	vld [tilespmem:s7+$0xFFFFFFF9];
	s3 =	sor.u32 s17, s6;
	[tilespmem:s4+$0x0] =	vst v3  }
0x24f: {  	s10 =	sor.u32 s8, s10;
	[tilespmem:s3+$0x0] =	vst v2;
	v2 =	vld [tilespmem:s14+$0xFFFFFFDE]  }
0x250: {  	[tilespmem:s10+$0x0] =	vst v4;
	v4 =	vld [tilespmem:s19+$0xFFFFFFE6]  }
0x251: {  	v3 =	vld [tilespmem:s20+$0xFFFFFFE9]  }
0x252: {  	s0 =	sor.u32 $0x380, s0;
	s9 =	sadd.s32 $0x13D00, s26;
	v1 =	vld [tilespmem:s23+$0xFFFFFFE6]  }
0x253: {  	s31 =	smov.u32 s26;
	s26 =	sor.u32 s11, s9;
	[tilespmem:s0+$0xFC00] =	vst v0;
	v0 =	vld [tilespmem:s2+$0xFFFFFFE3]  }
0x254: {  	s3 =	sor.u32 s21, s6;
	s6 =	sor.u32 s29, s1;
	s4 =	rddreg [dreg:$0x4];
	[tilespmem:s26+$0x0] =	vst v2  }
0x255: {  	[tilespmem:s6+$0x0] =	vst v4  }
0x256: {  	s1 =	sadd.s32 $0x11E80, s24;
	s15 =	sor.u32 s4, s12;
	[tilespmem:s3+$0x0] =	vst v3  }
0x257: {  	s10 =	sor.u32 s28, s1;
	[tilespmem:s15+$0x0] =	vst v1  }
0x258: {  	v1 =	vld [tilespmem:s7+$0xFFFFFFE8];
	s15 =	sld [smem:$0x7E8];
	[tilespmem:s10+$0x0] =	vst v0  }
0x259: {  	s16 =	smov.u32 s21;
	v2 =	vld [tilespmem:s23+$0xFFFFFFD5];
	s21 =	sld [smem:$0x7E9]  }
0x25a: {  	v3 =	vld [tilespmem:s14+$0xFFFFFFEE]  }
0x25b: {  	v4 =	vld [tilespmem:s20+$0xFFFFFFD8];
	s26 =	rddreg [dreg:$0x12];
	s6 =	sadd.s32 $0x11C00, s15  }
0x25c: {  	v0 =	vld [tilespmem:s19+$0xFFFFFFD5];
	s0 =	sadd.s32 $0x15D80, s26;
	s12 =	sor.u32 s21, s6  }
0x25d: {  	s3 =	smov.u32 s25;
	s25 =	sor.u32 s25, s0;
	[tilespmem:s12+$0x0] =	vst v1;
	v1 =	vld [tilespmem:s2+$0xFFFFFFF3]  }
0x25e: {  	s9 =	sor.u32 s13, s9;
	s10 =	sadd.s32 $0x15C00, s5;
	[tilespmem:s25+$0x0] =	vst v2;
	v2 =	vld [tilespmem:s7+$0xFFFFFFF8]  }
0x25f: {  	[tilespmem:s9+$0x0] =	vst v3;
	s9 =	sadd.s32 $0x15D80, s30;
	s25 =	smov.u32 s5;
	s5 =	sor.u32 s17, s10;
	v3 =	vld [tilespmem:s23+$0xFFFFFFE5]  }
0x260: {  	[tilespmem:s5+$0x0] =	vst v4;
	v4 =	vld [tilespmem:s14+$0xFFFFFFDD];
	s5 =	sor.u32 s18, s9  }
0x261: {  	s1 =	sor.u32 s8, s1;
	[tilespmem:s5+$0x0] =	vst v0;
	v0 =	vld [tilespmem:s20+$0xFFFFFFE8]  }
0x262: {  	s12 =	smov.u32 s11;
	s11 =	sor.u32 s22, s6;
	[tilespmem:s1+$0x0] =	vst v1;
	v1 =	vld [tilespmem:s19+$0xFFFFFFE5]  }
0x263: {  	s0 =	sor.u32 s4, s0;
	s1 =	sadd.s32 $0x13D80, s31;
	[tilespmem:s11+$0x0] =	vst v2;
	v2 =	vld [tilespmem:s2+$0xFFFFFFE2]  }
0x264: {  	[tilespmem:s0+$0x0] =	vst v3;
	s5 =	sor.u32 s12, s1;
	v3 =	vld [tilespmem:s7+$0xFFFFFFE7]  }
0x265: {  	s6 =	sor.u32 s16, s10;
	[tilespmem:s5+$0x0] =	vst v4;
	v4 =	vld [tilespmem:s23+$0xFFFFFFD4]  }
0x266: {  	s10 =	sor.u32 s29, s9;
	[tilespmem:s6+$0x0] =	vst v0;
	s5 =	sadd.s32 $0x11F00, s24;
	v0 =	vld [tilespmem:s14+$0xFFFFFFED]  }
0x267: {  	s9 =	sadd.s32 $0x11C80, s15;
	s11 =	sor.u32 s28, s5;
	[tilespmem:s10+$0x0] =	vst v1;
	v1 =	vld [tilespmem:s20+$0xFFFFFFD7]  }
0x268: {  	s0 =	sadd.s32 $0x15E00, s26;
	s6 =	sor.u32 s21, s9;
	[tilespmem:s11+$0x0] =	vst v2;
	v2 =	vld [tilespmem:s19+$0xFFFFFFD4]  }
0x269: {  	s11 =	sor.u32 s3, s0;
	[tilespmem:s6+$0x0] =	vst v3;
	v3 =	vld [tilespmem:s2+$0xFFFFFFF2]  }
0x26a: {  	s1 =	sor.u32 s13, s1;
	s10 =	sadd.s32 $0x15C80, s25;
	[tilespmem:s11+$0x0] =	vst v4;
	v4 =	vld [tilespmem:s7+$0xFFFFFFF7]  }
0x26b: {  	s6 =	sor.u32 s17, s10;
	[tilespmem:s1+$0x0] =	vst v0;
	v0 =	vld [tilespmem:s23+$0xFFFFFFE4];
	s1 =	sadd.s32 $0x15E00, s30  }
0x26c: {  	[tilespmem:s6+$0x0] =	vst v1;
	v1 =	vld [tilespmem:s14+$0xFFFFFFDC];
	s6 =	sor.u32 s18, s1  }
0x26d: {  	s5 =	sor.u32 s8, s5;
	[tilespmem:s6+$0x0] =	vst v2;
	v2 =	vld [tilespmem:s20+$0xFFFFFFE7]  }
0x26e: {  	s11 =	sor.u32 s22, s9;
	[tilespmem:s5+$0x0] =	vst v3;
	v3 =	vld [tilespmem:s19+$0xFFFFFFE4]  }
0x26f: {  	s0 =	sor.u32 s4, s0;
	s5 =	sadd.s32 $0x13E00, s31;
	[tilespmem:s11+$0x0] =	vst v4;
	v4 =	vld [tilespmem:s2+$0xFFFFFFE1]  }
0x270: {  	[tilespmem:s0+$0x0] =	vst v0;
	s6 =	sor.u32 s12, s5;
	v0 =	vld [tilespmem:s7+$0xFFFFFFE6]  }
0x271: {  	s9 =	sor.u32 s16, s10;
	[tilespmem:s6+$0x0] =	vst v1;
	v1 =	vld [tilespmem:s23+$0xFFFFFFD3]  }
0x272: {  	s10 =	sor.u32 s29, s1;
	s1 =	sadd.s32 $0x11F80, s24;
	[tilespmem:s9+$0x0] =	vst v2;
	v2 =	vld [tilespmem:s14+$0xFFFFFFEC]  }
0x273: {  	s11 =	sor.u32 s28, s1;
	s9 =	sadd.s32 $0x11D00, s15;
	[tilespmem:s10+$0x0] =	vst v3;
	v3 =	vld [tilespmem:s20+$0xFFFFFFD6]  }
0x274: {  	s0 =	sadd.s32 $0x15E80, s26;
	s6 =	sor.u32 s21, s9;
	[tilespmem:s11+$0x0] =	vst v4;
	v4 =	vld [tilespmem:s19+$0xFFFFFFD3]  }
0x275: {  	s11 =	sor.u32 s3, s0;
	[tilespmem:s6+$0x0] =	vst v0;
	v0 =	vld [tilespmem:s2+$0xFFFFFFF1]  }
0x276: {  	s5 =	sor.u32 s13, s5;
	s10 =	sadd.s32 $0x15D00, s25;
	[tilespmem:s11+$0x0] =	vst v1;
	v1 =	vld [tilespmem:s7+$0xFFFFFFF6]  }
0x277: {  	s6 =	sor.u32 s17, s10;
	[tilespmem:s5+$0x0] =	vst v2;
	v2 =	vld [tilespmem:s23+$0xFFFFFFE3];
	s5 =	sadd.s32 $0x15E80, s30  }
0x278: {  	[tilespmem:s6+$0x0] =	vst v3;
	v3 =	vld [tilespmem:s14+$0xFFFFFFDB];
	s6 =	sor.u32 s18, s5  }
0x279: {  	s1 =	sor.u32 s8, s1;
	[tilespmem:s6+$0x0] =	vst v4;
	v4 =	vld [tilespmem:s20+$0xFFFFFFE6]  }
0x27a: {  	s9 =	sor.u32 s22, s9;
	[tilespmem:s1+$0x0] =	vst v0;
	v0 =	vld [tilespmem:s19+$0xFFFFFFE3]  }
0x27b: {  	s0 =	sor.u32 s4, s0;
	s1 =	sadd.s32 $0x13E80, s31;
	[tilespmem:s9+$0x0] =	vst v1;
	v1 =	vld [tilespmem:s2+$0xFFFFFFE0]  }
0x27c: {  	s11 =	sor.u32 s12, s1;
	[tilespmem:s0+$0x0] =	vst v2  }
0x27d: {  	s6 =	sor.u32 s16, s10;
	v2 =	vld [tilespmem:s7+$0xFFFFFFE5];
	[tilespmem:s11+$0x0] =	vst v3  }
0x27e: {  	s9 =	sor.u32 s29, s5;
	s5 =	sadd.s32 $0x13C00, s24;
	v3 =	vld [tilespmem:s23+$0xFFFFFFD2];
	[tilespmem:s6+$0x0] =	vst v4  }
0x27f: {  	s10 =	sor.u32 s28, s5;
	v4 =	vld [tilespmem:s14+$0xFFFFFFEB];
	[tilespmem:s9+$0x0] =	vst v0  }
0x280: {  	v0 =	vld [tilespmem:s20+$0xFFFFFFD5];
	s9 =	sadd.s32 $0x11D80, s15;
	[tilespmem:s10+$0x0] =	vst v1  }
0x281: {  	s0 =	sadd.s32 $0x15F00, s26;
	v1 =	vld [tilespmem:s19+$0xFFFFFFD2];
	s10 =	sor.u32 s21, s9;
	s11 =	rddreg [dreg:$0xc]  }
0x282: {  	[tilespmem:s10+$0x0] =	vst v2;
	v5 =	vld [tilespmem:s11+$0x0];
	s11 =	sor.u32 s3, s0  }
0x283: {  	s1 =	sor.u32 s13, s1;
	s10 =	sadd.s32 $0x15D80, s25;
	v2 =	vld [tilespmem:s7+$0xFFFFFFF5];
	[tilespmem:s11+$0x0] =	vst v3  }
0x284: {  	s6 =	sor.u32 s17, s10;
	[tilespmem:s1+$0x0] =	vst v4;
	s1 =	sadd.s32 $0x15F00, s30;
	v3 =	vld [tilespmem:s23+$0xFFFFFFE2]  }
0x285: {  	[tilespmem:s6+$0x0] =	vst v0;
	v0 =	vld [tilespmem:s14+$0xFFFFFFDA];
	s6 =	sor.u32 s18, s1  }
0x286: {  	s5 =	sor.u32 s8, s5;
	[tilespmem:s6+$0x0] =	vst v1  }
0x287: {  	s11 =	sor.u32 s22, s9;
	v1 =	vld [tilespmem:s20+$0xFFFFFFE5];
	[tilespmem:s5+$0x0] =	vst v5  }
0x288: {  	s0 =	sor.u32 s4, s0;
	v4 =	vld [tilespmem:s19+$0xFFFFFFE2];
	[tilespmem:s11+$0x0] =	vst v2;
	s5 =	sadd.s32 $0x13F00, s31  }
0x289: {  	s6 =	sor.u32 s12, s5;
	[tilespmem:s0+$0x0] =	vst v3;
	v3 =	vld [tilespmem:s7+$0xFFFFFFE4]  }
0x28a: {  	[tilespmem:s6+$0x0] =	vst v0;
	v0 =	vld [tilespmem:s23+$0xFFFFFFD1]  }
0x28b: {  	s9 =	sor.u32 s16, s10  }
0x28c: {  	s10 =	sor.u32 s29, s1;
	v2 =	vld [tilespmem:s2+$0xFFFFFFDF];
	[tilespmem:s9+$0x0] =	vst v1;
	s9 =	sadd.s32 $0x11E00, s15  }
0x28d: {  	s0 =	sadd.s32 $0x15F80, s26;
	v1 =	vld [tilespmem:s14+$0xFFFFFFEA];
	[tilespmem:s10+$0x0] =	vst v4;
	s26 =	sor.u32 s21, s9  }
0x28e: {  	s6 =	sor.u32 s3, s0;
	v4 =	vld [tilespmem:s20+$0xFFFFFFD4];
	[tilespmem:s26+$0x0] =	vst v3  }
0x28f: {  	s1 =	sadd.s32 $0x13C80, s24;
	[tilespmem:s6+$0x0] =	vst v0;
	v0 =	vld [tilespmem:s7+$0xFFFFFFF4]  }
0x290: {  	s11 =	sor.u32 s28, s1;
	v5 =	vld [tilespmem:s23+$0xFFFFFFE1]  }
0x291: {  	s5 =	sor.u32 s13, s5;
	[tilespmem:s11+$0x0] =	vst v2;
	v2 =	vld [tilespmem:s19+$0xFFFFFFD1];
	s11 =	sadd.s32 $0x15E00, s25  }
0x292: {  	[tilespmem:s5+$0x0] =	vst v1;
	s23 =	sor.u32 s17, s11  }
0x293: {  	s6 =	sor.u32 s22, s9;
	[tilespmem:s23+$0x0] =	vst v4  }
0x294: {  	s0 =	sor.u32 s4, s0;
	s5 =	sadd.s32 $0x15F80, s30;
	[tilespmem:s6+$0x0] =	vst v0  }
0x295: {  	s26 =	sor.u32 s18, s5;
	[tilespmem:s0+$0x0] =	vst v5;
	v5 =	vld [tilespmem:s7+$0xFFFFFFE3]  }
0x296: {  	[tilespmem:s26+$0x0] =	vst v2;
	v2 =	vld [tilespmem:s20+$0xFFFFFFE4];
	_ =	sdelay $0x1  }
0x297: {  	s23 =	sadd.s32 $0x11E80, s15  }
0x298: {  	s26 =	sor.u32 s21, s23  }
0x299: {  	s11 =	sor.u32 s16, s11;
	[tilespmem:s26+$0x0] =	vst v5  }
0x29a: {  	[tilespmem:s11+$0x0] =	vst v2;
	v2 =	vld [tilespmem:s7+$0xFFFFFFF3];
	_ =	sdelay $0x3  }
0x29b: {  	s18 =	sor.u32 s29, s5;
	s5 =	sor.u32 s22, s23  }
0x29c: {  	[tilespmem:s5+$0x0] =	vst v2  }
0x29d: {  	v2 =	vld [tilespmem:s7+$0xFFFFFFE2];
	_ =	sdelay $0x2  }
0x29e: {  	s6 =	sadd.s32 $0x11F00, s15  }
0x29f: {  	s10 =	sor.u32 s21, s6  }
0x2a0: {  	[tilespmem:s10+$0x0] =	vst v2  }
0x2a1: {  	v2 =	vld [tilespmem:s7+$0xFFFFFFF2];
	_ =	sdelay $0x3  }
0x2a2: {  	s0 =	sor.u32 s22, s6  }
0x2a3: {  	v4 =	vld [tilespmem:s19+$0xFFFFFFE1];
	[tilespmem:s0+$0x0] =	vst v2  }
0x2a4: {  	v2 =	vld [tilespmem:s7+$0xFFFFFFE1];
	_ =	sdelay $0x2  }
0x2a5: {  	s11 =	sadd.s32 $0x11F80, s15  }
0x2a6: {  	v3 =	vld [tilespmem:s2+$0xFFFFFFEF];
	[tilespmem:s18+$0x0] =	vst v4;
	s18 =	sor.u32 s21, s11  }
0x2a7: {  	[tilespmem:s18+$0x0] =	vst v2  }
0x2a8: {  	v2 =	vld [tilespmem:s7+$0xFFFFFFF1];
	_ =	sdelay $0x1  }
0x2a9: {  	s1 =	sor.u32 s8, s1  }
0x2aa: {  	v1 =	vld [tilespmem:s14+$0xFFFFFFD9];
	[tilespmem:s1+$0x0] =	vst v3  }
0x2ab: {  	v3 =	vld [tilespmem:s2+$0xFFFFFFDE];
	s0 =	sor.u32 s22, s11  }
0x2ac: {  	[tilespmem:s0+$0x0] =	vst v2  }
0x2ad: {  	s1 =	sadd.s32 $0x13F80, s31;
	v2 =	vld [tilespmem:s7+$0xFFFFFFE0]  }
0x2ae: {  	s4 =	sadd.s32 $0x13D00, s24;
	s9 =	sor.u32 s12, s1  }
0x2af: {  	s19 =	sor.u32 s28, s4;
	[tilespmem:s9+$0x0] =	vst v1  }
0x2b0: {  	[tilespmem:s19+$0x0] =	vst v3;
	s19 =	sadd.s32 $0x13C00, s15  }
0x2b1: {  	v1 =	vld [tilespmem:s14+$0xFFFFFFE9];
	s23 =	sor.u32 s21, s19  }
0x2b2: {  	v0 =	vld [tilespmem:s20+$0xFFFFFFD3];
	[tilespmem:s23+$0x0] =	vst v2  }
0x2b3: {  	s3 =	sld [smem:$0x7EA];
	_ =	sdelay $0x2  }
0x2b4: {  	v2 =	vld [tilespmem:s3+$0x0];
	_ =	sdelay $0x3  }
0x2b5: {  	s0 =	sor.u32 s22, s19  }
0x2b6: {  	[tilespmem:s0+$0x0] =	vst v2  }
0x2b7: {  	v2 =	vld [tilespmem:s7+$0xFFFFFFDF];
	_ =	sdelay $0x2  }
0x2b8: {  	s26 =	sadd.s32 $0x13C80, s15  }
0x2b9: {  	s5 =	sor.u32 s21, s26  }
0x2ba: {  	[tilespmem:s5+$0x0] =	vst v2  }
0x2bb: {  	v2 =	vld [tilespmem:s7+$0xFFFFFFEF];
	_ =	sdelay $0x3  }
0x2bc: {  	s0 =	sor.u32 s22, s26  }
0x2bd: {  	[tilespmem:s0+$0x0] =	vst v2  }
0x2be: {  	v2 =	vld [tilespmem:s7+$0xFFFFFFDE];
	_ =	sdelay $0x2  }
0x2bf: {  	s6 =	sadd.s32 $0x13D00, s15  }
0x2c0: {  	s10 =	sor.u32 s21, s6;
	v3 =	vld [tilespmem:s2+$0xFFFFFFEE]  }
0x2c1: {  	[tilespmem:s10+$0x0] =	vst v2  }
0x2c2: {  	v2 =	vld [tilespmem:s7+$0xFFFFFFEE];
	_ =	sdelay $0x1  }
0x2c3: {  	s11 =	sor.u32 s8, s4  }
0x2c4: {  	[tilespmem:s11+$0x0] =	vst v3  }
0x2c5: {  	v3 =	vld [tilespmem:s2+$0xFFFFFFDD];
	s0 =	sor.u32 s22, s6  }
0x2c6: {  	[tilespmem:s0+$0x0] =	vst v2  }
0x2c7: {  	v2 =	vld [tilespmem:s7+$0xFFFFFFDD]  }
0x2c8: {  	s18 =	sadd.s32 $0x13D80, s24  }
0x2c9: {  	s19 =	sor.u32 s28, s18  }
0x2ca: {  	s23 =	sadd.s32 $0x13D80, s15;
	[tilespmem:s19+$0x0] =	vst v3  }
0x2cb: {  	s26 =	sor.u32 s21, s23;
	v3 =	vld [tilespmem:s2+$0xFFFFFFED]  }
0x2cc: {  	[tilespmem:s26+$0x0] =	vst v2  }
0x2cd: {  	v2 =	vld [tilespmem:s7+$0xFFFFFFED];
	_ =	sdelay $0x1  }
0x2ce: {  	s0 =	sor.u32 s8, s18  }
0x2cf: {  	[tilespmem:s0+$0x0] =	vst v3  }
0x2d0: {  	s3 =	sor.u32 s22, s23;
	v3 =	vld [tilespmem:s2+$0xFFFFFFDC]  }
0x2d1: {  	[tilespmem:s3+$0x0] =	vst v2  }
0x2d2: {  	v2 =	vld [tilespmem:s7+$0xFFFFFFDC]  }
0x2d3: {  	s4 =	sadd.s32 $0x13E00, s24  }
0x2d4: {  	s5 =	sor.u32 s28, s4  }
0x2d5: {  	s6 =	sadd.s32 $0x13E00, s15;
	[tilespmem:s5+$0x0] =	vst v3  }
0x2d6: {  	s10 =	sor.u32 s21, s6;
	v3 =	vld [tilespmem:s2+$0xFFFFFFEC]  }
0x2d7: {  	[tilespmem:s10+$0x0] =	vst v2  }
0x2d8: {  	v2 =	vld [tilespmem:s7+$0xFFFFFFEC];
	_ =	sdelay $0x1  }
0x2d9: {  	s0 =	sor.u32 s8, s4  }
0x2da: {  	[tilespmem:s0+$0x0] =	vst v3  }
0x2db: {  	s11 =	sor.u32 s22, s6;
	v3 =	vld [tilespmem:s2+$0xFFFFFFDB]  }
0x2dc: {  	[tilespmem:s11+$0x0] =	vst v2  }
0x2dd: {  	v2 =	vld [tilespmem:s7+$0xFFFFFFDB]  }
0x2de: {  	s18 =	sadd.s32 $0x13E80, s24  }
0x2df: {  	s19 =	sor.u32 s28, s18  }
0x2e0: {  	s23 =	sadd.s32 $0x13E80, s15;
	[tilespmem:s19+$0x0] =	vst v3  }
0x2e1: {  	s26 =	sor.u32 s21, s23;
	v3 =	vld [tilespmem:s2+$0xFFFFFFEB]  }
0x2e2: {  	[tilespmem:s26+$0x0] =	vst v2  }
0x2e3: {  	v2 =	vld [tilespmem:s7+$0xFFFFFFEB];
	_ =	sdelay $0x1  }
0x2e4: {  	s0 =	sor.u32 s8, s18  }
0x2e5: {  	[tilespmem:s0+$0x0] =	vst v3  }
0x2e6: {  	s3 =	sor.u32 s22, s23;
	v3 =	vld [tilespmem:s2+$0xFFFFFFDA]  }
0x2e7: {  	[tilespmem:s3+$0x0] =	vst v2  }
0x2e8: {  	v2 =	vld [tilespmem:s7+$0xFFFFFFDA]  }
0x2e9: {  	s4 =	sadd.s32 $0x13F00, s24  }
0x2ea: {  	s5 =	sor.u32 s28, s4  }
0x2eb: {  	s6 =	sadd.s32 $0x13F00, s15;
	[tilespmem:s5+$0x0] =	vst v3  }
0x2ec: {  	s10 =	sor.u32 s21, s6;
	v3 =	vld [tilespmem:s2+$0xFFFFFFEA]  }
0x2ed: {  	[tilespmem:s10+$0x0] =	vst v2  }
0x2ee: {  	v2 =	vld [tilespmem:s7+$0xFFFFFFEA];
	_ =	sdelay $0x1  }
0x2ef: {  	s0 =	sor.u32 s8, s4  }
0x2f0: {  	[tilespmem:s0+$0x0] =	vst v3  }
0x2f1: {  	s11 =	sor.u32 s22, s6;
	v3 =	vld [tilespmem:s2+$0xFFFFFFD9]  }
0x2f2: {  	[tilespmem:s11+$0x0] =	vst v2  }
0x2f3: {  	v2 =	vld [tilespmem:s7+$0xFFFFFFD9]  }
0x2f4: {  	s18 =	sadd.s32 $0x13F80, s24  }
0x2f5: {  	s19 =	sor.u32 s28, s18  }
0x2f6: {  	s23 =	sadd.s32 $0x13F80, s15;
	[tilespmem:s19+$0x0] =	vst v3  }
0x2f7: {  	s26 =	sor.u32 s21, s23;
	v3 =	vld [tilespmem:s2+$0xFFFFFFE9]  }
0x2f8: {  	s1 =	sor.u32 s13, s1;
	[tilespmem:s26+$0x0] =	vst v2  }
0x2f9: {  	[tilespmem:s1+$0x0] =	vst v1;
	v2 =	vld [tilespmem:s7+$0xFFFFFFE9]  }
0x2fa: {  	v1 =	vld [tilespmem:s14+$0xFFFFFFD8]  }
0x2fb: {  	s0 =	sor.u32 s8, s18  }
0x2fc: {  	[tilespmem:s0+$0x0] =	vst v3  }
0x2fd: {  	s6 =	sadd.s32 $0x15C00, s31;
	s5 =	sor.u32 s22, s23;
	v3 =	vld [tilespmem:s2+$0xFFFFFFD8]  }
0x2fe: {  	s10 =	sor.u32 s12, s6;
	[tilespmem:s5+$0x0] =	vst v2  }
0x2ff: {  	[tilespmem:s10+$0x0] =	vst v1;
	v2 =	vld [tilespmem:s7+$0xFFFFFFD8]  }
0x300: {  	v1 =	vld [tilespmem:s14+$0xFFFFFFE8];
	s11 =	sadd.s32 $0x15C00, s24  }
0x301: {  	s18 =	sor.u32 s28, s11  }
0x302: {  	s19 =	sadd.s32 $0x15C00, s15;
	[tilespmem:s18+$0x0] =	vst v3  }
0x303: {  	s23 =	sor.u32 s21, s19;
	v3 =	vld [tilespmem:s2+$0xFFFFFFE8]  }
0x304: {  	s0 =	sor.u32 s13, s6;
	[tilespmem:s23+$0x0] =	vst v2  }
0x305: {  	[tilespmem:s0+$0x0] =	vst v1;
	v2 =	vld [tilespmem:s7+$0xFFFFFFE8]  }
0x306: {  	v1 =	vld [tilespmem:s14+$0xFFFFFFD7]  }
0x307: {  	s26 =	sor.u32 s8, s11  }
0x308: {  	[tilespmem:s26+$0x0] =	vst v3  }
0x309: {  	s3 =	sadd.s32 $0x15C80, s31;
	s1 =	sor.u32 s22, s19;
	v3 =	vld [tilespmem:s2+$0xFFFFFFD7]  }
0x30a: {  	s4 =	sor.u32 s12, s3;
	[tilespmem:s1+$0x0] =	vst v2  }
0x30b: {  	[tilespmem:s4+$0x0] =	vst v1;
	v2 =	vld [tilespmem:s7+$0xFFFFFFD7]  }
0x30c: {  	v1 =	vld [tilespmem:s14+$0xFFFFFFE7];
	s5 =	sadd.s32 $0x15C80, s24  }
0x30d: {  	s9 =	smov.u32 s15;
	s6 =	sor.u32 s28, s5  }
0x30e: {  	s10 =	sadd.s32 $0x15C80, s9;
	[tilespmem:s6+$0x0] =	vst v3  }
0x30f: {  	s11 =	sor.u32 s21, s10;
	v3 =	vld [tilespmem:s2+$0xFFFFFFE7]  }
0x310: {  	s0 =	sor.u32 s13, s3;
	[tilespmem:s11+$0x0] =	vst v2  }
0x311: {  	[tilespmem:s0+$0x0] =	vst v1;
	v2 =	vld [tilespmem:s7+$0xFFFFFFE7]  }
0x312: {  	v1 =	vld [tilespmem:s14+$0xFFFFFFD6]  }
0x313: {  	s15 =	sor.u32 s8, s5  }
0x314: {  	[tilespmem:s15+$0x0] =	vst v3  }
0x315: {  	s19 =	sadd.s32 $0x15D00, s31;
	s18 =	sor.u32 s22, s10;
	v3 =	vld [tilespmem:s2+$0xFFFFFFD6]  }
0x316: {  	s23 =	sor.u32 s12, s19;
	[tilespmem:s18+$0x0] =	vst v2  }
0x317: {  	[tilespmem:s23+$0x0] =	vst v1;
	v2 =	vld [tilespmem:s7+$0xFFFFFFD6]  }
0x318: {  	s26 =	sadd.s32 $0x15D00, s24;
	v1 =	vld [tilespmem:s14+$0xFFFFFFE6]  }
0x319: {  	s4 =	sor.u32 s28, s26  }
0x31a: {  	s5 =	sadd.s32 $0x15D00, s9;
	[tilespmem:s4+$0x0] =	vst v3  }
0x31b: {  	s6 =	sor.u32 s21, s5;
	v3 =	vld [tilespmem:s2+$0xFFFFFFE6]  }
0x31c: {  	s0 =	sor.u32 s13, s19;
	[tilespmem:s6+$0x0] =	vst v2  }
0x31d: {  	[tilespmem:s0+$0x0] =	vst v1;
	v2 =	vld [tilespmem:s7+$0xFFFFFFE6]  }
0x31e: {  	v1 =	vld [tilespmem:s14+$0xFFFFFFD5]  }
0x31f: {  	s10 =	sor.u32 s8, s26  }
0x320: {  	[tilespmem:s10+$0x0] =	vst v3  }
0x321: {  	s15 =	sadd.s32 $0x15D80, s31;
	s11 =	sor.u32 s22, s5;
	v3 =	vld [tilespmem:s2+$0xFFFFFFD5]  }
0x322: {  	s18 =	sor.u32 s12, s15;
	[tilespmem:s11+$0x0] =	vst v2  }
0x323: {  	[tilespmem:s18+$0x0] =	vst v1;
	v2 =	vld [tilespmem:s7+$0xFFFFFFD5]  }
0x324: {  	s19 =	sadd.s32 $0x15D80, s24;
	v1 =	vld [tilespmem:s14+$0xFFFFFFE5]  }
0x325: {  	s23 =	sor.u32 s28, s19  }
0x326: {  	s26 =	sadd.s32 $0x15D80, s9;
	[tilespmem:s23+$0x0] =	vst v3  }
0x327: {  	s5 =	sor.u32 s21, s26;
	v3 =	vld [tilespmem:s2+$0xFFFFFFE5]  }
0x328: {  	s0 =	sor.u32 s13, s15;
	[tilespmem:s5+$0x0] =	vst v2  }
0x329: {  	[tilespmem:s0+$0x0] =	vst v1;
	v2 =	vld [tilespmem:s7+$0xFFFFFFE5]  }
0x32a: {  	v1 =	vld [tilespmem:s14+$0xFFFFFFD4]  }
0x32b: {  	s6 =	sor.u32 s8, s19  }
0x32c: {  	[tilespmem:s6+$0x0] =	vst v3  }
0x32d: {  	s10 =	sor.u32 s22, s26;
	s11 =	sadd.s32 $0x15E00, s31;
	v3 =	vld [tilespmem:s2+$0xFFFFFFD4]  }
0x32e: {  	s15 =	sor.u32 s12, s11;
	[tilespmem:s10+$0x0] =	vst v2  }
0x32f: {  	[tilespmem:s15+$0x0] =	vst v1;
	v2 =	vld [tilespmem:s7+$0xFFFFFFD4]  }
0x330: {  	s18 =	sadd.s32 $0x15E00, s24;
	v1 =	vld [tilespmem:s14+$0xFFFFFFE4]  }
0x331: {  	s19 =	sor.u32 s28, s18  }
0x332: {  	s23 =	sadd.s32 $0x15E00, s9;
	[tilespmem:s19+$0x0] =	vst v3  }
0x333: {  	s26 =	sor.u32 s21, s23;
	v3 =	vld [tilespmem:s2+$0xFFFFFFE4]  }
0x334: {  	s0 =	sor.u32 s13, s11;
	[tilespmem:s26+$0x0] =	vst v2  }
0x335: {  	[tilespmem:s0+$0x0] =	vst v1;
	v2 =	vld [tilespmem:s7+$0xFFFFFFE4]  }
0x336: {  	v1 =	vld [tilespmem:s14+$0xFFFFFFD3]  }
0x337: {  	s3 =	sor.u32 s8, s18;
	s6 =	sadd.s32 $0x15E80, s25  }
0x338: {  	s10 =	sor.u32 s17, s6;
	[tilespmem:s3+$0x0] =	vst v3  }
0x339: {  	s11 =	sadd.s32 $0x15E80, s31;
	s5 =	sor.u32 s22, s23;
	[tilespmem:s10+$0x0] =	vst v0;
	v3 =	vld [tilespmem:s2+$0xFFFFFFD3]  }
0x33a: {  	s15 =	sor.u32 s12, s11;
	v0 =	vld [tilespmem:s20+$0xFFFFFFE3];
	[tilespmem:s5+$0x0] =	vst v2  }
0x33b: {  	[tilespmem:s15+$0x0] =	vst v1;
	v2 =	vld [tilespmem:s7+$0xFFFFFFD3]  }
0x33c: {  	s18 =	sadd.s32 $0x15E80, s24;
	v1 =	vld [tilespmem:s14+$0xFFFFFFE3]  }
0x33d: {  	s19 =	sor.u32 s28, s18  }
0x33e: {  	s23 =	sadd.s32 $0x15E80, s9;
	s0 =	sor.u32 s16, s6;
	[tilespmem:s19+$0x0] =	vst v3  }
0x33f: {  	s26 =	sor.u32 s21, s23;
	[tilespmem:s0+$0x0] =	vst v0;
	v3 =	vld [tilespmem:s2+$0xFFFFFFE3]  }
0x340: {  	s1 =	sor.u32 s13, s11;
	v0 =	vld [tilespmem:s20+$0xFFFFFFD2];
	[tilespmem:s26+$0x0] =	vst v2  }
0x341: {  	[tilespmem:s1+$0x0] =	vst v1;
	v2 =	vld [tilespmem:s7+$0xFFFFFFE3]  }
0x342: {  	v1 =	vld [tilespmem:s14+$0xFFFFFFD2]  }
0x343: {  	s3 =	sor.u32 s8, s18;
	s5 =	sadd.s32 $0x15F00, s25  }
0x344: {  	[tilespmem:s3+$0x0] =	vst v3;
	s6 =	sor.u32 s17, s5  }
0x345: {  	s4 =	sor.u32 s22, s23;
	s10 =	sadd.s32 $0x15F00, s31;
	v3 =	vld [tilespmem:s2+$0xFFFFFFD2];
	[tilespmem:s6+$0x0] =	vst v0  }
0x346: {  	s11 =	sor.u32 s12, s10;
	v0 =	vld [tilespmem:s20+$0xFFFFFFE2];
	[tilespmem:s4+$0x0] =	vst v2  }
0x347: {  	[tilespmem:s11+$0x0] =	vst v1;
	v2 =	vld [tilespmem:s7+$0xFFFFFFD2]  }
0x348: {  	s15 =	sadd.s32 $0x15F00, s24;
	v1 =	vld [tilespmem:s14+$0xFFFFFFE2]  }
0x349: {  	s18 =	sor.u32 s28, s15  }
0x34a: {  	s19 =	sadd.s32 $0x15F00, s9;
	s0 =	sor.u32 s16, s5;
	[tilespmem:s18+$0x0] =	vst v3  }
0x34b: {  	s23 =	sor.u32 s21, s19;
	v3 =	vld [tilespmem:s2+$0xFFFFFFE2];
	[tilespmem:s0+$0x0] =	vst v0  }
0x34c: {  	s26 =	sor.u32 s13, s10;
	v0 =	vld [tilespmem:s20+$0xFFFFFFD1];
	[tilespmem:s23+$0x0] =	vst v2  }
0x34d: {  	[tilespmem:s26+$0x0] =	vst v1;
	v2 =	vld [tilespmem:s7+$0xFFFFFFE2]  }
0x34e: {  	v1 =	vld [tilespmem:s14+$0xFFFFFFD1]  }
0x34f: {  	s1 =	sor.u32 s8, s15;
	s4 =	sadd.s32 $0x15F80, s25  }
0x350: {  	[tilespmem:s1+$0x0] =	vst v3;
	s5 =	sor.u32 s17, s4  }
0x351: {  	s3 =	sor.u32 s22, s19;
	s6 =	sadd.s32 $0x15F80, s31;
	v3 =	vld [tilespmem:s2+$0xFFFFFFD1];
	[tilespmem:s5+$0x0] =	vst v0  }
0x352: {  	s10 =	sor.u32 s12, s6;
	v0 =	vld [tilespmem:s20+$0xFFFFFFE1];
	[tilespmem:s3+$0x0] =	vst v2  }
0x353: {  	[tilespmem:s10+$0x0] =	vst v1;
	v2 =	vld [tilespmem:s7+$0xFFFFFFD1]  }
0x354: {  	s11 =	sadd.s32 $0x15F80, s24;
	v1 =	vld [tilespmem:s14+$0xFFFFFFE1]  }
0x355: {  	s12 =	sor.u32 s28, s11  }
0x356: {  	s15 =	sadd.s32 $0x15F80, s9;
	s0 =	sor.u32 s16, s4;
	[tilespmem:s12+$0x0] =	vst v3  }
0x357: {  	s17 =	sor.u32 s21, s15;
	[tilespmem:s0+$0x0] =	vst v0  }
0x358: {  	s18 =	sor.u32 s13, s6;
	[tilespmem:s17+$0x0] =	vst v2  }
0x359: {  	v3 =	vld [tilespmem:s2+$0xFFFFFFE1];
	s24 =	sld [smem:$0x7EE];
	[tilespmem:s18+$0x0] =	vst v1  }
0x35a: {  	v2 =	vld [tilespmem:s7+$0xFFFFFFE1];
	s21 =	sld [smem:$0x7F9];
	_ =	sdelay $0x1  }
0x35b: {  	s19 =	sshll.u32 s24, $0x15  }
0x35c: {  	s20 =	sor.u32 s8, s11;
	s1 =	sor.u32 s21, s19  }
0x35d: {  	s25 =	rddreg [dreg:$0x1];
	s23 =	sor.u32 s22, s15;
	[tilespmem:s20+$0x0] =	vst v3;
	s1 =	sshrl.u32 s1, $0x3  }
0x35e: {  	s31 =	simm.s32 $0xFC00;
	s26 =	simm.s32 $0x0;
	[tilespmem:s23+$0x0] =	vst v2;
	s0 =	sadd.s32 s25, s1  }
0x35f: {  	[hbm4b:s0+s26] =	stream.linear.scatter [tilespmem:s31], [sflag:$0x1], $0x8000, $0x38;
	[tilespmem:$0x1FC00] =	vst v63  }
0x360: {  	s0 =	simm.s32 @!p0 $0x2  }
0x361: {  	_ =	swait.ge @!p0 [sflag:s0], $0x8000  }
0x362: {  	s8 =	sld [smem:$0x7F7]  }
0x363: {  	[sflag:s0] =	ssyncset.done @!p0 $0x0  }
0x364: {  	[sflag:s0] =	ssyncadd.s32 @!p0 $0xFFFF8000  }
0x365: {  	v0 =	vld [tilespmem:s8+$0xFFFFFFF0]  }
0x366: {  	s3 =	simm.s32 $0x0  }
0x367: {  	s21 =	sand.u32 $0x1C00, s3  }
0x368: {  	s16 =	sand.u32 $0x60, s3;
	s4 =	sadd.s32 $0x17C00, s21  }
0x369: {  	s5 =	sor.u32 s16, s4  }
0x36a: {  	[tilespmem:s5+$0x0] =	vst v0  }
0x36b: {  	v0 =	vld [tilespmem:s8+$0x0];
	_ =	sdelay $0x2  }
0x36c: {  	s20 =	sor.u32 $0x10, s16  }
0x36d: {  	s0 =	sor.u32 s20, s4  }
0x36e: {  	[tilespmem:s0+$0x0] =	vst v0  }
0x36f: {  	v0 =	vld [tilespmem:s8+$0xFFFFFFEF];
	_ =	sdelay $0x2  }
0x370: {  	s6 =	sadd.s32 $0x17C80, s21  }
0x371: {  	s7 =	sor.u32 s16, s6  }
0x372: {  	[tilespmem:s7+$0x0] =	vst v0  }
0x373: {  	v0 =	vld [tilespmem:s8+$0xFFFFFFFF];
	_ =	sdelay $0x3  }
0x374: {  	s0 =	sor.u32 s20, s6  }
0x375: {  	[tilespmem:s0+$0x0] =	vst v0  }
0x376: {  	v0 =	vld [tilespmem:s8+$0xFFFFFFEE];
	_ =	sdelay $0x2  }
0x377: {  	s9 =	sadd.s32 $0x17D00, s21  }
0x378: {  	s10 =	sor.u32 s16, s9  }
0x379: {  	[tilespmem:s10+$0x0] =	vst v0  }
0x37a: {  	v0 =	vld [tilespmem:s8+$0xFFFFFFFE];
	_ =	sdelay $0x3  }
0x37b: {  	s0 =	sor.u32 s20, s9  }
0x37c: {  	[tilespmem:s0+$0x0] =	vst v0  }
0x37d: {  	v0 =	vld [tilespmem:s8+$0xFFFFFFED];
	_ =	sdelay $0x2  }
0x37e: {  	s11 =	sadd.s32 $0x17D80, s21  }
0x37f: {  	s12 =	sor.u32 s16, s11  }
0x380: {  	[tilespmem:s12+$0x0] =	vst v0  }
0x381: {  	v0 =	vld [tilespmem:s8+$0xFFFFFFFD];
	_ =	sdelay $0x3  }
0x382: {  	s0 =	sor.u32 s20, s11  }
0x383: {  	[tilespmem:s0+$0x0] =	vst v0  }
0x384: {  	v0 =	vld [tilespmem:s8+$0xFFFFFFEC];
	_ =	sdelay $0x2  }
0x385: {  	s13 =	sadd.s32 $0x17E00, s21  }
0x386: {  	s14 =	sor.u32 s16, s13  }
0x387: {  	[tilespmem:s14+$0x0] =	vst v0  }
0x388: {  	v0 =	vld [tilespmem:s8+$0xFFFFFFFC];
	_ =	sdelay $0x3  }
0x389: {  	s0 =	sor.u32 s20, s13  }
0x38a: {  	[tilespmem:s0+$0x0] =	vst v0  }
0x38b: {  	s17 =	sadd.s32 $0xFFFFFFC0, s8;
	v0 =	vld [tilespmem:s8+$0xFFFFFFEB]  }
0x38c: {  	v1 =	vld [tilespmem:s17+$0xFFFFFFF0]  }
0x38d: {  	s19 =	simm.s32 $0x100  }
0x38e: {  	s22 =	simm.s32 $0x20;
	s15 =	sadd.s32 $0x17E80, s21;
	s13 =	sand.u32 $0x1C00, s19  }
0x38f: {  	s18 =	sor.u32 s16, s15;
	s12 =	sand.u32 $0x60, s22;
	s1 =	sadd.s32 $0x17C00, s13  }
0x390: {  	s2 =	sor.u32 s12, s1;
	[tilespmem:s18+$0x0] =	vst v0  }
0x391: {  	[tilespmem:s2+$0x0] =	vst v1;
	v0 =	vld [tilespmem:s8+$0xFFFFFFFB]  }
0x392: {  	v1 =	vld [tilespmem:s17+$0x0];
	_ =	sdelay $0x2  }
0x393: {  	s14 =	sor.u32 $0x10, s12;
	s0 =	sor.u32 s20, s15  }
0x394: {  	s23 =	sor.u32 s14, s1;
	[tilespmem:s0+$0x0] =	vst v0  }
0x395: {  	[tilespmem:s23+$0x0] =	vst v1;
	v0 =	vld [tilespmem:s8+$0xFFFFFFEA]  }
0x396: {  	v1 =	vld [tilespmem:s17+$0xFFFFFFEF];
	_ =	sdelay $0x1  }
0x397: {  	s25 =	sadd.s32 $0x17F00, s21  }
0x398: {  	s26 =	sor.u32 s16, s25;
	s31 =	sadd.s32 $0x17C80, s13  }
0x399: {  	s3 =	sor.u32 s12, s31;
	[tilespmem:s26+$0x0] =	vst v0  }
0x39a: {  	[tilespmem:s3+$0x0] =	vst v1;
	v0 =	vld [tilespmem:s8+$0xFFFFFFFA]  }
0x39b: {  	v1 =	vld [tilespmem:s17+$0xFFFFFFFF];
	_ =	sdelay $0x2  }
0x39c: {  	s0 =	sor.u32 s20, s25  }
0x39d: {  	s4 =	sor.u32 s14, s31;
	[tilespmem:s0+$0x0] =	vst v0  }
0x39e: {  	[tilespmem:s4+$0x0] =	vst v1;
	v0 =	vld [tilespmem:s8+$0xFFFFFFE9]  }
0x39f: {  	v1 =	vld [tilespmem:s17+$0xFFFFFFEE];
	_ =	sdelay $0x1  }
0x3a0: {  	s5 =	sadd.s32 $0x17F80, s21  }
0x3a1: {  	s6 =	sor.u32 s16, s5;
	s7 =	sadd.s32 $0x17D00, s13  }
0x3a2: {  	s9 =	sor.u32 s12, s7;
	[tilespmem:s6+$0x0] =	vst v0  }
0x3a3: {  	[tilespmem:s9+$0x0] =	vst v1;
	v0 =	vld [tilespmem:s8+$0xFFFFFFF9]  }
0x3a4: {  	v1 =	vld [tilespmem:s17+$0xFFFFFFFE];
	_ =	sdelay $0x2  }
0x3a5: {  	s0 =	sor.u32 s20, s5  }
0x3a6: {  	s10 =	sor.u32 s14, s7;
	[tilespmem:s0+$0x0] =	vst v0  }
0x3a7: {  	[tilespmem:s10+$0x0] =	vst v1;
	v0 =	vld [tilespmem:s8+$0xFFFFFFE8]  }
0x3a8: {  	v1 =	vld [tilespmem:s17+$0xFFFFFFED];
	_ =	sdelay $0x1  }
0x3a9: {  	s11 =	sadd.s32 $0x19C00, s21  }
0x3aa: {  	s15 =	sor.u32 s16, s11;
	s18 =	sadd.s32 $0x17D80, s13  }
0x3ab: {  	s19 =	sor.u32 s12, s18;
	[tilespmem:s15+$0x0] =	vst v0  }
0x3ac: {  	[tilespmem:s19+$0x0] =	vst v1;
	v0 =	vld [tilespmem:s8+$0xFFFFFFF8]  }
0x3ad: {  	v1 =	vld [tilespmem:s17+$0xFFFFFFFD];
	_ =	sdelay $0x2  }
0x3ae: {  	s0 =	sor.u32 s20, s11  }
0x3af: {  	s22 =	sor.u32 s14, s18;
	[tilespmem:s0+$0x0] =	vst v0  }
0x3b0: {  	[tilespmem:s22+$0x0] =	vst v1;
	v0 =	vld [tilespmem:s8+$0xFFFFFFE7]  }
0x3b1: {  	v1 =	vld [tilespmem:s17+$0xFFFFFFEC];
	_ =	sdelay $0x1  }
0x3b2: {  	s23 =	sadd.s32 $0x19C80, s21  }
0x3b3: {  	s25 =	sor.u32 s16, s23;
	s26 =	sadd.s32 $0x17E00, s13  }
0x3b4: {  	s31 =	sor.u32 s12, s26;
	[tilespmem:s25+$0x0] =	vst v0  }
0x3b5: {  	[tilespmem:s31+$0x0] =	vst v1;
	v0 =	vld [tilespmem:s8+$0xFFFFFFF7]  }
0x3b6: {  	v1 =	vld [tilespmem:s17+$0xFFFFFFFC];
	_ =	sdelay $0x2  }
0x3b7: {  	s0 =	sor.u32 s20, s23  }
0x3b8: {  	s2 =	sor.u32 s14, s26;
	[tilespmem:s0+$0x0] =	vst v0  }
0x3b9: {  	[tilespmem:s2+$0x0] =	vst v1;
	v0 =	vld [tilespmem:s8+$0xFFFFFFE6]  }
0x3ba: {  	v1 =	vld [tilespmem:s17+$0xFFFFFFEB];
	_ =	sdelay $0x1  }
0x3bb: {  	s3 =	sadd.s32 $0x19D00, s21  }
0x3bc: {  	s4 =	sor.u32 s16, s3;
	s5 =	sadd.s32 $0x17E80, s13  }
0x3bd: {  	s6 =	sor.u32 s12, s5;
	[tilespmem:s4+$0x0] =	vst v0  }
0x3be: {  	[tilespmem:s6+$0x0] =	vst v1;
	v0 =	vld [tilespmem:s8+$0xFFFFFFF6]  }
0x3bf: {  	s30 =	sadd.s32 $0xFFFFFFC0, s17;
	v1 =	vld [tilespmem:s17+$0xFFFFFFFB]  }
0x3c0: {  	v2 =	vld [tilespmem:s30+$0xFFFFFFF0]  }
0x3c1: {  	s7 =	simm.s32 $0x200  }
0x3c2: {  	s9 =	simm.s32 $0x40;
	s15 =	sand.u32 $0x1C00, s7;
	s0 =	sor.u32 s20, s3  }
0x3c3: {  	s29 =	sand.u32 $0x60, s9;
	s11 =	sor.u32 s14, s5;
	s2 =	sadd.s32 $0x17C00, s15;
	[tilespmem:s0+$0x0] =	vst v0  }
0x3c4: {  	s10 =	sor.u32 s29, s2;
	[tilespmem:s11+$0x0] =	vst v1;
	v0 =	vld [tilespmem:s8+$0xFFFFFFE5]  }
0x3c5: {  	[tilespmem:s10+$0x0] =	vst v2;
	v1 =	vld [tilespmem:s17+$0xFFFFFFEA]  }
0x3c6: {  	v2 =	vld [tilespmem:s30+$0x0]  }
0x3c7: {  	s18 =	sadd.s32 $0x19D80, s21  }
0x3c8: {  	s19 =	sor.u32 s16, s18;
	s25 =	sadd.s32 $0x17F00, s13  }
0x3c9: {  	s23 =	sor.u32 $0x10, s29;
	s26 =	sor.u32 s12, s25;
	[tilespmem:s19+$0x0] =	vst v0  }
0x3ca: {  	s22 =	sor.u32 s23, s2;
	[tilespmem:s26+$0x0] =	vst v1;
	v0 =	vld [tilespmem:s8+$0xFFFFFFF5]  }
0x3cb: {  	[tilespmem:s22+$0x0] =	vst v2;
	v1 =	vld [tilespmem:s17+$0xFFFFFFFA]  }
0x3cc: {  	v2 =	vld [tilespmem:s30+$0xFFFFFFEF];
	_ =	sdelay $0x1  }
0x3cd: {  	s0 =	sor.u32 s20, s18  }
0x3ce: {  	s31 =	sadd.s32 $0x17C80, s15;
	s4 =	sor.u32 s14, s25;
	[tilespmem:s0+$0x0] =	vst v0  }
0x3cf: {  	s3 =	sor.u32 s29, s31;
	[tilespmem:s4+$0x0] =	vst v1;
	v0 =	vld [tilespmem:s8+$0xFFFFFFE4]  }
0x3d0: {  	[tilespmem:s3+$0x0] =	vst v2;
	v1 =	vld [tilespmem:s17+$0xFFFFFFE9]  }
0x3d1: {  	v2 =	vld [tilespmem:s30+$0xFFFFFFFF]  }
0x3d2: {  	s5 =	sadd.s32 $0x19E00, s21  }
0x3d3: {  	s9 =	sadd.s32 $0x17F80, s13;
	s6 =	sor.u32 s16, s5  }
0x3d4: {  	s10 =	sor.u32 s12, s9;
	[tilespmem:s6+$0x0] =	vst v0  }
0x3d5: {  	s7 =	sor.u32 s23, s31;
	[tilespmem:s10+$0x0] =	vst v1;
	v0 =	vld [tilespmem:s8+$0xFFFFFFF4]  }
0x3d6: {  	[tilespmem:s7+$0x0] =	vst v2;
	v1 =	vld [tilespmem:s17+$0xFFFFFFF9]  }
0x3d7: {  	v2 =	vld [tilespmem:s30+$0xFFFFFFEE];
	_ =	sdelay $0x1  }
0x3d8: {  	s0 =	sor.u32 s20, s5  }
0x3d9: {  	s11 =	sadd.s32 $0x17D00, s15;
	s19 =	sor.u32 s14, s9;
	[tilespmem:s0+$0x0] =	vst v0  }
0x3da: {  	s18 =	sor.u32 s29, s11;
	[tilespmem:s19+$0x0] =	vst v1;
	v0 =	vld [tilespmem:s8+$0xFFFFFFE3]  }
0x3db: {  	[tilespmem:s18+$0x0] =	vst v2;
	v1 =	vld [tilespmem:s17+$0xFFFFFFE8]  }
0x3dc: {  	v2 =	vld [tilespmem:s30+$0xFFFFFFFE]  }
0x3dd: {  	s22 =	sadd.s32 $0x19E80, s21  }
0x3de: {  	s31 =	sadd.s32 $0x19C00, s13;
	s25 =	sor.u32 s16, s22  }
0x3df: {  	s3 =	sor.u32 s12, s31;
	[tilespmem:s25+$0x0] =	vst v0  }
0x3e0: {  	s26 =	sor.u32 s23, s11;
	[tilespmem:s3+$0x0] =	vst v1;
	v0 =	vld [tilespmem:s8+$0xFFFFFFF3]  }
0x3e1: {  	[tilespmem:s26+$0x0] =	vst v2;
	v1 =	vld [tilespmem:s17+$0xFFFFFFF8]  }
0x3e2: {  	v2 =	vld [tilespmem:s30+$0xFFFFFFED];
	_ =	sdelay $0x1  }
0x3e3: {  	s0 =	sor.u32 s20, s22  }
0x3e4: {  	s4 =	sadd.s32 $0x17D80, s15;
	s6 =	sor.u32 s14, s31;
	[tilespmem:s0+$0x0] =	vst v0  }
0x3e5: {  	s5 =	sor.u32 s29, s4;
	[tilespmem:s6+$0x0] =	vst v1;
	v0 =	vld [tilespmem:s8+$0xFFFFFFE2]  }
0x3e6: {  	[tilespmem:s5+$0x0] =	vst v2;
	v1 =	vld [tilespmem:s17+$0xFFFFFFE7]  }
0x3e7: {  	v2 =	vld [tilespmem:s30+$0xFFFFFFFD]  }
0x3e8: {  	s7 =	sadd.s32 $0x19F00, s21  }
0x3e9: {  	s11 =	sadd.s32 $0x19C80, s13;
	s9 =	sor.u32 s16, s7  }
0x3ea: {  	s18 =	sor.u32 s12, s11;
	[tilespmem:s9+$0x0] =	vst v0  }
0x3eb: {  	s10 =	sor.u32 s23, s4;
	[tilespmem:s18+$0x0] =	vst v1;
	v0 =	vld [tilespmem:s8+$0xFFFFFFF2]  }
0x3ec: {  	[tilespmem:s10+$0x0] =	vst v2;
	v1 =	vld [tilespmem:s17+$0xFFFFFFF7]  }
0x3ed: {  	v2 =	vld [tilespmem:s30+$0xFFFFFFEC];
	_ =	sdelay $0x1  }
0x3ee: {  	s0 =	sor.u32 s20, s7  }
0x3ef: {  	s19 =	sadd.s32 $0x17E00, s15;
	s25 =	sor.u32 s14, s11;
	[tilespmem:s0+$0x0] =	vst v0  }
0x3f0: {  	s22 =	sor.u32 s29, s19;
	[tilespmem:s25+$0x0] =	vst v1;
	v0 =	vld [tilespmem:s8+$0xFFFFFFE1]  }
0x3f1: {  	[tilespmem:s22+$0x0] =	vst v2;
	v1 =	vld [tilespmem:s17+$0xFFFFFFE6]  }
0x3f2: {  	v2 =	vld [tilespmem:s30+$0xFFFFFFFC]  }
0x3f3: {  	s26 =	sadd.s32 $0x19F80, s21  }
0x3f4: {  	s3 =	sadd.s32 $0x19D00, s13;
	s31 =	sor.u32 s16, s26  }
0x3f5: {  	s4 =	sor.u32 s12, s3;
	[tilespmem:s31+$0x0] =	vst v0  }
0x3f6: {  	s2 =	sor.u32 s23, s19;
	[tilespmem:s4+$0x0] =	vst v1;
	v0 =	vld [tilespmem:s8+$0xFFFFFFF1]  }
0x3f7: {  	[tilespmem:s2+$0x0] =	vst v2;
	v1 =	vld [tilespmem:s17+$0xFFFFFFF6]  }
0x3f8: {  	v2 =	vld [tilespmem:s30+$0xFFFFFFEB];
	_ =	sdelay $0x1  }
0x3f9: {  	s5 =	sor.u32 s20, s26;
	s9 =	sadd.s32 $0xFFFFFFC0, s30  }
0x3fa: {  	s1 =	sor.u32 s14, s3;
	s6 =	sadd.s32 $0x17E80, s15;
	[tilespmem:s5+$0x0] =	vst v0;
	v0 =	vld [tilespmem:s9+$0xFFFFFFF0]  }
0x3fb: {  	s10 =	simm.s32 $0x300;
	s7 =	sor.u32 s29, s6;
	[tilespmem:s1+$0x0] =	vst v1;
	v3 =	vld [tilespmem:s8+$0xFFFFFFE0]  }
0x3fc: {  	s11 =	simm.s32 $0x60;
	s25 =	sand.u32 $0x1C00, s10;
	[tilespmem:s7+$0x0] =	vst v2;
	v1 =	vld [tilespmem:s17+$0xFFFFFFE5]  }
0x3fd: {  	s22 =	sand.u32 $0x60, s11;
	s18 =	sadd.s32 $0x17C00, s25;
	v2 =	vld [tilespmem:s30+$0xFFFFFFFB]  }
0x3fe: {  	s26 =	sor.u32 s22, s18;
	s31 =	sadd.s32 $0x1BC00, s21  }
0x3ff: {  	s4 =	sor.u32 s23, s6;
	s6 =	sadd.s32 $0x19D80, s13;
	s0 =	sor.u32 s16, s31;
	[tilespmem:s26+$0x0] =	vst v0  }
0x400: {  	s10 =	sor.u32 s12, s6;
	v0 =	vld [tilespmem:s9+$0x0];
	[tilespmem:s0+$0x0] =	vst v3  }
0x401: {  	[tilespmem:s10+$0x0] =	vst v1;
	v3 =	vld [tilespmem:s8+$0xFFFFFFF0]  }
0x402: {  	[tilespmem:s4+$0x0] =	vst v2;
	v1 =	vld [tilespmem:s17+$0xFFFFFFF5]  }
0x403: {  	s19 =	sor.u32 $0x10, s22;
	v2 =	vld [tilespmem:s30+$0xFFFFFFEA]  }
0x404: {  	s2 =	sor.u32 s19, s18  }
0x405: {  	s11 =	sor.u32 s20, s31;
	[tilespmem:s2+$0x0] =	vst v0  }
0x406: {  	s18 =	sadd.s32 $0x17F00, s15;
	s1 =	sor.u32 s14, s6;
	v0 =	vld [tilespmem:s9+$0xFFFFFFEF];
	[tilespmem:s11+$0x0] =	vst v3  }
0x407: {  	[tilespmem:s1+$0x0] =	vst v1;
	s26 =	sor.u32 s29, s18;
	v3 =	vld [tilespmem:s8+$0xFFFFFFDF]  }
0x408: {  	v1 =	vld [tilespmem:s17+$0xFFFFFFE4];
	[tilespmem:s26+$0x0] =	vst v2  }
0x409: {  	s31 =	sadd.s32 $0x17C80, s25;
	v2 =	vld [tilespmem:s30+$0xFFFFFFFA]  }
0x40a: {  	s3 =	sadd.s32 $0x1BC80, s21;
	s0 =	sor.u32 s22, s31  }
0x40b: {  	s4 =	sor.u32 s16, s3;
	s6 =	sadd.s32 $0x19E00, s13;
	[tilespmem:s0+$0x0] =	vst v0  }
0x40c: {  	s10 =	sor.u32 s12, s6;
	v0 =	vld [tilespmem:s9+$0xFFFFFFFF];
	[tilespmem:s4+$0x0] =	vst v3  }
0x40d: {  	s5 =	sor.u32 s23, s18;
	[tilespmem:s10+$0x0] =	vst v1;
	v3 =	vld [tilespmem:s8+$0xFFFFFFEF]  }
0x40e: {  	v1 =	vld [tilespmem:s17+$0xFFFFFFF4];
	[tilespmem:s5+$0x0] =	vst v2  }
0x40f: {  	v2 =	vld [tilespmem:s30+$0xFFFFFFE9]  }
0x410: {  	s2 =	sor.u32 s19, s31  }
0x411: {  	s11 =	sor.u32 s20, s3;
	[tilespmem:s2+$0x0] =	vst v0  }
0x412: {  	s1 =	sor.u32 s14, s6;
	s18 =	sadd.s32 $0x17F80, s15;
	v0 =	vld [tilespmem:s9+$0xFFFFFFEE];
	[tilespmem:s11+$0x0] =	vst v3  }
0x413: {  	s26 =	sor.u32 s29, s18;
	[tilespmem:s1+$0x0] =	vst v1;
	v3 =	vld [tilespmem:s8+$0xFFFFFFDE]  }
0x414: {  	v1 =	vld [tilespmem:s17+$0xFFFFFFE3];
	[tilespmem:s26+$0x0] =	vst v2  }
0x415: {  	s31 =	sadd.s32 $0x17D00, s25;
	v2 =	vld [tilespmem:s30+$0xFFFFFFF9]  }
0x416: {  	s3 =	sadd.s32 $0x1BD00, s21;
	s0 =	sor.u32 s22, s31  }
0x417: {  	s6 =	sadd.s32 $0x19E80, s13;
	s4 =	sor.u32 s16, s3;
	[tilespmem:s0+$0x0] =	vst v0  }
0x418: {  	s10 =	sor.u32 s12, s6;
	v0 =	vld [tilespmem:s9+$0xFFFFFFFE];
	[tilespmem:s4+$0x0] =	vst v3  }
0x419: {  	s5 =	sor.u32 s23, s18;
	[tilespmem:s10+$0x0] =	vst v1;
	v3 =	vld [tilespmem:s8+$0xFFFFFFEE]  }
0x41a: {  	v1 =	vld [tilespmem:s17+$0xFFFFFFF3];
	[tilespmem:s5+$0x0] =	vst v2  }
0x41b: {  	v2 =	vld [tilespmem:s30+$0xFFFFFFE8]  }
0x41c: {  	s2 =	sor.u32 s19, s31  }
0x41d: {  	s11 =	sor.u32 s20, s3;
	[tilespmem:s2+$0x0] =	vst v0  }
0x41e: {  	s1 =	sor.u32 s14, s6;
	s18 =	sadd.s32 $0x19C00, s15;
	v0 =	vld [tilespmem:s9+$0xFFFFFFED];
	[tilespmem:s11+$0x0] =	vst v3  }
0x41f: {  	s26 =	sor.u32 s29, s18;
	[tilespmem:s1+$0x0] =	vst v1;
	v3 =	vld [tilespmem:s8+$0xFFFFFFDD]  }
0x420: {  	v1 =	vld [tilespmem:s17+$0xFFFFFFE2];
	[tilespmem:s26+$0x0] =	vst v2  }
0x421: {  	s31 =	sadd.s32 $0x17D80, s25;
	v2 =	vld [tilespmem:s30+$0xFFFFFFF8]  }
0x422: {  	s3 =	sadd.s32 $0x1BD80, s21;
	s0 =	sor.u32 s22, s31  }
0x423: {  	s6 =	sadd.s32 $0x19F00, s13;
	s4 =	sor.u32 s16, s3;
	[tilespmem:s0+$0x0] =	vst v0  }
0x424: {  	s10 =	sor.u32 s12, s6;
	v0 =	vld [tilespmem:s9+$0xFFFFFFFD];
	[tilespmem:s4+$0x0] =	vst v3  }
0x425: {  	s5 =	sor.u32 s23, s18;
	[tilespmem:s10+$0x0] =	vst v1;
	v3 =	vld [tilespmem:s8+$0xFFFFFFED]  }
0x426: {  	v1 =	vld [tilespmem:s17+$0xFFFFFFF2];
	[tilespmem:s5+$0x0] =	vst v2  }
0x427: {  	v2 =	vld [tilespmem:s30+$0xFFFFFFE7]  }
0x428: {  	s2 =	sor.u32 s19, s31  }
0x429: {  	s11 =	sor.u32 s20, s3;
	[tilespmem:s2+$0x0] =	vst v0  }
0x42a: {  	s1 =	sor.u32 s14, s6;
	s18 =	sadd.s32 $0x19C80, s15;
	v0 =	vld [tilespmem:s9+$0xFFFFFFEC];
	[tilespmem:s11+$0x0] =	vst v3  }
0x42b: {  	s26 =	sor.u32 s29, s18;
	[tilespmem:s1+$0x0] =	vst v1;
	v3 =	vld [tilespmem:s8+$0xFFFFFFDC]  }
0x42c: {  	v1 =	vld [tilespmem:s17+$0xFFFFFFE1];
	[tilespmem:s26+$0x0] =	vst v2  }
0x42d: {  	s31 =	sadd.s32 $0x17E00, s25;
	v2 =	vld [tilespmem:s30+$0xFFFFFFF7]  }
0x42e: {  	s3 =	sadd.s32 $0x1BE00, s21;
	s0 =	sor.u32 s22, s31  }
0x42f: {  	s6 =	sadd.s32 $0x19F80, s13;
	s4 =	sor.u32 s16, s3;
	[tilespmem:s0+$0x0] =	vst v0  }
0x430: {  	s10 =	sor.u32 s12, s6;
	v0 =	vld [tilespmem:s9+$0xFFFFFFFC];
	[tilespmem:s4+$0x0] =	vst v3  }
0x431: {  	s5 =	sor.u32 s23, s18;
	[tilespmem:s10+$0x0] =	vst v1;
	v3 =	vld [tilespmem:s8+$0xFFFFFFEC]  }
0x432: {  	v1 =	vld [tilespmem:s17+$0xFFFFFFF1];
	[tilespmem:s5+$0x0] =	vst v2  }
0x433: {  	v2 =	vld [tilespmem:s30+$0xFFFFFFE6]  }
0x434: {  	s2 =	sor.u32 s19, s31  }
0x435: {  	s11 =	sor.u32 s20, s3;
	[tilespmem:s2+$0x0] =	vst v0  }
0x436: {  	s1 =	sor.u32 s14, s6;
	s18 =	sadd.s32 $0x19D00, s15;
	v0 =	vld [tilespmem:s9+$0xFFFFFFEB];
	[tilespmem:s11+$0x0] =	vst v3  }
0x437: {  	s26 =	sadd.s32 $0xFFFFFFC0, s9;
	[tilespmem:s1+$0x0] =	vst v1;
	s31 =	sor.u32 s29, s18;
	v3 =	vld [tilespmem:s8+$0xFFFFFFDB]  }
0x438: {  	s7 =	sadd.s32 $0x1BE80, s21;
	v1 =	vld [tilespmem:s26+$0xFFFFFFF0];
	[tilespmem:s31+$0x0] =	vst v2  }
0x439: {  	s6 =	simm.s32 $0x80;
	s3 =	simm.s32 $0x400;
	v2 =	vld [tilespmem:s30+$0xFFFFFFF6];
	s2 =	sadd.s32 $0x17E80, s25  }
0x43a: {  	s10 =	sor.u32 s23, s18;
	s31 =	sand.u32 $0x1C00, s3;
	s0 =	sor.u32 s22, s2  }
0x43b: {  	s18 =	sand.u32 $0x60, s6;
	s4 =	sor.u32 s16, s7;
	s11 =	sadd.s32 $0x17C00, s31;
	[tilespmem:s0+$0x0] =	vst v0;
	v0 =	vld [tilespmem:s17+$0xFFFFFFE0]  }
0x43c: {  	s0 =	sor.u32 s18, s11;
	v4 =	vld [tilespmem:s9+$0xFFFFFFFB];
	[tilespmem:s4+$0x0] =	vst v3  }
0x43d: {  	[tilespmem:s0+$0x0] =	vst v1;
	v3 =	vld [tilespmem:s8+$0xFFFFFFEB]  }
0x43e: {  	s3 =	sadd.s32 $0x1BC00, s13;
	[tilespmem:s10+$0x0] =	vst v2;
	v1 =	vld [tilespmem:s26+$0x0]  }
0x43f: {  	v2 =	vld [tilespmem:s30+$0xFFFFFFE5];
	s4 =	sor.u32 s12, s3  }
0x440: {  	s2 =	sor.u32 s19, s2;
	[tilespmem:s4+$0x0] =	vst v0  }
0x441: {  	s6 =	sor.u32 s20, s7;
	s10 =	sor.u32 $0x10, s18;
	[tilespmem:s2+$0x0] =	vst v4;
	v0 =	vld [tilespmem:s17+$0xFFFFFFF0]  }
0x442: {  	s0 =	sor.u32 s10, s11;
	s2 =	sadd.s32 $0x19D80, s15;
	v4 =	vld [tilespmem:s9+$0xFFFFFFEA];
	[tilespmem:s6+$0x0] =	vst v3  }
0x443: {  	s7 =	sor.u32 s29, s2;
	[tilespmem:s0+$0x0] =	vst v1;
	v3 =	vld [tilespmem:s8+$0xFFFFFFDA]  }
0x444: {  	[tilespmem:s7+$0x0] =	vst v2;
	v1 =	vld [tilespmem:s26+$0xFFFFFFEF]  }
0x445: {  	s1 =	sadd.s32 $0x17F00, s25;
	s3 =	sor.u32 s14, s3;
	v2 =	vld [tilespmem:s30+$0xFFFFFFF5]  }
0x446: {  	s5 =	sadd.s32 $0x1BF00, s21;
	s4 =	sor.u32 s22, s1;
	[tilespmem:s3+$0x0] =	vst v0  }
0x447: {  	s11 =	sadd.s32 $0x17C80, s31;
	s6 =	sor.u32 s16, s5;
	[tilespmem:s4+$0x0] =	vst v4;
	v0 =	vld [tilespmem:s17+$0xFFFFFFDF]  }
0x448: {  	s0 =	sor.u32 s18, s11;
	v4 =	vld [tilespmem:s9+$0xFFFFFFFA];
	[tilespmem:s6+$0x0] =	vst v3  }
0x449: {  	s2 =	sor.u32 s23, s2;
	[tilespmem:s0+$0x0] =	vst v1;
	v3 =	vld [tilespmem:s8+$0xFFFFFFEA]  }
0x44a: {  	s3 =	sadd.s32 $0x1BC80, s13;
	[tilespmem:s2+$0x0] =	vst v2;
	v1 =	vld [tilespmem:s26+$0xFFFFFFFF]  }
0x44b: {  	s4 =	sor.u32 s12, s3;
	v2 =	vld [tilespmem:s30+$0xFFFFFFE4]  }
0x44c: {  	s1 =	sor.u32 s19, s1;
	[tilespmem:s4+$0x0] =	vst v0  }
0x44d: {  	s5 =	sor.u32 s20, s5;
	[tilespmem:s1+$0x0] =	vst v4;
	v0 =	vld [tilespmem:s17+$0xFFFFFFEF]  }
0x44e: {  	s0 =	sor.u32 s10, s11;
	s2 =	sadd.s32 $0x19E00, s15;
	v4 =	vld [tilespmem:s9+$0xFFFFFFE9];
	[tilespmem:s5+$0x0] =	vst v3  }
0x44f: {  	s6 =	sor.u32 s29, s2;
	[tilespmem:s0+$0x0] =	vst v1;
	v3 =	vld [tilespmem:s8+$0xFFFFFFD9]  }
0x450: {  	[tilespmem:s6+$0x0] =	vst v2;
	v1 =	vld [tilespmem:s26+$0xFFFFFFEE]  }
0x451: {  	s3 =	sor.u32 s14, s3;
	s1 =	sadd.s32 $0x17F80, s25;
	v2 =	vld [tilespmem:s30+$0xFFFFFFF4]  }
0x452: {  	s4 =	sor.u32 s22, s1;
	s5 =	sadd.s32 $0x1BF80, s21;
	[tilespmem:s3+$0x0] =	vst v0  }
0x453: {  	s11 =	sadd.s32 $0x17D00, s31;
	s6 =	sor.u32 s16, s5;
	[tilespmem:s4+$0x0] =	vst v4;
	v0 =	vld [tilespmem:s17+$0xFFFFFFDE]  }
0x454: {  	s0 =	sor.u32 s18, s11;
	v4 =	vld [tilespmem:s9+$0xFFFFFFF9];
	[tilespmem:s6+$0x0] =	vst v3  }
0x455: {  	s2 =	sor.u32 s23, s2;
	[tilespmem:s0+$0x0] =	vst v1;
	v3 =	vld [tilespmem:s8+$0xFFFFFFE9]  }
0x456: {  	s3 =	sadd.s32 $0x1BD00, s13;
	[tilespmem:s2+$0x0] =	vst v2;
	v1 =	vld [tilespmem:s26+$0xFFFFFFFE]  }
0x457: {  	s4 =	sor.u32 s12, s3;
	v2 =	vld [tilespmem:s30+$0xFFFFFFE3]  }
0x458: {  	s1 =	sor.u32 s19, s1;
	[tilespmem:s4+$0x0] =	vst v0  }
0x459: {  	s5 =	sor.u32 s20, s5;
	[tilespmem:s1+$0x0] =	vst v4;
	v0 =	vld [tilespmem:s17+$0xFFFFFFEE]  }
0x45a: {  	s0 =	sor.u32 s10, s11;
	s2 =	sadd.s32 $0x19E80, s15;
	v4 =	vld [tilespmem:s9+$0xFFFFFFE8];
	[tilespmem:s5+$0x0] =	vst v3  }
0x45b: {  	s6 =	sor.u32 s29, s2;
	[tilespmem:s0+$0x0] =	vst v1;
	v3 =	vld [tilespmem:s8+$0xFFFFFFD8]  }
0x45c: {  	[tilespmem:s6+$0x0] =	vst v2;
	v1 =	vld [tilespmem:s26+$0xFFFFFFED]  }
0x45d: {  	s3 =	sor.u32 s14, s3;
	s1 =	sadd.s32 $0x19C00, s25;
	v2 =	vld [tilespmem:s30+$0xFFFFFFF3]  }
0x45e: {  	s4 =	sor.u32 s22, s1;
	s5 =	sadd.s32 $0x1DC00, s21;
	[tilespmem:s3+$0x0] =	vst v0  }
0x45f: {  	s11 =	sadd.s32 $0x17D80, s31;
	s6 =	sor.u32 s16, s5;
	[tilespmem:s4+$0x0] =	vst v4;
	v0 =	vld [tilespmem:s17+$0xFFFFFFDD]  }
0x460: {  	s0 =	sor.u32 s18, s11;
	v4 =	vld [tilespmem:s9+$0xFFFFFFF8];
	[tilespmem:s6+$0x0] =	vst v3  }
0x461: {  	s2 =	sor.u32 s23, s2;
	[tilespmem:s0+$0x0] =	vst v1;
	v3 =	vld [tilespmem:s8+$0xFFFFFFE8]  }
0x462: {  	s3 =	sadd.s32 $0x1BD80, s13;
	[tilespmem:s2+$0x0] =	vst v2;
	v1 =	vld [tilespmem:s26+$0xFFFFFFFD]  }
0x463: {  	s4 =	sor.u32 s12, s3;
	v2 =	vld [tilespmem:s30+$0xFFFFFFE2]  }
0x464: {  	s1 =	sor.u32 s19, s1;
	[tilespmem:s4+$0x0] =	vst v0  }
0x465: {  	s5 =	sor.u32 s20, s5;
	[tilespmem:s1+$0x0] =	vst v4;
	v0 =	vld [tilespmem:s17+$0xFFFFFFED]  }
0x466: {  	s7 =	sor.u32 s10, s11;
	s2 =	sadd.s32 $0x19F00, s15;
	v4 =	vld [tilespmem:s9+$0xFFFFFFE7];
	[tilespmem:s5+$0x0] =	vst v3  }
0x467: {  	s6 =	sor.u32 s29, s2;
	[tilespmem:s7+$0x0] =	vst v1;
	v3 =	vld [tilespmem:s8+$0xFFFFFFD7]  }
0x468: {  	[tilespmem:s6+$0x0] =	vst v2;
	v1 =	vld [tilespmem:s26+$0xFFFFFFEC]  }
0x469: {  	s11 =	sor.u32 s14, s3;
	s1 =	sadd.s32 $0x19C80, s25;
	v2 =	vld [tilespmem:s30+$0xFFFFFFF2]  }
0x46a: {  	s3 =	sadd.s32 $0x1DC80, s21;
	s0 =	sor.u32 s22, s1;
	[tilespmem:s11+$0x0] =	vst v0  }
0x46b: {  	s4 =	sor.u32 s16, s3;
	s7 =	sadd.s32 $0x17E00, s31;
	[tilespmem:s0+$0x0] =	vst v4;
	v0 =	vld [tilespmem:s17+$0xFFFFFFDC]  }
0x46c: {  	s6 =	sor.u32 s18, s7;
	v4 =	vld [tilespmem:s9+$0xFFFFFFF7];
	[tilespmem:s4+$0x0] =	vst v3  }
0x46d: {  	s2 =	sor.u32 s23, s2;
	[tilespmem:s6+$0x0] =	vst v1;
	v3 =	vld [tilespmem:s8+$0xFFFFFFE7]  }
0x46e: {  	s11 =	sadd.s32 $0x1BE00, s13;
	[tilespmem:s2+$0x0] =	vst v2;
	v1 =	vld [tilespmem:s26+$0xFFFFFFFC]  }
0x46f: {  	s0 =	sor.u32 s12, s11;
	v2 =	vld [tilespmem:s30+$0xFFFFFFE1];
	[smem:$0x7EB] =	sst s19  }
0x470: {  	s1 =	sor.u32 s19, s1;
	[tilespmem:s0+$0x0] =	vst v0  }
0x471: {  	s2 =	sor.u32 s20, s3;
	[tilespmem:s1+$0x0] =	vst v4  }
0x472: {  	s7 =	sor.u32 s10, s7;
	s3 =	sadd.s32 $0x19F80, s15;
	v0 =	vld [tilespmem:s17+$0xFFFFFFEC];
	[tilespmem:s2+$0x0] =	vst v3  }
0x473: {  	s6 =	sor.u32 s29, s3;
	v4 =	vld [tilespmem:s9+$0xFFFFFFE6];
	[tilespmem:s7+$0x0] =	vst v1  }
0x474: {  	v5 =	vld [tilespmem:s8+$0xFFFFFFD6];
	[tilespmem:s6+$0x0] =	vst v2  }
0x475: {  	s28 =	smov.u32 s20;
	v2 =	vld [tilespmem:s30+$0xFFFFFFF1];
	[smem:$0x7EC] =	sst s25  }
0x476: {  	s4 =	smov.u32 s10;
	s10 =	sor.u32 s14, s11;
	[dreg:$0x1f] =	wrdreg s14  }
0x477: {  	s5 =	simm.s32 $0xC0;
	s20 =	smov.u32 s29;
	s19 =	sadd.s32 $0x19D00, s25;
	[tilespmem:s10+$0x0] =	vst v0  }
0x478: {  	s29 =	smov.u32 s9;
	s11 =	sor.u32 s22, s19;
	v6 =	vld [tilespmem:s26+$0xFFFFFFEB];
	[dreg:$0x9] =	wrdreg s21  }
0x479: {  	s0 =	smov.u32 s15;
	s15 =	sadd.s32 $0x1DD00, s21;
	s14 =	sshll.u32 s24, $0x1;
	[tilespmem:s11+$0x0] =	vst v4  }
0x47a: {  	s2 =	simm.s32 $0x500;
	s1 =	sor.u32 $0x1, s14;
	v1 =	vld [tilespmem:s17+$0xFFFFFFDB];
	[dreg:$0xa] =	wrdreg s16  }
0x47b: {  	s24 =	smov.u32 s17;
	s17 =	sor.u32 s16, s15;
	[smem:$0x7ED] =	sst s1  }
0x47c: {  	s25 =	smov.u32 s22;
	s22 =	smov.u32 s23;
	s14 =	sadd.s32 $0x17E80, s31;
	[tilespmem:s17+$0x0] =	vst v5  }
0x47d: {  	s21 =	sor.u32 s23, s3;
	s23 =	smov.u32 s31;
	v3 =	vld [tilespmem:s9+$0xFFFFFFF6];
	[dreg:$0x18] =	wrdreg s26  }
0x47e: {  	s31 =	sor.u32 s18, s14;
	s11 =	sadd.s32 $0x1BE80, s13;
	s26 =	sadd.s32 $0xFFFFFFC0, s26;
	v0 =	vld [tilespmem:s8+$0xFFFFFFE6];
	[tilespmem:s21+$0x0] =	vst v2  }
0x47f: {  	s10 =	smov.u32 s12;
	s3 =	smov.u32 s13;
	s12 =	sor.u32 s12, s11;
	v4 =	vld [tilespmem:s26+$0xFFFFFFF0];
	[tilespmem:s31+$0x0] =	vst v6  }
0x480: {  	s17 =	simm.s32 $0xA0;
	s16 =	smov.u32 s26;
	v2 =	vld [tilespmem:s30+$0xFFFFFFE0];
	[dreg:$0x1e] =	wrdreg s8  }
.LBB2_5:
0x481: {  	[dreg:$0x1d] =	wrdreg s5  }
0x482: {  	s6 =	sld [smem:$0x7EB]  }
0x483: {  	[dreg:$0x16] =	wrdreg s2  }
0x484: {  	p0 =	sne.s32 s5, $0x3E0;
	s13 =	rddreg [dreg:$0x18]  }
0x485: {  	s26 =	smov.u32 s18;
	[smem:$0x7E3] =	sst s0;
	v5 =	vld [tilespmem:s13+$0xFFFFFFFB];
	[tilespmem:s12+$0x0] =	vst v1;
	s21 =	sor.u32 s6, s19  }
0x486: {  	s1 =	sand.u32 $0x1C00, s2;
	s31 =	sor.u32 s28, s15;
	s15 =	rddreg [dreg:$0x1e];
	[tilespmem:s21+$0x0] =	vst v3  }
0x487: {  	s9 =	sand.u32 $0x60, s17;
	[smem:$0x7E2] =	sst s1;
	s17 =	sadd.s32 $0x17C00, s1;
	v1 =	vld [tilespmem:s24+$0xFFFFFFEB]  }
0x488: {  	s8 =	smov.u32 s24;
	s1 =	rddreg [dreg:$0x1f];
	s7 =	sor.u32 s9, s17;
	v3 =	vld [tilespmem:s29+$0xFFFFFFE5];
	[tilespmem:s31+$0x0] =	vst v0  }
0x489: {  	s5 =	smov.u32 s1;
	s1 =	sld [smem:$0x7EC];
	s19 =	sadd.s32 $0x1BC00, s0;
	[tilespmem:s7+$0x0] =	vst v4  }
0x48a: {  	s2 =	smov.u32 s16;
	s14 =	sor.u32 s4, s14;
	s12 =	sor.u32 s20, s19;
	v0 =	vld [tilespmem:s15+$0xFFFFFFD5]  }
0x48b: {  	[smem:$0x7E5] =	sst s23;
	s18 =	smov.u32 s6;
	s11 =	sor.u32 s5, s11;
	v4 =	vld [tilespmem:s16+$0x0];
	[tilespmem:s12+$0x0] =	vst v2  }
0x48c: {  	s21 =	smov.u32 s28;
	s28 =	smov.u32 s8;
	[smem:$0x7EC] =	sst s1;
	[tilespmem:s14+$0x0] =	vst v5  }
0x48d: {  	s31 =	smov.u32 s3;
	s24 =	rddreg [dreg:$0x9];
	s14 =	sadd.s32 $0x19D80, s1;
	v2 =	vld [tilespmem:s30+$0xFFFFFFF0]  }
0x48e: {  	s3 =	smov.u32 s30;
	s7 =	smov.u32 s15;
	v5 =	vld [tilespmem:s13+$0xFFFFFFEA];
	s6 =	sor.u32 s25, s14;
	[tilespmem:s11+$0x0] =	vst v1  }
0x48f: {  	s12 =	sor.u32 $0x10, s9;
	s15 =	rddreg [dreg:$0xa];
	s11 =	sadd.s32 $0x1DD80, s24;
	[tilespmem:s6+$0x0] =	vst v3  }
0x490: {  	s1 =	smov.u32 s9;
	s30 =	smov.u32 s29;
	s9 =	sor.u32 s15, s11;
	v1 =	vld [tilespmem:s28+$0xFFFFFFDA]  }
0x491: {  	s0 =	smov.u32 s20;
	s20 =	smov.u32 s22;
	s17 =	sor.u32 s12, s17;
	v3 =	vld [tilespmem:s30+$0xFFFFFFF5];
	[tilespmem:s9+$0x0] =	vst v0  }
0x492: {  	s22 =	smov.u32 s4;
	s8 =	sadd.s32 $0x17F00, s23;
	[smem:$0x7E1] =	sst s0;
	[tilespmem:s17+$0x0] =	vst v4  }
0x493: {  	s19 =	sor.u32 s20, s19;
	s16 =	smov.u32 s13;
	s13 =	smov.u32 s2;
	v0 =	vld [tilespmem:s7+$0xFFFFFFE5]  }
0x494: {  	s4 =	sor.u32 s26, s8;
	[dreg:$0x18] =	wrdreg s13;
	s13 =	smov.u32 s26;
	v4 =	vld [tilespmem:s2+$0xFFFFFFEF];
	[tilespmem:s19+$0x0] =	vst v2  }
0x495: {  	s9 =	smov.u32 s20;
	s20 =	rddreg [dreg:$0x1d];
	s19 =	sadd.s32 $0x1BF00, s31;
	[tilespmem:s4+$0x0] =	vst v5  }
0x496: {  	s26 =	sld [smem:$0x7E2];
	s23 =	smov.u32 s20;
	s6 =	sor.u32 s10, s19;
	v2 =	vld [tilespmem:s3+$0xFFFFFFDF]  }
0x497: {  	s14 =	sor.u32 s18, s14;
	[dreg:$0x1b] =	wrdreg s23;
	v5 =	vld [tilespmem:s16+$0xFFFFFFFA];
	[tilespmem:s6+$0x0] =	vst v1  }
0x498: {  	s23 =	smov.u32 s0;
	s0 =	sld [smem:$0x7E3];
	[tilespmem:s14+$0x0] =	vst v3  }
0x499: {  	s11 =	sor.u32 s21, s11;
	s20 =	sadd.s32 $0x17C80, s26;
	v1 =	vld [tilespmem:s28+$0xFFFFFFEA]  }
0x49a: {  	s14 =	sor.u32 s1, s20;
	v3 =	vld [tilespmem:s30+$0xFFFFFFE4];
	[tilespmem:s11+$0x0] =	vst v0  }
0x49b: {  	s17 =	smov.u32 s21;
	s21 =	sadd.s32 $0x1BC80, s0;
	[tilespmem:s14+$0x0] =	vst v4  }
0x49c: {  	s29 =	sld [smem:$0x7EC];
	s4 =	smov.u32 s1;
	s1 =	sor.u32 s23, s21;
	v0 =	vld [tilespmem:s7+$0xFFFFFFD4]  }
0x49d: {  	s8 =	sor.u32 s22, s8;
	v4 =	vld [tilespmem:s2+$0xFFFFFFFF];
	[tilespmem:s1+$0x0] =	vst v2  }
0x49e: {  	[tilespmem:s8+$0x0] =	vst v5  }
0x49f: {  	s14 =	sor.u32 s5, s19;
	s8 =	sadd.s32 $0x19E00, s29;
	v2 =	vld [tilespmem:s3+$0xFFFFFFEF]  }
0x4a0: {  	v5 =	vld [tilespmem:s16+$0xFFFFFFE9];
	s19 =	sor.u32 s25, s8;
	[tilespmem:s14+$0x0] =	vst v1  }
0x4a1: {  	s11 =	sadd.s32 $0x1DE00, s24;
	[tilespmem:s19+$0x0] =	vst v3  }
0x4a2: {  	s1 =	sor.u32 s15, s11;
	v1 =	vld [tilespmem:s28+$0xFFFFFFD9]  }
0x4a3: {  	v3 =	vld [tilespmem:s30+$0xFFFFFFF4];
	[tilespmem:s1+$0x0] =	vst v0;
	s1 =	sld [smem:$0x7E5]  }
0x4a4: {  	s6 =	smov.u32 s15;
	s15 =	sor.u32 s12, s20  }
0x4a5: {  	[tilespmem:s15+$0x0] =	vst v4  }
0x4a6: {  	s20 =	sor.u32 s9, s21;
	v0 =	vld [tilespmem:s7+$0xFFFFFFE4];
	s14 =	sadd.s32 $0x17F80, s1  }
0x4a7: {  	v4 =	vld [tilespmem:s2+$0xFFFFFFEE];
	[tilespmem:s20+$0x0] =	vst v2;
	s21 =	sor.u32 s13, s14  }
0x4a8: {  	s19 =	sadd.s32 $0x1BF80, s31;
	[tilespmem:s21+$0x0] =	vst v5  }
0x4a9: {  	s23 =	smov.u32 s25;
	s25 =	sor.u32 s10, s19;
	v2 =	vld [tilespmem:s3+$0xFFFFFFDE]  }
0x4aa: {  	s8 =	sor.u32 s18, s8;
	v5 =	vld [tilespmem:s16+$0xFFFFFFF9];
	[tilespmem:s25+$0x0] =	vst v1  }
0x4ab: {  	[tilespmem:s8+$0x0] =	vst v3  }
0x4ac: {  	s20 =	sadd.s32 $0x17D00, s26;
	s26 =	sor.u32 s17, s11;
	s25 =	sld [smem:$0x7E1];
	v1 =	vld [tilespmem:s28+$0xFFFFFFE9]  }
0x4ad: {  	s15 =	smov.u32 s9;
	s9 =	smov.u32 s31;
	s31 =	sor.u32 s4, s20;
	v3 =	vld [tilespmem:s30+$0xFFFFFFE3];
	[tilespmem:s26+$0x0] =	vst v0  }
0x4ae: {  	[dreg:$0x9] =	wrdreg s24;
	s24 =	smov.u32 s7;
	s21 =	sadd.s32 $0x1BD00, s0;
	[tilespmem:s31+$0x0] =	vst v4  }
0x4af: {  	s11 =	sor.u32 s25, s21;
	v0 =	vld [tilespmem:s24+$0xFFFFFFD3]  }
0x4b0: {  	s31 =	smov.u32 s22;
	s22 =	sor.u32 s22, s14;
	v4 =	vld [tilespmem:s2+$0xFFFFFFFE];
	[tilespmem:s11+$0x0] =	vst v2  }
0x4b1: {  	[tilespmem:s22+$0x0] =	vst v5  }
0x4b2: {  	s0 =	sor.u32 s5, s19;
	s8 =	sadd.s32 $0x19E80, s29;
	v2 =	vld [tilespmem:s3+$0xFFFFFFEE]  }
0x4b3: {  	s7 =	smov.u32 s4;
	s4 =	sor.u32 s23, s8;
	v5 =	vld [tilespmem:s16+$0xFFFFFFE8];
	[tilespmem:s0+$0x0] =	vst v1;
	s0 =	rddreg [dreg:$0x9]  }
0x4b4: {  	s11 =	sadd.s32 $0x1DE80, s0;
	[tilespmem:s4+$0x0] =	vst v3  }
0x4b5: {  	v1 =	vld [tilespmem:s28+$0xFFFFFFD8];
	s19 =	sor.u32 s6, s11  }
0x4b6: {  	s20 =	sor.u32 s12, s20;
	v3 =	vld [tilespmem:s30+$0xFFFFFFF3];
	[tilespmem:s19+$0x0] =	vst v0  }
0x4b7: {  	[tilespmem:s20+$0x0] =	vst v4  }
0x4b8: {  	[dreg:$0x1f] =	wrdreg s15;
	s14 =	sadd.s32 $0x19C00, s1;
	s22 =	sor.u32 s15, s21;
	v0 =	vld [tilespmem:s24+$0xFFFFFFE3]  }
0x4b9: {  	s4 =	smov.u32 s6;
	s6 =	smov.u32 s1;
	s1 =	sor.u32 s13, s14;
	v4 =	vld [tilespmem:s2+$0xFFFFFFED];
	[tilespmem:s22+$0x0] =	vst v2  }
0x4ba: {  	s8 =	sor.u32 s18, s8;
	s15 =	smov.u32 s9;
	s19 =	sadd.s32 $0x1DC00, s9;
	[tilespmem:s1+$0x0] =	vst v5  }
0x4bb: {  	s9 =	sor.u32 s10, s19;
	s1 =	smov.u32 s18;
	s18 =	sld [smem:$0x7E2];
	v2 =	vld [tilespmem:s3+$0xFFFFFFDD]  }
0x4bc: {  	v5 =	vld [tilespmem:s16+$0xFFFFFFF8];
	[tilespmem:s9+$0x0] =	vst v1  }
0x4bd: {  	s9 =	sld [smem:$0x7E3];
	[tilespmem:s8+$0x0] =	vst v3  }
0x4be: {  	s11 =	sor.u32 s17, s11;
	s20 =	sadd.s32 $0x17D80, s18;
	v1 =	vld [tilespmem:s28+$0xFFFFFFE8]  }
0x4bf: {  	s22 =	smov.u32 s7;
	v3 =	vld [tilespmem:s30+$0xFFFFFFE2];
	s7 =	sor.u32 s7, s20;
	[tilespmem:s11+$0x0] =	vst v0  }
0x4c0: {  	s21 =	sadd.s32 $0x1BD80, s9;
	[tilespmem:s7+$0x0] =	vst v4  }
0x4c1: {  	s11 =	sor.u32 s25, s21;
	v0 =	vld [tilespmem:s24+$0xFFFFFFD2]  }
0x4c2: {  	s7 =	smov.u32 s25;
	s25 =	sor.u32 s31, s14;
	v4 =	vld [tilespmem:s2+$0xFFFFFFFD];
	[tilespmem:s11+$0x0] =	vst v2  }
0x4c3: {  	[tilespmem:s25+$0x0] =	vst v5  }
0x4c4: {  	s8 =	sadd.s32 $0x19F00, s29;
	s14 =	sor.u32 s5, s19;
	v2 =	vld [tilespmem:s3+$0xFFFFFFED]  }
0x4c5: {  	s19 =	sor.u32 s23, s8;
	v5 =	vld [tilespmem:s16+$0xFFFFFFE7];
	[tilespmem:s14+$0x0] =	vst v1  }
0x4c6: {  	s11 =	sadd.s32 $0x1DF00, s0;
	[tilespmem:s19+$0x0] =	vst v3  }
0x4c7: {  	s0 =	sor.u32 s4, s11;
	v1 =	vld [tilespmem:s28+$0xFFFFFFD7]  }
0x4c8: {  	[smem:$0x7E4] =	sst s12;
	s12 =	sor.u32 s12, s20;
	v3 =	vld [tilespmem:s30+$0xFFFFFFF2];
	[tilespmem:s0+$0x0] =	vst v0  }
0x4c9: {  	s25 =	smov.u32 s29;
	s29 =	rddreg [dreg:$0x1f];
	[tilespmem:s12+$0x0] =	vst v4  }
0x4ca: {  	s14 =	sadd.s32 $0x19C80, s6;
	s20 =	sor.u32 s29, s21;
	v0 =	vld [tilespmem:s24+$0xFFFFFFE2]  }
0x4cb: {  	s21 =	sor.u32 s13, s14;
	v4 =	vld [tilespmem:s2+$0xFFFFFFEC];
	[tilespmem:s20+$0x0] =	vst v2  }
0x4cc: {  	s19 =	sadd.s32 $0x1DC80, s15;
	[tilespmem:s21+$0x0] =	vst v5  }
0x4cd: {  	s0 =	sor.u32 s10, s19;
	v2 =	vld [tilespmem:s3+$0xFFFFFFDC]  }
0x4ce: {  	s8 =	sor.u32 s1, s8;
	v5 =	vld [tilespmem:s16+$0xFFFFFFF7];
	[tilespmem:s0+$0x0] =	vst v1  }
0x4cf: {  	[tilespmem:s8+$0x0] =	vst v3  }
0x4d0: {  	s12 =	smov.u32 s1;
	s1 =	sor.u32 s17, s11;
	s20 =	sadd.s32 $0x17E00, s18;
	v1 =	vld [tilespmem:s28+$0xFFFFFFE7]  }
0x4d1: {  	s6 =	smov.u32 s10;
	s10 =	sor.u32 s22, s20;
	v3 =	vld [tilespmem:s30+$0xFFFFFFE1];
	[tilespmem:s1+$0x0] =	vst v0  }
0x4d2: {  	s21 =	sadd.s32 $0x1BE00, s9;
	[tilespmem:s10+$0x0] =	vst v4  }
0x4d3: {  	[smem:$0x7E6] =	sst s13;
	s13 =	smov.u32 s22;
	s22 =	sor.u32 s7, s21;
	v0 =	vld [tilespmem:s24+$0xFFFFFFD1]  }
0x4d4: {  	s1 =	sor.u32 s31, s14;
	v4 =	vld [tilespmem:s2+$0xFFFFFFFC];
	[tilespmem:s22+$0x0] =	vst v2  }
0x4d5: {  	[smem:$0x7EB] =	sst s31;
	s0 =	smov.u32 s9;
	s9 =	sor.u32 s5, s19;
	[tilespmem:s1+$0x0] =	vst v5  }
0x4d6: {  	s19 =	rddreg [dreg:$0x9];
	s8 =	sadd.s32 $0x19F80, s25;
	s31 =	smov.u32 s0;
	v2 =	vld [tilespmem:s3+$0xFFFFFFEC]  }
0x4d7: {  	s0 =	smov.u32 s25;
	s25 =	sld [smem:$0x7E4];
	s10 =	sor.u32 s23, s8;
	v5 =	vld [tilespmem:s16+$0xFFFFFFE6];
	[tilespmem:s9+$0x0] =	vst v1  }
0x4d8: {  	[dreg:$0x1e] =	wrdreg s28;
	s11 =	sadd.s32 $0x1DF80, s19;
	[tilespmem:s10+$0x0] =	vst v3  }
0x4d9: {  	s26 =	smov.u32 s24;
	s22 =	smov.u32 s23;
	s23 =	sor.u32 s4, s11;
	v6 =	vld [tilespmem:s28+$0xFFFFFFD6]  }
0x4da: {  	s24 =	smov.u32 s15;
	s15 =	sld [smem:$0x7E5];
	s1 =	sor.u32 s25, s20;
	v7 =	vld [tilespmem:s30+$0xFFFFFFF1];
	[tilespmem:s23+$0x0] =	vst v0  }
0x4db: {  	s8 =	sor.u32 s12, s8;
	[dreg:$0x9] =	wrdreg s24;
	[tilespmem:s1+$0x0] =	vst v4  }
0x4dc: {  	s4 =	smov.u32 s25;
	s25 =	smov.u32 s6;
	v8 =	vld [tilespmem:s26+$0xFFFFFFE1];
	s26 =	sld [smem:$0x7E6]  }
0x4dd: {  	s6 =	smov.u32 s7;
	[dreg:$0xa] =	wrdreg s25;
	s20 =	smov.u32 s15  }
0x4de: {  	s10 =	smov.u32 s18;
	s19 =	sadd.s32 $0x19D00, s20;
	s23 =	sor.u32 s29, s21  }
0x4df: {  	s15 =	sadd.s32 $0x1DD00, s24;
	s24 =	smov.u32 s3;
	v9 =	vld [tilespmem:s2+$0xFFFFFFEB];
	[tilespmem:s23+$0x0] =	vst v2;
	s1 =	sor.u32 s26, s19  }
0x4e0: {  	s18 =	smov.u32 s13;
	s13 =	sor.u32 s17, s11;
	s17 =	rddreg [dreg:$0x1b];
	[tilespmem:s1+$0x0] =	vst v5  }
0x4e1: {  	s11 =	sadd.s32 $0x1BE80, s31;
	[smem:$0x7EC] =	sst s20;
	s9 =	sor.u32 s25, s15;
	v1 =	vld [tilespmem:s3+$0xFFFFFFDB]  }
0x4e2: {  	s20 =	smov.u32 s22;
	s22 =	smov.u32 s12;
	s14 =	sadd.s32 $0x17E80, s10;
	v3 =	vld [tilespmem:s16+$0xFFFFFFF6];
	[tilespmem:s9+$0x0] =	vst v6  }
.Ltmp1:
0x4e3: {  	s12 =	sor.u32 s6, s11;
	s29 =	smov.u32 s16;
	[tilespmem:s8+$0x0] =	vst v7;
	(pc) =	sbr.rel @p0 .LBB2_5-.Ltmp1, $4  }
0x4e4: {  	s21 =	rddreg [dreg:$0x16];
	s23 =	smov.u32 s10;
	s2 =	sadd.s32 $0xFFFFFFC0, s2;
	v0 =	vld [tilespmem:s28+$0xFFFFFFE6]  }
0x4e5: {  	s10 =	smov.u32 s6;
	s25 =	smov.u32 s26;
	s26 =	sor.u32 s18, s14;
	v4 =	vld [tilespmem:s2+$0xFFFFFFF0];
	[tilespmem:s13+$0x0] =	vst v8  }
0x4e6: {  	s16 =	smov.u32 s2;
	s3 =	smov.u32 s31;
	s31 =	rddreg [dreg:$0x1d];
	[tilespmem:s26+$0x0] =	vst v9  }
0x4e7: {  	s28 =	smov.u32 s5;
	s5 =	sadd.s32 $0x20, s31;
	s2 =	sadd.s32 $0x100, s21;
	v2 =	vld [tilespmem:s30+$0xFFFFFFE0]  }
0x4e8: {  	s5 =	sand.u32 $0x1C00, s2  }
0x4e9: {  	s2 =	sand.u32 $0x60, s17;
	s8 =	sadd.s32 $0x17C00, s5  }
0x4ea: {  	s1 =	sor.u32 s2, s8  }
0x4eb: {  	[tilespmem:s1+$0x0] =	vst v4  }
0x4ec: {  	v4 =	vld [tilespmem:s16+$0x0];
	_ =	sdelay $0x2  }
0x4ed: {  	s9 =	sor.u32 $0x10, s2  }
0x4ee: {  	s8 =	sor.u32 s9, s8  }
0x4ef: {  	[tilespmem:s8+$0x0] =	vst v4  }
0x4f0: {  	v4 =	vld [tilespmem:s16+$0xFFFFFFEF];
	_ =	sdelay $0x2  }
0x4f1: {  	s21 =	sadd.s32 $0x17C80, s5  }
0x4f2: {  	s17 =	sor.u32 s2, s21  }
0x4f3: {  	[tilespmem:s17+$0x0] =	vst v4  }
0x4f4: {  	v4 =	vld [tilespmem:s16+$0xFFFFFFFF];
	_ =	sdelay $0x3  }
0x4f5: {  	s8 =	sor.u32 s9, s21  }
0x4f6: {  	[tilespmem:s8+$0x0] =	vst v4  }
0x4f7: {  	v4 =	vld [tilespmem:s16+$0xFFFFFFEE];
	_ =	sdelay $0x2  }
0x4f8: {  	s26 =	sadd.s32 $0x17D00, s5  }
0x4f9: {  	s31 =	sor.u32 s2, s26  }
0x4fa: {  	[tilespmem:s31+$0x0] =	vst v4  }
0x4fb: {  	v4 =	vld [tilespmem:s16+$0xFFFFFFFE];
	_ =	sdelay $0x3  }
0x4fc: {  	s8 =	sor.u32 s9, s26  }
0x4fd: {  	[tilespmem:s8+$0x0] =	vst v4  }
0x4fe: {  	v4 =	vld [tilespmem:s16+$0xFFFFFFED];
	_ =	sdelay $0x2  }
0x4ff: {  	s1 =	sadd.s32 $0x17D80, s5  }
0x500: {  	s6 =	sor.u32 s2, s1  }
0x501: {  	[tilespmem:s6+$0x0] =	vst v4  }
0x502: {  	v4 =	vld [tilespmem:s16+$0xFFFFFFFD];
	_ =	sdelay $0x3  }
0x503: {  	s8 =	sor.u32 s9, s1  }
0x504: {  	[tilespmem:s8+$0x0] =	vst v4  }
0x505: {  	v4 =	vld [tilespmem:s16+$0xFFFFFFEC];
	_ =	sdelay $0x2  }
0x506: {  	s7 =	sadd.s32 $0x17E00, s5  }
0x507: {  	s13 =	sor.u32 s2, s7  }
0x508: {  	[tilespmem:s13+$0x0] =	vst v4  }
0x509: {  	v4 =	vld [tilespmem:s16+$0xFFFFFFFC];
	_ =	sdelay $0x3  }
0x50a: {  	s8 =	sor.u32 s9, s7  }
0x50b: {  	[tilespmem:s8+$0x0] =	vst v4  }
0x50c: {  	v4 =	vld [tilespmem:s16+$0xFFFFFFEB];
	_ =	sdelay $0x2  }
0x50d: {  	s21 =	sadd.s32 $0x17E80, s5  }
0x50e: {  	s31 =	sor.u32 s2, s21  }
0x50f: {  	[tilespmem:s31+$0x0] =	vst v4  }
0x510: {  	s26 =	rddreg [dreg:$0x18];
	v5 =	vld [tilespmem:s16+$0xFFFFFFFB]  }
0x511: {  	v63 =	vld [tilespmem:s26+$0xFFFFFFFB];
	_ =	sdelay $0x2  }
0x512: {  	s8 =	sor.u32 s9, s21  }
0x513: {  	s14 =	sor.u32 s4, s14;
	[tilespmem:s8+$0x0] =	vst v5  }
0x514: {  	[tilespmem:s14+$0x0] =	vst v63;
	v5 =	vld [tilespmem:s16+$0xFFFFFFEA]  }
0x515: {  	v4 =	vld [tilespmem:s26+$0xFFFFFFEA];
	_ =	sdelay $0x1  }
0x516: {  	s7 =	sadd.s32 $0x17F00, s5  }
0x517: {  	s1 =	sadd.s32 $0x17F00, s23;
	s21 =	sor.u32 s2, s7  }
0x518: {  	s6 =	sor.u32 s18, s1;
	[tilespmem:s21+$0x0] =	vst v5  }
0x519: {  	[tilespmem:s6+$0x0] =	vst v4;
	v5 =	vld [tilespmem:s16+$0xFFFFFFFA]  }
0x51a: {  	v4 =	vld [tilespmem:s26+$0xFFFFFFFA];
	_ =	sdelay $0x2  }
0x51b: {  	s31 =	sor.u32 s9, s7  }
0x51c: {  	s8 =	sor.u32 s4, s1;
	[tilespmem:s31+$0x0] =	vst v5  }
0x51d: {  	[tilespmem:s8+$0x0] =	vst v4;
	v5 =	vld [tilespmem:s16+$0xFFFFFFE9]  }
0x51e: {  	v4 =	vld [tilespmem:s26+$0xFFFFFFE9];
	_ =	sdelay $0x1  }
0x51f: {  	s7 =	sadd.s32 $0x17F80, s5  }
0x520: {  	s1 =	sadd.s32 $0x17F80, s23;
	s21 =	sor.u32 s2, s7  }
0x521: {  	s6 =	sor.u32 s18, s1;
	[tilespmem:s21+$0x0] =	vst v5  }
0x522: {  	[tilespmem:s6+$0x0] =	vst v4;
	v5 =	vld [tilespmem:s16+$0xFFFFFFF9]  }
0x523: {  	v4 =	vld [tilespmem:s26+$0xFFFFFFF9];
	_ =	sdelay $0x2  }
0x524: {  	s31 =	sor.u32 s9, s7  }
0x525: {  	s8 =	sor.u32 s4, s1;
	[tilespmem:s31+$0x0] =	vst v5  }
0x526: {  	[tilespmem:s8+$0x0] =	vst v4;
	v5 =	vld [tilespmem:s16+$0xFFFFFFE8]  }
0x527: {  	v4 =	vld [tilespmem:s26+$0xFFFFFFE8];
	_ =	sdelay $0x1  }
0x528: {  	s7 =	sadd.s32 $0x19C00, s5  }
0x529: {  	s1 =	sadd.s32 $0x19C00, s23;
	s21 =	sor.u32 s2, s7  }
0x52a: {  	s6 =	sor.u32 s18, s1;
	[tilespmem:s21+$0x0] =	vst v5  }
0x52b: {  	[tilespmem:s6+$0x0] =	vst v4;
	v5 =	vld [tilespmem:s16+$0xFFFFFFF8]  }
0x52c: {  	v4 =	vld [tilespmem:s26+$0xFFFFFFF8];
	_ =	sdelay $0x2  }
0x52d: {  	s31 =	sor.u32 s9, s7  }
0x52e: {  	s8 =	sor.u32 s4, s1;
	[tilespmem:s31+$0x0] =	vst v5  }
0x52f: {  	[tilespmem:s8+$0x0] =	vst v4;
	v5 =	vld [tilespmem:s16+$0xFFFFFFE7]  }
0x530: {  	v4 =	vld [tilespmem:s26+$0xFFFFFFE7];
	_ =	sdelay $0x1  }
0x531: {  	s7 =	sadd.s32 $0x19C80, s5  }
0x532: {  	s1 =	sadd.s32 $0x19C80, s23;
	s21 =	sor.u32 s2, s7  }
0x533: {  	s6 =	sor.u32 s18, s1;
	[tilespmem:s21+$0x0] =	vst v5  }
0x534: {  	[tilespmem:s6+$0x0] =	vst v4;
	v5 =	vld [tilespmem:s16+$0xFFFFFFF7]  }
0x535: {  	v4 =	vld [tilespmem:s26+$0xFFFFFFF7];
	_ =	sdelay $0x2  }
0x536: {  	s31 =	sor.u32 s9, s7  }
0x537: {  	s8 =	sor.u32 s4, s1;
	[tilespmem:s31+$0x0] =	vst v5  }
0x538: {  	[tilespmem:s8+$0x0] =	vst v4;
	v5 =	vld [tilespmem:s16+$0xFFFFFFE6]  }
0x539: {  	v4 =	vld [tilespmem:s26+$0xFFFFFFE6];
	_ =	sdelay $0x1  }
0x53a: {  	s7 =	sadd.s32 $0x19D00, s5  }
0x53b: {  	s1 =	sadd.s32 $0x19D00, s23;
	s21 =	sor.u32 s2, s7  }
0x53c: {  	s6 =	sor.u32 s18, s1;
	[tilespmem:s21+$0x0] =	vst v5  }
0x53d: {  	[tilespmem:s6+$0x0] =	vst v4  }
0x53e: {  	v5 =	vld [tilespmem:s16+$0xFFFFFFF6];
	s21 =	sld [smem:$0x7EB]  }
0x53f: {  	v4 =	vld [tilespmem:s26+$0xFFFFFFF6];
	_ =	sdelay $0x1  }
0x540: {  	s31 =	sor.u32 s21, s19  }
0x541: {  	s8 =	sor.u32 s4, s1;
	s1 =	sor.u32 s9, s7;
	[tilespmem:s31+$0x0] =	vst v3  }
0x542: {  	[tilespmem:s1+$0x0] =	vst v5  }
0x543: {  	[tilespmem:s8+$0x0] =	vst v4  }
0x544: {  	s31 =	smov.u32 s29;
	v3 =	vld [tilespmem:s29+$0xFFFFFFE5];
	s29 =	sld [smem:$0x7EC]  }
0x545: {  	v4 =	vld [tilespmem:s26+$0xFFFFFFE5]  }
0x546: {  	v5 =	vld [tilespmem:s16+$0xFFFFFFE5]  }
0x547: {  	s8 =	sadd.s32 $0x19D80, s29  }
0x548: {  	s17 =	sadd.s32 $0x19D80, s23;
	s6 =	sor.u32 s25, s8  }
0x549: {  	s7 =	sor.u32 s18, s17;
	s19 =	sadd.s32 $0x19D80, s5;
	[tilespmem:s6+$0x0] =	vst v3  }
0x54a: {  	s1 =	sor.u32 s2, s19;
	[tilespmem:s7+$0x0] =	vst v4;
	v3 =	vld [tilespmem:s31+$0xFFFFFFF5]  }
0x54b: {  	[tilespmem:s1+$0x0] =	vst v5;
	v4 =	vld [tilespmem:s26+$0xFFFFFFF5]  }
0x54c: {  	v5 =	vld [tilespmem:s16+$0xFFFFFFF5];
	_ =	sdelay $0x1  }
0x54d: {  	s8 =	sor.u32 s21, s8  }
0x54e: {  	s7 =	sor.u32 s4, s17;
	[tilespmem:s8+$0x0] =	vst v3  }
0x54f: {  	s14 =	sor.u32 s9, s19;
	[tilespmem:s7+$0x0] =	vst v4;
	v3 =	vld [tilespmem:s31+$0xFFFFFFE4]  }
0x550: {  	[tilespmem:s14+$0x0] =	vst v5;
	v4 =	vld [tilespmem:s26+$0xFFFFFFE4]  }
0x551: {  	v5 =	vld [tilespmem:s16+$0xFFFFFFE4]  }
0x552: {  	s17 =	sadd.s32 $0x19E00, s29  }
0x553: {  	s6 =	smov.u32 s18;
	s1 =	sor.u32 s25, s17;
	s7 =	sadd.s32 $0x19E00, s23  }
0x554: {  	s19 =	sadd.s32 $0x19E00, s5;
	s18 =	sor.u32 s6, s7;
	[tilespmem:s1+$0x0] =	vst v3  }
0x555: {  	[tilespmem:s18+$0x0] =	vst v4;
	s1 =	sor.u32 s2, s19;
	v3 =	vld [tilespmem:s31+$0xFFFFFFF4]  }
0x556: {  	[tilespmem:s1+$0x0] =	vst v5;
	v4 =	vld [tilespmem:s26+$0xFFFFFFF4]  }
0x557: {  	v5 =	vld [tilespmem:s16+$0xFFFFFFF4];
	_ =	sdelay $0x1  }
0x558: {  	s8 =	sor.u32 s21, s17  }
0x559: {  	s7 =	sor.u32 s4, s7;
	[tilespmem:s8+$0x0] =	vst v3  }
0x55a: {  	s14 =	sor.u32 s9, s19;
	[tilespmem:s7+$0x0] =	vst v4;
	v3 =	vld [tilespmem:s31+$0xFFFFFFE3]  }
0x55b: {  	[tilespmem:s14+$0x0] =	vst v5;
	v4 =	vld [tilespmem:s26+$0xFFFFFFE3]  }
0x55c: {  	v5 =	vld [tilespmem:s16+$0xFFFFFFE3]  }
0x55d: {  	s17 =	sadd.s32 $0x19E80, s29  }
0x55e: {  	s1 =	sor.u32 s25, s17;
	s7 =	sadd.s32 $0x19E80, s23  }
0x55f: {  	s19 =	sadd.s32 $0x19E80, s5;
	s18 =	sor.u32 s6, s7;
	[tilespmem:s1+$0x0] =	vst v3  }
0x560: {  	[tilespmem:s18+$0x0] =	vst v4;
	s1 =	sor.u32 s2, s19;
	v3 =	vld [tilespmem:s31+$0xFFFFFFF3]  }
0x561: {  	[tilespmem:s1+$0x0] =	vst v5;
	v4 =	vld [tilespmem:s26+$0xFFFFFFF3]  }
0x562: {  	v5 =	vld [tilespmem:s16+$0xFFFFFFF3];
	_ =	sdelay $0x1  }
0x563: {  	s8 =	sor.u32 s21, s17  }
0x564: {  	s7 =	sor.u32 s4, s7;
	[tilespmem:s8+$0x0] =	vst v3  }
0x565: {  	s14 =	sor.u32 s9, s19;
	[tilespmem:s7+$0x0] =	vst v4;
	v3 =	vld [tilespmem:s31+$0xFFFFFFE2]  }
0x566: {  	[tilespmem:s14+$0x0] =	vst v5;
	v4 =	vld [tilespmem:s26+$0xFFFFFFE2]  }
0x567: {  	v5 =	vld [tilespmem:s16+$0xFFFFFFE2]  }
0x568: {  	s17 =	sadd.s32 $0x19F00, s29  }
0x569: {  	s1 =	sor.u32 s25, s17;
	s7 =	sadd.s32 $0x19F00, s23  }
0x56a: {  	s19 =	sadd.s32 $0x19F00, s5;
	s18 =	sor.u32 s6, s7;
	[tilespmem:s1+$0x0] =	vst v3  }
0x56b: {  	[tilespmem:s18+$0x0] =	vst v4;
	s1 =	sor.u32 s2, s19;
	v3 =	vld [tilespmem:s31+$0xFFFFFFF2]  }
0x56c: {  	[tilespmem:s1+$0x0] =	vst v5;
	v4 =	vld [tilespmem:s26+$0xFFFFFFF2]  }
0x56d: {  	v5 =	vld [tilespmem:s16+$0xFFFFFFF2];
	_ =	sdelay $0x1  }
0x56e: {  	s8 =	sor.u32 s21, s17  }
0x56f: {  	s7 =	sor.u32 s4, s7;
	[tilespmem:s8+$0x0] =	vst v3  }
0x570: {  	s14 =	sor.u32 s9, s19;
	[tilespmem:s7+$0x0] =	vst v4;
	v3 =	vld [tilespmem:s31+$0xFFFFFFE1]  }
0x571: {  	[tilespmem:s14+$0x0] =	vst v5;
	v4 =	vld [tilespmem:s26+$0xFFFFFFE1]  }
0x572: {  	v5 =	vld [tilespmem:s16+$0xFFFFFFE1]  }
0x573: {  	s8 =	sadd.s32 $0x19F80, s29  }
0x574: {  	s18 =	sadd.s32 $0x19F80, s23;
	s17 =	sor.u32 s25, s8  }
0x575: {  	s19 =	sor.u32 s6, s18;
	s1 =	sadd.s32 $0x19F80, s5;
	[tilespmem:s17+$0x0] =	vst v3  }
0x576: {  	s7 =	sor.u32 s2, s1;
	[tilespmem:s19+$0x0] =	vst v4;
	v3 =	vld [tilespmem:s31+$0xFFFFFFF1]  }
0x577: {  	[tilespmem:s7+$0x0] =	vst v5;
	v4 =	vld [tilespmem:s26+$0xFFFFFFF1]  }
0x578: {  	v5 =	vld [tilespmem:s16+$0xFFFFFFF1];
	_ =	sdelay $0x1  }
0x579: {  	s8 =	sor.u32 s21, s8  }
0x57a: {  	s17 =	sor.u32 s4, s18;
	[tilespmem:s8+$0x0] =	vst v3  }
0x57b: {  	s19 =	sor.u32 s9, s1;
	[tilespmem:s17+$0x0] =	vst v4;
	v3 =	vld [tilespmem:s31+$0xFFFFFFE0]  }
0x57c: {  	[tilespmem:s19+$0x0] =	vst v5;
	v4 =	vld [tilespmem:s26+$0xFFFFFFE0]  }
0x57d: {  	s8 =	sadd.s32 $0x1BC00, s0;
	v5 =	vld [tilespmem:s16+$0xFFFFFFE0]  }
0x57e: {  	s17 =	sadd.s32 $0x1BC00, s29;
	s1 =	sor.u32 s20, s8  }
0x57f: {  	s18 =	sadd.s32 $0x1BC00, s23;
	s7 =	sor.u32 s25, s17;
	[tilespmem:s1+$0x0] =	vst v2  }
0x580: {  	s19 =	sor.u32 s6, s18;
	s1 =	sadd.s32 $0x1BC00, s5;
	v2 =	vld [tilespmem:s30+$0xFFFFFFF0];
	[tilespmem:s7+$0x0] =	vst v3  }
0x581: {  	[tilespmem:s19+$0x0] =	vst v4;
	s7 =	sor.u32 s2, s1;
	v3 =	vld [tilespmem:s31+$0xFFFFFFF0]  }
0x582: {  	[tilespmem:s7+$0x0] =	vst v5;
	v4 =	vld [tilespmem:s26+$0xFFFFFFF0]  }
0x583: {  	v5 =	vld [tilespmem:s16+$0xFFFFFFF0]  }
0x584: {  	s8 =	sor.u32 s22, s8  }
0x585: {  	s17 =	sor.u32 s21, s17;
	[tilespmem:s8+$0x0] =	vst v2  }
0x586: {  	s18 =	sor.u32 s4, s18;
	v2 =	vld [tilespmem:s30+$0xFFFFFFDF];
	[tilespmem:s17+$0x0] =	vst v3  }
0x587: {  	s19 =	sor.u32 s9, s1;
	[tilespmem:s18+$0x0] =	vst v4;
	v3 =	vld [tilespmem:s31+$0xFFFFFFDF]  }
0x588: {  	[tilespmem:s19+$0x0] =	vst v5;
	v4 =	vld [tilespmem:s26+$0xFFFFFFDF]  }
0x589: {  	s8 =	sadd.s32 $0x1BC80, s0;
	v5 =	vld [tilespmem:s16+$0xFFFFFFDF]  }
0x58a: {  	s1 =	sor.u32 s20, s8;
	s17 =	sadd.s32 $0x1BC80, s29  }
0x58b: {  	s18 =	sadd.s32 $0x1BC80, s23;
	s7 =	sor.u32 s25, s17;
	[tilespmem:s1+$0x0] =	vst v2  }
0x58c: {  	s19 =	sor.u32 s6, s18;
	s1 =	sadd.s32 $0x1BC80, s5;
	v2 =	vld [tilespmem:s30+$0xFFFFFFEF];
	[tilespmem:s7+$0x0] =	vst v3  }
0x58d: {  	[tilespmem:s19+$0x0] =	vst v4;
	s7 =	sor.u32 s2, s1;
	v3 =	vld [tilespmem:s31+$0xFFFFFFEF]  }
0x58e: {  	[tilespmem:s7+$0x0] =	vst v5;
	v4 =	vld [tilespmem:s26+$0xFFFFFFEF]  }
0x58f: {  	v5 =	vld [tilespmem:s16+$0xFFFFFFEF]  }
0x590: {  	s8 =	sor.u32 s22, s8  }
0x591: {  	s17 =	sor.u32 s21, s17;
	[tilespmem:s8+$0x0] =	vst v2  }
0x592: {  	s18 =	sor.u32 s4, s18;
	v2 =	vld [tilespmem:s30+$0xFFFFFFDE];
	[tilespmem:s17+$0x0] =	vst v3  }
0x593: {  	s19 =	sor.u32 s9, s1;
	[tilespmem:s18+$0x0] =	vst v4;
	v3 =	vld [tilespmem:s31+$0xFFFFFFDE]  }
0x594: {  	[tilespmem:s19+$0x0] =	vst v5;
	v4 =	vld [tilespmem:s26+$0xFFFFFFDE]  }
0x595: {  	s8 =	sadd.s32 $0x1BD00, s0;
	v5 =	vld [tilespmem:s16+$0xFFFFFFDE]  }
0x596: {  	s1 =	sor.u32 s20, s8;
	s17 =	sadd.s32 $0x1BD00, s29  }
0x597: {  	s18 =	sadd.s32 $0x1BD00, s23;
	s7 =	sor.u32 s25, s17;
	[tilespmem:s1+$0x0] =	vst v2  }
0x598: {  	s19 =	sor.u32 s6, s18;
	s1 =	sadd.s32 $0x1BD00, s5;
	v2 =	vld [tilespmem:s30+$0xFFFFFFEE];
	[tilespmem:s7+$0x0] =	vst v3  }
0x599: {  	[tilespmem:s19+$0x0] =	vst v4;
	s7 =	sor.u32 s2, s1;
	v3 =	vld [tilespmem:s31+$0xFFFFFFEE]  }
0x59a: {  	[tilespmem:s7+$0x0] =	vst v5;
	v4 =	vld [tilespmem:s26+$0xFFFFFFEE]  }
0x59b: {  	v5 =	vld [tilespmem:s16+$0xFFFFFFEE]  }
0x59c: {  	s8 =	sor.u32 s22, s8  }
0x59d: {  	s17 =	sor.u32 s21, s17;
	[tilespmem:s8+$0x0] =	vst v2  }
0x59e: {  	s18 =	sor.u32 s4, s18;
	v2 =	vld [tilespmem:s30+$0xFFFFFFDD];
	[tilespmem:s17+$0x0] =	vst v3  }
0x59f: {  	s19 =	sor.u32 s9, s1;
	[tilespmem:s18+$0x0] =	vst v4;
	v3 =	vld [tilespmem:s31+$0xFFFFFFDD]  }
0x5a0: {  	[tilespmem:s19+$0x0] =	vst v5;
	v4 =	vld [tilespmem:s26+$0xFFFFFFDD]  }
0x5a1: {  	s8 =	sadd.s32 $0x1BD80, s0;
	v5 =	vld [tilespmem:s16+$0xFFFFFFDD]  }
0x5a2: {  	s1 =	sor.u32 s20, s8;
	s17 =	sadd.s32 $0x1BD80, s29  }
0x5a3: {  	s18 =	sadd.s32 $0x1BD80, s23;
	s7 =	sor.u32 s25, s17;
	[tilespmem:s1+$0x0] =	vst v2  }
0x5a4: {  	s19 =	sor.u32 s6, s18;
	s1 =	sadd.s32 $0x1BD80, s5;
	v2 =	vld [tilespmem:s30+$0xFFFFFFED];
	[tilespmem:s7+$0x0] =	vst v3  }
0x5a5: {  	[tilespmem:s19+$0x0] =	vst v4;
	s7 =	sor.u32 s2, s1;
	v3 =	vld [tilespmem:s31+$0xFFFFFFED]  }
0x5a6: {  	[tilespmem:s7+$0x0] =	vst v5;
	v4 =	vld [tilespmem:s26+$0xFFFFFFED]  }
0x5a7: {  	v5 =	vld [tilespmem:s16+$0xFFFFFFED]  }
0x5a8: {  	s8 =	sor.u32 s22, s8  }
0x5a9: {  	s17 =	sor.u32 s21, s17;
	[tilespmem:s8+$0x0] =	vst v2  }
0x5aa: {  	s18 =	sor.u32 s4, s18;
	v2 =	vld [tilespmem:s30+$0xFFFFFFDC];
	[tilespmem:s17+$0x0] =	vst v3  }
0x5ab: {  	s19 =	sor.u32 s9, s1;
	[tilespmem:s18+$0x0] =	vst v4;
	v3 =	vld [tilespmem:s31+$0xFFFFFFDC]  }
0x5ac: {  	[tilespmem:s19+$0x0] =	vst v5;
	v4 =	vld [tilespmem:s26+$0xFFFFFFDC]  }
0x5ad: {  	s8 =	sadd.s32 $0x1BE00, s0;
	v5 =	vld [tilespmem:s16+$0xFFFFFFDC]  }
0x5ae: {  	s1 =	sor.u32 s20, s8;
	s17 =	sadd.s32 $0x1BE00, s29  }
0x5af: {  	s18 =	sadd.s32 $0x1BE00, s23;
	s7 =	sor.u32 s25, s17;
	[tilespmem:s1+$0x0] =	vst v2  }
0x5b0: {  	s19 =	sor.u32 s6, s18;
	s1 =	sadd.s32 $0x1BE00, s5;
	v2 =	vld [tilespmem:s30+$0xFFFFFFEC];
	[tilespmem:s7+$0x0] =	vst v3  }
0x5b1: {  	[tilespmem:s19+$0x0] =	vst v4;
	s7 =	sor.u32 s2, s1;
	v3 =	vld [tilespmem:s31+$0xFFFFFFEC]  }
0x5b2: {  	[tilespmem:s7+$0x0] =	vst v5;
	v4 =	vld [tilespmem:s26+$0xFFFFFFEC]  }
0x5b3: {  	v5 =	vld [tilespmem:s16+$0xFFFFFFEC]  }
0x5b4: {  	s8 =	sor.u32 s22, s8  }
0x5b5: {  	s17 =	sor.u32 s21, s17;
	[tilespmem:s8+$0x0] =	vst v2  }
0x5b6: {  	s18 =	sor.u32 s4, s18;
	v2 =	vld [tilespmem:s30+$0xFFFFFFDB];
	[tilespmem:s17+$0x0] =	vst v3  }
0x5b7: {  	s1 =	sor.u32 s9, s1;
	[tilespmem:s18+$0x0] =	vst v4;
	v3 =	vld [tilespmem:s31+$0xFFFFFFDB]  }
0x5b8: {  	[tilespmem:s1+$0x0] =	vst v5;
	v4 =	vld [tilespmem:s26+$0xFFFFFFDB]  }
0x5b9: {  	s8 =	sadd.s32 $0x1BE80, s0;
	v5 =	vld [tilespmem:s16+$0xFFFFFFDB]  }
0x5ba: {  	s13 =	smov.u32 s4;
	[tilespmem:s12+$0x0] =	vst v1;
	s14 =	sadd.s32 $0x1BE80, s29;
	s4 =	sor.u32 s20, s8  }
0x5bb: {  	s7 =	sor.u32 s25, s14;
	s17 =	sadd.s32 $0x1BE80, s23;
	[tilespmem:s4+$0x0] =	vst v2  }
0x5bc: {  	v1 =	vld [tilespmem:s24+$0xFFFFFFEB];
	s19 =	smov.u32 s30;
	s18 =	sor.u32 s6, s17;
	s1 =	sadd.s32 $0x1BE80, s5;
	[tilespmem:s7+$0x0] =	vst v3  }
0x5bd: {  	s4 =	sor.u32 s2, s1;
	v2 =	vld [tilespmem:s19+$0xFFFFFFEB];
	[tilespmem:s18+$0x0] =	vst v4  }
0x5be: {  	[tilespmem:s4+$0x0] =	vst v5  }
0x5bf: {  	v3 =	vld [tilespmem:s31+$0xFFFFFFEB];
	s4 =	rddreg [dreg:$0x1f]  }
0x5c0: {  	v4 =	vld [tilespmem:s26+$0xFFFFFFEB];
	s11 =	sor.u32 s4, s11  }
0x5c1: {  	s8 =	sor.u32 s22, s8;
	v5 =	vld [tilespmem:s16+$0xFFFFFFEB];
	[tilespmem:s11+$0x0] =	vst v1  }
0x5c2: {  	[tilespmem:s8+$0x0] =	vst v2;
	v1 =	vld [tilespmem:s24+$0xFFFFFFDA]  }
0x5c3: {  	s7 =	sor.u32 s21, s14;
	v2 =	vld [tilespmem:s19+$0xFFFFFFDA]  }
0x5c4: {  	s11 =	sor.u32 s13, s17;
	[tilespmem:s7+$0x0] =	vst v3  }
0x5c5: {  	s12 =	sor.u32 s9, s1;
	s8 =	sadd.s32 $0x1BF00, s3;
	[tilespmem:s11+$0x0] =	vst v4;
	v3 =	vld [tilespmem:s31+$0xFFFFFFDA]  }
0x5c6: {  	s14 =	sor.u32 s10, s8;
	[tilespmem:s12+$0x0] =	vst v5;
	v4 =	vld [tilespmem:s26+$0xFFFFFFDA];
	s12 =	sadd.s32 $0x1BF00, s0  }
0x5c7: {  	v5 =	vld [tilespmem:s16+$0xFFFFFFDA];
	s17 =	sor.u32 s20, s12;
	[tilespmem:s14+$0x0] =	vst v1  }
0x5c8: {  	[tilespmem:s17+$0x0] =	vst v2;
	s14 =	sadd.s32 $0x1BF00, s29;
	v1 =	vld [tilespmem:s24+$0xFFFFFFEA]  }
0x5c9: {  	s17 =	sadd.s32 $0x1BF00, s23;
	v2 =	vld [tilespmem:s19+$0xFFFFFFEA];
	s18 =	sor.u32 s25, s14  }
0x5ca: {  	s7 =	sor.u32 s6, s17;
	[tilespmem:s18+$0x0] =	vst v3;
	s18 =	sadd.s32 $0x1BF00, s5  }
0x5cb: {  	s1 =	smov.u32 s10;
	[tilespmem:s7+$0x0] =	vst v4;
	v3 =	vld [tilespmem:s31+$0xFFFFFFEA];
	s10 =	sor.u32 s2, s18  }
0x5cc: {  	s8 =	sor.u32 s4, s8;
	v4 =	vld [tilespmem:s26+$0xFFFFFFEA];
	[tilespmem:s10+$0x0] =	vst v5  }
0x5cd: {  	s7 =	sor.u32 s22, s12;
	v5 =	vld [tilespmem:s16+$0xFFFFFFEA];
	[tilespmem:s8+$0x0] =	vst v1  }
0x5ce: {  	[tilespmem:s7+$0x0] =	vst v2;
	v1 =	vld [tilespmem:s24+$0xFFFFFFD9]  }
0x5cf: {  	s10 =	sor.u32 s21, s14;
	v2 =	vld [tilespmem:s19+$0xFFFFFFD9]  }
0x5d0: {  	s11 =	sor.u32 s13, s17;
	[tilespmem:s10+$0x0] =	vst v3  }
0x5d1: {  	s12 =	sor.u32 s9, s18;
	s8 =	sadd.s32 $0x1BF80, s3;
	[tilespmem:s11+$0x0] =	vst v4;
	v3 =	vld [tilespmem:s31+$0xFFFFFFD9]  }
0x5d2: {  	s14 =	sor.u32 s1, s8;
	v4 =	vld [tilespmem:s26+$0xFFFFFFD9];
	[tilespmem:s12+$0x0] =	vst v5;
	s12 =	sadd.s32 $0x1BF80, s0  }
0x5d3: {  	v5 =	vld [tilespmem:s16+$0xFFFFFFD9];
	s17 =	sor.u32 s20, s12;
	[tilespmem:s14+$0x0] =	vst v1  }
0x5d4: {  	s14 =	sadd.s32 $0x1BF80, s29;
	[tilespmem:s17+$0x0] =	vst v2;
	v1 =	vld [tilespmem:s24+$0xFFFFFFE9]  }
0x5d5: {  	s17 =	sadd.s32 $0x1BF80, s23;
	s18 =	sor.u32 s25, s14;
	v2 =	vld [tilespmem:s19+$0xFFFFFFE9]  }
0x5d6: {  	s7 =	sor.u32 s6, s17;
	[tilespmem:s18+$0x0] =	vst v3;
	s18 =	sadd.s32 $0x1BF80, s5  }
0x5d7: {  	[tilespmem:s7+$0x0] =	vst v4;
	v3 =	vld [tilespmem:s31+$0xFFFFFFE9];
	s7 =	sor.u32 s2, s18  }
0x5d8: {  	s8 =	sor.u32 s4, s8;
	v4 =	vld [tilespmem:s26+$0xFFFFFFE9];
	[tilespmem:s7+$0x0] =	vst v5  }
0x5d9: {  	s12 =	sor.u32 s22, s12;
	v5 =	vld [tilespmem:s16+$0xFFFFFFE9];
	[tilespmem:s8+$0x0] =	vst v1  }
0x5da: {  	[tilespmem:s12+$0x0] =	vst v2;
	v1 =	vld [tilespmem:s24+$0xFFFFFFD8]  }
0x5db: {  	s7 =	sor.u32 s21, s14;
	v2 =	vld [tilespmem:s19+$0xFFFFFFD8]  }
0x5dc: {  	s11 =	sor.u32 s13, s17;
	[tilespmem:s7+$0x0] =	vst v3  }
0x5dd: {  	s12 =	sor.u32 s9, s18;
	s8 =	sadd.s32 $0x1DC00, s3;
	[tilespmem:s11+$0x0] =	vst v4;
	v3 =	vld [tilespmem:s31+$0xFFFFFFD8]  }
0x5de: {  	s14 =	sor.u32 s1, s8;
	v4 =	vld [tilespmem:s26+$0xFFFFFFD8];
	[tilespmem:s12+$0x0] =	vst v5;
	s12 =	sadd.s32 $0x1DC00, s0  }
0x5df: {  	v5 =	vld [tilespmem:s16+$0xFFFFFFD8];
	s17 =	sor.u32 s20, s12;
	[tilespmem:s14+$0x0] =	vst v1  }
0x5e0: {  	s14 =	sadd.s32 $0x1DC00, s29;
	[tilespmem:s17+$0x0] =	vst v2;
	v1 =	vld [tilespmem:s24+$0xFFFFFFE8]  }
0x5e1: {  	s17 =	sadd.s32 $0x1DC00, s23;
	s18 =	sor.u32 s25, s14;
	v2 =	vld [tilespmem:s19+$0xFFFFFFE8]  }
0x5e2: {  	s7 =	sor.u32 s6, s17;
	[tilespmem:s18+$0x0] =	vst v3;
	s18 =	sadd.s32 $0x1DC00, s5  }
0x5e3: {  	[tilespmem:s7+$0x0] =	vst v4;
	v3 =	vld [tilespmem:s31+$0xFFFFFFE8];
	s7 =	sor.u32 s2, s18  }
0x5e4: {  	s8 =	sor.u32 s4, s8;
	v4 =	vld [tilespmem:s26+$0xFFFFFFE8];
	[tilespmem:s7+$0x0] =	vst v5  }
0x5e5: {  	s12 =	sor.u32 s22, s12;
	v5 =	vld [tilespmem:s16+$0xFFFFFFE8];
	[tilespmem:s8+$0x0] =	vst v1  }
0x5e6: {  	[tilespmem:s12+$0x0] =	vst v2;
	v1 =	vld [tilespmem:s24+$0xFFFFFFD7]  }
0x5e7: {  	s7 =	sor.u32 s21, s14;
	v2 =	vld [tilespmem:s19+$0xFFFFFFD7]  }
0x5e8: {  	s11 =	sor.u32 s13, s17;
	[tilespmem:s7+$0x0] =	vst v3  }
0x5e9: {  	s12 =	sor.u32 s9, s18;
	s8 =	sadd.s32 $0x1DC80, s3;
	[tilespmem:s11+$0x0] =	vst v4;
	v3 =	vld [tilespmem:s31+$0xFFFFFFD7]  }
0x5ea: {  	s14 =	sor.u32 s1, s8;
	v4 =	vld [tilespmem:s26+$0xFFFFFFD7];
	[tilespmem:s12+$0x0] =	vst v5;
	s12 =	sadd.s32 $0x1DC80, s0  }
0x5eb: {  	v5 =	vld [tilespmem:s16+$0xFFFFFFD7];
	s17 =	sor.u32 s20, s12;
	[tilespmem:s14+$0x0] =	vst v1  }
0x5ec: {  	s14 =	sadd.s32 $0x1DC80, s29;
	[tilespmem:s17+$0x0] =	vst v2  }
0x5ed: {  	s17 =	sadd.s32 $0x1DC80, s23;
	v1 =	vld [tilespmem:s24+$0xFFFFFFE7];
	s18 =	sor.u32 s25, s14;
	[smem:$0x7DF] =	sst s25  }
0x5ee: {  	s7 =	sor.u32 s6, s17;
	[tilespmem:s18+$0x0] =	vst v3;
	v2 =	vld [tilespmem:s19+$0xFFFFFFE7];
	s18 =	sadd.s32 $0x1DC80, s5  }
0x5ef: {  	[tilespmem:s7+$0x0] =	vst v4;
	v3 =	vld [tilespmem:s31+$0xFFFFFFE7];
	s7 =	sor.u32 s2, s18  }
0x5f0: {  	v4 =	vld [tilespmem:s26+$0xFFFFFFE7];
	[tilespmem:s7+$0x0] =	vst v5  }
0x5f1: {  	s8 =	sor.u32 s4, s8;
	v5 =	vld [tilespmem:s16+$0xFFFFFFE7]  }
0x5f2: {  	s7 =	sor.u32 s22, s12;
	[tilespmem:s8+$0x0] =	vst v1  }
0x5f3: {  	s11 =	sor.u32 s21, s14;
	[tilespmem:s7+$0x0] =	vst v2;
	v1 =	vld [tilespmem:s24+$0xFFFFFFD6]  }
0x5f4: {  	s12 =	sor.u32 s13, s17;
	[tilespmem:s11+$0x0] =	vst v3;
	v2 =	vld [tilespmem:s19+$0xFFFFFFD6]  }
0x5f5: {  	s14 =	sor.u32 s9, s18;
	[tilespmem:s12+$0x0] =	vst v4;
	v3 =	vld [tilespmem:s31+$0xFFFFFFD6]  }
0x5f6: {  	s8 =	sadd.s32 $0x1DD00, s3;
	v4 =	vld [tilespmem:s26+$0xFFFFFFD6];
	[tilespmem:s14+$0x0] =	vst v5  }
0x5f7: {  	s17 =	sor.u32 s1, s8;
	s12 =	sadd.s32 $0x1DD00, s0;
	v5 =	vld [tilespmem:s16+$0xFFFFFFD6]  }
0x5f8: {  	s18 =	sor.u32 s20, s12;
	s14 =	sadd.s32 $0x1DD00, s29;
	[tilespmem:s17+$0x0] =	vst v1  }
0x5f9: {  	s30 =	smov.u32 s24;
	s17 =	sadd.s32 $0x1DD00, s23;
	[tilespmem:s18+$0x0] =	vst v2;
	v1 =	vld [tilespmem:s24+$0xFFFFFFE6];
	s24 =	sor.u32 s25, s14  }
0x5fa: {  	s25 =	sor.u32 s6, s17;
	s18 =	sadd.s32 $0x1DD00, s5;
	[tilespmem:s24+$0x0] =	vst v3;
	v2 =	vld [tilespmem:s19+$0xFFFFFFE6]  }
0x5fb: {  	[tilespmem:s25+$0x0] =	vst v4;
	s7 =	sor.u32 s2, s18;
	v3 =	vld [tilespmem:s31+$0xFFFFFFE6]  }
0x5fc: {  	v4 =	vld [tilespmem:s26+$0xFFFFFFE6];
	[tilespmem:s7+$0x0] =	vst v5;
	s7 =	sor.u32 s28, s15  }
0x5fd: {  	s24 =	sor.u32 s4, s8;
	[tilespmem:s7+$0x0] =	vst v0;
	v8 =	vld [tilespmem:s16+$0xFFFFFFE6]  }
0x5fe: {  	s10 =	smov.u32 s3;
	s25 =	smov.u32 s4;
	s4 =	sor.u32 s22, s12;
	[tilespmem:s24+$0x0] =	vst v1  }
0x5ff: {  	s3 =	smov.u32 s6;
	s6 =	sor.u32 s21, s14;
	s24 =	rddreg [dreg:$0x1e];
	[tilespmem:s4+$0x0] =	vst v2  }
0x600: {  	s8 =	sor.u32 s13, s17;
	v9 =	vld [tilespmem:s24+$0xFFFFFFD5];
	[tilespmem:s6+$0x0] =	vst v3  }
0x601: {  	s11 =	sor.u32 s9, s18;
	v10 =	vld [tilespmem:s30+$0xFFFFFFD5];
	[tilespmem:s8+$0x0] =	vst v4  }
0x602: {  	v11 =	vld [tilespmem:s19+$0xFFFFFFD5];
	s6 =	rddreg [dreg:$0x9];
	[tilespmem:s11+$0x0] =	vst v8  }
0x603: {  	s8 =	sadd.s32 $0x1DD80, s6;
	s4 =	rddreg [dreg:$0xa]  }
0x604: {  	s11 =	sadd.s32 $0x1DD80, s10;
	s12 =	sor.u32 s4, s8  }
0x605: {  	s14 =	sor.u32 s1, s11;
	[tilespmem:s12+$0x0] =	vst v9;
	s12 =	sadd.s32 $0x1DD80, s0  }
0x606: {  	[tilespmem:s14+$0x0] =	vst v10;
	s17 =	sor.u32 s20, s12  }
0x607: {  	v12 =	vld [tilespmem:s31+$0xFFFFFFD5];
	[tilespmem:s17+$0x0] =	vst v11  }
0x608: {  	s15 =	smov.u32 s10;
	v13 =	vld [tilespmem:s26+$0xFFFFFFD5];
	s10 =	smov.u32 s1;
	s1 =	sld [smem:$0x7DF]  }
0x609: {  	v14 =	vld [tilespmem:s16+$0xFFFFFFD5]  }
0x60a: {  	s14 =	sadd.s32 $0x1DD80, s29  }
0x60b: {  	s17 =	sadd.s32 $0x1DD80, s23;
	s18 =	sor.u32 s1, s14  }
0x60c: {  	v15 =	vld [tilespmem:s24+$0xFFFFFFE5];
	s7 =	sor.u32 s3, s17;
	[tilespmem:s18+$0x0] =	vst v12;
	s18 =	sadd.s32 $0x1DD80, s5  }
0x60d: {  	v16 =	vld [tilespmem:s30+$0xFFFFFFE5];
	[tilespmem:s7+$0x0] =	vst v13;
	s7 =	sor.u32 s2, s18  }
0x60e: {  	v17 =	vld [tilespmem:s19+$0xFFFFFFE5];
	[tilespmem:s7+$0x0] =	vst v14  }
0x60f: {  	v18 =	vld [tilespmem:s31+$0xFFFFFFE5];
	[smem:$0x7E0] =	sst s28  }
0x610: {  	s8 =	sor.u32 s28, s8;
	v19 =	vld [tilespmem:s26+$0xFFFFFFE5]  }
0x611: {  	s11 =	sor.u32 s25, s11;
	[tilespmem:s8+$0x0] =	vst v15;
	v20 =	vld [tilespmem:s16+$0xFFFFFFE5]  }
0x612: {  	s12 =	sor.u32 s22, s12;
	[tilespmem:s11+$0x0] =	vst v16;
	v21 =	vld [tilespmem:s24+$0xFFFFFFD4]  }
0x613: {  	s14 =	sor.u32 s21, s14;
	[tilespmem:s12+$0x0] =	vst v17;
	v22 =	vld [tilespmem:s30+$0xFFFFFFD4]  }
0x614: {  	s8 =	sor.u32 s13, s17;
	v23 =	vld [tilespmem:s19+$0xFFFFFFD4];
	[tilespmem:s14+$0x0] =	vst v18  }
0x615: {  	s11 =	sor.u32 s9, s18;
	v24 =	vld [tilespmem:s31+$0xFFFFFFD4];
	[tilespmem:s8+$0x0] =	vst v19;
	s8 =	sadd.s32 $0x1DE00, s6  }
0x616: {  	[tilespmem:s11+$0x0] =	vst v20;
	s11 =	sadd.s32 $0x1DE00, s15;
	v25 =	vld [tilespmem:s26+$0xFFFFFFD4];
	s12 =	sor.u32 s4, s8  }
0x617: {  	v26 =	vld [tilespmem:s16+$0xFFFFFFD4];
	s14 =	sor.u32 s10, s11;
	[tilespmem:s12+$0x0] =	vst v21;
	s12 =	sadd.s32 $0x1DE00, s0  }
0x618: {  	[tilespmem:s14+$0x0] =	vst v22;
	s14 =	sadd.s32 $0x1DE00, s29;
	v27 =	vld [tilespmem:s24+$0xFFFFFFE4];
	s17 =	sor.u32 s20, s12  }
0x619: {  	v28 =	vld [tilespmem:s30+$0xFFFFFFE4];
	s18 =	sor.u32 s1, s14;
	[tilespmem:s17+$0x0] =	vst v23;
	s17 =	sadd.s32 $0x1DE00, s23  }
0x61a: {  	[tilespmem:s18+$0x0] =	vst v24;
	s18 =	sadd.s32 $0x1DE00, s5;
	v29 =	vld [tilespmem:s19+$0xFFFFFFE4];
	s7 =	sor.u32 s3, s17  }
0x61b: {  	v30 =	vld [tilespmem:s31+$0xFFFFFFE4];
	[tilespmem:s7+$0x0] =	vst v25;
	s7 =	sor.u32 s2, s18  }
0x61c: {  	s8 =	sor.u32 s28, s8;
	[tilespmem:s7+$0x0] =	vst v26;
	v31 =	vld [tilespmem:s26+$0xFFFFFFE4]  }
0x61d: {  	s11 =	sor.u32 s25, s11;
	[tilespmem:s8+$0x0] =	vst v27;
	v32 =	vld [tilespmem:s16+$0xFFFFFFE4]  }
0x61e: {  	s28 =	sor.u32 s22, s12;
	[tilespmem:s11+$0x0] =	vst v28;
	v33 =	vld [tilespmem:s24+$0xFFFFFFD3]  }
0x61f: {  	s8 =	sor.u32 s21, s14;
	v34 =	vld [tilespmem:s30+$0xFFFFFFD3];
	[tilespmem:s28+$0x0] =	vst v29  }
0x620: {  	s11 =	sor.u32 s13, s17;
	[tilespmem:s8+$0x0] =	vst v30;
	v35 =	vld [tilespmem:s19+$0xFFFFFFD3]  }
0x621: {  	s12 =	sor.u32 s9, s18;
	s8 =	sadd.s32 $0x1DE80, s6;
	v36 =	vld [tilespmem:s31+$0xFFFFFFD3];
	[tilespmem:s11+$0x0] =	vst v31  }
0x622: {  	s14 =	sor.u32 s4, s8;
	s11 =	sadd.s32 $0x1DE80, s15;
	[tilespmem:s12+$0x0] =	vst v32;
	v37 =	vld [tilespmem:s26+$0xFFFFFFD3]  }
0x623: {  	s17 =	sor.u32 s10, s11;
	s12 =	sadd.s32 $0x1DE80, s0;
	[tilespmem:s14+$0x0] =	vst v33;
	v38 =	vld [tilespmem:s16+$0xFFFFFFD3]  }
0x624: {  	[tilespmem:s17+$0x0] =	vst v34;
	s18 =	sor.u32 s20, s12;
	s14 =	sadd.s32 $0x1DE80, s29  }
0x625: {  	s28 =	smov.u32 s0;
	s17 =	sadd.s32 $0x1DE80, s23;
	s0 =	sor.u32 s1, s14;
	[tilespmem:s18+$0x0] =	vst v35  }
0x626: {  	s7 =	sor.u32 s3, s17;
	[tilespmem:s0+$0x0] =	vst v36;
	s18 =	sadd.s32 $0x1DE80, s5  }
0x627: {  	s0 =	smov.u32 s3;
	s3 =	sor.u32 s2, s18;
	[tilespmem:s7+$0x0] =	vst v37  }
0x628: {  	v39 =	vld [tilespmem:s24+$0xFFFFFFE3];
	[tilespmem:s3+$0x0] =	vst v38  }
0x629: {  	v40 =	vld [tilespmem:s30+$0xFFFFFFE3];
	s3 =	sld [smem:$0x7E0]  }
0x62a: {  	v41 =	vld [tilespmem:s19+$0xFFFFFFE3]  }
0x62b: {  	v42 =	vld [tilespmem:s31+$0xFFFFFFE3]  }
0x62c: {  	v43 =	vld [tilespmem:s26+$0xFFFFFFE3];
	s8 =	sor.u32 s3, s8  }
0x62d: {  	s11 =	sor.u32 s25, s11;
	v44 =	vld [tilespmem:s16+$0xFFFFFFE3];
	[tilespmem:s8+$0x0] =	vst v39  }
0x62e: {  	s12 =	sor.u32 s22, s12;
	[tilespmem:s11+$0x0] =	vst v40;
	v45 =	vld [tilespmem:s24+$0xFFFFFFD2]  }
0x62f: {  	s14 =	sor.u32 s21, s14;
	v46 =	vld [tilespmem:s30+$0xFFFFFFD2];
	[tilespmem:s12+$0x0] =	vst v41  }
0x630: {  	[tilespmem:s14+$0x0] =	vst v42;
	v47 =	vld [tilespmem:s19+$0xFFFFFFD2];
	s8 =	sor.u32 s13, s17  }
0x631: {  	s11 =	sor.u32 s9, s18;
	v48 =	vld [tilespmem:s31+$0xFFFFFFD2];
	[tilespmem:s8+$0x0] =	vst v43;
	s8 =	sadd.s32 $0x1DF00, s6  }
0x632: {  	[tilespmem:s11+$0x0] =	vst v44;
	s11 =	sadd.s32 $0x1DF00, s15;
	v49 =	vld [tilespmem:s26+$0xFFFFFFD2];
	s12 =	sor.u32 s4, s8  }
0x633: {  	v50 =	vld [tilespmem:s16+$0xFFFFFFD2];
	s14 =	sor.u32 s10, s11;
	[tilespmem:s12+$0x0] =	vst v45;
	s12 =	sadd.s32 $0x1DF00, s28  }
0x634: {  	[tilespmem:s14+$0x0] =	vst v46;
	s14 =	sadd.s32 $0x1DF00, s29;
	v51 =	vld [tilespmem:s24+$0xFFFFFFE2];
	s17 =	sor.u32 s20, s12  }
0x635: {  	v52 =	vld [tilespmem:s30+$0xFFFFFFE2];
	s18 =	sor.u32 s1, s14;
	[tilespmem:s17+$0x0] =	vst v47;
	s17 =	sadd.s32 $0x1DF00, s23  }
0x636: {  	[tilespmem:s18+$0x0] =	vst v48;
	s18 =	sadd.s32 $0x1DF00, s5;
	v53 =	vld [tilespmem:s19+$0xFFFFFFE2];
	s7 =	sor.u32 s0, s17  }
0x637: {  	v54 =	vld [tilespmem:s31+$0xFFFFFFE2];
	[tilespmem:s7+$0x0] =	vst v49;
	s7 =	sor.u32 s2, s18  }
0x638: {  	s8 =	sor.u32 s3, s8;
	[tilespmem:s7+$0x0] =	vst v50;
	v55 =	vld [tilespmem:s26+$0xFFFFFFE2]  }
0x639: {  	s11 =	sor.u32 s25, s11;
	[tilespmem:s8+$0x0] =	vst v51;
	v56 =	vld [tilespmem:s16+$0xFFFFFFE2]  }
0x63a: {  	s12 =	sor.u32 s22, s12;
	[tilespmem:s11+$0x0] =	vst v52;
	v57 =	vld [tilespmem:s24+$0xFFFFFFD1]  }
0x63b: {  	s14 =	sor.u32 s21, s14;
	v58 =	vld [tilespmem:s30+$0xFFFFFFD1];
	[tilespmem:s12+$0x0] =	vst v53  }
0x63c: {  	s3 =	sor.u32 s13, s17;
	[tilespmem:s14+$0x0] =	vst v54;
	v59 =	vld [tilespmem:s19+$0xFFFFFFD1]  }
0x63d: {  	s7 =	sadd.s32 $0x1DF80, s6;
	s6 =	sor.u32 s9, s18;
	v60 =	vld [tilespmem:s31+$0xFFFFFFD1];
	[tilespmem:s3+$0x0] =	vst v55  }
0x63e: {  	s11 =	sor.u32 s4, s7;
	s12 =	sadd.s32 $0x1DF80, s15;
	[tilespmem:s6+$0x0] =	vst v56;
	v61 =	vld [tilespmem:s26+$0xFFFFFFD1]  }
0x63f: {  	s18 =	sadd.s32 $0x1DF80, s28;
	s17 =	sor.u32 s10, s12;
	[tilespmem:s11+$0x0] =	vst v57;
	v62 =	vld [tilespmem:s16+$0xFFFFFFD1]  }
0x640: {  	s28 =	sadd.s32 $0x1DF80, s29;
	[tilespmem:s17+$0x0] =	vst v58;
	v63 =	vld [tilespmem:s24+$0xFFFFFFE1];
	s24 =	sor.u32 s20, s18  }
0x641: {  	s29 =	sor.u32 s1, s28;
	v0 =	vld [tilespmem:s30+$0xFFFFFFE1];
	s30 =	sadd.s32 $0x1DF80, s23;
	[tilespmem:s24+$0x0] =	vst v59  }
0x642: {  	[tilespmem:s29+$0x0] =	vst v60;
	s3 =	sor.u32 s0, s30;
	v1 =	vld [tilespmem:s19+$0xFFFFFFE1]  }
0x643: {  	s5 =	sadd.s32 $0x1DF80, s5;
	[tilespmem:s3+$0x0] =	vst v61  }
0x644: {  	s10 =	sor.u32 s2, s5;
	v2 =	vld [tilespmem:s31+$0xFFFFFFE1];
	s14 =	sld [smem:$0x7E0]  }
0x645: {  	s17 =	sor.u32 s25, s12;
	v3 =	vld [tilespmem:s26+$0xFFFFFFE1];
	[tilespmem:s10+$0x0] =	vst v62  }
0x646: {  	s18 =	sor.u32 s22, s18;
	[tilespmem:s17+$0x0] =	vst v0;
	v4 =	vld [tilespmem:s16+$0xFFFFFFE1]  }
0x647: {  	s15 =	sor.u32 s14, s7;
	[tilespmem:s18+$0x0] =	vst v1  }
0x648: {  	s19 =	sor.u32 s21, s28;
	[tilespmem:s15+$0x0] =	vst v63  }
0x649: {  	s20 =	sor.u32 s13, s30;
	s2 =	sld [smem:$0x7ED];
	[tilespmem:s19+$0x0] =	vst v2  }
0x64a: {  	s22 =	sor.u32 s9, s5;
	s21 =	sld [smem:$0x7F9];
	[tilespmem:s20+$0x0] =	vst v3  }
0x64b: {  	[tilespmem:s22+$0x0] =	vst v4  }
0x64c: {  	s28 =	sld [smem:$0x7EE];
	_ =	sdelay $0x2  }
0x64d: {  	s25 =	simm.s32 $0x0;
	s2 =	sshll.u32 s2, $0x14;
	s1 =	sadd.s32 $0x1, s28  }
0x64e: {  	s24 =	rddreg [dreg:$0x1];
	s2 =	sor.u32 s21, s2;
	p0 =	sne.s32 s1, $0x8  }
.Ltmp2:
0x64f: {  	s31 =	sld [smem:$0x7F7];
	s23 =	sshrl.u32 s2, $0x3;
	(pc) =	sbr.rel @p0 .LBB2_2-.Ltmp2, $4  }
0x650: {  	s26 =	simm.s32 $0x17C00;
	s30 =	sld [smem:$0x7F4];
	s0 =	sadd.s32 s24, s23  }
0x651: {  	[hbm4b:s0+s25] =	stream.linear.scatter [tilespmem:s26], [sflag:$0x2], $0x8000, $0x38;
	[tilespmem:$0x1FC00] =	vst v63  }
0x652: {  	s29 =	rddreg [dreg:$0x3];
	s0 =	sadd.s32 $0x1F80, s31  }
0x653: {  	s2 =	sadd.s32 $0x1F80, s29;
	s20 =	sadd.s32 $0x1F80, s30;
	[smem:$0x7F7] =	sst s0  }
0x654: {  	s0 =	simm.s32 $0x1  }
0x655: {  	_ =	swait.ge [sflag:s0], $0x8000  }
0x656: {  	[sflag:s0] =	ssyncset.done $0x0  }
0x657: {  	s1 =	simm.s32 $0x2;
	[sflag:s0] =	ssyncadd.s32 $0xFFFF8000  }
0x658: {  	_ =	swait.ge [sflag:s1], $0x8000  }
0x659: {  	s2 =	sld [smem:$0x7F6]  }
0x65a: {  	s31 =	sld [smem:$0x7FA];
	_ =	sdelay $0x1  }
0x65b: {  	s2 =	sadd.s32 $0x1, s2  }
0x65c: {  	p0 =	sne.s32 s2, s31  }
.Ltmp3:
0x65d: {  	_ = 	snop;
	(pc) =	sbr.rel @p0 .LBB2_1-.Ltmp3, $3  }
0x65e: {  	_ =	sdelay $0x1  }
0x65f: {  	[sflag:s1] =	ssyncset.done $0x0  }
0x660: {  	[sflag:s1] =	ssyncadd.s32 $0xFFFF8000  }
0x661: {  	_ =	sfence.sel $0x180000  }
0x662: {  	[bflag:$0x0] =	sbarrier.arrive $0xFFFF  }
0x663: {  	_ =	strace $0x90000047  }
0x664: {  	s0 =	stileid.u32;
	[bflag:$0x2] =	sbarrier.arrive $0xFFFF  }
0x665: {  	p0 =	sne.s32 s0, $0x0;
	s0 =	rddreg [dreg:$0x2]  }
0x666: {  	s0 =	sadd.s32 @!p0 $0x100000, s0  }
0x667: {  	[sflag:s0] =	ssyncadd.tile.s32 @!p0 $0x1;
	_ =	shalt  }
.Lfunc_end2:
_tile_overlayer_lowered:
.L_overlay_start_2:
0x668: {  	(tag) =	ssettag $0x2  }
0x669: {  	s0 =	rddreg [dreg:$0x0];
	s2 =	stileid.u32  }
0x66a: {  	s1 =	rddreg [dreg:$0x1];
	p0 =	sne.s32 s2, $0x0  }
0x66b: {  	s3 =	rddreg [dreg:$0x2];
	[bflag:$0x3] =	sbarrier.arrive $0xFFFF;
	s2 =	simm.s32 @!p0 $0x1C03  }
0x66c: {  	[timem:s3], [sflag:s2] =	dma.local @!p0 [hbm:s0], s1  }
0x66d: {  	s0 =	simm.s32 @!p0 $0x3  }
0x66e: {  	_ =	swait.ge @!p0 [sflag:s0], s1  }
0x66f: {  	s1 =	ssub.s32 @!p0 $0x0, s1;
	[sflag:s0] =	ssyncset.done @!p0 $0x0  }
0x670: {  	[sflag:s0] =	ssyncadd.s32 @!p0 s1  }
0x671: {  	[bflag:$0x3] =	sbarrier.arrive $0xFFFF  }
0x672: {  	_ =	shalt  }

</sc_bundles>
